<compile_context>
chip_gen: v7x
topology: tpu7x:2x2x1
jax: 0.10.2.dev20260603
libtpu: 0.0.44.dev20260713+nightly
codegen_flags: <defaults>
</compile_context>

<pallas_src>
import functools

import jax
import jax.numpy as jnp
from jax import lax
from jax.experimental import pallas as pl
from jax.experimental.pallas import tpu as pltpu
from jax.experimental.pallas import tpu_sc as plsc

BATCH = 4096
SEQ = 200
DIM = 64
TOTAL = BATCH * SEQ
VOCAB_ROWS = 1000002

A_BLK = 16384
A_HALF = A_BLK // 2
A_GRID = (VOCAB_ROWS + A_BLK - 1) // A_BLK
PACK_ROWS = A_GRID * A_HALF
TABLE_ROWS = 2 * PACK_ROWS


def _pack_body(tin, tout):
    t = tin[...].T
    tout[...] = jnp.concatenate([t[0:A_HALF], t[A_HALF:A_BLK]], axis=1)


def _pack_table(table_t):
    return pl.pallas_call(
        _pack_body,
        grid=(A_GRID,),
        in_specs=[pl.BlockSpec((DIM, A_BLK), lambda j: (0, j))],
        out_specs=pl.BlockSpec((A_HALF, 128), lambda j: (j, 0)),
        out_shape=jax.ShapeDtypeStruct((PACK_ROWS, 128), jnp.float32),
    )(table_t)


NUM_CORES = 2
NUM_SUBCORES = 16
NW = NUM_CORES * NUM_SUBCORES
B_PER_W = TOTAL // NW
NBUF = 4
CHUNK = 256
N_CHUNKS = B_PER_W // CHUNK
LOOKAHEAD = 2
N_OUTER = N_CHUNKS // NBUF
OUT_ROWS = TOTAL // 2

_MESH = plsc.VectorSubcoreMesh(core_axis_name="c", subcore_axis_name="s")

_SCRATCH = (
    [pltpu.VMEM((CHUNK,), jnp.int32) for _ in range(NBUF)]
    + [pltpu.VMEM((CHUNK,), jnp.int32) for _ in range(NBUF)]
    + [pltpu.VMEM((CHUNK, DIM), jnp.float32) for _ in range(NBUF)]
    + [pltpu.SemaphoreType.DMA for _ in range(2 * NBUF)]
)


@functools.partial(
    pl.kernel,
    mesh=_MESH,
    out_type=jax.ShapeDtypeStruct((OUT_ROWS, 128), jnp.float32),
    scratch_types=_SCRATCH,
    compiler_params=pltpu.CompilerParams(use_tc_tiling_on_sc=False),
)
def _gather_rows(tok_hbm, table_hbm, out_hbm, *refs):
    tok_v = refs[0:NBUF]
    idx_v = refs[NBUF : 2 * NBUF]
    rows_v = refs[2 * NBUF : 3 * NBUF]
    sg = refs[3 * NBUF : 4 * NBUF]
    ss = refs[4 * NBUF : 5 * NBUF]

    wid = lax.axis_index("s") * NUM_CORES + lax.axis_index("c")
    base = wid * B_PER_W

    def launch(i, b):
        off = base + i * CHUNK
        pltpu.sync_copy(tok_hbm.at[pl.ds(off, CHUNK)], tok_v[b])
        for k in range(CHUNK // 16):
            t = tok_v[b][pl.ds(16 * k, 16)]
            p = ((t >> 14) << 14) | ((t & 8191) << 1) | ((t >> 13) & 1)
            idx_v[b][pl.ds(16 * k, 16)] = p
        pltpu.async_copy(table_hbm.at[idx_v[b]], rows_v[b], sg[b])

    def gather_wait(b):
        pltpu.make_async_copy(table_hbm.at[idx_v[b]], rows_v[b], sg[b]).wait()

    def store_slot(i):
        t0 = base + i * CHUNK
        q0 = t0 & 2047
        r0 = (t0 >> 11) * 1024 + (q0 & 1023)
        h = q0 >> 10
        return r0, h

    def store_start(i, b):
        r0, h = store_slot(i)
        pltpu.async_copy(
            rows_v[b], out_hbm.at[pl.ds(r0, CHUNK), pl.ds(h * DIM, DIM)], ss[b]
        )

    def store_wait(b):
        pltpu.make_async_copy(
            rows_v[b], out_hbm.at[pl.ds(base // 2, CHUNK), pl.ds(0, DIM)], ss[b]
        ).wait()

    for i in range(LOOKAHEAD):
        launch(i, i % NBUF)

    for b in range(NBUF):
        gather_wait(b)
        store_start(b, b)
        ni = b + LOOKAHEAD
        nb = ni % NBUF
        if ni < NBUF:
            launch(ni, nb)
        else:
            store_wait(nb)
            launch(ni, nb)

    def outer(g, carry):
        for b in range(NBUF):
            i = g * NBUF + b
            gather_wait(b)
            store_start(i, b)
            ni = i + LOOKAHEAD
            nb = (b + LOOKAHEAD) % NBUF

            @pl.when(ni < N_CHUNKS)
            def _():
                store_wait(nb)
                launch(ni, nb)

        return carry

    lax.fori_loop(1, N_OUTER, outer, 0)

    for b in range(NBUF):
        store_wait(b)


def _unpack_body(rin, gout):
    for i in range(4):
        xa = rin[2 * i].T
        xb = rin[2 * i + 1].T
        gout[i] = jnp.concatenate(
            [xa[0:DIM], xa[DIM : 2 * DIM], xb[0:DIM], xb[DIM : 2 * DIM]],
            axis=1,
        )


def _unpack_out(rows3):
    return pl.pallas_call(
        _unpack_body,
        grid=(SEQ // 4,),
        in_specs=[pl.BlockSpec((8, 1024, 128), lambda s: (s, 0, 0))],
        out_specs=pl.BlockSpec((4, DIM, BATCH), lambda s: (s, 0, 0)),
        out_shape=jax.ShapeDtypeStruct((SEQ, DIM, BATCH), jnp.float32),
    )(rows3)


def kernel(token_seqs, emb_table):
    table_t = emb_table.T
    table_lin = _pack_table(table_t).reshape(TABLE_ROWS, DIM)
    toks = token_seqs.T.reshape(-1).astype(jnp.int32)
    rows = _gather_rows(toks, table_lin)
    rows3 = rows.reshape(TOTAL // 2048, 1024, 128)
    g = _unpack_out(rows3)
    return g.transpose(2, 0, 1)

# --- scband reference (transcript-rebuilt; emitter-appended) ---
"""Pipeline reference for scband-embedding-model-66907000537706 (READ-ONLY COPY).

The authoritative reference and input builder live on the scoring server;
editing this copy changes nothing except your own understanding.
"""

import jax, jax.numpy as jnp
import numpy as np

VOCAB = 1000000
N_EMBS = VOCAB + 2  # +unk +padding, matching EmbeddingModel construction
DIM = 64
BATCH = 4096
SEQ = 200


def setup_inputs(seed: int = 0) -> dict:
    key = jax.random.key(seed)
    k1, k2, k3, k4 = jax.random.split(key, 4)
    # token ids may hit unk_id (VOCAB) and padding_id (VOCAB+1) as well
    token_seqs = jax.random.randint(k1, (BATCH, SEQ), 0, N_EMBS, dtype=jnp.int64)
    # pre-trained matrix + unk row + (non-zero) padding row, concatenated like __init__
    matrix = jax.random.normal(k2, (VOCAB, DIM), dtype=jnp.float32) * 0.1
    unk = jax.random.normal(k3, (1, DIM), dtype=jnp.float32) * 0.1
    padding = (jax.random.normal(k4, (1, DIM), dtype=jnp.float32) * 0.15) - 0.15
    emb_table = jnp.concatenate([matrix, unk, padding], axis=0)
    return {"token_seqs": token_seqs, "emb_table": emb_table}


def reference(token_seqs, emb_table):
    # EmbeddingModel.forward with get_covecs=False: plain embedding lookup
    return jnp.take(emb_table, token_seqs, axis=0)

if __name__ == "__main__":
    import jax
    _d = setup_inputs()
    print(jax.jit(kernel)(*tuple(_d.values())))

</pallas_src>

<mosaic_0001>
#map = affine_map<(d0, d1) -> (0)>
#map1 = affine_map<(d0, d1) -> (0, 0)>
module attributes {stable_mosaic.version = 14 : i64} {
  func.func @_gather_rows(%arg0: i32, %arg1: i32, %arg2: memref<819200xi32, #tpu.memory_space<hbm>>, %arg3: memref<1015808x64xf32, #tpu.memory_space<hbm>>, %arg4: memref<409600x128xf32, #tpu.memory_space<hbm>>, %arg5: memref<256xi32, #tpu.memory_space<vmem>>, %arg6: memref<256xi32, #tpu.memory_space<vmem>>, %arg7: memref<256xi32, #tpu.memory_space<vmem>>, %arg8: memref<256xi32, #tpu.memory_space<vmem>>, %arg9: memref<256xi32, #tpu.memory_space<vmem>>, %arg10: memref<256xi32, #tpu.memory_space<vmem>>, %arg11: memref<256xi32, #tpu.memory_space<vmem>>, %arg12: memref<256xi32, #tpu.memory_space<vmem>>, %arg13: memref<256x64xf32, #tpu.memory_space<vmem>>, %arg14: memref<256x64xf32, #tpu.memory_space<vmem>>, %arg15: memref<256x64xf32, #tpu.memory_space<vmem>>, %arg16: memref<256x64xf32, #tpu.memory_space<vmem>>, %arg17: memref<!tpu.dma_semaphore, #tpu.memory_space<semaphore_mem>>, %arg18: memref<!tpu.dma_semaphore, #tpu.memory_space<semaphore_mem>>, %arg19: memref<!tpu.dma_semaphore, #tpu.memory_space<semaphore_mem>>, %arg20: memref<!tpu.dma_semaphore, #tpu.memory_space<semaphore_mem>>, %arg21: memref<!tpu.dma_semaphore, #tpu.memory_space<semaphore_mem>>, %arg22: memref<!tpu.dma_semaphore, #tpu.memory_space<semaphore_mem>>, %arg23: memref<!tpu.dma_semaphore, #tpu.memory_space<semaphore_mem>>, %arg24: memref<!tpu.dma_semaphore, #tpu.memory_space<semaphore_mem>>) attributes {dimension_semantics = [#tpu.dimension_semantics<core_parallel>, #tpu.dimension_semantics<subcore_parallel>], iteration_bounds = array<i64: 2, 16>, scalar_prefetch = 0 : i64, scratch_operands = 20 : i64, tpu.core_type = #tpu.core_type<sc_vector_subcore>, window_params = [{transform_indices = #map}, {transform_indices = #map1}, {transform_indices = #map1}]} {
    %mul3A = arith.constant 2 : i32
    %mul3A_0 = arith.muli %arg1, %mul3A : i32
    %add3A = arith.addi %mul3A_0, %arg0 : i32
    %mul3A_1 = arith.constant 25600 : i32
    %mul3A_2 = arith.muli %add3A, %mul3A_1 : i32
    %add3A_3 = arith.constant 0 : i32
    %add3A_4 = arith.addi %mul3A_2, %add3A_3 : i32
    "tpu.region"() ({
      %run_scoped3A = tpu.sem_alloc : memref<!tpu.dma_semaphore, #tpu.memory_space<semaphore_mem>>
      %dma_start3A_2863 = tpu.memref_slice %arg2[%add3A_4] : memref<819200xi32, #tpu.memory_space<hbm>> -> memref<256xi32, #tpu.memory_space<hbm>>
      %dma_start3A_2864 = tpu.memref_slice %arg2[%add3A_4] : memref<819200xi32, #tpu.memory_space<hbm>> -> memref<256xi32, #tpu.memory_space<hbm>>
      tpu.enqueue_dma source(%dma_start3A_2864 : memref<256xi32, #tpu.memory_space<hbm>>) target(%arg5 : memref<256xi32, #tpu.memory_space<vmem>>) target_semaphore(%run_scoped3A : memref<!tpu.dma_semaphore, #tpu.memory_space<semaphore_mem>>)
      %dma_wait3A_2865 = tpu.memref_slice %arg2[%add3A_4] : memref<819200xi32, #tpu.memory_space<hbm>> -> memref<256xi32, #tpu.memory_space<hbm>>
      %dma_wait3A_2866 = tpu.memref_slice %arg2[%add3A_4] : memref<819200xi32, #tpu.memory_space<hbm>> -> memref<256xi32, #tpu.memory_space<hbm>>
      tpu.wait_dma2 semaphore(%run_scoped3A : memref<!tpu.dma_semaphore, #tpu.memory_space<semaphore_mem>>) src(%dma_wait3A_2866 : memref<256xi32, #tpu.memory_space<hbm>>) dst(%arg5 : memref<256xi32, #tpu.memory_space<vmem>>)
      tpu.yield
    }) : () -> ()
    %get3A = arith.constant 0 : index
    %get3A_5 = tpu.vector_load %arg5[%get3A] {strides = array<i32>} : memref<256xi32, #tpu.memory_space<vmem>>, vector<16xi32>,
    %get3A_6 = vector.shape_cast %get3A_5 : vector<16xi32> to vector<16xi32>
    %shift_right_arithmetic3A = arith.constant 14 : i32
    %shift_right_arithmetic3A_7 = vector.broadcast %shift_right_arithmetic3A : i32 to vector<16xi32>
    %shift_right_arithmetic3A_8 = arith.shrsi %get3A_6, %shift_right_arithmetic3A_7 : vector<16xi32>
    %shift_left3A = arith.constant 14 : i32
    %shift_left3A_9 = vector.broadcast %shift_left3A : i32 to vector<16xi32>
    %shift_left3A_10 = arith.shli %shift_right_arithmetic3A_8, %shift_left3A_9 : vector<16xi32>
    %and3A = arith.constant 8191 : i32
    %and3A_11 = vector.broadcast %and3A : i32 to vector<16xi32>
    %and3A_12 = arith.andi %get3A_6, %and3A_11 : vector<16xi32>
    %shift_left3A_13 = arith.constant 1 : i32
    %shift_left3A_14 = vector.broadcast %shift_left3A_13 : i32 to vector<16xi32>
    %shift_left3A_15 = arith.shli %and3A_12, %shift_left3A_14 : vector<16xi32>
    %or3A = arith.ori %shift_left3A_10, %shift_left3A_15 : vector<16xi32>
    %shift_right_arithmetic3A_16 = arith.constant 13 : i32
    %shift_right_arithmetic3A_17 = vector.broadcast %shift_right_arithmetic3A_16 : i32 to vector<16xi32>
    %shift_right_arithmetic3A_18 = arith.shrsi %get3A_6, %shift_right_arithmetic3A_17 : vector<16xi32>
    %and3A_19 = arith.constant 1 : i32
    %and3A_20 = vector.broadcast %and3A_19 : i32 to vector<16xi32>
    %and3A_21 = arith.andi %shift_right_arithmetic3A_18, %and3A_20 : vector<16xi32>
    %or3A_22 = arith.ori %or3A, %and3A_21 : vector<16xi32>
    %swap3A = arith.constant 0 : index
    %swap3A_23 = tpu.vector_load %arg9[%swap3A] {strides = array<i32>} : memref<256xi32, #tpu.memory_space<vmem>>, vector<16xi32>,
    %swap3A_24 = vector.shape_cast %swap3A_23 : vector<16xi32> to vector<16xi32>
    %swap3A_25 = vector.shape_cast %or3A_22 : vector<16xi32> to vector<16xi32>
    tpu.vector_store %arg9[%swap3A], %swap3A_25 {strides = array<i32>} : memref<256xi32, #tpu.memory_space<vmem>>, vector<16xi32>,
    %get3A_26 = arith.constant 16 : index
    %get3A_27 = tpu.vector_load %arg5[%get3A_26] {strides = array<i32>} : memref<256xi32, #tpu.memory_space<vmem>>, vector<16xi32>,
    %get3A_28 = vector.shape_cast %get3A_27 : vector<16xi32> to vector<16xi32>
    %shift_right_arithmetic3A_29 = arith.constant 14 : i32
    %shift_right_arithmetic3A_30 = vector.broadcast %shift_right_arithmetic3A_29 : i32 to vector<16xi32>
    %shift_right_arithmetic3A_31 = arith.shrsi %get3A_28, %shift_right_arithmetic3A_30 : vector<16xi32>
    %shift_left3A_32 = arith.constant 14 : i32
    %shift_left3A_33 = vector.broadcast %shift_left3A_32 : i32 to vector<16xi32>
    %shift_left3A_34 = arith.shli %shift_right_arithmetic3A_31, %shift_left3A_33 : vector<16xi32>
    %and3A_35 = arith.constant 8191 : i32
    %and3A_36 = vector.broadcast %and3A_35 : i32 to vector<16xi32>
    %and3A_37 = arith.andi %get3A_28, %and3A_36 : vector<16xi32>
    %shift_left3A_38 = arith.constant 1 : i32
    %shift_left3A_39 = vector.broadcast %shift_left3A_38 : i32 to vector<16xi32>
    %shift_left3A_40 = arith.shli %and3A_37, %shift_left3A_39 : vector<16xi32>
    %or3A_41 = arith.ori %shift_left3A_34, %shift_left3A_40 : vector<16xi32>
    %shift_right_arithmetic3A_42 = arith.constant 13 : i32
    %shift_right_arithmetic3A_43 = vector.broadcast %shift_right_arithmetic3A_42 : i32 to vector<16xi32>
    %shift_right_arithmetic3A_44 = arith.shrsi %get3A_28, %shift_right_arithmetic3A_43 : vector<16xi32>
    %and3A_45 = arith.constant 1 : i32
    %and3A_46 = vector.broadcast %and3A_45 : i32 to vector<16xi32>
    %and3A_47 = arith.andi %shift_right_arithmetic3A_44, %and3A_46 : vector<16xi32>
    %or3A_48 = arith.ori %or3A_41, %and3A_47 : vector<16xi32>
    %swap3A_49 = arith.constant 16 : index
    %swap3A_50 = tpu.vector_load %arg9[%swap3A_49] {strides = array<i32>} : memref<256xi32, #tpu.memory_space<vmem>>, vector<16xi32>,
    %swap3A_51 = vector.shape_cast %swap3A_50 : vector<16xi32> to vector<16xi32>
    %swap3A_52 = vector.shape_cast %or3A_48 : vector<16xi32> to vector<16xi32>
    tpu.vector_store %arg9[%swap3A_49], %swap3A_52 {strides = array<i32>} : memref<256xi32, #tpu.memory_space<vmem>>, vector<16xi32>,
    %get3A_53 = arith.constant 32 : index
    %get3A_54 = tpu.vector_load %arg5[%get3A_53] {strides = array<i32>} : memref<256xi32, #tpu.memory_space<vmem>>, vector<16xi32>,
    %get3A_55 = vector.shape_cast %get3A_54 : vector<16xi32> to vector<16xi32>
    %shift_right_arithmetic3A_56 = arith.constant 14 : i32
    %shift_right_arithmetic3A_57 = vector.broadcast %shift_right_arithmetic3A_56 : i32 to vector<16xi32>
    %shift_right_arithmetic3A_58 = arith.shrsi %get3A_55, %shift_right_arithmetic3A_57 : vector<16xi32>
    %shift_left3A_59 = arith.constant 14 : i32
    %shift_left3A_60 = vector.broadcast %shift_left3A_59 : i32 to vector<16xi32>
    %shift_left3A_61 = arith.shli %shift_right_arithmetic3A_58, %shift_left3A_60 : vector<16xi32>
    %and3A_62 = arith.constant 8191 : i32
    %and3A_63 = vector.broadcast %and3A_62 : i32 to vector<16xi32>
    %and3A_64 = arith.andi %get3A_55, %and3A_63 : vector<16xi32>
    %shift_left3A_65 = arith.constant 1 : i32
    %shift_left3A_66 = vector.broadcast %shift_left3A_65 : i32 to vector<16xi32>
    %shift_left3A_67 = arith.shli %and3A_64, %shift_left3A_66 : vector<16xi32>
    %or3A_68 = arith.ori %shift_left3A_61, %shift_left3A_67 : vector<16xi32>
    %shift_right_arithmetic3A_69 = arith.constant 13 : i32
    %shift_right_arithmetic3A_70 = vector.broadcast %shift_right_arithmetic3A_69 : i32 to vector<16xi32>
    %shift_right_arithmetic3A_71 = arith.shrsi %get3A_55, %shift_right_arithmetic3A_70 : vector<16xi32>
    %and3A_72 = arith.constant 1 : i32
    %and3A_73 = vector.broadcast %and3A_72 : i32 to vector<16xi32>
    %and3A_74 = arith.andi %shift_right_arithmetic3A_71, %and3A_73 : vector<16xi32>
    %or3A_75 = arith.ori %or3A_68, %and3A_74 : vector<16xi32>
    %swap3A_76 = arith.constant 32 : index
    %swap3A_77 = tpu.vector_load %arg9[%swap3A_76] {strides = array<i32>} : memref<256xi32, #tpu.memory_space<vmem>>, vector<16xi32>,
    %swap3A_78 = vector.shape_cast %swap3A_77 : vector<16xi32> to vector<16xi32>
    %swap3A_79 = vector.shape_cast %or3A_75 : vector<16xi32> to vector<16xi32>
    tpu.vector_store %arg9[%swap3A_76], %swap3A_79 {strides = array<i32>} : memref<256xi32, #tpu.memory_space<vmem>>, vector<16xi32>,
    %get3A_80 = arith.constant 48 : index
    %get3A_81 = tpu.vector_load %arg5[%get3A_80] {strides = array<i32>} : memref<256xi32, #tpu.memory_space<vmem>>, vector<16xi32>,
    %get3A_82 = vector.shape_cast %get3A_81 : vector<16xi32> to vector<16xi32>
    %shift_right_arithmetic3A_83 = arith.constant 14 : i32
    %shift_right_arithmetic3A_84 = vector.broadcast %shift_right_arithmetic3A_83 : i32 to vector<16xi32>
    %shift_right_arithmetic3A_85 = arith.shrsi %get3A_82, %shift_right_arithmetic3A_84 : vector<16xi32>
    %shift_left3A_86 = arith.constant 14 : i32
    %shift_left3A_87 = vector.broadcast %shift_left3A_86 : i32 to vector<16xi32>
    %shift_left3A_88 = arith.shli %shift_right_arithmetic3A_85, %shift_left3A_87 : vector<16xi32>
    %and3A_89 = arith.constant 8191 : i32
    %and3A_90 = vector.broadcast %and3A_89 : i32 to vector<16xi32>
    %and3A_91 = arith.andi %get3A_82, %and3A_90 : vector<16xi32>
    %shift_left3A_92 = arith.constant 1 : i32
    %shift_left3A_93 = vector.broadcast %shift_left3A_92 : i32 to vector<16xi32>
    %shift_left3A_94 = arith.shli %and3A_91, %shift_left3A_93 : vector<16xi32>
    %or3A_95 = arith.ori %shift_left3A_88, %shift_left3A_94 : vector<16xi32>
    %shift_right_arithmetic3A_96 = arith.constant 13 : i32
    %shift_right_arithmetic3A_97 = vector.broadcast %shift_right_arithmetic3A_96 : i32 to vector<16xi32>
    %shift_right_arithmetic3A_98 = arith.shrsi %get3A_82, %shift_right_arithmetic3A_97 : vector<16xi32>
    %and3A_99 = arith.constant 1 : i32
    %and3A_100 = vector.broadcast %and3A_99 : i32 to vector<16xi32>
    %and3A_101 = arith.andi %shift_right_arithmetic3A_98, %and3A_100 : vector<16xi32>
    %or3A_102 = arith.ori %or3A_95, %and3A_101 : vector<16xi32>
    %swap3A_103 = arith.constant 48 : index
    %swap3A_104 = tpu.vector_load %arg9[%swap3A_103] {strides = array<i32>} : memref<256xi32, #tpu.memory_space<vmem>>, vector<16xi32>,
    %swap3A_105 = vector.shape_cast %swap3A_104 : vector<16xi32> to vector<16xi32>
    %swap3A_106 = vector.shape_cast %or3A_102 : vector<16xi32> to vector<16xi32>
    tpu.vector_store %arg9[%swap3A_103], %swap3A_106 {strides = array<i32>} : memref<256xi32, #tpu.memory_space<vmem>>, vector<16xi32>,
    %get3A_107 = arith.constant 64 : index
    %get3A_108 = tpu.vector_load %arg5[%get3A_107] {strides = array<i32>} : memref<256xi32, #tpu.memory_space<vmem>>, vector<16xi32>,
    %get3A_109 = vector.shape_cast %get3A_108 : vector<16xi32> to vector<16xi32>
    %shift_right_arithmetic3A_110 = arith.constant 14 : i32
    %shift_right_arithmetic3A_111 = vector.broadcast %shift_right_arithmetic3A_110 : i32 to vector<16xi32>
    %shift_right_arithmetic3A_112 = arith.shrsi %get3A_109, %shift_right_arithmetic3A_111 : vector<16xi32>
    %shift_left3A_113 = arith.constant 14 : i32
    %shift_left3A_114 = vector.broadcast %shift_left3A_113 : i32 to vector<16xi32>
    %shift_left3A_115 = arith.shli %shift_right_arithmetic3A_112, %shift_left3A_114 : vector<16xi32>
    %and3A_116 = arith.constant 8191 : i32
    %and3A_117 = vector.broadcast %and3A_116 : i32 to vector<16xi32>
    %and3A_118 = arith.andi %get3A_109, %and3A_117 : vector<16xi32>
    %shift_left3A_119 = arith.constant 1 : i32
    %shift_left3A_120 = vector.broadcast %shift_left3A_119 : i32 to vector<16xi32>
    %shift_left3A_121 = arith.shli %and3A_118, %shift_left3A_120 : vector<16xi32>
    %or3A_122 = arith.ori %shift_left3A_115, %shift_left3A_121 : vector<16xi32>
    %shift_right_arithmetic3A_123 = arith.constant 13 : i32
    %shift_right_arithmetic3A_124 = vector.broadcast %shift_right_arithmetic3A_123 : i32 to vector<16xi32>
    %shift_right_arithmetic3A_125 = arith.shrsi %get3A_109, %shift_right_arithmetic3A_124 : vector<16xi32>
    %and3A_126 = arith.constant 1 : i32
    %and3A_127 = vector.broadcast %and3A_126 : i32 to vector<16xi32>
    %and3A_128 = arith.andi %shift_right_arithmetic3A_125, %and3A_127 : vector<16xi32>
    %or3A_129 = arith.ori %or3A_122, %and3A_128 : vector<16xi32>
    %swap3A_130 = arith.constant 64 : index
    %swap3A_131 = tpu.vector_load %arg9[%swap3A_130] {strides = array<i32>} : memref<256xi32, #tpu.memory_space<vmem>>, vector<16xi32>,
    %swap3A_132 = vector.shape_cast %swap3A_131 : vector<16xi32> to vector<16xi32>
    %swap3A_133 = vector.shape_cast %or3A_129 : vector<16xi32> to vector<16xi32>
    tpu.vector_store %arg9[%swap3A_130], %swap3A_133 {strides = array<i32>} : memref<256xi32, #tpu.memory_space<vmem>>, vector<16xi32>,
    %get3A_134 = arith.constant 80 : index
    %get3A_135 = tpu.vector_load %arg5[%get3A_134] {strides = array<i32>} : memref<256xi32, #tpu.memory_space<vmem>>, vector<16xi32>,
    %get3A_136 = vector.shape_cast %get3A_135 : vector<16xi32> to vector<16xi32>
    %shift_right_arithmetic3A_137 = arith.constant 14 : i32
    %shift_right_arithmetic3A_138 = vector.broadcast %shift_right_arithmetic3A_137 : i32 to vector<16xi32>
    %shift_right_arithmetic3A_139 = arith.shrsi %get3A_136, %shift_right_arithmetic3A_138 : vector<16xi32>
    %shift_left3A_140 = arith.constant 14 : i32
    %shift_left3A_141 = vector.broadcast %shift_left3A_140 : i32 to vector<16xi32>
    %shift_left3A_142 = arith.shli %shift_right_arithmetic3A_139, %shift_left3A_141 : vector<16xi32>
    %and3A_143 = arith.constant 8191 : i32
    %and3A_144 = vector.broadcast %and3A_143 : i32 to vector<16xi32>
    %and3A_145 = arith.andi %get3A_136, %and3A_144 : vector<16xi32>
    %shift_left3A_146 = arith.constant 1 : i32
    %shift_left3A_147 = vector.broadcast %shift_left3A_146 : i32 to vector<16xi32>
    %shift_left3A_148 = arith.shli %and3A_145, %shift_left3A_147 : vector<16xi32>
    %or3A_149 = arith.ori %shift_left3A_142, %shift_left3A_148 : vector<16xi32>
    %shift_right_arithmetic3A_150 = arith.constant 13 : i32
    %shift_right_arithmetic3A_151 = vector.broadcast %shift_right_arithmetic3A_150 : i32 to vector<16xi32>
    %shift_right_arithmetic3A_152 = arith.shrsi %get3A_136, %shift_right_arithmetic3A_151 : vector<16xi32>
    %and3A_153 = arith.constant 1 : i32
    %and3A_154 = vector.broadcast %and3A_153 : i32 to vector<16xi32>
    %and3A_155 = arith.andi %shift_right_arithmetic3A_152, %and3A_154 : vector<16xi32>
    %or3A_156 = arith.ori %or3A_149, %and3A_155 : vector<16xi32>
    %swap3A_157 = arith.constant 80 : index
    %swap3A_158 = tpu.vector_load %arg9[%swap3A_157] {strides = array<i32>} : memref<256xi32, #tpu.memory_space<vmem>>, vector<16xi32>,
    %swap3A_159 = vector.shape_cast %swap3A_158 : vector<16xi32> to vector<16xi32>
    %swap3A_160 = vector.shape_cast %or3A_156 : vector<16xi32> to vector<16xi32>
    tpu.vector_store %arg9[%swap3A_157], %swap3A_160 {strides = array<i32>} : memref<256xi32, #tpu.memory_space<vmem>>, vector<16xi32>,
    %get3A_161 = arith.constant 96 : index
    %get3A_162 = tpu.vector_load %arg5[%get3A_161] {strides = array<i32>} : memref<256xi32, #tpu.memory_space<vmem>>, vector<16xi32>,
    %get3A_163 = vector.shape_cast %get3A_162 : vector<16xi32> to vector<16xi32>
    %shift_right_arithmetic3A_164 = arith.constant 14 : i32
    %shift_right_arithmetic3A_165 = vector.broadcast %shift_right_arithmetic3A_164 : i32 to vector<16xi32>
    %shift_right_arithmetic3A_166 = arith.shrsi %get3A_163, %shift_right_arithmetic3A_165 : vector<16xi32>
    %shift_left3A_167 = arith.constant 14 : i32
    %shift_left3A_168 = vector.broadcast %shift_left3A_167 : i32 to vector<16xi32>
    %shift_left3A_169 = arith.shli %shift_right_arithmetic3A_166, %shift_left3A_168 : vector<16xi32>
    %and3A_170 = arith.constant 8191 : i32
    %and3A_171 = vector.broadcast %and3A_170 : i32 to vector<16xi32>
    %and3A_172 = arith.andi %get3A_163, %and3A_171 : vector<16xi32>
    %shift_left3A_173 = arith.constant 1 : i32
    %shift_left3A_174 = vector.broadcast %shift_left3A_173 : i32 to vector<16xi32>
    %shift_left3A_175 = arith.shli %and3A_172, %shift_left3A_174 : vector<16xi32>
    %or3A_176 = arith.ori %shift_left3A_169, %shift_left3A_175 : vector<16xi32>
    %shift_right_arithmetic3A_177 = arith.constant 13 : i32
    %shift_right_arithmetic3A_178 = vector.broadcast %shift_right_arithmetic3A_177 : i32 to vector<16xi32>
    %shift_right_arithmetic3A_179 = arith.shrsi %get3A_163, %shift_right_arithmetic3A_178 : vector<16xi32>
    %and3A_180 = arith.constant 1 : i32
    %and3A_181 = vector.broadcast %and3A_180 : i32 to vector<16xi32>
    %and3A_182 = arith.andi %shift_right_arithmetic3A_179, %and3A_181 : vector<16xi32>
    %or3A_183 = arith.ori %or3A_176, %and3A_182 : vector<16xi32>
    %swap3A_184 = arith.constant 96 : index
    %swap3A_185 = tpu.vector_load %arg9[%swap3A_184] {strides = array<i32>} : memref<256xi32, #tpu.memory_space<vmem>>, vector<16xi32>,
    %swap3A_186 = vector.shape_cast %swap3A_185 : vector<16xi32> to vector<16xi32>
    %swap3A_187 = vector.shape_cast %or3A_183 : vector<16xi32> to vector<16xi32>
    tpu.vector_store %arg9[%swap3A_184], %swap3A_187 {strides = array<i32>} : memref<256xi32, #tpu.memory_space<vmem>>, vector<16xi32>,
    %get3A_188 = arith.constant 112 : index
    %get3A_189 = tpu.vector_load %arg5[%get3A_188] {strides = array<i32>} : memref<256xi32, #tpu.memory_space<vmem>>, vector<16xi32>,
    %get3A_190 = vector.shape_cast %get3A_189 : vector<16xi32> to vector<16xi32>
    %shift_right_arithmetic3A_191 = arith.constant 14 : i32
    %shift_right_arithmetic3A_192 = vector.broadcast %shift_right_arithmetic3A_191 : i32 to vector<16xi32>
    %shift_right_arithmetic3A_193 = arith.shrsi %get3A_190, %shift_right_arithmetic3A_192 : vector<16xi32>
    %shift_left3A_194 = arith.constant 14 : i32
    %shift_left3A_195 = vector.broadcast %shift_left3A_194 : i32 to vector<16xi32>
    %shift_left3A_196 = arith.shli %shift_right_arithmetic3A_193, %shift_left3A_195 : vector<16xi32>
    %and3A_197 = arith.constant 8191 : i32
    %and3A_198 = vector.broadcast %and3A_197 : i32 to vector<16xi32>
    %and3A_199 = arith.andi %get3A_190, %and3A_198 : vector<16xi32>
    %shift_left3A_200 = arith.constant 1 : i32
    %shift_left3A_201 = vector.broadcast %shift_left3A_200 : i32 to vector<16xi32>
    %shift_left3A_202 = arith.shli %and3A_199, %shift_left3A_201 : vector<16xi32>
    %or3A_203 = arith.ori %shift_left3A_196, %shift_left3A_202 : vector<16xi32>
    %shift_right_arithmetic3A_204 = arith.constant 13 : i32
    %shift_right_arithmetic3A_205 = vector.broadcast %shift_right_arithmetic3A_204 : i32 to vector<16xi32>
    %shift_right_arithmetic3A_206 = arith.shrsi %get3A_190, %shift_right_arithmetic3A_205 : vector<16xi32>
    %and3A_207 = arith.constant 1 : i32
    %and3A_208 = vector.broadcast %and3A_207 : i32 to vector<16xi32>
    %and3A_209 = arith.andi %shift_right_arithmetic3A_206, %and3A_208 : vector<16xi32>
    %or3A_210 = arith.ori %or3A_203, %and3A_209 : vector<16xi32>
    %swap3A_211 = arith.constant 112 : index
    %swap3A_212 = tpu.vector_load %arg9[%swap3A_211] {strides = array<i32>} : memref<256xi32, #tpu.memory_space<vmem>>, vector<16xi32>,
    %swap3A_213 = vector.shape_cast %swap3A_212 : vector<16xi32> to vector<16xi32>
    %swap3A_214 = vector.shape_cast %or3A_210 : vector<16xi32> to vector<16xi32>
    tpu.vector_store %arg9[%swap3A_211], %swap3A_214 {strides = array<i32>} : memref<256xi32, #tpu.memory_space<vmem>>, vector<16xi32>,
    %get3A_215 = arith.constant 128 : index
    %get3A_216 = tpu.vector_load %arg5[%get3A_215] {strides = array<i32>} : memref<256xi32, #tpu.memory_space<vmem>>, vector<16xi32>,
    %get3A_217 = vector.shape_cast %get3A_216 : vector<16xi32> to vector<16xi32>
    %shift_right_arithmetic3A_218 = arith.constant 14 : i32
    %shift_right_arithmetic3A_219 = vector.broadcast %shift_right_arithmetic3A_218 : i32 to vector<16xi32>
    %shift_right_arithmetic3A_220 = arith.shrsi %get3A_217, %shift_right_arithmetic3A_219 : vector<16xi32>
    %shift_left3A_221 = arith.constant 14 : i32
    %shift_left3A_222 = vector.broadcast %shift_left3A_221 : i32 to vector<16xi32>
    %shift_left3A_223 = arith.shli %shift_right_arithmetic3A_220, %shift_left3A_222 : vector<16xi32>
    %and3A_224 = arith.constant 8191 : i32
    %and3A_225 = vector.broadcast %and3A_224 : i32 to vector<16xi32>
    %and3A_226 = arith.andi %get3A_217, %and3A_225 : vector<16xi32>
    %shift_left3A_227 = arith.constant 1 : i32
    %shift_left3A_228 = vector.broadcast %shift_left3A_227 : i32 to vector<16xi32>
    %shift_left3A_229 = arith.shli %and3A_226, %shift_left3A_228 : vector<16xi32>
    %or3A_230 = arith.ori %shift_left3A_223, %shift_left3A_229 : vector<16xi32>
    %shift_right_arithmetic3A_231 = arith.constant 13 : i32
    %shift_right_arithmetic3A_232 = vector.broadcast %shift_right_arithmetic3A_231 : i32 to vector<16xi32>
    %shift_right_arithmetic3A_233 = arith.shrsi %get3A_217, %shift_right_arithmetic3A_232 : vector<16xi32>
    %and3A_234 = arith.constant 1 : i32
    %and3A_235 = vector.broadcast %and3A_234 : i32 to vector<16xi32>
    %and3A_236 = arith.andi %shift_right_arithmetic3A_233, %and3A_235 : vector<16xi32>
    %or3A_237 = arith.ori %or3A_230, %and3A_236 : vector<16xi32>
    %swap3A_238 = arith.constant 128 : index
    %swap3A_239 = tpu.vector_load %arg9[%swap3A_238] {strides = array<i32>} : memref<256xi32, #tpu.memory_space<vmem>>, vector<16xi32>,
    %swap3A_240 = vector.shape_cast %swap3A_239 : vector<16xi32> to vector<16xi32>
    %swap3A_241 = vector.shape_cast %or3A_237 : vector<16xi32> to vector<16xi32>
    tpu.vector_store %arg9[%swap3A_238], %swap3A_241 {strides = array<i32>} : memref<256xi32, #tpu.memory_space<vmem>>, vector<16xi32>,
    %get3A_242 = arith.constant 144 : index
    %get3A_243 = tpu.vector_load %arg5[%get3A_242] {strides = array<i32>} : memref<256xi32, #tpu.memory_space<vmem>>, vector<16xi32>,
    %get3A_244 = vector.shape_cast %get3A_243 : vector<16xi32> to vector<16xi32>
    %shift_right_arithmetic3A_245 = arith.constant 14 : i32
    %shift_right_arithmetic3A_246 = vector.broadcast %shift_right_arithmetic3A_245 : i32 to vector<16xi32>
    %shift_right_arithmetic3A_247 = arith.shrsi %get3A_244, %shift_right_arithmetic3A_246 : vector<16xi32>
    %shift_left3A_248 = arith.constant 14 : i32
    %shift_left3A_249 = vector.broadcast %shift_left3A_248 : i32 to vector<16xi32>
    %shift_left3A_250 = arith.shli %shift_right_arithmetic3A_247, %shift_left3A_249 : vector<16xi32>
    %and3A_251 = arith.constant 8191 : i32
    %and3A_252 = vector.broadcast %and3A_251 : i32 to vector<16xi32>
    %and3A_253 = arith.andi %get3A_244, %and3A_252 : vector<16xi32>
    %shift_left3A_254 = arith.constant 1 : i32
    %shift_left3A_255 = vector.broadcast %shift_left3A_254 : i32 to vector<16xi32>
    %shift_left3A_256 = arith.shli %and3A_253, %shift_left3A_255 : vector<16xi32>
    %or3A_257 = arith.ori %shift_left3A_250, %shift_left3A_256 : vector<16xi32>
    %shift_right_arithmetic3A_258 = arith.constant 13 : i32
    %shift_right_arithmetic3A_259 = vector.broadcast %shift_right_arithmetic3A_258 : i32 to vector<16xi32>
    %shift_right_arithmetic3A_260 = arith.shrsi %get3A_244, %shift_right_arithmetic3A_259 : vector<16xi32>
    %and3A_261 = arith.constant 1 : i32
    %and3A_262 = vector.broadcast %and3A_261 : i32 to vector<16xi32>
    %and3A_263 = arith.andi %shift_right_arithmetic3A_260, %and3A_262 : vector<16xi32>
    %or3A_264 = arith.ori %or3A_257, %and3A_263 : vector<16xi32>
    %swap3A_265 = arith.constant 144 : index
    %swap3A_266 = tpu.vector_load %arg9[%swap3A_265] {strides = array<i32>} : memref<256xi32, #tpu.memory_space<vmem>>, vector<16xi32>,
    %swap3A_267 = vector.shape_cast %swap3A_266 : vector<16xi32> to vector<16xi32>
    %swap3A_268 = vector.shape_cast %or3A_264 : vector<16xi32> to vector<16xi32>
    tpu.vector_store %arg9[%swap3A_265], %swap3A_268 {strides = array<i32>} : memref<256xi32, #tpu.memory_space<vmem>>, vector<16xi32>,
    %get3A_269 = arith.constant 160 : index
    %get3A_270 = tpu.vector_load %arg5[%get3A_269] {strides = array<i32>} : memref<256xi32, #tpu.memory_space<vmem>>, vector<16xi32>,
    %get3A_271 = vector.shape_cast %get3A_270 : vector<16xi32> to vector<16xi32>
    %shift_right_arithmetic3A_272 = arith.constant 14 : i32
    %shift_right_arithmetic3A_273 = vector.broadcast %shift_right_arithmetic3A_272 : i32 to vector<16xi32>
    %shift_right_arithmetic3A_274 = arith.shrsi %get3A_271, %shift_right_arithmetic3A_273 : vector<16xi32>
    %shift_left3A_275 = arith.constant 14 : i32
    %shift_left3A_276 = vector.broadcast %shift_left3A_275 : i32 to vector<16xi32>
    %shift_left3A_277 = arith.shli %shift_right_arithmetic3A_274, %shift_left3A_276 : vector<16xi32>
    %and3A_278 = arith.constant 8191 : i32
    %and3A_279 = vector.broadcast %and3A_278 : i32 to vector<16xi32>
    %and3A_280 = arith.andi %get3A_271, %and3A_279 : vector<16xi32>
    %shift_left3A_281 = arith.constant 1 : i32
    %shift_left3A_282 = vector.broadcast %shift_left3A_281 : i32 to vector<16xi32>
    %shift_left3A_283 = arith.shli %and3A_280, %shift_left3A_282 : vector<16xi32>
    %or3A_284 = arith.ori %shift_left3A_277, %shift_left3A_283 : vector<16xi32>
    %shift_right_arithmetic3A_285 = arith.constant 13 : i32
    %shift_right_arithmetic3A_286 = vector.broadcast %shift_right_arithmetic3A_285 : i32 to vector<16xi32>
    %shift_right_arithmetic3A_287 = arith.shrsi %get3A_271, %shift_right_arithmetic3A_286 : vector<16xi32>
    %and3A_288 = arith.constant 1 : i32
    %and3A_289 = vector.broadcast %and3A_288 : i32 to vector<16xi32>
    %and3A_290 = arith.andi %shift_right_arithmetic3A_287, %and3A_289 : vector<16xi32>
    %or3A_291 = arith.ori %or3A_284, %and3A_290 : vector<16xi32>
    %swap3A_292 = arith.constant 160 : index
    %swap3A_293 = tpu.vector_load %arg9[%swap3A_292] {strides = array<i32>} : memref<256xi32, #tpu.memory_space<vmem>>, vector<16xi32>,
    %swap3A_294 = vector.shape_cast %swap3A_293 : vector<16xi32> to vector<16xi32>
    %swap3A_295 = vector.shape_cast %or3A_291 : vector<16xi32> to vector<16xi32>
    tpu.vector_store %arg9[%swap3A_292], %swap3A_295 {strides = array<i32>} : memref<256xi32, #tpu.memory_space<vmem>>, vector<16xi32>,
    %get3A_296 = arith.constant 176 : index
    %get3A_297 = tpu.vector_load %arg5[%get3A_296] {strides = array<i32>} : memref<256xi32, #tpu.memory_space<vmem>>, vector<16xi32>,
    %get3A_298 = vector.shape_cast %get3A_297 : vector<16xi32> to vector<16xi32>
    %shift_right_arithmetic3A_299 = arith.constant 14 : i32
    %shift_right_arithmetic3A_300 = vector.broadcast %shift_right_arithmetic3A_299 : i32 to vector<16xi32>
    %shift_right_arithmetic3A_301 = arith.shrsi %get3A_298, %shift_right_arithmetic3A_300 : vector<16xi32>
    %shift_left3A_302 = arith.constant 14 : i32
    %shift_left3A_303 = vector.broadcast %shift_left3A_302 : i32 to vector<16xi32>
    %shift_left3A_304 = arith.shli %shift_right_arithmetic3A_301, %shift_left3A_303 : vector<16xi32>
    %and3A_305 = arith.constant 8191 : i32
    %and3A_306 = vector.broadcast %and3A_305 : i32 to vector<16xi32>
    %and3A_307 = arith.andi %get3A_298, %and3A_306 : vector<16xi32>
    %shift_left3A_308 = arith.constant 1 : i32
    %shift_left3A_309 = vector.broadcast %shift_left3A_308 : i32 to vector<16xi32>
    %shift_left3A_310 = arith.shli %and3A_307, %shift_left3A_309 : vector<16xi32>
    %or3A_311 = arith.ori %shift_left3A_304, %shift_left3A_310 : vector<16xi32>
    %shift_right_arithmetic3A_312 = arith.constant 13 : i32
    %shift_right_arithmetic3A_313 = vector.broadcast %shift_right_arithmetic3A_312 : i32 to vector<16xi32>
    %shift_right_arithmetic3A_314 = arith.shrsi %get3A_298, %shift_right_arithmetic3A_313 : vector<16xi32>
    %and3A_315 = arith.constant 1 : i32
    %and3A_316 = vector.broadcast %and3A_315 : i32 to vector<16xi32>
    %and3A_317 = arith.andi %shift_right_arithmetic3A_314, %and3A_316 : vector<16xi32>
    %or3A_318 = arith.ori %or3A_311, %and3A_317 : vector<16xi32>
    %swap3A_319 = arith.constant 176 : index
    %swap3A_320 = tpu.vector_load %arg9[%swap3A_319] {strides = array<i32>} : memref<256xi32, #tpu.memory_space<vmem>>, vector<16xi32>,
    %swap3A_321 = vector.shape_cast %swap3A_320 : vector<16xi32> to vector<16xi32>
    %swap3A_322 = vector.shape_cast %or3A_318 : vector<16xi32> to vector<16xi32>
    tpu.vector_store %arg9[%swap3A_319], %swap3A_322 {strides = array<i32>} : memref<256xi32, #tpu.memory_space<vmem>>, vector<16xi32>,
    %get3A_323 = arith.constant 192 : index
    %get3A_324 = tpu.vector_load %arg5[%get3A_323] {strides = array<i32>} : memref<256xi32, #tpu.memory_space<vmem>>, vector<16xi32>,
    %get3A_325 = vector.shape_cast %get3A_324 : vector<16xi32> to vector<16xi32>
    %shift_right_arithmetic3A_326 = arith.constant 14 : i32
    %shift_right_arithmetic3A_327 = vector.broadcast %shift_right_arithmetic3A_326 : i32 to vector<16xi32>
    %shift_right_arithmetic3A_328 = arith.shrsi %get3A_325, %shift_right_arithmetic3A_327 : vector<16xi32>
    %shift_left3A_329 = arith.constant 14 : i32
    %shift_left3A_330 = vector.broadcast %shift_left3A_329 : i32 to vector<16xi32>
    %shift_left3A_331 = arith.shli %shift_right_arithmetic3A_328, %shift_left3A_330 : vector<16xi32>
    %and3A_332 = arith.constant 8191 : i32
    %and3A_333 = vector.broadcast %and3A_332 : i32 to vector<16xi32>
    %and3A_334 = arith.andi %get3A_325, %and3A_333 : vector<16xi32>
    %shift_left3A_335 = arith.constant 1 : i32
    %shift_left3A_336 = vector.broadcast %shift_left3A_335 : i32 to vector<16xi32>
    %shift_left3A_337 = arith.shli %and3A_334, %shift_left3A_336 : vector<16xi32>
    %or3A_338 = arith.ori %shift_left3A_331, %shift_left3A_337 : vector<16xi32>
    %shift_right_arithmetic3A_339 = arith.constant 13 : i32
    %shift_right_arithmetic3A_340 = vector.broadcast %shift_right_arithmetic3A_339 : i32 to vector<16xi32>
    %shift_right_arithmetic3A_341 = arith.shrsi %get3A_325, %shift_right_arithmetic3A_340 : vector<16xi32>
    %and3A_342 = arith.constant 1 : i32
    %and3A_343 = vector.broadcast %and3A_342 : i32 to vector<16xi32>
    %and3A_344 = arith.andi %shift_right_arithmetic3A_341, %and3A_343 : vector<16xi32>
    %or3A_345 = arith.ori %or3A_338, %and3A_344 : vector<16xi32>
    %swap3A_346 = arith.constant 192 : index
    %swap3A_347 = tpu.vector_load %arg9[%swap3A_346] {strides = array<i32>} : memref<256xi32, #tpu.memory_space<vmem>>, vector<16xi32>,
    %swap3A_348 = vector.shape_cast %swap3A_347 : vector<16xi32> to vector<16xi32>
    %swap3A_349 = vector.shape_cast %or3A_345 : vector<16xi32> to vector<16xi32>
    tpu.vector_store %arg9[%swap3A_346], %swap3A_349 {strides = array<i32>} : memref<256xi32, #tpu.memory_space<vmem>>, vector<16xi32>,
    %get3A_350 = arith.constant 208 : index
    %get3A_351 = tpu.vector_load %arg5[%get3A_350] {strides = array<i32>} : memref<256xi32, #tpu.memory_space<vmem>>, vector<16xi32>,
    %get3A_352 = vector.shape_cast %get3A_351 : vector<16xi32> to vector<16xi32>
    %shift_right_arithmetic3A_353 = arith.constant 14 : i32
    %shift_right_arithmetic3A_354 = vector.broadcast %shift_right_arithmetic3A_353 : i32 to vector<16xi32>
    %shift_right_arithmetic3A_355 = arith.shrsi %get3A_352, %shift_right_arithmetic3A_354 : vector<16xi32>
    %shift_left3A_356 = arith.constant 14 : i32
    %shift_left3A_357 = vector.broadcast %shift_left3A_356 : i32 to vector<16xi32>
    %shift_left3A_358 = arith.shli %shift_right_arithmetic3A_355, %shift_left3A_357 : vector<16xi32>
    %and3A_359 = arith.constant 8191 : i32
    %and3A_360 = vector.broadcast %and3A_359 : i32 to vector<16xi32>
    %and3A_361 = arith.andi %get3A_352, %and3A_360 : vector<16xi32>
    %shift_left3A_362 = arith.constant 1 : i32
    %shift_left3A_363 = vector.broadcast %shift_left3A_362 : i32 to vector<16xi32>
    %shift_left3A_364 = arith.shli %and3A_361, %shift_left3A_363 : vector<16xi32>
    %or3A_365 = arith.ori %shift_left3A_358, %shift_left3A_364 : vector<16xi32>
    %shift_right_arithmetic3A_366 = arith.constant 13 : i32
    %shift_right_arithmetic3A_367 = vector.broadcast %shift_right_arithmetic3A_366 : i32 to vector<16xi32>
    %shift_right_arithmetic3A_368 = arith.shrsi %get3A_352, %shift_right_arithmetic3A_367 : vector<16xi32>
    %and3A_369 = arith.constant 1 : i32
    %and3A_370 = vector.broadcast %and3A_369 : i32 to vector<16xi32>
    %and3A_371 = arith.andi %shift_right_arithmetic3A_368, %and3A_370 : vector<16xi32>
    %or3A_372 = arith.ori %or3A_365, %and3A_371 : vector<16xi32>
    %swap3A_373 = arith.constant 208 : index
    %swap3A_374 = tpu.vector_load %arg9[%swap3A_373] {strides = array<i32>} : memref<256xi32, #tpu.memory_space<vmem>>, vector<16xi32>,
    %swap3A_375 = vector.shape_cast %swap3A_374 : vector<16xi32> to vector<16xi32>
    %swap3A_376 = vector.shape_cast %or3A_372 : vector<16xi32> to vector<16xi32>
    tpu.vector_store %arg9[%swap3A_373], %swap3A_376 {strides = array<i32>} : memref<256xi32, #tpu.memory_space<vmem>>, vector<16xi32>,
    %get3A_377 = arith.constant 224 : index
    %get3A_378 = tpu.vector_load %arg5[%get3A_377] {strides = array<i32>} : memref<256xi32, #tpu.memory_space<vmem>>, vector<16xi32>,
    %get3A_379 = vector.shape_cast %get3A_378 : vector<16xi32> to vector<16xi32>
    %shift_right_arithmetic3A_380 = arith.constant 14 : i32
    %shift_right_arithmetic3A_381 = vector.broadcast %shift_right_arithmetic3A_380 : i32 to vector<16xi32>
    %shift_right_arithmetic3A_382 = arith.shrsi %get3A_379, %shift_right_arithmetic3A_381 : vector<16xi32>
    %shift_left3A_383 = arith.constant 14 : i32
    %shift_left3A_384 = vector.broadcast %shift_left3A_383 : i32 to vector<16xi32>
    %shift_left3A_385 = arith.shli %shift_right_arithmetic3A_382, %shift_left3A_384 : vector<16xi32>
    %and3A_386 = arith.constant 8191 : i32
    %and3A_387 = vector.broadcast %and3A_386 : i32 to vector<16xi32>
    %and3A_388 = arith.andi %get3A_379, %and3A_387 : vector<16xi32>
    %shift_left3A_389 = arith.constant 1 : i32
    %shift_left3A_390 = vector.broadcast %shift_left3A_389 : i32 to vector<16xi32>
    %shift_left3A_391 = arith.shli %and3A_388, %shift_left3A_390 : vector<16xi32>
    %or3A_392 = arith.ori %shift_left3A_385, %shift_left3A_391 : vector<16xi32>
    %shift_right_arithmetic3A_393 = arith.constant 13 : i32
    %shift_right_arithmetic3A_394 = vector.broadcast %shift_right_arithmetic3A_393 : i32 to vector<16xi32>
    %shift_right_arithmetic3A_395 = arith.shrsi %get3A_379, %shift_right_arithmetic3A_394 : vector<16xi32>
    %and3A_396 = arith.constant 1 : i32
    %and3A_397 = vector.broadcast %and3A_396 : i32 to vector<16xi32>
    %and3A_398 = arith.andi %shift_right_arithmetic3A_395, %and3A_397 : vector<16xi32>
    %or3A_399 = arith.ori %or3A_392, %and3A_398 : vector<16xi32>
    %swap3A_400 = arith.constant 224 : index
    %swap3A_401 = tpu.vector_load %arg9[%swap3A_400] {strides = array<i32>} : memref<256xi32, #tpu.memory_space<vmem>>, vector<16xi32>,
    %swap3A_402 = vector.shape_cast %swap3A_401 : vector<16xi32> to vector<16xi32>
    %swap3A_403 = vector.shape_cast %or3A_399 : vector<16xi32> to vector<16xi32>
    tpu.vector_store %arg9[%swap3A_400], %swap3A_403 {strides = array<i32>} : memref<256xi32, #tpu.memory_space<vmem>>, vector<16xi32>,
    %get3A_404 = arith.constant 240 : index
    %get3A_405 = tpu.vector_load %arg5[%get3A_404] {strides = array<i32>} : memref<256xi32, #tpu.memory_space<vmem>>, vector<16xi32>,
    %get3A_406 = vector.shape_cast %get3A_405 : vector<16xi32> to vector<16xi32>
    %shift_right_arithmetic3A_407 = arith.constant 14 : i32
    %shift_right_arithmetic3A_408 = vector.broadcast %shift_right_arithmetic3A_407 : i32 to vector<16xi32>
    %shift_right_arithmetic3A_409 = arith.shrsi %get3A_406, %shift_right_arithmetic3A_408 : vector<16xi32>
    %shift_left3A_410 = arith.constant 14 : i32
    %shift_left3A_411 = vector.broadcast %shift_left3A_410 : i32 to vector<16xi32>
    %shift_left3A_412 = arith.shli %shift_right_arithmetic3A_409, %shift_left3A_411 : vector<16xi32>
    %and3A_413 = arith.constant 8191 : i32
    %and3A_414 = vector.broadcast %and3A_413 : i32 to vector<16xi32>
    %and3A_415 = arith.andi %get3A_406, %and3A_414 : vector<16xi32>
    %shift_left3A_416 = arith.constant 1 : i32
    %shift_left3A_417 = vector.broadcast %shift_left3A_416 : i32 to vector<16xi32>
    %shift_left3A_418 = arith.shli %and3A_415, %shift_left3A_417 : vector<16xi32>
    %or3A_419 = arith.ori %shift_left3A_412, %shift_left3A_418 : vector<16xi32>
    %shift_right_arithmetic3A_420 = arith.constant 13 : i32
    %shift_right_arithmetic3A_421 = vector.broadcast %shift_right_arithmetic3A_420 : i32 to vector<16xi32>
    %shift_right_arithmetic3A_422 = arith.shrsi %get3A_406, %shift_right_arithmetic3A_421 : vector<16xi32>
    %and3A_423 = arith.constant 1 : i32
    %and3A_424 = vector.broadcast %and3A_423 : i32 to vector<16xi32>
    %and3A_425 = arith.andi %shift_right_arithmetic3A_422, %and3A_424 : vector<16xi32>
    %or3A_426 = arith.ori %or3A_419, %and3A_425 : vector<16xi32>
    %swap3A_427 = arith.constant 240 : index
    %swap3A_428 = tpu.vector_load %arg9[%swap3A_427] {strides = array<i32>} : memref<256xi32, #tpu.memory_space<vmem>>, vector<16xi32>,
    %swap3A_429 = vector.shape_cast %swap3A_428 : vector<16xi32> to vector<16xi32>
    %swap3A_430 = vector.shape_cast %or3A_426 : vector<16xi32> to vector<16xi32>
    tpu.vector_store %arg9[%swap3A_427], %swap3A_430 {strides = array<i32>} : memref<256xi32, #tpu.memory_space<vmem>>, vector<16xi32>,
    %dma_start3A = arith.constant 0 : i32
    %dma_start3A_431 = arith.constant 0 : i32
    %dma_start3A_432 = tpu.memref_slice %arg3[%dma_start3A, %dma_start3A_431] : memref<1015808x64xf32, #tpu.memory_space<hbm>> -> memref<1015808x64xf32, #tpu.memory_space<hbm>>
    tpu.enqueue_indirect_dma source(%dma_start3A_432 : memref<1015808x64xf32, #tpu.memory_space<hbm>>) target(%arg13 : memref<256x64xf32, #tpu.memory_space<vmem>>) offsets(%arg9 : memref<256xi32, #tpu.memory_space<vmem>>) semaphore(%arg17 : memref<!tpu.dma_semaphore, #tpu.memory_space<semaphore_mem>>)
    %add3A_433 = arith.constant 256 : i32
    %add3A_434 = arith.addi %mul3A_2, %add3A_433 : i32
    "tpu.region"() ({
      %run_scoped3A = tpu.sem_alloc : memref<!tpu.dma_semaphore, #tpu.memory_space<semaphore_mem>>
      %dma_start3A_2863 = tpu.memref_slice %arg2[%add3A_434] : memref<819200xi32, #tpu.memory_space<hbm>> -> memref<256xi32, #tpu.memory_space<hbm>>
      %dma_start3A_2864 = tpu.memref_slice %arg2[%add3A_434] : memref<819200xi32, #tpu.memory_space<hbm>> -> memref<256xi32, #tpu.memory_space<hbm>>
      tpu.enqueue_dma source(%dma_start3A_2864 : memref<256xi32, #tpu.memory_space<hbm>>) target(%arg6 : memref<256xi32, #tpu.memory_space<vmem>>) target_semaphore(%run_scoped3A : memref<!tpu.dma_semaphore, #tpu.memory_space<semaphore_mem>>)
      %dma_wait3A_2865 = tpu.memref_slice %arg2[%add3A_434] : memref<819200xi32, #tpu.memory_space<hbm>> -> memref<256xi32, #tpu.memory_space<hbm>>
      %dma_wait3A_2866 = tpu.memref_slice %arg2[%add3A_434] : memref<819200xi32, #tpu.memory_space<hbm>> -> memref<256xi32, #tpu.memory_space<hbm>>
      tpu.wait_dma2 semaphore(%run_scoped3A : memref<!tpu.dma_semaphore, #tpu.memory_space<semaphore_mem>>) src(%dma_wait3A_2866 : memref<256xi32, #tpu.memory_space<hbm>>) dst(%arg6 : memref<256xi32, #tpu.memory_space<vmem>>)
      tpu.yield
    }) : () -> ()
    %get3A_435 = arith.constant 0 : index
    %get3A_436 = tpu.vector_load %arg6[%get3A_435] {strides = array<i32>} : memref<256xi32, #tpu.memory_space<vmem>>, vector<16xi32>,
    %get3A_437 = vector.shape_cast %get3A_436 : vector<16xi32> to vector<16xi32>
    %shift_right_arithmetic3A_438 = arith.constant 14 : i32
    %shift_right_arithmetic3A_439 = vector.broadcast %shift_right_arithmetic3A_438 : i32 to vector<16xi32>
    %shift_right_arithmetic3A_440 = arith.shrsi %get3A_437, %shift_right_arithmetic3A_439 : vector<16xi32>
    %shift_left3A_441 = arith.constant 14 : i32
    %shift_left3A_442 = vector.broadcast %shift_left3A_441 : i32 to vector<16xi32>
    %shift_left3A_443 = arith.shli %shift_right_arithmetic3A_440, %shift_left3A_442 : vector<16xi32>
    %and3A_444 = arith.constant 8191 : i32
    %and3A_445 = vector.broadcast %and3A_444 : i32 to vector<16xi32>
    %and3A_446 = arith.andi %get3A_437, %and3A_445 : vector<16xi32>
    %shift_left3A_447 = arith.constant 1 : i32
    %shift_left3A_448 = vector.broadcast %shift_left3A_447 : i32 to vector<16xi32>
    %shift_left3A_449 = arith.shli %and3A_446, %shift_left3A_448 : vector<16xi32>
    %or3A_450 = arith.ori %shift_left3A_443, %shift_left3A_449 : vector<16xi32>
    %shift_right_arithmetic3A_451 = arith.constant 13 : i32
    %shift_right_arithmetic3A_452 = vector.broadcast %shift_right_arithmetic3A_451 : i32 to vector<16xi32>
    %shift_right_arithmetic3A_453 = arith.shrsi %get3A_437, %shift_right_arithmetic3A_452 : vector<16xi32>
    %and3A_454 = arith.constant 1 : i32
    %and3A_455 = vector.broadcast %and3A_454 : i32 to vector<16xi32>
    %and3A_456 = arith.andi %shift_right_arithmetic3A_453, %and3A_455 : vector<16xi32>
    %or3A_457 = arith.ori %or3A_450, %and3A_456 : vector<16xi32>
    %swap3A_458 = arith.constant 0 : index
    %swap3A_459 = tpu.vector_load %arg10[%swap3A_458] {strides = array<i32>} : memref<256xi32, #tpu.memory_space<vmem>>, vector<16xi32>,
    %swap3A_460 = vector.shape_cast %swap3A_459 : vector<16xi32> to vector<16xi32>
    %swap3A_461 = vector.shape_cast %or3A_457 : vector<16xi32> to vector<16xi32>
    tpu.vector_store %arg10[%swap3A_458], %swap3A_461 {strides = array<i32>} : memref<256xi32, #tpu.memory_space<vmem>>, vector<16xi32>,
    %get3A_462 = arith.constant 16 : index
    %get3A_463 = tpu.vector_load %arg6[%get3A_462] {strides = array<i32>} : memref<256xi32, #tpu.memory_space<vmem>>, vector<16xi32>,
    %get3A_464 = vector.shape_cast %get3A_463 : vector<16xi32> to vector<16xi32>
    %shift_right_arithmetic3A_465 = arith.constant 14 : i32
    %shift_right_arithmetic3A_466 = vector.broadcast %shift_right_arithmetic3A_465 : i32 to vector<16xi32>
    %shift_right_arithmetic3A_467 = arith.shrsi %get3A_464, %shift_right_arithmetic3A_466 : vector<16xi32>
    %shift_left3A_468 = arith.constant 14 : i32
    %shift_left3A_469 = vector.broadcast %shift_left3A_468 : i32 to vector<16xi32>
    %shift_left3A_470 = arith.shli %shift_right_arithmetic3A_467, %shift_left3A_469 : vector<16xi32>
    %and3A_471 = arith.constant 8191 : i32
    %and3A_472 = vector.broadcast %and3A_471 : i32 to vector<16xi32>
    %and3A_473 = arith.andi %get3A_464, %and3A_472 : vector<16xi32>
    %shift_left3A_474 = arith.constant 1 : i32
    %shift_left3A_475 = vector.broadcast %shift_left3A_474 : i32 to vector<16xi32>
    %shift_left3A_476 = arith.shli %and3A_473, %shift_left3A_475 : vector<16xi32>
    %or3A_477 = arith.ori %shift_left3A_470, %shift_left3A_476 : vector<16xi32>
    %shift_right_arithmetic3A_478 = arith.constant 13 : i32
    %shift_right_arithmetic3A_479 = vector.broadcast %shift_right_arithmetic3A_478 : i32 to vector<16xi32>
    %shift_right_arithmetic3A_480 = arith.shrsi %get3A_464, %shift_right_arithmetic3A_479 : vector<16xi32>
    %and3A_481 = arith.constant 1 : i32
    %and3A_482 = vector.broadcast %and3A_481 : i32 to vector<16xi32>
    %and3A_483 = arith.andi %shift_right_arithmetic3A_480, %and3A_482 : vector<16xi32>
    %or3A_484 = arith.ori %or3A_477, %and3A_483 : vector<16xi32>
    %swap3A_485 = arith.constant 16 : index
    %swap3A_486 = tpu.vector_load %arg10[%swap3A_485] {strides = array<i32>} : memref<256xi32, #tpu.memory_space<vmem>>, vector<16xi32>,
    %swap3A_487 = vector.shape_cast %swap3A_486 : vector<16xi32> to vector<16xi32>
    %swap3A_488 = vector.shape_cast %or3A_484 : vector<16xi32> to vector<16xi32>
    tpu.vector_store %arg10[%swap3A_485], %swap3A_488 {strides = array<i32>} : memref<256xi32, #tpu.memory_space<vmem>>, vector<16xi32>,
    %get3A_489 = arith.constant 32 : index
    %get3A_490 = tpu.vector_load %arg6[%get3A_489] {strides = array<i32>} : memref<256xi32, #tpu.memory_space<vmem>>, vector<16xi32>,
    %get3A_491 = vector.shape_cast %get3A_490 : vector<16xi32> to vector<16xi32>
    %shift_right_arithmetic3A_492 = arith.constant 14 : i32
    %shift_right_arithmetic3A_493 = vector.broadcast %shift_right_arithmetic3A_492 : i32 to vector<16xi32>
    %shift_right_arithmetic3A_494 = arith.shrsi %get3A_491, %shift_right_arithmetic3A_493 : vector<16xi32>
    %shift_left3A_495 = arith.constant 14 : i32
    %shift_left3A_496 = vector.broadcast %shift_left3A_495 : i32 to vector<16xi32>
    %shift_left3A_497 = arith.shli %shift_right_arithmetic3A_494, %shift_left3A_496 : vector<16xi32>
    %and3A_498 = arith.constant 8191 : i32
    %and3A_499 = vector.broadcast %and3A_498 : i32 to vector<16xi32>
    %and3A_500 = arith.andi %get3A_491, %and3A_499 : vector<16xi32>
    %shift_left3A_501 = arith.constant 1 : i32
    %shift_left3A_502 = vector.broadcast %shift_left3A_501 : i32 to vector<16xi32>
    %shift_left3A_503 = arith.shli %and3A_500, %shift_left3A_502 : vector<16xi32>
    %or3A_504 = arith.ori %shift_left3A_497, %shift_left3A_503 : vector<16xi32>
    %shift_right_arithmetic3A_505 = arith.constant 13 : i32
    %shift_right_arithmetic3A_506 = vector.broadcast %shift_right_arithmetic3A_505 : i32 to vector<16xi32>
    %shift_right_arithmetic3A_507 = arith.shrsi %get3A_491, %shift_right_arithmetic3A_506 : vector<16xi32>
    %and3A_508 = arith.constant 1 : i32
    %and3A_509 = vector.broadcast %and3A_508 : i32 to vector<16xi32>
    %and3A_510 = arith.andi %shift_right_arithmetic3A_507, %and3A_509 : vector<16xi32>
    %or3A_511 = arith.ori %or3A_504, %and3A_510 : vector<16xi32>
    %swap3A_512 = arith.constant 32 : index
    %swap3A_513 = tpu.vector_load %arg10[%swap3A_512] {strides = array<i32>} : memref<256xi32, #tpu.memory_space<vmem>>, vector<16xi32>,
    %swap3A_514 = vector.shape_cast %swap3A_513 : vector<16xi32> to vector<16xi32>
    %swap3A_515 = vector.shape_cast %or3A_511 : vector<16xi32> to vector<16xi32>
    tpu.vector_store %arg10[%swap3A_512], %swap3A_515 {strides = array<i32>} : memref<256xi32, #tpu.memory_space<vmem>>, vector<16xi32>,
    %get3A_516 = arith.constant 48 : index
    %get3A_517 = tpu.vector_load %arg6[%get3A_516] {strides = array<i32>} : memref<256xi32, #tpu.memory_space<vmem>>, vector<16xi32>,
    %get3A_518 = vector.shape_cast %get3A_517 : vector<16xi32> to vector<16xi32>
    %shift_right_arithmetic3A_519 = arith.constant 14 : i32
    %shift_right_arithmetic3A_520 = vector.broadcast %shift_right_arithmetic3A_519 : i32 to vector<16xi32>
    %shift_right_arithmetic3A_521 = arith.shrsi %get3A_518, %shift_right_arithmetic3A_520 : vector<16xi32>
    %shift_left3A_522 = arith.constant 14 : i32
    %shift_left3A_523 = vector.broadcast %shift_left3A_522 : i32 to vector<16xi32>
    %shift_left3A_524 = arith.shli %shift_right_arithmetic3A_521, %shift_left3A_523 : vector<16xi32>
    %and3A_525 = arith.constant 8191 : i32
    %and3A_526 = vector.broadcast %and3A_525 : i32 to vector<16xi32>
    %and3A_527 = arith.andi %get3A_518, %and3A_526 : vector<16xi32>
    %shift_left3A_528 = arith.constant 1 : i32
    %shift_left3A_529 = vector.broadcast %shift_left3A_528 : i32 to vector<16xi32>
    %shift_left3A_530 = arith.shli %and3A_527, %shift_left3A_529 : vector<16xi32>
    %or3A_531 = arith.ori %shift_left3A_524, %shift_left3A_530 : vector<16xi32>
    %shift_right_arithmetic3A_532 = arith.constant 13 : i32
    %shift_right_arithmetic3A_533 = vector.broadcast %shift_right_arithmetic3A_532 : i32 to vector<16xi32>
    %shift_right_arithmetic3A_534 = arith.shrsi %get3A_518, %shift_right_arithmetic3A_533 : vector<16xi32>
    %and3A_535 = arith.constant 1 : i32
    %and3A_536 = vector.broadcast %and3A_535 : i32 to vector<16xi32>
    %and3A_537 = arith.andi %shift_right_arithmetic3A_534, %and3A_536 : vector<16xi32>
    %or3A_538 = arith.ori %or3A_531, %and3A_537 : vector<16xi32>
    %swap3A_539 = arith.constant 48 : index
    %swap3A_540 = tpu.vector_load %arg10[%swap3A_539] {strides = array<i32>} : memref<256xi32, #tpu.memory_space<vmem>>, vector<16xi32>,
    %swap3A_541 = vector.shape_cast %swap3A_540 : vector<16xi32> to vector<16xi32>
    %swap3A_542 = vector.shape_cast %or3A_538 : vector<16xi32> to vector<16xi32>
    tpu.vector_store %arg10[%swap3A_539], %swap3A_542 {strides = array<i32>} : memref<256xi32, #tpu.memory_space<vmem>>, vector<16xi32>,
    %get3A_543 = arith.constant 64 : index
    %get3A_544 = tpu.vector_load %arg6[%get3A_543] {strides = array<i32>} : memref<256xi32, #tpu.memory_space<vmem>>, vector<16xi32>,
    %get3A_545 = vector.shape_cast %get3A_544 : vector<16xi32> to vector<16xi32>
    %shift_right_arithmetic3A_546 = arith.constant 14 : i32
    %shift_right_arithmetic3A_547 = vector.broadcast %shift_right_arithmetic3A_546 : i32 to vector<16xi32>
    %shift_right_arithmetic3A_548 = arith.shrsi %get3A_545, %shift_right_arithmetic3A_547 : vector<16xi32>
    %shift_left3A_549 = arith.constant 14 : i32
    %shift_left3A_550 = vector.broadcast %shift_left3A_549 : i32 to vector<16xi32>
    %shift_left3A_551 = arith.shli %shift_right_arithmetic3A_548, %shift_left3A_550 : vector<16xi32>
    %and3A_552 = arith.constant 8191 : i32
    %and3A_553 = vector.broadcast %and3A_552 : i32 to vector<16xi32>
    %and3A_554 = arith.andi %get3A_545, %and3A_553 : vector<16xi32>
    %shift_left3A_555 = arith.constant 1 : i32
    %shift_left3A_556 = vector.broadcast %shift_left3A_555 : i32 to vector<16xi32>
    %shift_left3A_557 = arith.shli %and3A_554, %shift_left3A_556 : vector<16xi32>
    %or3A_558 = arith.ori %shift_left3A_551, %shift_left3A_557 : vector<16xi32>
    %shift_right_arithmetic3A_559 = arith.constant 13 : i32
    %shift_right_arithmetic3A_560 = vector.broadcast %shift_right_arithmetic3A_559 : i32 to vector<16xi32>
    %shift_right_arithmetic3A_561 = arith.shrsi %get3A_545, %shift_right_arithmetic3A_560 : vector<16xi32>
    %and3A_562 = arith.constant 1 : i32
    %and3A_563 = vector.broadcast %and3A_562 : i32 to vector<16xi32>
    %and3A_564 = arith.andi %shift_right_arithmetic3A_561, %and3A_563 : vector<16xi32>
    %or3A_565 = arith.ori %or3A_558, %and3A_564 : vector<16xi32>
    %swap3A_566 = arith.constant 64 : index
    %swap3A_567 = tpu.vector_load %arg10[%swap3A_566] {strides = array<i32>} : memref<256xi32, #tpu.memory_space<vmem>>, vector<16xi32>,
    %swap3A_568 = vector.shape_cast %swap3A_567 : vector<16xi32> to vector<16xi32>
    %swap3A_569 = vector.shape_cast %or3A_565 : vector<16xi32> to vector<16xi32>
    tpu.vector_store %arg10[%swap3A_566], %swap3A_569 {strides = array<i32>} : memref<256xi32, #tpu.memory_space<vmem>>, vector<16xi32>,
    %get3A_570 = arith.constant 80 : index
    %get3A_571 = tpu.vector_load %arg6[%get3A_570] {strides = array<i32>} : memref<256xi32, #tpu.memory_space<vmem>>, vector<16xi32>,
    %get3A_572 = vector.shape_cast %get3A_571 : vector<16xi32> to vector<16xi32>
    %shift_right_arithmetic3A_573 = arith.constant 14 : i32
    %shift_right_arithmetic3A_574 = vector.broadcast %shift_right_arithmetic3A_573 : i32 to vector<16xi32>
    %shift_right_arithmetic3A_575 = arith.shrsi %get3A_572, %shift_right_arithmetic3A_574 : vector<16xi32>
    %shift_left3A_576 = arith.constant 14 : i32
    %shift_left3A_577 = vector.broadcast %shift_left3A_576 : i32 to vector<16xi32>
    %shift_left3A_578 = arith.shli %shift_right_arithmetic3A_575, %shift_left3A_577 : vector<16xi32>
    %and3A_579 = arith.constant 8191 : i32
    %and3A_580 = vector.broadcast %and3A_579 : i32 to vector<16xi32>
    %and3A_581 = arith.andi %get3A_572, %and3A_580 : vector<16xi32>
    %shift_left3A_582 = arith.constant 1 : i32
    %shift_left3A_583 = vector.broadcast %shift_left3A_582 : i32 to vector<16xi32>
    %shift_left3A_584 = arith.shli %and3A_581, %shift_left3A_583 : vector<16xi32>
    %or3A_585 = arith.ori %shift_left3A_578, %shift_left3A_584 : vector<16xi32>
    %shift_right_arithmetic3A_586 = arith.constant 13 : i32
    %shift_right_arithmetic3A_587 = vector.broadcast %shift_right_arithmetic3A_586 : i32 to vector<16xi32>
    %shift_right_arithmetic3A_588 = arith.shrsi %get3A_572, %shift_right_arithmetic3A_587 : vector<16xi32>
    %and3A_589 = arith.constant 1 : i32
    %and3A_590 = vector.broadcast %and3A_589 : i32 to vector<16xi32>
    %and3A_591 = arith.andi %shift_right_arithmetic3A_588, %and3A_590 : vector<16xi32>
    %or3A_592 = arith.ori %or3A_585, %and3A_591 : vector<16xi32>
    %swap3A_593 = arith.constant 80 : index
    %swap3A_594 = tpu.vector_load %arg10[%swap3A_593] {strides = array<i32>} : memref<256xi32, #tpu.memory_space<vmem>>, vector<16xi32>,
    %swap3A_595 = vector.shape_cast %swap3A_594 : vector<16xi32> to vector<16xi32>
    %swap3A_596 = vector.shape_cast %or3A_592 : vector<16xi32> to vector<16xi32>
    tpu.vector_store %arg10[%swap3A_593], %swap3A_596 {strides = array<i32>} : memref<256xi32, #tpu.memory_space<vmem>>, vector<16xi32>,
    %get3A_597 = arith.constant 96 : index
    %get3A_598 = tpu.vector_load %arg6[%get3A_597] {strides = array<i32>} : memref<256xi32, #tpu.memory_space<vmem>>, vector<16xi32>,
    %get3A_599 = vector.shape_cast %get3A_598 : vector<16xi32> to vector<16xi32>
    %shift_right_arithmetic3A_600 = arith.constant 14 : i32
    %shift_right_arithmetic3A_601 = vector.broadcast %shift_right_arithmetic3A_600 : i32 to vector<16xi32>
    %shift_right_arithmetic3A_602 = arith.shrsi %get3A_599, %shift_right_arithmetic3A_601 : vector<16xi32>
    %shift_left3A_603 = arith.constant 14 : i32
    %shift_left3A_604 = vector.broadcast %shift_left3A_603 : i32 to vector<16xi32>
    %shift_left3A_605 = arith.shli %shift_right_arithmetic3A_602, %shift_left3A_604 : vector<16xi32>
    %and3A_606 = arith.constant 8191 : i32
    %and3A_607 = vector.broadcast %and3A_606 : i32 to vector<16xi32>
    %and3A_608 = arith.andi %get3A_599, %and3A_607 : vector<16xi32>
    %shift_left3A_609 = arith.constant 1 : i32
    %shift_left3A_610 = vector.broadcast %shift_left3A_609 : i32 to vector<16xi32>
    %shift_left3A_611 = arith.shli %and3A_608, %shift_left3A_610 : vector<16xi32>
    %or3A_612 = arith.ori %shift_left3A_605, %shift_left3A_611 : vector<16xi32>
    %shift_right_arithmetic3A_613 = arith.constant 13 : i32
    %shift_right_arithmetic3A_614 = vector.broadcast %shift_right_arithmetic3A_613 : i32 to vector<16xi32>
    %shift_right_arithmetic3A_615 = arith.shrsi %get3A_599, %shift_right_arithmetic3A_614 : vector<16xi32>
    %and3A_616 = arith.constant 1 : i32
    %and3A_617 = vector.broadcast %and3A_616 : i32 to vector<16xi32>
    %and3A_618 = arith.andi %shift_right_arithmetic3A_615, %and3A_617 : vector<16xi32>
    %or3A_619 = arith.ori %or3A_612, %and3A_618 : vector<16xi32>
    %swap3A_620 = arith.constant 96 : index
    %swap3A_621 = tpu.vector_load %arg10[%swap3A_620] {strides = array<i32>} : memref<256xi32, #tpu.memory_space<vmem>>, vector<16xi32>,
    %swap3A_622 = vector.shape_cast %swap3A_621 : vector<16xi32> to vector<16xi32>
    %swap3A_623 = vector.shape_cast %or3A_619 : vector<16xi32> to vector<16xi32>
    tpu.vector_store %arg10[%swap3A_620], %swap3A_623 {strides = array<i32>} : memref<256xi32, #tpu.memory_space<vmem>>, vector<16xi32>,
    %get3A_624 = arith.constant 112 : index
    %get3A_625 = tpu.vector_load %arg6[%get3A_624] {strides = array<i32>} : memref<256xi32, #tpu.memory_space<vmem>>, vector<16xi32>,
    %get3A_626 = vector.shape_cast %get3A_625 : vector<16xi32> to vector<16xi32>
    %shift_right_arithmetic3A_627 = arith.constant 14 : i32
    %shift_right_arithmetic3A_628 = vector.broadcast %shift_right_arithmetic3A_627 : i32 to vector<16xi32>
    %shift_right_arithmetic3A_629 = arith.shrsi %get3A_626, %shift_right_arithmetic3A_628 : vector<16xi32>
    %shift_left3A_630 = arith.constant 14 : i32
    %shift_left3A_631 = vector.broadcast %shift_left3A_630 : i32 to vector<16xi32>
    %shift_left3A_632 = arith.shli %shift_right_arithmetic3A_629, %shift_left3A_631 : vector<16xi32>
    %and3A_633 = arith.constant 8191 : i32
    %and3A_634 = vector.broadcast %and3A_633 : i32 to vector<16xi32>
    %and3A_635 = arith.andi %get3A_626, %and3A_634 : vector<16xi32>
    %shift_left3A_636 = arith.constant 1 : i32
    %shift_left3A_637 = vector.broadcast %shift_left3A_636 : i32 to vector<16xi32>
    %shift_left3A_638 = arith.shli %and3A_635, %shift_left3A_637 : vector<16xi32>
    %or3A_639 = arith.ori %shift_left3A_632, %shift_left3A_638 : vector<16xi32>
    %shift_right_arithmetic3A_640 = arith.constant 13 : i32
    %shift_right_arithmetic3A_641 = vector.broadcast %shift_right_arithmetic3A_640 : i32 to vector<16xi32>
    %shift_right_arithmetic3A_642 = arith.shrsi %get3A_626, %shift_right_arithmetic3A_641 : vector<16xi32>
    %and3A_643 = arith.constant 1 : i32
    %and3A_644 = vector.broadcast %and3A_643 : i32 to vector<16xi32>
    %and3A_645 = arith.andi %shift_right_arithmetic3A_642, %and3A_644 : vector<16xi32>
    %or3A_646 = arith.ori %or3A_639, %and3A_645 : vector<16xi32>
    %swap3A_647 = arith.constant 112 : index
    %swap3A_648 = tpu.vector_load %arg10[%swap3A_647] {strides = array<i32>} : memref<256xi32, #tpu.memory_space<vmem>>, vector<16xi32>,
    %swap3A_649 = vector.shape_cast %swap3A_648 : vector<16xi32> to vector<16xi32>
    %swap3A_650 = vector.shape_cast %or3A_646 : vector<16xi32> to vector<16xi32>
    tpu.vector_store %arg10[%swap3A_647], %swap3A_650 {strides = array<i32>} : memref<256xi32, #tpu.memory_space<vmem>>, vector<16xi32>,
    %get3A_651 = arith.constant 128 : index
    %get3A_652 = tpu.vector_load %arg6[%get3A_651] {strides = array<i32>} : memref<256xi32, #tpu.memory_space<vmem>>, vector<16xi32>,
    %get3A_653 = vector.shape_cast %get3A_652 : vector<16xi32> to vector<16xi32>
    %shift_right_arithmetic3A_654 = arith.constant 14 : i32
    %shift_right_arithmetic3A_655 = vector.broadcast %shift_right_arithmetic3A_654 : i32 to vector<16xi32>
    %shift_right_arithmetic3A_656 = arith.shrsi %get3A_653, %shift_right_arithmetic3A_655 : vector<16xi32>
    %shift_left3A_657 = arith.constant 14 : i32
    %shift_left3A_658 = vector.broadcast %shift_left3A_657 : i32 to vector<16xi32>
    %shift_left3A_659 = arith.shli %shift_right_arithmetic3A_656, %shift_left3A_658 : vector<16xi32>
    %and3A_660 = arith.constant 8191 : i32
    %and3A_661 = vector.broadcast %and3A_660 : i32 to vector<16xi32>
    %and3A_662 = arith.andi %get3A_653, %and3A_661 : vector<16xi32>
    %shift_left3A_663 = arith.constant 1 : i32
    %shift_left3A_664 = vector.broadcast %shift_left3A_663 : i32 to vector<16xi32>
    %shift_left3A_665 = arith.shli %and3A_662, %shift_left3A_664 : vector<16xi32>
    %or3A_666 = arith.ori %shift_left3A_659, %shift_left3A_665 : vector<16xi32>
    %shift_right_arithmetic3A_667 = arith.constant 13 : i32
    %shift_right_arithmetic3A_668 = vector.broadcast %shift_right_arithmetic3A_667 : i32 to vector<16xi32>
    %shift_right_arithmetic3A_669 = arith.shrsi %get3A_653, %shift_right_arithmetic3A_668 : vector<16xi32>
    %and3A_670 = arith.constant 1 : i32
    %and3A_671 = vector.broadcast %and3A_670 : i32 to vector<16xi32>
    %and3A_672 = arith.andi %shift_right_arithmetic3A_669, %and3A_671 : vector<16xi32>
    %or3A_673 = arith.ori %or3A_666, %and3A_672 : vector<16xi32>
    %swap3A_674 = arith.constant 128 : index
    %swap3A_675 = tpu.vector_load %arg10[%swap3A_674] {strides = array<i32>} : memref<256xi32, #tpu.memory_space<vmem>>, vector<16xi32>,
    %swap3A_676 = vector.shape_cast %swap3A_675 : vector<16xi32> to vector<16xi32>
    %swap3A_677 = vector.shape_cast %or3A_673 : vector<16xi32> to vector<16xi32>
    tpu.vector_store %arg10[%swap3A_674], %swap3A_677 {strides = array<i32>} : memref<256xi32, #tpu.memory_space<vmem>>, vector<16xi32>,
    %get3A_678 = arith.constant 144 : index
    %get3A_679 = tpu.vector_load %arg6[%get3A_678] {strides = array<i32>} : memref<256xi32, #tpu.memory_space<vmem>>, vector<16xi32>,
    %get3A_680 = vector.shape_cast %get3A_679 : vector<16xi32> to vector<16xi32>
    %shift_right_arithmetic3A_681 = arith.constant 14 : i32
    %shift_right_arithmetic3A_682 = vector.broadcast %shift_right_arithmetic3A_681 : i32 to vector<16xi32>
    %shift_right_arithmetic3A_683 = arith.shrsi %get3A_680, %shift_right_arithmetic3A_682 : vector<16xi32>
    %shift_left3A_684 = arith.constant 14 : i32
    %shift_left3A_685 = vector.broadcast %shift_left3A_684 : i32 to vector<16xi32>
    %shift_left3A_686 = arith.shli %shift_right_arithmetic3A_683, %shift_left3A_685 : vector<16xi32>
    %and3A_687 = arith.constant 8191 : i32
    %and3A_688 = vector.broadcast %and3A_687 : i32 to vector<16xi32>
    %and3A_689 = arith.andi %get3A_680, %and3A_688 : vector<16xi32>
    %shift_left3A_690 = arith.constant 1 : i32
    %shift_left3A_691 = vector.broadcast %shift_left3A_690 : i32 to vector<16xi32>
    %shift_left3A_692 = arith.shli %and3A_689, %shift_left3A_691 : vector<16xi32>
    %or3A_693 = arith.ori %shift_left3A_686, %shift_left3A_692 : vector<16xi32>
    %shift_right_arithmetic3A_694 = arith.constant 13 : i32
    %shift_right_arithmetic3A_695 = vector.broadcast %shift_right_arithmetic3A_694 : i32 to vector<16xi32>
    %shift_right_arithmetic3A_696 = arith.shrsi %get3A_680, %shift_right_arithmetic3A_695 : vector<16xi32>
    %and3A_697 = arith.constant 1 : i32
    %and3A_698 = vector.broadcast %and3A_697 : i32 to vector<16xi32>
    %and3A_699 = arith.andi %shift_right_arithmetic3A_696, %and3A_698 : vector<16xi32>
    %or3A_700 = arith.ori %or3A_693, %and3A_699 : vector<16xi32>
    %swap3A_701 = arith.constant 144 : index
    %swap3A_702 = tpu.vector_load %arg10[%swap3A_701] {strides = array<i32>} : memref<256xi32, #tpu.memory_space<vmem>>, vector<16xi32>,
    %swap3A_703 = vector.shape_cast %swap3A_702 : vector<16xi32> to vector<16xi32>
    %swap3A_704 = vector.shape_cast %or3A_700 : vector<16xi32> to vector<16xi32>
    tpu.vector_store %arg10[%swap3A_701], %swap3A_704 {strides = array<i32>} : memref<256xi32, #tpu.memory_space<vmem>>, vector<16xi32>,
    %get3A_705 = arith.constant 160 : index
    %get3A_706 = tpu.vector_load %arg6[%get3A_705] {strides = array<i32>} : memref<256xi32, #tpu.memory_space<vmem>>, vector<16xi32>,
    %get3A_707 = vector.shape_cast %get3A_706 : vector<16xi32> to vector<16xi32>
    %shift_right_arithmetic3A_708 = arith.constant 14 : i32
    %shift_right_arithmetic3A_709 = vector.broadcast %shift_right_arithmetic3A_708 : i32 to vector<16xi32>
    %shift_right_arithmetic3A_710 = arith.shrsi %get3A_707, %shift_right_arithmetic3A_709 : vector<16xi32>
    %shift_left3A_711 = arith.constant 14 : i32
    %shift_left3A_712 = vector.broadcast %shift_left3A_711 : i32 to vector<16xi32>
    %shift_left3A_713 = arith.shli %shift_right_arithmetic3A_710, %shift_left3A_712 : vector<16xi32>
    %and3A_714 = arith.constant 8191 : i32
    %and3A_715 = vector.broadcast %and3A_714 : i32 to vector<16xi32>
    %and3A_716 = arith.andi %get3A_707, %and3A_715 : vector<16xi32>
    %shift_left3A_717 = arith.constant 1 : i32
    %shift_left3A_718 = vector.broadcast %shift_left3A_717 : i32 to vector<16xi32>
    %shift_left3A_719 = arith.shli %and3A_716, %shift_left3A_718 : vector<16xi32>
    %or3A_720 = arith.ori %shift_left3A_713, %shift_left3A_719 : vector<16xi32>
    %shift_right_arithmetic3A_721 = arith.constant 13 : i32
    %shift_right_arithmetic3A_722 = vector.broadcast %shift_right_arithmetic3A_721 : i32 to vector<16xi32>
    %shift_right_arithmetic3A_723 = arith.shrsi %get3A_707, %shift_right_arithmetic3A_722 : vector<16xi32>
    %and3A_724 = arith.constant 1 : i32
    %and3A_725 = vector.broadcast %and3A_724 : i32 to vector<16xi32>
    %and3A_726 = arith.andi %shift_right_arithmetic3A_723, %and3A_725 : vector<16xi32>
    %or3A_727 = arith.ori %or3A_720, %and3A_726 : vector<16xi32>
    %swap3A_728 = arith.constant 160 : index
    %swap3A_729 = tpu.vector_load %arg10[%swap3A_728] {strides = array<i32>} : memref<256xi32, #tpu.memory_space<vmem>>, vector<16xi32>,
    %swap3A_730 = vector.shape_cast %swap3A_729 : vector<16xi32> to vector<16xi32>
    %swap3A_731 = vector.shape_cast %or3A_727 : vector<16xi32> to vector<16xi32>
    tpu.vector_store %arg10[%swap3A_728], %swap3A_731 {strides = array<i32>} : memref<256xi32, #tpu.memory_space<vmem>>, vector<16xi32>,
    %get3A_732 = arith.constant 176 : index
    %get3A_733 = tpu.vector_load %arg6[%get3A_732] {strides = array<i32>} : memref<256xi32, #tpu.memory_space<vmem>>, vector<16xi32>,
    %get3A_734 = vector.shape_cast %get3A_733 : vector<16xi32> to vector<16xi32>
    %shift_right_arithmetic3A_735 = arith.constant 14 : i32
    %shift_right_arithmetic3A_736 = vector.broadcast %shift_right_arithmetic3A_735 : i32 to vector<16xi32>
    %shift_right_arithmetic3A_737 = arith.shrsi %get3A_734, %shift_right_arithmetic3A_736 : vector<16xi32>
    %shift_left3A_738 = arith.constant 14 : i32
    %shift_left3A_739 = vector.broadcast %shift_left3A_738 : i32 to vector<16xi32>
    %shift_left3A_740 = arith.shli %shift_right_arithmetic3A_737, %shift_left3A_739 : vector<16xi32>
    %and3A_741 = arith.constant 8191 : i32
    %and3A_742 = vector.broadcast %and3A_741 : i32 to vector<16xi32>
    %and3A_743 = arith.andi %get3A_734, %and3A_742 : vector<16xi32>
    %shift_left3A_744 = arith.constant 1 : i32
    %shift_left3A_745 = vector.broadcast %shift_left3A_744 : i32 to vector<16xi32>
    %shift_left3A_746 = arith.shli %and3A_743, %shift_left3A_745 : vector<16xi32>
    %or3A_747 = arith.ori %shift_left3A_740, %shift_left3A_746 : vector<16xi32>
    %shift_right_arithmetic3A_748 = arith.constant 13 : i32
    %shift_right_arithmetic3A_749 = vector.broadcast %shift_right_arithmetic3A_748 : i32 to vector<16xi32>
    %shift_right_arithmetic3A_750 = arith.shrsi %get3A_734, %shift_right_arithmetic3A_749 : vector<16xi32>
    %and3A_751 = arith.constant 1 : i32
    %and3A_752 = vector.broadcast %and3A_751 : i32 to vector<16xi32>
    %and3A_753 = arith.andi %shift_right_arithmetic3A_750, %and3A_752 : vector<16xi32>
    %or3A_754 = arith.ori %or3A_747, %and3A_753 : vector<16xi32>
    %swap3A_755 = arith.constant 176 : index
    %swap3A_756 = tpu.vector_load %arg10[%swap3A_755] {strides = array<i32>} : memref<256xi32, #tpu.memory_space<vmem>>, vector<16xi32>,
    %swap3A_757 = vector.shape_cast %swap3A_756 : vector<16xi32> to vector<16xi32>
    %swap3A_758 = vector.shape_cast %or3A_754 : vector<16xi32> to vector<16xi32>
    tpu.vector_store %arg10[%swap3A_755], %swap3A_758 {strides = array<i32>} : memref<256xi32, #tpu.memory_space<vmem>>, vector<16xi32>,
    %get3A_759 = arith.constant 192 : index
    %get3A_760 = tpu.vector_load %arg6[%get3A_759] {strides = array<i32>} : memref<256xi32, #tpu.memory_space<vmem>>, vector<16xi32>,
    %get3A_761 = vector.shape_cast %get3A_760 : vector<16xi32> to vector<16xi32>
    %shift_right_arithmetic3A_762 = arith.constant 14 : i32
    %shift_right_arithmetic3A_763 = vector.broadcast %shift_right_arithmetic3A_762 : i32 to vector<16xi32>
    %shift_right_arithmetic3A_764 = arith.shrsi %get3A_761, %shift_right_arithmetic3A_763 : vector<16xi32>
    %shift_left3A_765 = arith.constant 14 : i32
    %shift_left3A_766 = vector.broadcast %shift_left3A_765 : i32 to vector<16xi32>
    %shift_left3A_767 = arith.shli %shift_right_arithmetic3A_764, %shift_left3A_766 : vector<16xi32>
    %and3A_768 = arith.constant 8191 : i32
    %and3A_769 = vector.broadcast %and3A_768 : i32 to vector<16xi32>
    %and3A_770 = arith.andi %get3A_761, %and3A_769 : vector<16xi32>
    %shift_left3A_771 = arith.constant 1 : i32
    %shift_left3A_772 = vector.broadcast %shift_left3A_771 : i32 to vector<16xi32>
    %shift_left3A_773 = arith.shli %and3A_770, %shift_left3A_772 : vector<16xi32>
    %or3A_774 = arith.ori %shift_left3A_767, %shift_left3A_773 : vector<16xi32>
    %shift_right_arithmetic3A_775 = arith.constant 13 : i32
    %shift_right_arithmetic3A_776 = vector.broadcast %shift_right_arithmetic3A_775 : i32 to vector<16xi32>
    %shift_right_arithmetic3A_777 = arith.shrsi %get3A_761, %shift_right_arithmetic3A_776 : vector<16xi32>
    %and3A_778 = arith.constant 1 : i32
    %and3A_779 = vector.broadcast %and3A_778 : i32 to vector<16xi32>
    %and3A_780 = arith.andi %shift_right_arithmetic3A_777, %and3A_779 : vector<16xi32>
    %or3A_781 = arith.ori %or3A_774, %and3A_780 : vector<16xi32>
    %swap3A_782 = arith.constant 192 : index
    %swap3A_783 = tpu.vector_load %arg10[%swap3A_782] {strides = array<i32>} : memref<256xi32, #tpu.memory_space<vmem>>, vector<16xi32>,
    %swap3A_784 = vector.shape_cast %swap3A_783 : vector<16xi32> to vector<16xi32>
    %swap3A_785 = vector.shape_cast %or3A_781 : vector<16xi32> to vector<16xi32>
    tpu.vector_store %arg10[%swap3A_782], %swap3A_785 {strides = array<i32>} : memref<256xi32, #tpu.memory_space<vmem>>, vector<16xi32>,
    %get3A_786 = arith.constant 208 : index
    %get3A_787 = tpu.vector_load %arg6[%get3A_786] {strides = array<i32>} : memref<256xi32, #tpu.memory_space<vmem>>, vector<16xi32>,
    %get3A_788 = vector.shape_cast %get3A_787 : vector<16xi32> to vector<16xi32>
    %shift_right_arithmetic3A_789 = arith.constant 14 : i32
    %shift_right_arithmetic3A_790 = vector.broadcast %shift_right_arithmetic3A_789 : i32 to vector<16xi32>
    %shift_right_arithmetic3A_791 = arith.shrsi %get3A_788, %shift_right_arithmetic3A_790 : vector<16xi32>
    %shift_left3A_792 = arith.constant 14 : i32
    %shift_left3A_793 = vector.broadcast %shift_left3A_792 : i32 to vector<16xi32>
    %shift_left3A_794 = arith.shli %shift_right_arithmetic3A_791, %shift_left3A_793 : vector<16xi32>
    %and3A_795 = arith.constant 8191 : i32
    %and3A_796 = vector.broadcast %and3A_795 : i32 to vector<16xi32>
    %and3A_797 = arith.andi %get3A_788, %and3A_796 : vector<16xi32>
    %shift_left3A_798 = arith.constant 1 : i32
    %shift_left3A_799 = vector.broadcast %shift_left3A_798 : i32 to vector<16xi32>
    %shift_left3A_800 = arith.shli %and3A_797, %shift_left3A_799 : vector<16xi32>
    %or3A_801 = arith.ori %shift_left3A_794, %shift_left3A_800 : vector<16xi32>
    %shift_right_arithmetic3A_802 = arith.constant 13 : i32
    %shift_right_arithmetic3A_803 = vector.broadcast %shift_right_arithmetic3A_802 : i32 to vector<16xi32>
    %shift_right_arithmetic3A_804 = arith.shrsi %get3A_788, %shift_right_arithmetic3A_803 : vector<16xi32>
    %and3A_805 = arith.constant 1 : i32
    %and3A_806 = vector.broadcast %and3A_805 : i32 to vector<16xi32>
    %and3A_807 = arith.andi %shift_right_arithmetic3A_804, %and3A_806 : vector<16xi32>
    %or3A_808 = arith.ori %or3A_801, %and3A_807 : vector<16xi32>
    %swap3A_809 = arith.constant 208 : index
    %swap3A_810 = tpu.vector_load %arg10[%swap3A_809] {strides = array<i32>} : memref<256xi32, #tpu.memory_space<vmem>>, vector<16xi32>,
    %swap3A_811 = vector.shape_cast %swap3A_810 : vector<16xi32> to vector<16xi32>
    %swap3A_812 = vector.shape_cast %or3A_808 : vector<16xi32> to vector<16xi32>
    tpu.vector_store %arg10[%swap3A_809], %swap3A_812 {strides = array<i32>} : memref<256xi32, #tpu.memory_space<vmem>>, vector<16xi32>,
    %get3A_813 = arith.constant 224 : index
    %get3A_814 = tpu.vector_load %arg6[%get3A_813] {strides = array<i32>} : memref<256xi32, #tpu.memory_space<vmem>>, vector<16xi32>,
    %get3A_815 = vector.shape_cast %get3A_814 : vector<16xi32> to vector<16xi32>
    %shift_right_arithmetic3A_816 = arith.constant 14 : i32
    %shift_right_arithmetic3A_817 = vector.broadcast %shift_right_arithmetic3A_816 : i32 to vector<16xi32>
    %shift_right_arithmetic3A_818 = arith.shrsi %get3A_815, %shift_right_arithmetic3A_817 : vector<16xi32>
    %shift_left3A_819 = arith.constant 14 : i32
    %shift_left3A_820 = vector.broadcast %shift_left3A_819 : i32 to vector<16xi32>
    %shift_left3A_821 = arith.shli %shift_right_arithmetic3A_818, %shift_left3A_820 : vector<16xi32>
    %and3A_822 = arith.constant 8191 : i32
    %and3A_823 = vector.broadcast %and3A_822 : i32 to vector<16xi32>
    %and3A_824 = arith.andi %get3A_815, %and3A_823 : vector<16xi32>
    %shift_left3A_825 = arith.constant 1 : i32
    %shift_left3A_826 = vector.broadcast %shift_left3A_825 : i32 to vector<16xi32>
    %shift_left3A_827 = arith.shli %and3A_824, %shift_left3A_826 : vector<16xi32>
    %or3A_828 = arith.ori %shift_left3A_821, %shift_left3A_827 : vector<16xi32>
    %shift_right_arithmetic3A_829 = arith.constant 13 : i32
    %shift_right_arithmetic3A_830 = vector.broadcast %shift_right_arithmetic3A_829 : i32 to vector<16xi32>
    %shift_right_arithmetic3A_831 = arith.shrsi %get3A_815, %shift_right_arithmetic3A_830 : vector<16xi32>
    %and3A_832 = arith.constant 1 : i32
    %and3A_833 = vector.broadcast %and3A_832 : i32 to vector<16xi32>
    %and3A_834 = arith.andi %shift_right_arithmetic3A_831, %and3A_833 : vector<16xi32>
    %or3A_835 = arith.ori %or3A_828, %and3A_834 : vector<16xi32>
    %swap3A_836 = arith.constant 224 : index
    %swap3A_837 = tpu.vector_load %arg10[%swap3A_836] {strides = array<i32>} : memref<256xi32, #tpu.memory_space<vmem>>, vector<16xi32>,
    %swap3A_838 = vector.shape_cast %swap3A_837 : vector<16xi32> to vector<16xi32>
    %swap3A_839 = vector.shape_cast %or3A_835 : vector<16xi32> to vector<16xi32>
    tpu.vector_store %arg10[%swap3A_836], %swap3A_839 {strides = array<i32>} : memref<256xi32, #tpu.memory_space<vmem>>, vector<16xi32>,
    %get3A_840 = arith.constant 240 : index
    %get3A_841 = tpu.vector_load %arg6[%get3A_840] {strides = array<i32>} : memref<256xi32, #tpu.memory_space<vmem>>, vector<16xi32>,
    %get3A_842 = vector.shape_cast %get3A_841 : vector<16xi32> to vector<16xi32>
    %shift_right_arithmetic3A_843 = arith.constant 14 : i32
    %shift_right_arithmetic3A_844 = vector.broadcast %shift_right_arithmetic3A_843 : i32 to vector<16xi32>
    %shift_right_arithmetic3A_845 = arith.shrsi %get3A_842, %shift_right_arithmetic3A_844 : vector<16xi32>
    %shift_left3A_846 = arith.constant 14 : i32
    %shift_left3A_847 = vector.broadcast %shift_left3A_846 : i32 to vector<16xi32>
    %shift_left3A_848 = arith.shli %shift_right_arithmetic3A_845, %shift_left3A_847 : vector<16xi32>
    %and3A_849 = arith.constant 8191 : i32
    %and3A_850 = vector.broadcast %and3A_849 : i32 to vector<16xi32>
    %and3A_851 = arith.andi %get3A_842, %and3A_850 : vector<16xi32>
    %shift_left3A_852 = arith.constant 1 : i32
    %shift_left3A_853 = vector.broadcast %shift_left3A_852 : i32 to vector<16xi32>
    %shift_left3A_854 = arith.shli %and3A_851, %shift_left3A_853 : vector<16xi32>
    %or3A_855 = arith.ori %shift_left3A_848, %shift_left3A_854 : vector<16xi32>
    %shift_right_arithmetic3A_856 = arith.constant 13 : i32
    %shift_right_arithmetic3A_857 = vector.broadcast %shift_right_arithmetic3A_856 : i32 to vector<16xi32>
    %shift_right_arithmetic3A_858 = arith.shrsi %get3A_842, %shift_right_arithmetic3A_857 : vector<16xi32>
    %and3A_859 = arith.constant 1 : i32
    %and3A_860 = vector.broadcast %and3A_859 : i32 to vector<16xi32>
    %and3A_861 = arith.andi %shift_right_arithmetic3A_858, %and3A_860 : vector<16xi32>
    %or3A_862 = arith.ori %or3A_855, %and3A_861 : vector<16xi32>
    %swap3A_863 = arith.constant 240 : index
    %swap3A_864 = tpu.vector_load %arg10[%swap3A_863] {strides = array<i32>} : memref<256xi32, #tpu.memory_space<vmem>>, vector<16xi32>,
    %swap3A_865 = vector.shape_cast %swap3A_864 : vector<16xi32> to vector<16xi32>
    %swap3A_866 = vector.shape_cast %or3A_862 : vector<16xi32> to vector<16xi32>
    tpu.vector_store %arg10[%swap3A_863], %swap3A_866 {strides = array<i32>} : memref<256xi32, #tpu.memory_space<vmem>>, vector<16xi32>,
    %dma_start3A_867 = arith.constant 0 : i32
    %dma_start3A_868 = arith.constant 0 : i32
    %dma_start3A_869 = tpu.memref_slice %arg3[%dma_start3A_867, %dma_start3A_868] : memref<1015808x64xf32, #tpu.memory_space<hbm>> -> memref<1015808x64xf32, #tpu.memory_space<hbm>>
    tpu.enqueue_indirect_dma source(%dma_start3A_869 : memref<1015808x64xf32, #tpu.memory_space<hbm>>) target(%arg14 : memref<256x64xf32, #tpu.memory_space<vmem>>) offsets(%arg10 : memref<256xi32, #tpu.memory_space<vmem>>) semaphore(%arg18 : memref<!tpu.dma_semaphore, #tpu.memory_space<semaphore_mem>>)
    %dma_wait3A = arith.constant 0 : i32
    %dma_wait3A_870 = arith.constant 0 : i32
    %dma_wait3A_871 = tpu.memref_slice %arg3[%dma_wait3A, %dma_wait3A_870] : memref<1015808x64xf32, #tpu.memory_space<hbm>> -> memref<1015808x64xf32, #tpu.memory_space<hbm>>
    tpu.wait_indirect_dma semaphore(%arg17 : memref<!tpu.dma_semaphore, #tpu.memory_space<semaphore_mem>>) src(%dma_wait3A_871 : memref<1015808x64xf32, #tpu.memory_space<hbm>>) dst(%arg13 : memref<256x64xf32, #tpu.memory_space<vmem>>)
    %add3A_872 = arith.constant 0 : i32
    %add3A_873 = arith.addi %mul3A_2, %add3A_872 : i32
    %and3A_874 = arith.constant 2047 : i32
    %and3A_875 = arith.andi %add3A_873, %and3A_874 : i32
    %shift_right_arithmetic3A_876 = arith.constant 11 : i32
    %shift_right_arithmetic3A_877 = arith.shrsi %add3A_873, %shift_right_arithmetic3A_876 : i32
    %mul3A_878 = arith.constant 1024 : i32
    %mul3A_879 = arith.muli %shift_right_arithmetic3A_877, %mul3A_878 : i32
    %and3A_880 = arith.constant 1023 : i32
    %and3A_881 = arith.andi %and3A_875, %and3A_880 : i32
    %add3A_882 = arith.addi %mul3A_879, %and3A_881 : i32
    %shift_right_arithmetic3A_883 = arith.constant 10 : i32
    %shift_right_arithmetic3A_884 = arith.shrsi %and3A_875, %shift_right_arithmetic3A_883 : i32
    %mul3A_885 = arith.constant 64 : i32
    %mul3A_886 = arith.muli %shift_right_arithmetic3A_884, %mul3A_885 : i32
    %dma_start3A_887 = tpu.memref_slice %arg4[%add3A_882, %mul3A_886] : memref<409600x128xf32, #tpu.memory_space<hbm>> -> memref<256x64xf32, #tpu.memory_space<hbm>>
    %dma_start3A_888 = tpu.memref_slice %arg4[%add3A_882, %mul3A_886] : memref<409600x128xf32, #tpu.memory_space<hbm>> -> memref<256x64xf32, #tpu.memory_space<hbm>>
    tpu.enqueue_dma source(%arg13 : memref<256x64xf32, #tpu.memory_space<vmem>>) target(%dma_start3A_888 : memref<256x64xf32, #tpu.memory_space<hbm>>) target_semaphore(%arg21 : memref<!tpu.dma_semaphore, #tpu.memory_space<semaphore_mem>>)
    %add3A_889 = arith.constant 512 : i32
    %add3A_890 = arith.addi %mul3A_2, %add3A_889 : i32
    "tpu.region"() ({
      %run_scoped3A = tpu.sem_alloc : memref<!tpu.dma_semaphore, #tpu.memory_space<semaphore_mem>>
      %dma_start3A_2863 = tpu.memref_slice %arg2[%add3A_890] : memref<819200xi32, #tpu.memory_space<hbm>> -> memref<256xi32, #tpu.memory_space<hbm>>
      %dma_start3A_2864 = tpu.memref_slice %arg2[%add3A_890] : memref<819200xi32, #tpu.memory_space<hbm>> -> memref<256xi32, #tpu.memory_space<hbm>>
      tpu.enqueue_dma source(%dma_start3A_2864 : memref<256xi32, #tpu.memory_space<hbm>>) target(%arg7 : memref<256xi32, #tpu.memory_space<vmem>>) target_semaphore(%run_scoped3A : memref<!tpu.dma_semaphore, #tpu.memory_space<semaphore_mem>>)
      %dma_wait3A_2865 = tpu.memref_slice %arg2[%add3A_890] : memref<819200xi32, #tpu.memory_space<hbm>> -> memref<256xi32, #tpu.memory_space<hbm>>
      %dma_wait3A_2866 = tpu.memref_slice %arg2[%add3A_890] : memref<819200xi32, #tpu.memory_space<hbm>> -> memref<256xi32, #tpu.memory_space<hbm>>
      tpu.wait_dma2 semaphore(%run_scoped3A : memref<!tpu.dma_semaphore, #tpu.memory_space<semaphore_mem>>) src(%dma_wait3A_2866 : memref<256xi32, #tpu.memory_space<hbm>>) dst(%arg7 : memref<256xi32, #tpu.memory_space<vmem>>)
      tpu.yield
    }) : () -> ()
    %get3A_891 = arith.constant 0 : index
    %get3A_892 = tpu.vector_load %arg7[%get3A_891] {strides = array<i32>} : memref<256xi32, #tpu.memory_space<vmem>>, vector<16xi32>,
    %get3A_893 = vector.shape_cast %get3A_892 : vector<16xi32> to vector<16xi32>
    %shift_right_arithmetic3A_894 = arith.constant 14 : i32
    %shift_right_arithmetic3A_895 = vector.broadcast %shift_right_arithmetic3A_894 : i32 to vector<16xi32>
    %shift_right_arithmetic3A_896 = arith.shrsi %get3A_893, %shift_right_arithmetic3A_895 : vector<16xi32>
    %shift_left3A_897 = arith.constant 14 : i32
    %shift_left3A_898 = vector.broadcast %shift_left3A_897 : i32 to vector<16xi32>
    %shift_left3A_899 = arith.shli %shift_right_arithmetic3A_896, %shift_left3A_898 : vector<16xi32>
    %and3A_900 = arith.constant 8191 : i32
    %and3A_901 = vector.broadcast %and3A_900 : i32 to vector<16xi32>
    %and3A_902 = arith.andi %get3A_893, %and3A_901 : vector<16xi32>
    %shift_left3A_903 = arith.constant 1 : i32
    %shift_left3A_904 = vector.broadcast %shift_left3A_903 : i32 to vector<16xi32>
    %shift_left3A_905 = arith.shli %and3A_902, %shift_left3A_904 : vector<16xi32>
    %or3A_906 = arith.ori %shift_left3A_899, %shift_left3A_905 : vector<16xi32>
    %shift_right_arithmetic3A_907 = arith.constant 13 : i32
    %shift_right_arithmetic3A_908 = vector.broadcast %shift_right_arithmetic3A_907 : i32 to vector<16xi32>
    %shift_right_arithmetic3A_909 = arith.shrsi %get3A_893, %shift_right_arithmetic3A_908 : vector<16xi32>
    %and3A_910 = arith.constant 1 : i32
    %and3A_911 = vector.broadcast %and3A_910 : i32 to vector<16xi32>
    %and3A_912 = arith.andi %shift_right_arithmetic3A_909, %and3A_911 : vector<16xi32>
    %or3A_913 = arith.ori %or3A_906, %and3A_912 : vector<16xi32>
    %swap3A_914 = arith.constant 0 : index
    %swap3A_915 = tpu.vector_load %arg11[%swap3A_914] {strides = array<i32>} : memref<256xi32, #tpu.memory_space<vmem>>, vector<16xi32>,
    %swap3A_916 = vector.shape_cast %swap3A_915 : vector<16xi32> to vector<16xi32>
    %swap3A_917 = vector.shape_cast %or3A_913 : vector<16xi32> to vector<16xi32>
    tpu.vector_store %arg11[%swap3A_914], %swap3A_917 {strides = array<i32>} : memref<256xi32, #tpu.memory_space<vmem>>, vector<16xi32>,
    %get3A_918 = arith.constant 16 : index
    %get3A_919 = tpu.vector_load %arg7[%get3A_918] {strides = array<i32>} : memref<256xi32, #tpu.memory_space<vmem>>, vector<16xi32>,
    %get3A_920 = vector.shape_cast %get3A_919 : vector<16xi32> to vector<16xi32>
    %shift_right_arithmetic3A_921 = arith.constant 14 : i32
    %shift_right_arithmetic3A_922 = vector.broadcast %shift_right_arithmetic3A_921 : i32 to vector<16xi32>
    %shift_right_arithmetic3A_923 = arith.shrsi %get3A_920, %shift_right_arithmetic3A_922 : vector<16xi32>
    %shift_left3A_924 = arith.constant 14 : i32
    %shift_left3A_925 = vector.broadcast %shift_left3A_924 : i32 to vector<16xi32>
    %shift_left3A_926 = arith.shli %shift_right_arithmetic3A_923, %shift_left3A_925 : vector<16xi32>
    %and3A_927 = arith.constant 8191 : i32
    %and3A_928 = vector.broadcast %and3A_927 : i32 to vector<16xi32>
    %and3A_929 = arith.andi %get3A_920, %and3A_928 : vector<16xi32>
    %shift_left3A_930 = arith.constant 1 : i32
    %shift_left3A_931 = vector.broadcast %shift_left3A_930 : i32 to vector<16xi32>
    %shift_left3A_932 = arith.shli %and3A_929, %shift_left3A_931 : vector<16xi32>
    %or3A_933 = arith.ori %shift_left3A_926, %shift_left3A_932 : vector<16xi32>
    %shift_right_arithmetic3A_934 = arith.constant 13 : i32
    %shift_right_arithmetic3A_935 = vector.broadcast %shift_right_arithmetic3A_934 : i32 to vector<16xi32>
    %shift_right_arithmetic3A_936 = arith.shrsi %get3A_920, %shift_right_arithmetic3A_935 : vector<16xi32>
    %and3A_937 = arith.constant 1 : i32
    %and3A_938 = vector.broadcast %and3A_937 : i32 to vector<16xi32>
    %and3A_939 = arith.andi %shift_right_arithmetic3A_936, %and3A_938 : vector<16xi32>
    %or3A_940 = arith.ori %or3A_933, %and3A_939 : vector<16xi32>
    %swap3A_941 = arith.constant 16 : index
    %swap3A_942 = tpu.vector_load %arg11[%swap3A_941] {strides = array<i32>} : memref<256xi32, #tpu.memory_space<vmem>>, vector<16xi32>,
    %swap3A_943 = vector.shape_cast %swap3A_942 : vector<16xi32> to vector<16xi32>
    %swap3A_944 = vector.shape_cast %or3A_940 : vector<16xi32> to vector<16xi32>
    tpu.vector_store %arg11[%swap3A_941], %swap3A_944 {strides = array<i32>} : memref<256xi32, #tpu.memory_space<vmem>>, vector<16xi32>,
    %get3A_945 = arith.constant 32 : index
    %get3A_946 = tpu.vector_load %arg7[%get3A_945] {strides = array<i32>} : memref<256xi32, #tpu.memory_space<vmem>>, vector<16xi32>,
    %get3A_947 = vector.shape_cast %get3A_946 : vector<16xi32> to vector<16xi32>
    %shift_right_arithmetic3A_948 = arith.constant 14 : i32
    %shift_right_arithmetic3A_949 = vector.broadcast %shift_right_arithmetic3A_948 : i32 to vector<16xi32>
    %shift_right_arithmetic3A_950 = arith.shrsi %get3A_947, %shift_right_arithmetic3A_949 : vector<16xi32>
    %shift_left3A_951 = arith.constant 14 : i32
    %shift_left3A_952 = vector.broadcast %shift_left3A_951 : i32 to vector<16xi32>
    %shift_left3A_953 = arith.shli %shift_right_arithmetic3A_950, %shift_left3A_952 : vector<16xi32>
    %and3A_954 = arith.constant 8191 : i32
    %and3A_955 = vector.broadcast %and3A_954 : i32 to vector<16xi32>
    %and3A_956 = arith.andi %get3A_947, %and3A_955 : vector<16xi32>
    %shift_left3A_957 = arith.constant 1 : i32
    %shift_left3A_958 = vector.broadcast %shift_left3A_957 : i32 to vector<16xi32>
    %shift_left3A_959 = arith.shli %and3A_956, %shift_left3A_958 : vector<16xi32>
    %or3A_960 = arith.ori %shift_left3A_953, %shift_left3A_959 : vector<16xi32>
    %shift_right_arithmetic3A_961 = arith.constant 13 : i32
    %shift_right_arithmetic3A_962 = vector.broadcast %shift_right_arithmetic3A_961 : i32 to vector<16xi32>
    %shift_right_arithmetic3A_963 = arith.shrsi %get3A_947, %shift_right_arithmetic3A_962 : vector<16xi32>
    %and3A_964 = arith.constant 1 : i32
    %and3A_965 = vector.broadcast %and3A_964 : i32 to vector<16xi32>
    %and3A_966 = arith.andi %shift_right_arithmetic3A_963, %and3A_965 : vector<16xi32>
    %or3A_967 = arith.ori %or3A_960, %and3A_966 : vector<16xi32>
    %swap3A_968 = arith.constant 32 : index
    %swap3A_969 = tpu.vector_load %arg11[%swap3A_968] {strides = array<i32>} : memref<256xi32, #tpu.memory_space<vmem>>, vector<16xi32>,
    %swap3A_970 = vector.shape_cast %swap3A_969 : vector<16xi32> to vector<16xi32>
    %swap3A_971 = vector.shape_cast %or3A_967 : vector<16xi32> to vector<16xi32>
    tpu.vector_store %arg11[%swap3A_968], %swap3A_971 {strides = array<i32>} : memref<256xi32, #tpu.memory_space<vmem>>, vector<16xi32>,
    %get3A_972 = arith.constant 48 : index
    %get3A_973 = tpu.vector_load %arg7[%get3A_972] {strides = array<i32>} : memref<256xi32, #tpu.memory_space<vmem>>, vector<16xi32>,
    %get3A_974 = vector.shape_cast %get3A_973 : vector<16xi32> to vector<16xi32>
    %shift_right_arithmetic3A_975 = arith.constant 14 : i32
    %shift_right_arithmetic3A_976 = vector.broadcast %shift_right_arithmetic3A_975 : i32 to vector<16xi32>
    %shift_right_arithmetic3A_977 = arith.shrsi %get3A_974, %shift_right_arithmetic3A_976 : vector<16xi32>
    %shift_left3A_978 = arith.constant 14 : i32
    %shift_left3A_979 = vector.broadcast %shift_left3A_978 : i32 to vector<16xi32>
    %shift_left3A_980 = arith.shli %shift_right_arithmetic3A_977, %shift_left3A_979 : vector<16xi32>
    %and3A_981 = arith.constant 8191 : i32
    %and3A_982 = vector.broadcast %and3A_981 : i32 to vector<16xi32>
    %and3A_983 = arith.andi %get3A_974, %and3A_982 : vector<16xi32>
    %shift_left3A_984 = arith.constant 1 : i32
    %shift_left3A_985 = vector.broadcast %shift_left3A_984 : i32 to vector<16xi32>
    %shift_left3A_986 = arith.shli %and3A_983, %shift_left3A_985 : vector<16xi32>
    %or3A_987 = arith.ori %shift_left3A_980, %shift_left3A_986 : vector<16xi32>
    %shift_right_arithmetic3A_988 = arith.constant 13 : i32
    %shift_right_arithmetic3A_989 = vector.broadcast %shift_right_arithmetic3A_988 : i32 to vector<16xi32>
    %shift_right_arithmetic3A_990 = arith.shrsi %get3A_974, %shift_right_arithmetic3A_989 : vector<16xi32>
    %and3A_991 = arith.constant 1 : i32
    %and3A_992 = vector.broadcast %and3A_991 : i32 to vector<16xi32>
    %and3A_993 = arith.andi %shift_right_arithmetic3A_990, %and3A_992 : vector<16xi32>
    %or3A_994 = arith.ori %or3A_987, %and3A_993 : vector<16xi32>
    %swap3A_995 = arith.constant 48 : index
    %swap3A_996 = tpu.vector_load %arg11[%swap3A_995] {strides = array<i32>} : memref<256xi32, #tpu.memory_space<vmem>>, vector<16xi32>,
    %swap3A_997 = vector.shape_cast %swap3A_996 : vector<16xi32> to vector<16xi32>
    %swap3A_998 = vector.shape_cast %or3A_994 : vector<16xi32> to vector<16xi32>
    tpu.vector_store %arg11[%swap3A_995], %swap3A_998 {strides = array<i32>} : memref<256xi32, #tpu.memory_space<vmem>>, vector<16xi32>,
    %get3A_999 = arith.constant 64 : index
    %get3A_1000 = tpu.vector_load %arg7[%get3A_999] {strides = array<i32>} : memref<256xi32, #tpu.memory_space<vmem>>, vector<16xi32>,
    %get3A_1001 = vector.shape_cast %get3A_1000 : vector<16xi32> to vector<16xi32>
    %shift_right_arithmetic3A_1002 = arith.constant 14 : i32
    %shift_right_arithmetic3A_1003 = vector.broadcast %shift_right_arithmetic3A_1002 : i32 to vector<16xi32>
    %shift_right_arithmetic3A_1004 = arith.shrsi %get3A_1001, %shift_right_arithmetic3A_1003 : vector<16xi32>
    %shift_left3A_1005 = arith.constant 14 : i32
    %shift_left3A_1006 = vector.broadcast %shift_left3A_1005 : i32 to vector<16xi32>
    %shift_left3A_1007 = arith.shli %shift_right_arithmetic3A_1004, %shift_left3A_1006 : vector<16xi32>
    %and3A_1008 = arith.constant 8191 : i32
    %and3A_1009 = vector.broadcast %and3A_1008 : i32 to vector<16xi32>
    %and3A_1010 = arith.andi %get3A_1001, %and3A_1009 : vector<16xi32>
    %shift_left3A_1011 = arith.constant 1 : i32
    %shift_left3A_1012 = vector.broadcast %shift_left3A_1011 : i32 to vector<16xi32>
    %shift_left3A_1013 = arith.shli %and3A_1010, %shift_left3A_1012 : vector<16xi32>
    %or3A_1014 = arith.ori %shift_left3A_1007, %shift_left3A_1013 : vector<16xi32>
    %shift_right_arithmetic3A_1015 = arith.constant 13 : i32
    %shift_right_arithmetic3A_1016 = vector.broadcast %shift_right_arithmetic3A_1015 : i32 to vector<16xi32>
    %shift_right_arithmetic3A_1017 = arith.shrsi %get3A_1001, %shift_right_arithmetic3A_1016 : vector<16xi32>
    %and3A_1018 = arith.constant 1 : i32
    %and3A_1019 = vector.broadcast %and3A_1018 : i32 to vector<16xi32>
    %and3A_1020 = arith.andi %shift_right_arithmetic3A_1017, %and3A_1019 : vector<16xi32>
    %or3A_1021 = arith.ori %or3A_1014, %and3A_1020 : vector<16xi32>
    %swap3A_1022 = arith.constant 64 : index
    %swap3A_1023 = tpu.vector_load %arg11[%swap3A_1022] {strides = array<i32>} : memref<256xi32, #tpu.memory_space<vmem>>, vector<16xi32>,
    %swap3A_1024 = vector.shape_cast %swap3A_1023 : vector<16xi32> to vector<16xi32>
    %swap3A_1025 = vector.shape_cast %or3A_1021 : vector<16xi32> to vector<16xi32>
    tpu.vector_store %arg11[%swap3A_1022], %swap3A_1025 {strides = array<i32>} : memref<256xi32, #tpu.memory_space<vmem>>, vector<16xi32>,
    %get3A_1026 = arith.constant 80 : index
    %get3A_1027 = tpu.vector_load %arg7[%get3A_1026] {strides = array<i32>} : memref<256xi32, #tpu.memory_space<vmem>>, vector<16xi32>,
    %get3A_1028 = vector.shape_cast %get3A_1027 : vector<16xi32> to vector<16xi32>
    %shift_right_arithmetic3A_1029 = arith.constant 14 : i32
    %shift_right_arithmetic3A_1030 = vector.broadcast %shift_right_arithmetic3A_1029 : i32 to vector<16xi32>
    %shift_right_arithmetic3A_1031 = arith.shrsi %get3A_1028, %shift_right_arithmetic3A_1030 : vector<16xi32>
    %shift_left3A_1032 = arith.constant 14 : i32
    %shift_left3A_1033 = vector.broadcast %shift_left3A_1032 : i32 to vector<16xi32>
    %shift_left3A_1034 = arith.shli %shift_right_arithmetic3A_1031, %shift_left3A_1033 : vector<16xi32>
    %and3A_1035 = arith.constant 8191 : i32
    %and3A_1036 = vector.broadcast %and3A_1035 : i32 to vector<16xi32>
    %and3A_1037 = arith.andi %get3A_1028, %and3A_1036 : vector<16xi32>
    %shift_left3A_1038 = arith.constant 1 : i32
    %shift_left3A_1039 = vector.broadcast %shift_left3A_1038 : i32 to vector<16xi32>
    %shift_left3A_1040 = arith.shli %and3A_1037, %shift_left3A_1039 : vector<16xi32>
    %or3A_1041 = arith.ori %shift_left3A_1034, %shift_left3A_1040 : vector<16xi32>
    %shift_right_arithmetic3A_1042 = arith.constant 13 : i32
    %shift_right_arithmetic3A_1043 = vector.broadcast %shift_right_arithmetic3A_1042 : i32 to vector<16xi32>
    %shift_right_arithmetic3A_1044 = arith.shrsi %get3A_1028, %shift_right_arithmetic3A_1043 : vector<16xi32>
    %and3A_1045 = arith.constant 1 : i32
    %and3A_1046 = vector.broadcast %and3A_1045 : i32 to vector<16xi32>
    %and3A_1047 = arith.andi %shift_right_arithmetic3A_1044, %and3A_1046 : vector<16xi32>
    %or3A_1048 = arith.ori %or3A_1041, %and3A_1047 : vector<16xi32>
    %swap3A_1049 = arith.constant 80 : index
    %swap3A_1050 = tpu.vector_load %arg11[%swap3A_1049] {strides = array<i32>} : memref<256xi32, #tpu.memory_space<vmem>>, vector<16xi32>,
    %swap3A_1051 = vector.shape_cast %swap3A_1050 : vector<16xi32> to vector<16xi32>
    %swap3A_1052 = vector.shape_cast %or3A_1048 : vector<16xi32> to vector<16xi32>
    tpu.vector_store %arg11[%swap3A_1049], %swap3A_1052 {strides = array<i32>} : memref<256xi32, #tpu.memory_space<vmem>>, vector<16xi32>,
    %get3A_1053 = arith.constant 96 : index
    %get3A_1054 = tpu.vector_load %arg7[%get3A_1053] {strides = array<i32>} : memref<256xi32, #tpu.memory_space<vmem>>, vector<16xi32>,
    %get3A_1055 = vector.shape_cast %get3A_1054 : vector<16xi32> to vector<16xi32>
    %shift_right_arithmetic3A_1056 = arith.constant 14 : i32
    %shift_right_arithmetic3A_1057 = vector.broadcast %shift_right_arithmetic3A_1056 : i32 to vector<16xi32>
    %shift_right_arithmetic3A_1058 = arith.shrsi %get3A_1055, %shift_right_arithmetic3A_1057 : vector<16xi32>
    %shift_left3A_1059 = arith.constant 14 : i32
    %shift_left3A_1060 = vector.broadcast %shift_left3A_1059 : i32 to vector<16xi32>
    %shift_left3A_1061 = arith.shli %shift_right_arithmetic3A_1058, %shift_left3A_1060 : vector<16xi32>
    %and3A_1062 = arith.constant 8191 : i32
    %and3A_1063 = vector.broadcast %and3A_1062 : i32 to vector<16xi32>
    %and3A_1064 = arith.andi %get3A_1055, %and3A_1063 : vector<16xi32>
    %shift_left3A_1065 = arith.constant 1 : i32
    %shift_left3A_1066 = vector.broadcast %shift_left3A_1065 : i32 to vector<16xi32>
    %shift_left3A_1067 = arith.shli %and3A_1064, %shift_left3A_1066 : vector<16xi32>
    %or3A_1068 = arith.ori %shift_left3A_1061, %shift_left3A_1067 : vector<16xi32>
    %shift_right_arithmetic3A_1069 = arith.constant 13 : i32
    %shift_right_arithmetic3A_1070 = vector.broadcast %shift_right_arithmetic3A_1069 : i32 to vector<16xi32>
    %shift_right_arithmetic3A_1071 = arith.shrsi %get3A_1055, %shift_right_arithmetic3A_1070 : vector<16xi32>
    %and3A_1072 = arith.constant 1 : i32
    %and3A_1073 = vector.broadcast %and3A_1072 : i32 to vector<16xi32>
    %and3A_1074 = arith.andi %shift_right_arithmetic3A_1071, %and3A_1073 : vector<16xi32>
    %or3A_1075 = arith.ori %or3A_1068, %and3A_1074 : vector<16xi32>
    %swap3A_1076 = arith.constant 96 : index
    %swap3A_1077 = tpu.vector_load %arg11[%swap3A_1076] {strides = array<i32>} : memref<256xi32, #tpu.memory_space<vmem>>, vector<16xi32>,
    %swap3A_1078 = vector.shape_cast %swap3A_1077 : vector<16xi32> to vector<16xi32>
    %swap3A_1079 = vector.shape_cast %or3A_1075 : vector<16xi32> to vector<16xi32>
    tpu.vector_store %arg11[%swap3A_1076], %swap3A_1079 {strides = array<i32>} : memref<256xi32, #tpu.memory_space<vmem>>, vector<16xi32>,
    %get3A_1080 = arith.constant 112 : index
    %get3A_1081 = tpu.vector_load %arg7[%get3A_1080] {strides = array<i32>} : memref<256xi32, #tpu.memory_space<vmem>>, vector<16xi32>,
    %get3A_1082 = vector.shape_cast %get3A_1081 : vector<16xi32> to vector<16xi32>
    %shift_right_arithmetic3A_1083 = arith.constant 14 : i32
    %shift_right_arithmetic3A_1084 = vector.broadcast %shift_right_arithmetic3A_1083 : i32 to vector<16xi32>
    %shift_right_arithmetic3A_1085 = arith.shrsi %get3A_1082, %shift_right_arithmetic3A_1084 : vector<16xi32>
    %shift_left3A_1086 = arith.constant 14 : i32
    %shift_left3A_1087 = vector.broadcast %shift_left3A_1086 : i32 to vector<16xi32>
    %shift_left3A_1088 = arith.shli %shift_right_arithmetic3A_1085, %shift_left3A_1087 : vector<16xi32>
    %and3A_1089 = arith.constant 8191 : i32
    %and3A_1090 = vector.broadcast %and3A_1089 : i32 to vector<16xi32>
    %and3A_1091 = arith.andi %get3A_1082, %and3A_1090 : vector<16xi32>
    %shift_left3A_1092 = arith.constant 1 : i32
    %shift_left3A_1093 = vector.broadcast %shift_left3A_1092 : i32 to vector<16xi32>
    %shift_left3A_1094 = arith.shli %and3A_1091, %shift_left3A_1093 : vector<16xi32>
    %or3A_1095 = arith.ori %shift_left3A_1088, %shift_left3A_1094 : vector<16xi32>
    %shift_right_arithmetic3A_1096 = arith.constant 13 : i32
    %shift_right_arithmetic3A_1097 = vector.broadcast %shift_right_arithmetic3A_1096 : i32 to vector<16xi32>
    %shift_right_arithmetic3A_1098 = arith.shrsi %get3A_1082, %shift_right_arithmetic3A_1097 : vector<16xi32>
    %and3A_1099 = arith.constant 1 : i32
    %and3A_1100 = vector.broadcast %and3A_1099 : i32 to vector<16xi32>
    %and3A_1101 = arith.andi %shift_right_arithmetic3A_1098, %and3A_1100 : vector<16xi32>
    %or3A_1102 = arith.ori %or3A_1095, %and3A_1101 : vector<16xi32>
    %swap3A_1103 = arith.constant 112 : index
    %swap3A_1104 = tpu.vector_load %arg11[%swap3A_1103] {strides = array<i32>} : memref<256xi32, #tpu.memory_space<vmem>>, vector<16xi32>,
    %swap3A_1105 = vector.shape_cast %swap3A_1104 : vector<16xi32> to vector<16xi32>
    %swap3A_1106 = vector.shape_cast %or3A_1102 : vector<16xi32> to vector<16xi32>
    tpu.vector_store %arg11[%swap3A_1103], %swap3A_1106 {strides = array<i32>} : memref<256xi32, #tpu.memory_space<vmem>>, vector<16xi32>,
    %get3A_1107 = arith.constant 128 : index
    %get3A_1108 = tpu.vector_load %arg7[%get3A_1107] {strides = array<i32>} : memref<256xi32, #tpu.memory_space<vmem>>, vector<16xi32>,
    %get3A_1109 = vector.shape_cast %get3A_1108 : vector<16xi32> to vector<16xi32>
    %shift_right_arithmetic3A_1110 = arith.constant 14 : i32
    %shift_right_arithmetic3A_1111 = vector.broadcast %shift_right_arithmetic3A_1110 : i32 to vector<16xi32>
    %shift_right_arithmetic3A_1112 = arith.shrsi %get3A_1109, %shift_right_arithmetic3A_1111 : vector<16xi32>
    %shift_left3A_1113 = arith.constant 14 : i32
    %shift_left3A_1114 = vector.broadcast %shift_left3A_1113 : i32 to vector<16xi32>
    %shift_left3A_1115 = arith.shli %shift_right_arithmetic3A_1112, %shift_left3A_1114 : vector<16xi32>
    %and3A_1116 = arith.constant 8191 : i32
    %and3A_1117 = vector.broadcast %and3A_1116 : i32 to vector<16xi32>
    %and3A_1118 = arith.andi %get3A_1109, %and3A_1117 : vector<16xi32>
    %shift_left3A_1119 = arith.constant 1 : i32
    %shift_left3A_1120 = vector.broadcast %shift_left3A_1119 : i32 to vector<16xi32>
    %shift_left3A_1121 = arith.shli %and3A_1118, %shift_left3A_1120 : vector<16xi32>
    %or3A_1122 = arith.ori %shift_left3A_1115, %shift_left3A_1121 : vector<16xi32>
    %shift_right_arithmetic3A_1123 = arith.constant 13 : i32
    %shift_right_arithmetic3A_1124 = vector.broadcast %shift_right_arithmetic3A_1123 : i32 to vector<16xi32>
    %shift_right_arithmetic3A_1125 = arith.shrsi %get3A_1109, %shift_right_arithmetic3A_1124 : vector<16xi32>
    %and3A_1126 = arith.constant 1 : i32
    %and3A_1127 = vector.broadcast %and3A_1126 : i32 to vector<16xi32>
    %and3A_1128 = arith.andi %shift_right_arithmetic3A_1125, %and3A_1127 : vector<16xi32>
    %or3A_1129 = arith.ori %or3A_1122, %and3A_1128 : vector<16xi32>
    %swap3A_1130 = arith.constant 128 : index
    %swap3A_1131 = tpu.vector_load %arg11[%swap3A_1130] {strides = array<i32>} : memref<256xi32, #tpu.memory_space<vmem>>, vector<16xi32>,
    %swap3A_1132 = vector.shape_cast %swap3A_1131 : vector<16xi32> to vector<16xi32>
    %swap3A_1133 = vector.shape_cast %or3A_1129 : vector<16xi32> to vector<16xi32>
    tpu.vector_store %arg11[%swap3A_1130], %swap3A_1133 {strides = array<i32>} : memref<256xi32, #tpu.memory_space<vmem>>, vector<16xi32>,
    %get3A_1134 = arith.constant 144 : index
    %get3A_1135 = tpu.vector_load %arg7[%get3A_1134] {strides = array<i32>} : memref<256xi32, #tpu.memory_space<vmem>>, vector<16xi32>,
    %get3A_1136 = vector.shape_cast %get3A_1135 : vector<16xi32> to vector<16xi32>
    %shift_right_arithmetic3A_1137 = arith.constant 14 : i32
    %shift_right_arithmetic3A_1138 = vector.broadcast %shift_right_arithmetic3A_1137 : i32 to vector<16xi32>
    %shift_right_arithmetic3A_1139 = arith.shrsi %get3A_1136, %shift_right_arithmetic3A_1138 : vector<16xi32>
    %shift_left3A_1140 = arith.constant 14 : i32
    %shift_left3A_1141 = vector.broadcast %shift_left3A_1140 : i32 to vector<16xi32>
    %shift_left3A_1142 = arith.shli %shift_right_arithmetic3A_1139, %shift_left3A_1141 : vector<16xi32>
    %and3A_1143 = arith.constant 8191 : i32
    %and3A_1144 = vector.broadcast %and3A_1143 : i32 to vector<16xi32>
    %and3A_1145 = arith.andi %get3A_1136, %and3A_1144 : vector<16xi32>
    %shift_left3A_1146 = arith.constant 1 : i32
    %shift_left3A_1147 = vector.broadcast %shift_left3A_1146 : i32 to vector<16xi32>
    %shift_left3A_1148 = arith.shli %and3A_1145, %shift_left3A_1147 : vector<16xi32>
    %or3A_1149 = arith.ori %shift_left3A_1142, %shift_left3A_1148 : vector<16xi32>
    %shift_right_arithmetic3A_1150 = arith.constant 13 : i32
    %shift_right_arithmetic3A_1151 = vector.broadcast %shift_right_arithmetic3A_1150 : i32 to vector<16xi32>
    %shift_right_arithmetic3A_1152 = arith.shrsi %get3A_1136, %shift_right_arithmetic3A_1151 : vector<16xi32>
    %and3A_1153 = arith.constant 1 : i32
    %and3A_1154 = vector.broadcast %and3A_1153 : i32 to vector<16xi32>
    %and3A_1155 = arith.andi %shift_right_arithmetic3A_1152, %and3A_1154 : vector<16xi32>
    %or3A_1156 = arith.ori %or3A_1149, %and3A_1155 : vector<16xi32>
    %swap3A_1157 = arith.constant 144 : index
    %swap3A_1158 = tpu.vector_load %arg11[%swap3A_1157] {strides = array<i32>} : memref<256xi32, #tpu.memory_space<vmem>>, vector<16xi32>,
    %swap3A_1159 = vector.shape_cast %swap3A_1158 : vector<16xi32> to vector<16xi32>
    %swap3A_1160 = vector.shape_cast %or3A_1156 : vector<16xi32> to vector<16xi32>
    tpu.vector_store %arg11[%swap3A_1157], %swap3A_1160 {strides = array<i32>} : memref<256xi32, #tpu.memory_space<vmem>>, vector<16xi32>,
    %get3A_1161 = arith.constant 160 : index
    %get3A_1162 = tpu.vector_load %arg7[%get3A_1161] {strides = array<i32>} : memref<256xi32, #tpu.memory_space<vmem>>, vector<16xi32>,
    %get3A_1163 = vector.shape_cast %get3A_1162 : vector<16xi32> to vector<16xi32>
    %shift_right_arithmetic3A_1164 = arith.constant 14 : i32
    %shift_right_arithmetic3A_1165 = vector.broadcast %shift_right_arithmetic3A_1164 : i32 to vector<16xi32>
    %shift_right_arithmetic3A_1166 = arith.shrsi %get3A_1163, %shift_right_arithmetic3A_1165 : vector<16xi32>
    %shift_left3A_1167 = arith.constant 14 : i32
    %shift_left3A_1168 = vector.broadcast %shift_left3A_1167 : i32 to vector<16xi32>
    %shift_left3A_1169 = arith.shli %shift_right_arithmetic3A_1166, %shift_left3A_1168 : vector<16xi32>
    %and3A_1170 = arith.constant 8191 : i32
    %and3A_1171 = vector.broadcast %and3A_1170 : i32 to vector<16xi32>
    %and3A_1172 = arith.andi %get3A_1163, %and3A_1171 : vector<16xi32>
    %shift_left3A_1173 = arith.constant 1 : i32
    %shift_left3A_1174 = vector.broadcast %shift_left3A_1173 : i32 to vector<16xi32>
    %shift_left3A_1175 = arith.shli %and3A_1172, %shift_left3A_1174 : vector<16xi32>
    %or3A_1176 = arith.ori %shift_left3A_1169, %shift_left3A_1175 : vector<16xi32>
    %shift_right_arithmetic3A_1177 = arith.constant 13 : i32
    %shift_right_arithmetic3A_1178 = vector.broadcast %shift_right_arithmetic3A_1177 : i32 to vector<16xi32>
    %shift_right_arithmetic3A_1179 = arith.shrsi %get3A_1163, %shift_right_arithmetic3A_1178 : vector<16xi32>
    %and3A_1180 = arith.constant 1 : i32
    %and3A_1181 = vector.broadcast %and3A_1180 : i32 to vector<16xi32>
    %and3A_1182 = arith.andi %shift_right_arithmetic3A_1179, %and3A_1181 : vector<16xi32>
    %or3A_1183 = arith.ori %or3A_1176, %and3A_1182 : vector<16xi32>
    %swap3A_1184 = arith.constant 160 : index
    %swap3A_1185 = tpu.vector_load %arg11[%swap3A_1184] {strides = array<i32>} : memref<256xi32, #tpu.memory_space<vmem>>, vector<16xi32>,
    %swap3A_1186 = vector.shape_cast %swap3A_1185 : vector<16xi32> to vector<16xi32>
    %swap3A_1187 = vector.shape_cast %or3A_1183 : vector<16xi32> to vector<16xi32>
    tpu.vector_store %arg11[%swap3A_1184], %swap3A_1187 {strides = array<i32>} : memref<256xi32, #tpu.memory_space<vmem>>, vector<16xi32>,
    %get3A_1188 = arith.constant 176 : index
    %get3A_1189 = tpu.vector_load %arg7[%get3A_1188] {strides = array<i32>} : memref<256xi32, #tpu.memory_space<vmem>>, vector<16xi32>,
    %get3A_1190 = vector.shape_cast %get3A_1189 : vector<16xi32> to vector<16xi32>
    %shift_right_arithmetic3A_1191 = arith.constant 14 : i32
    %shift_right_arithmetic3A_1192 = vector.broadcast %shift_right_arithmetic3A_1191 : i32 to vector<16xi32>
    %shift_right_arithmetic3A_1193 = arith.shrsi %get3A_1190, %shift_right_arithmetic3A_1192 : vector<16xi32>
    %shift_left3A_1194 = arith.constant 14 : i32
    %shift_left3A_1195 = vector.broadcast %shift_left3A_1194 : i32 to vector<16xi32>
    %shift_left3A_1196 = arith.shli %shift_right_arithmetic3A_1193, %shift_left3A_1195 : vector<16xi32>
    %and3A_1197 = arith.constant 8191 : i32
    %and3A_1198 = vector.broadcast %and3A_1197 : i32 to vector<16xi32>
    %and3A_1199 = arith.andi %get3A_1190, %and3A_1198 : vector<16xi32>
    %shift_left3A_1200 = arith.constant 1 : i32
    %shift_left3A_1201 = vector.broadcast %shift_left3A_1200 : i32 to vector<16xi32>
    %shift_left3A_1202 = arith.shli %and3A_1199, %shift_left3A_1201 : vector<16xi32>
    %or3A_1203 = arith.ori %shift_left3A_1196, %shift_left3A_1202 : vector<16xi32>
    %shift_right_arithmetic3A_1204 = arith.constant 13 : i32
    %shift_right_arithmetic3A_1205 = vector.broadcast %shift_right_arithmetic3A_1204 : i32 to vector<16xi32>
    %shift_right_arithmetic3A_1206 = arith.shrsi %get3A_1190, %shift_right_arithmetic3A_1205 : vector<16xi32>
    %and3A_1207 = arith.constant 1 : i32
    %and3A_1208 = vector.broadcast %and3A_1207 : i32 to vector<16xi32>
    %and3A_1209 = arith.andi %shift_right_arithmetic3A_1206, %and3A_1208 : vector<16xi32>
    %or3A_1210 = arith.ori %or3A_1203, %and3A_1209 : vector<16xi32>
    %swap3A_1211 = arith.constant 176 : index
    %swap3A_1212 = tpu.vector_load %arg11[%swap3A_1211] {strides = array<i32>} : memref<256xi32, #tpu.memory_space<vmem>>, vector<16xi32>,
    %swap3A_1213 = vector.shape_cast %swap3A_1212 : vector<16xi32> to vector<16xi32>
    %swap3A_1214 = vector.shape_cast %or3A_1210 : vector<16xi32> to vector<16xi32>
    tpu.vector_store %arg11[%swap3A_1211], %swap3A_1214 {strides = array<i32>} : memref<256xi32, #tpu.memory_space<vmem>>, vector<16xi32>,
    %get3A_1215 = arith.constant 192 : index
    %get3A_1216 = tpu.vector_load %arg7[%get3A_1215] {strides = array<i32>} : memref<256xi32, #tpu.memory_space<vmem>>, vector<16xi32>,
    %get3A_1217 = vector.shape_cast %get3A_1216 : vector<16xi32> to vector<16xi32>
    %shift_right_arithmetic3A_1218 = arith.constant 14 : i32
    %shift_right_arithmetic3A_1219 = vector.broadcast %shift_right_arithmetic3A_1218 : i32 to vector<16xi32>
    %shift_right_arithmetic3A_1220 = arith.shrsi %get3A_1217, %shift_right_arithmetic3A_1219 : vector<16xi32>
    %shift_left3A_1221 = arith.constant 14 : i32
    %shift_left3A_1222 = vector.broadcast %shift_left3A_1221 : i32 to vector<16xi32>
    %shift_left3A_1223 = arith.shli %shift_right_arithmetic3A_1220, %shift_left3A_1222 : vector<16xi32>
    %and3A_1224 = arith.constant 8191 : i32
    %and3A_1225 = vector.broadcast %and3A_1224 : i32 to vector<16xi32>
    %and3A_1226 = arith.andi %get3A_1217, %and3A_1225 : vector<16xi32>
    %shift_left3A_1227 = arith.constant 1 : i32
    %shift_left3A_1228 = vector.broadcast %shift_left3A_1227 : i32 to vector<16xi32>
    %shift_left3A_1229 = arith.shli %and3A_1226, %shift_left3A_1228 : vector<16xi32>
    %or3A_1230 = arith.ori %shift_left3A_1223, %shift_left3A_1229 : vector<16xi32>
    %shift_right_arithmetic3A_1231 = arith.constant 13 : i32
    %shift_right_arithmetic3A_1232 = vector.broadcast %shift_right_arithmetic3A_1231 : i32 to vector<16xi32>
    %shift_right_arithmetic3A_1233 = arith.shrsi %get3A_1217, %shift_right_arithmetic3A_1232 : vector<16xi32>
    %and3A_1234 = arith.constant 1 : i32
    %and3A_1235 = vector.broadcast %and3A_1234 : i32 to vector<16xi32>
    %and3A_1236 = arith.andi %shift_right_arithmetic3A_1233, %and3A_1235 : vector<16xi32>
    %or3A_1237 = arith.ori %or3A_1230, %and3A_1236 : vector<16xi32>
    %swap3A_1238 = arith.constant 192 : index
    %swap3A_1239 = tpu.vector_load %arg11[%swap3A_1238] {strides = array<i32>} : memref<256xi32, #tpu.memory_space<vmem>>, vector<16xi32>,
    %swap3A_1240 = vector.shape_cast %swap3A_1239 : vector<16xi32> to vector<16xi32>
    %swap3A_1241 = vector.shape_cast %or3A_1237 : vector<16xi32> to vector<16xi32>
    tpu.vector_store %arg11[%swap3A_1238], %swap3A_1241 {strides = array<i32>} : memref<256xi32, #tpu.memory_space<vmem>>, vector<16xi32>,
    %get3A_1242 = arith.constant 208 : index
    %get3A_1243 = tpu.vector_load %arg7[%get3A_1242] {strides = array<i32>} : memref<256xi32, #tpu.memory_space<vmem>>, vector<16xi32>,
    %get3A_1244 = vector.shape_cast %get3A_1243 : vector<16xi32> to vector<16xi32>
    %shift_right_arithmetic3A_1245 = arith.constant 14 : i32
    %shift_right_arithmetic3A_1246 = vector.broadcast %shift_right_arithmetic3A_1245 : i32 to vector<16xi32>
    %shift_right_arithmetic3A_1247 = arith.shrsi %get3A_1244, %shift_right_arithmetic3A_1246 : vector<16xi32>
    %shift_left3A_1248 = arith.constant 14 : i32
    %shift_left3A_1249 = vector.broadcast %shift_left3A_1248 : i32 to vector<16xi32>
    %shift_left3A_1250 = arith.shli %shift_right_arithmetic3A_1247, %shift_left3A_1249 : vector<16xi32>
    %and3A_1251 = arith.constant 8191 : i32
    %and3A_1252 = vector.broadcast %and3A_1251 : i32 to vector<16xi32>
    %and3A_1253 = arith.andi %get3A_1244, %and3A_1252 : vector<16xi32>
    %shift_left3A_1254 = arith.constant 1 : i32
    %shift_left3A_1255 = vector.broadcast %shift_left3A_1254 : i32 to vector<16xi32>
    %shift_left3A_1256 = arith.shli %and3A_1253, %shift_left3A_1255 : vector<16xi32>
    %or3A_1257 = arith.ori %shift_left3A_1250, %shift_left3A_1256 : vector<16xi32>
    %shift_right_arithmetic3A_1258 = arith.constant 13 : i32
    %shift_right_arithmetic3A_1259 = vector.broadcast %shift_right_arithmetic3A_1258 : i32 to vector<16xi32>
    %shift_right_arithmetic3A_1260 = arith.shrsi %get3A_1244, %shift_right_arithmetic3A_1259 : vector<16xi32>
    %and3A_1261 = arith.constant 1 : i32
    %and3A_1262 = vector.broadcast %and3A_1261 : i32 to vector<16xi32>
    %and3A_1263 = arith.andi %shift_right_arithmetic3A_1260, %and3A_1262 : vector<16xi32>
    %or3A_1264 = arith.ori %or3A_1257, %and3A_1263 : vector<16xi32>
    %swap3A_1265 = arith.constant 208 : index
    %swap3A_1266 = tpu.vector_load %arg11[%swap3A_1265] {strides = array<i32>} : memref<256xi32, #tpu.memory_space<vmem>>, vector<16xi32>,
    %swap3A_1267 = vector.shape_cast %swap3A_1266 : vector<16xi32> to vector<16xi32>
    %swap3A_1268 = vector.shape_cast %or3A_1264 : vector<16xi32> to vector<16xi32>
    tpu.vector_store %arg11[%swap3A_1265], %swap3A_1268 {strides = array<i32>} : memref<256xi32, #tpu.memory_space<vmem>>, vector<16xi32>,
    %get3A_1269 = arith.constant 224 : index
    %get3A_1270 = tpu.vector_load %arg7[%get3A_1269] {strides = array<i32>} : memref<256xi32, #tpu.memory_space<vmem>>, vector<16xi32>,
    %get3A_1271 = vector.shape_cast %get3A_1270 : vector<16xi32> to vector<16xi32>
    %shift_right_arithmetic3A_1272 = arith.constant 14 : i32
    %shift_right_arithmetic3A_1273 = vector.broadcast %shift_right_arithmetic3A_1272 : i32 to vector<16xi32>
    %shift_right_arithmetic3A_1274 = arith.shrsi %get3A_1271, %shift_right_arithmetic3A_1273 : vector<16xi32>
    %shift_left3A_1275 = arith.constant 14 : i32
    %shift_left3A_1276 = vector.broadcast %shift_left3A_1275 : i32 to vector<16xi32>
    %shift_left3A_1277 = arith.shli %shift_right_arithmetic3A_1274, %shift_left3A_1276 : vector<16xi32>
    %and3A_1278 = arith.constant 8191 : i32
    %and3A_1279 = vector.broadcast %and3A_1278 : i32 to vector<16xi32>
    %and3A_1280 = arith.andi %get3A_1271, %and3A_1279 : vector<16xi32>
    %shift_left3A_1281 = arith.constant 1 : i32
    %shift_left3A_1282 = vector.broadcast %shift_left3A_1281 : i32 to vector<16xi32>
    %shift_left3A_1283 = arith.shli %and3A_1280, %shift_left3A_1282 : vector<16xi32>
    %or3A_1284 = arith.ori %shift_left3A_1277, %shift_left3A_1283 : vector<16xi32>
    %shift_right_arithmetic3A_1285 = arith.constant 13 : i32
    %shift_right_arithmetic3A_1286 = vector.broadcast %shift_right_arithmetic3A_1285 : i32 to vector<16xi32>
    %shift_right_arithmetic3A_1287 = arith.shrsi %get3A_1271, %shift_right_arithmetic3A_1286 : vector<16xi32>
    %and3A_1288 = arith.constant 1 : i32
    %and3A_1289 = vector.broadcast %and3A_1288 : i32 to vector<16xi32>
    %and3A_1290 = arith.andi %shift_right_arithmetic3A_1287, %and3A_1289 : vector<16xi32>
    %or3A_1291 = arith.ori %or3A_1284, %and3A_1290 : vector<16xi32>
    %swap3A_1292 = arith.constant 224 : index
    %swap3A_1293 = tpu.vector_load %arg11[%swap3A_1292] {strides = array<i32>} : memref<256xi32, #tpu.memory_space<vmem>>, vector<16xi32>,
    %swap3A_1294 = vector.shape_cast %swap3A_1293 : vector<16xi32> to vector<16xi32>
    %swap3A_1295 = vector.shape_cast %or3A_1291 : vector<16xi32> to vector<16xi32>
    tpu.vector_store %arg11[%swap3A_1292], %swap3A_1295 {strides = array<i32>} : memref<256xi32, #tpu.memory_space<vmem>>, vector<16xi32>,
    %get3A_1296 = arith.constant 240 : index
    %get3A_1297 = tpu.vector_load %arg7[%get3A_1296] {strides = array<i32>} : memref<256xi32, #tpu.memory_space<vmem>>, vector<16xi32>,
    %get3A_1298 = vector.shape_cast %get3A_1297 : vector<16xi32> to vector<16xi32>
    %shift_right_arithmetic3A_1299 = arith.constant 14 : i32
    %shift_right_arithmetic3A_1300 = vector.broadcast %shift_right_arithmetic3A_1299 : i32 to vector<16xi32>
    %shift_right_arithmetic3A_1301 = arith.shrsi %get3A_1298, %shift_right_arithmetic3A_1300 : vector<16xi32>
    %shift_left3A_1302 = arith.constant 14 : i32
    %shift_left3A_1303 = vector.broadcast %shift_left3A_1302 : i32 to vector<16xi32>
    %shift_left3A_1304 = arith.shli %shift_right_arithmetic3A_1301, %shift_left3A_1303 : vector<16xi32>
    %and3A_1305 = arith.constant 8191 : i32
    %and3A_1306 = vector.broadcast %and3A_1305 : i32 to vector<16xi32>
    %and3A_1307 = arith.andi %get3A_1298, %and3A_1306 : vector<16xi32>
    %shift_left3A_1308 = arith.constant 1 : i32
    %shift_left3A_1309 = vector.broadcast %shift_left3A_1308 : i32 to vector<16xi32>
    %shift_left3A_1310 = arith.shli %and3A_1307, %shift_left3A_1309 : vector<16xi32>
    %or3A_1311 = arith.ori %shift_left3A_1304, %shift_left3A_1310 : vector<16xi32>
    %shift_right_arithmetic3A_1312 = arith.constant 13 : i32
    %shift_right_arithmetic3A_1313 = vector.broadcast %shift_right_arithmetic3A_1312 : i32 to vector<16xi32>
    %shift_right_arithmetic3A_1314 = arith.shrsi %get3A_1298, %shift_right_arithmetic3A_1313 : vector<16xi32>
    %and3A_1315 = arith.constant 1 : i32
    %and3A_1316 = vector.broadcast %and3A_1315 : i32 to vector<16xi32>
    %and3A_1317 = arith.andi %shift_right_arithmetic3A_1314, %and3A_1316 : vector<16xi32>
    %or3A_1318 = arith.ori %or3A_1311, %and3A_1317 : vector<16xi32>
    %swap3A_1319 = arith.constant 240 : index
    %swap3A_1320 = tpu.vector_load %arg11[%swap3A_1319] {strides = array<i32>} : memref<256xi32, #tpu.memory_space<vmem>>, vector<16xi32>,
    %swap3A_1321 = vector.shape_cast %swap3A_1320 : vector<16xi32> to vector<16xi32>
    %swap3A_1322 = vector.shape_cast %or3A_1318 : vector<16xi32> to vector<16xi32>
    tpu.vector_store %arg11[%swap3A_1319], %swap3A_1322 {strides = array<i32>} : memref<256xi32, #tpu.memory_space<vmem>>, vector<16xi32>,
    %dma_start3A_1323 = arith.constant 0 : i32
    %dma_start3A_1324 = arith.constant 0 : i32
    %dma_start3A_1325 = tpu.memref_slice %arg3[%dma_start3A_1323, %dma_start3A_1324] : memref<1015808x64xf32, #tpu.memory_space<hbm>> -> memref<1015808x64xf32, #tpu.memory_space<hbm>>
    tpu.enqueue_indirect_dma source(%dma_start3A_1325 : memref<1015808x64xf32, #tpu.memory_space<hbm>>) target(%arg15 : memref<256x64xf32, #tpu.memory_space<vmem>>) offsets(%arg11 : memref<256xi32, #tpu.memory_space<vmem>>) semaphore(%arg19 : memref<!tpu.dma_semaphore, #tpu.memory_space<semaphore_mem>>)
    %dma_wait3A_1326 = arith.constant 0 : i32
    %dma_wait3A_1327 = arith.constant 0 : i32
    %dma_wait3A_1328 = tpu.memref_slice %arg3[%dma_wait3A_1326, %dma_wait3A_1327] : memref<1015808x64xf32, #tpu.memory_space<hbm>> -> memref<1015808x64xf32, #tpu.memory_space<hbm>>
    tpu.wait_indirect_dma semaphore(%arg18 : memref<!tpu.dma_semaphore, #tpu.memory_space<semaphore_mem>>) src(%dma_wait3A_1328 : memref<1015808x64xf32, #tpu.memory_space<hbm>>) dst(%arg14 : memref<256x64xf32, #tpu.memory_space<vmem>>)
    %add3A_1329 = arith.constant 256 : i32
    %add3A_1330 = arith.addi %mul3A_2, %add3A_1329 : i32
    %and3A_1331 = arith.constant 2047 : i32
    %and3A_1332 = arith.andi %add3A_1330, %and3A_1331 : i32
    %shift_right_arithmetic3A_1333 = arith.constant 11 : i32
    %shift_right_arithmetic3A_1334 = arith.shrsi %add3A_1330, %shift_right_arithmetic3A_1333 : i32
    %mul3A_1335 = arith.constant 1024 : i32
    %mul3A_1336 = arith.muli %shift_right_arithmetic3A_1334, %mul3A_1335 : i32
    %and3A_1337 = arith.constant 1023 : i32
    %and3A_1338 = arith.andi %and3A_1332, %and3A_1337 : i32
    %add3A_1339 = arith.addi %mul3A_1336, %and3A_1338 : i32
    %shift_right_arithmetic3A_1340 = arith.constant 10 : i32
    %shift_right_arithmetic3A_1341 = arith.shrsi %and3A_1332, %shift_right_arithmetic3A_1340 : i32
    %mul3A_1342 = arith.constant 64 : i32
    %mul3A_1343 = arith.muli %shift_right_arithmetic3A_1341, %mul3A_1342 : i32
    %dma_start3A_1344 = tpu.memref_slice %arg4[%add3A_1339, %mul3A_1343] : memref<409600x128xf32, #tpu.memory_space<hbm>> -> memref<256x64xf32, #tpu.memory_space<hbm>>
    %dma_start3A_1345 = tpu.memref_slice %arg4[%add3A_1339, %mul3A_1343] : memref<409600x128xf32, #tpu.memory_space<hbm>> -> memref<256x64xf32, #tpu.memory_space<hbm>>
    tpu.enqueue_dma source(%arg14 : memref<256x64xf32, #tpu.memory_space<vmem>>) target(%dma_start3A_1345 : memref<256x64xf32, #tpu.memory_space<hbm>>) target_semaphore(%arg22 : memref<!tpu.dma_semaphore, #tpu.memory_space<semaphore_mem>>)
    %add3A_1346 = arith.constant 768 : i32
    %add3A_1347 = arith.addi %mul3A_2, %add3A_1346 : i32
    "tpu.region"() ({
      %run_scoped3A = tpu.sem_alloc : memref<!tpu.dma_semaphore, #tpu.memory_space<semaphore_mem>>
      %dma_start3A_2863 = tpu.memref_slice %arg2[%add3A_1347] : memref<819200xi32, #tpu.memory_space<hbm>> -> memref<256xi32, #tpu.memory_space<hbm>>
      %dma_start3A_2864 = tpu.memref_slice %arg2[%add3A_1347] : memref<819200xi32, #tpu.memory_space<hbm>> -> memref<256xi32, #tpu.memory_space<hbm>>
      tpu.enqueue_dma source(%dma_start3A_2864 : memref<256xi32, #tpu.memory_space<hbm>>) target(%arg8 : memref<256xi32, #tpu.memory_space<vmem>>) target_semaphore(%run_scoped3A : memref<!tpu.dma_semaphore, #tpu.memory_space<semaphore_mem>>)
      %dma_wait3A_2865 = tpu.memref_slice %arg2[%add3A_1347] : memref<819200xi32, #tpu.memory_space<hbm>> -> memref<256xi32, #tpu.memory_space<hbm>>
      %dma_wait3A_2866 = tpu.memref_slice %arg2[%add3A_1347] : memref<819200xi32, #tpu.memory_space<hbm>> -> memref<256xi32, #tpu.memory_space<hbm>>
      tpu.wait_dma2 semaphore(%run_scoped3A : memref<!tpu.dma_semaphore, #tpu.memory_space<semaphore_mem>>) src(%dma_wait3A_2866 : memref<256xi32, #tpu.memory_space<hbm>>) dst(%arg8 : memref<256xi32, #tpu.memory_space<vmem>>)
      tpu.yield
    }) : () -> ()
    %get3A_1348 = arith.constant 0 : index
    %get3A_1349 = tpu.vector_load %arg8[%get3A_1348] {strides = array<i32>} : memref<256xi32, #tpu.memory_space<vmem>>, vector<16xi32>,
    %get3A_1350 = vector.shape_cast %get3A_1349 : vector<16xi32> to vector<16xi32>
    %shift_right_arithmetic3A_1351 = arith.constant 14 : i32
    %shift_right_arithmetic3A_1352 = vector.broadcast %shift_right_arithmetic3A_1351 : i32 to vector<16xi32>
    %shift_right_arithmetic3A_1353 = arith.shrsi %get3A_1350, %shift_right_arithmetic3A_1352 : vector<16xi32>
    %shift_left3A_1354 = arith.constant 14 : i32
    %shift_left3A_1355 = vector.broadcast %shift_left3A_1354 : i32 to vector<16xi32>
    %shift_left3A_1356 = arith.shli %shift_right_arithmetic3A_1353, %shift_left3A_1355 : vector<16xi32>
    %and3A_1357 = arith.constant 8191 : i32
    %and3A_1358 = vector.broadcast %and3A_1357 : i32 to vector<16xi32>
    %and3A_1359 = arith.andi %get3A_1350, %and3A_1358 : vector<16xi32>
    %shift_left3A_1360 = arith.constant 1 : i32
    %shift_left3A_1361 = vector.broadcast %shift_left3A_1360 : i32 to vector<16xi32>
    %shift_left3A_1362 = arith.shli %and3A_1359, %shift_left3A_1361 : vector<16xi32>
    %or3A_1363 = arith.ori %shift_left3A_1356, %shift_left3A_1362 : vector<16xi32>
    %shift_right_arithmetic3A_1364 = arith.constant 13 : i32
    %shift_right_arithmetic3A_1365 = vector.broadcast %shift_right_arithmetic3A_1364 : i32 to vector<16xi32>
    %shift_right_arithmetic3A_1366 = arith.shrsi %get3A_1350, %shift_right_arithmetic3A_1365 : vector<16xi32>
    %and3A_1367 = arith.constant 1 : i32
    %and3A_1368 = vector.broadcast %and3A_1367 : i32 to vector<16xi32>
    %and3A_1369 = arith.andi %shift_right_arithmetic3A_1366, %and3A_1368 : vector<16xi32>
    %or3A_1370 = arith.ori %or3A_1363, %and3A_1369 : vector<16xi32>
    %swap3A_1371 = arith.constant 0 : index
    %swap3A_1372 = tpu.vector_load %arg12[%swap3A_1371] {strides = array<i32>} : memref<256xi32, #tpu.memory_space<vmem>>, vector<16xi32>,
    %swap3A_1373 = vector.shape_cast %swap3A_1372 : vector<16xi32> to vector<16xi32>
    %swap3A_1374 = vector.shape_cast %or3A_1370 : vector<16xi32> to vector<16xi32>
    tpu.vector_store %arg12[%swap3A_1371], %swap3A_1374 {strides = array<i32>} : memref<256xi32, #tpu.memory_space<vmem>>, vector<16xi32>,
    %get3A_1375 = arith.constant 16 : index
    %get3A_1376 = tpu.vector_load %arg8[%get3A_1375] {strides = array<i32>} : memref<256xi32, #tpu.memory_space<vmem>>, vector<16xi32>,
    %get3A_1377 = vector.shape_cast %get3A_1376 : vector<16xi32> to vector<16xi32>
    %shift_right_arithmetic3A_1378 = arith.constant 14 : i32
    %shift_right_arithmetic3A_1379 = vector.broadcast %shift_right_arithmetic3A_1378 : i32 to vector<16xi32>
    %shift_right_arithmetic3A_1380 = arith.shrsi %get3A_1377, %shift_right_arithmetic3A_1379 : vector<16xi32>
    %shift_left3A_1381 = arith.constant 14 : i32
    %shift_left3A_1382 = vector.broadcast %shift_left3A_1381 : i32 to vector<16xi32>
    %shift_left3A_1383 = arith.shli %shift_right_arithmetic3A_1380, %shift_left3A_1382 : vector<16xi32>
    %and3A_1384 = arith.constant 8191 : i32
    %and3A_1385 = vector.broadcast %and3A_1384 : i32 to vector<16xi32>
    %and3A_1386 = arith.andi %get3A_1377, %and3A_1385 : vector<16xi32>
    %shift_left3A_1387 = arith.constant 1 : i32
    %shift_left3A_1388 = vector.broadcast %shift_left3A_1387 : i32 to vector<16xi32>
    %shift_left3A_1389 = arith.shli %and3A_1386, %shift_left3A_1388 : vector<16xi32>
    %or3A_1390 = arith.ori %shift_left3A_1383, %shift_left3A_1389 : vector<16xi32>
    %shift_right_arithmetic3A_1391 = arith.constant 13 : i32
    %shift_right_arithmetic3A_1392 = vector.broadcast %shift_right_arithmetic3A_1391 : i32 to vector<16xi32>
    %shift_right_arithmetic3A_1393 = arith.shrsi %get3A_1377, %shift_right_arithmetic3A_1392 : vector<16xi32>
    %and3A_1394 = arith.constant 1 : i32
    %and3A_1395 = vector.broadcast %and3A_1394 : i32 to vector<16xi32>
    %and3A_1396 = arith.andi %shift_right_arithmetic3A_1393, %and3A_1395 : vector<16xi32>
    %or3A_1397 = arith.ori %or3A_1390, %and3A_1396 : vector<16xi32>
    %swap3A_1398 = arith.constant 16 : index
    %swap3A_1399 = tpu.vector_load %arg12[%swap3A_1398] {strides = array<i32>} : memref<256xi32, #tpu.memory_space<vmem>>, vector<16xi32>,
    %swap3A_1400 = vector.shape_cast %swap3A_1399 : vector<16xi32> to vector<16xi32>
    %swap3A_1401 = vector.shape_cast %or3A_1397 : vector<16xi32> to vector<16xi32>
    tpu.vector_store %arg12[%swap3A_1398], %swap3A_1401 {strides = array<i32>} : memref<256xi32, #tpu.memory_space<vmem>>, vector<16xi32>,
    %get3A_1402 = arith.constant 32 : index
    %get3A_1403 = tpu.vector_load %arg8[%get3A_1402] {strides = array<i32>} : memref<256xi32, #tpu.memory_space<vmem>>, vector<16xi32>,
    %get3A_1404 = vector.shape_cast %get3A_1403 : vector<16xi32> to vector<16xi32>
    %shift_right_arithmetic3A_1405 = arith.constant 14 : i32
    %shift_right_arithmetic3A_1406 = vector.broadcast %shift_right_arithmetic3A_1405 : i32 to vector<16xi32>
    %shift_right_arithmetic3A_1407 = arith.shrsi %get3A_1404, %shift_right_arithmetic3A_1406 : vector<16xi32>
    %shift_left3A_1408 = arith.constant 14 : i32
    %shift_left3A_1409 = vector.broadcast %shift_left3A_1408 : i32 to vector<16xi32>
    %shift_left3A_1410 = arith.shli %shift_right_arithmetic3A_1407, %shift_left3A_1409 : vector<16xi32>
    %and3A_1411 = arith.constant 8191 : i32
    %and3A_1412 = vector.broadcast %and3A_1411 : i32 to vector<16xi32>
    %and3A_1413 = arith.andi %get3A_1404, %and3A_1412 : vector<16xi32>
    %shift_left3A_1414 = arith.constant 1 : i32
    %shift_left3A_1415 = vector.broadcast %shift_left3A_1414 : i32 to vector<16xi32>
    %shift_left3A_1416 = arith.shli %and3A_1413, %shift_left3A_1415 : vector<16xi32>
    %or3A_1417 = arith.ori %shift_left3A_1410, %shift_left3A_1416 : vector<16xi32>
    %shift_right_arithmetic3A_1418 = arith.constant 13 : i32
    %shift_right_arithmetic3A_1419 = vector.broadcast %shift_right_arithmetic3A_1418 : i32 to vector<16xi32>
    %shift_right_arithmetic3A_1420 = arith.shrsi %get3A_1404, %shift_right_arithmetic3A_1419 : vector<16xi32>
    %and3A_1421 = arith.constant 1 : i32
    %and3A_1422 = vector.broadcast %and3A_1421 : i32 to vector<16xi32>
    %and3A_1423 = arith.andi %shift_right_arithmetic3A_1420, %and3A_1422 : vector<16xi32>
    %or3A_1424 = arith.ori %or3A_1417, %and3A_1423 : vector<16xi32>
    %swap3A_1425 = arith.constant 32 : index
    %swap3A_1426 = tpu.vector_load %arg12[%swap3A_1425] {strides = array<i32>} : memref<256xi32, #tpu.memory_space<vmem>>, vector<16xi32>,
    %swap3A_1427 = vector.shape_cast %swap3A_1426 : vector<16xi32> to vector<16xi32>
    %swap3A_1428 = vector.shape_cast %or3A_1424 : vector<16xi32> to vector<16xi32>
    tpu.vector_store %arg12[%swap3A_1425], %swap3A_1428 {strides = array<i32>} : memref<256xi32, #tpu.memory_space<vmem>>, vector<16xi32>,
    %get3A_1429 = arith.constant 48 : index
    %get3A_1430 = tpu.vector_load %arg8[%get3A_1429] {strides = array<i32>} : memref<256xi32, #tpu.memory_space<vmem>>, vector<16xi32>,
    %get3A_1431 = vector.shape_cast %get3A_1430 : vector<16xi32> to vector<16xi32>
    %shift_right_arithmetic3A_1432 = arith.constant 14 : i32
    %shift_right_arithmetic3A_1433 = vector.broadcast %shift_right_arithmetic3A_1432 : i32 to vector<16xi32>
    %shift_right_arithmetic3A_1434 = arith.shrsi %get3A_1431, %shift_right_arithmetic3A_1433 : vector<16xi32>
    %shift_left3A_1435 = arith.constant 14 : i32
    %shift_left3A_1436 = vector.broadcast %shift_left3A_1435 : i32 to vector<16xi32>
    %shift_left3A_1437 = arith.shli %shift_right_arithmetic3A_1434, %shift_left3A_1436 : vector<16xi32>
    %and3A_1438 = arith.constant 8191 : i32
    %and3A_1439 = vector.broadcast %and3A_1438 : i32 to vector<16xi32>
    %and3A_1440 = arith.andi %get3A_1431, %and3A_1439 : vector<16xi32>
    %shift_left3A_1441 = arith.constant 1 : i32
    %shift_left3A_1442 = vector.broadcast %shift_left3A_1441 : i32 to vector<16xi32>
    %shift_left3A_1443 = arith.shli %and3A_1440, %shift_left3A_1442 : vector<16xi32>
    %or3A_1444 = arith.ori %shift_left3A_1437, %shift_left3A_1443 : vector<16xi32>
    %shift_right_arithmetic3A_1445 = arith.constant 13 : i32
    %shift_right_arithmetic3A_1446 = vector.broadcast %shift_right_arithmetic3A_1445 : i32 to vector<16xi32>
    %shift_right_arithmetic3A_1447 = arith.shrsi %get3A_1431, %shift_right_arithmetic3A_1446 : vector<16xi32>
    %and3A_1448 = arith.constant 1 : i32
    %and3A_1449 = vector.broadcast %and3A_1448 : i32 to vector<16xi32>
    %and3A_1450 = arith.andi %shift_right_arithmetic3A_1447, %and3A_1449 : vector<16xi32>
    %or3A_1451 = arith.ori %or3A_1444, %and3A_1450 : vector<16xi32>
    %swap3A_1452 = arith.constant 48 : index
    %swap3A_1453 = tpu.vector_load %arg12[%swap3A_1452] {strides = array<i32>} : memref<256xi32, #tpu.memory_space<vmem>>, vector<16xi32>,
    %swap3A_1454 = vector.shape_cast %swap3A_1453 : vector<16xi32> to vector<16xi32>
    %swap3A_1455 = vector.shape_cast %or3A_1451 : vector<16xi32> to vector<16xi32>
    tpu.vector_store %arg12[%swap3A_1452], %swap3A_1455 {strides = array<i32>} : memref<256xi32, #tpu.memory_space<vmem>>, vector<16xi32>,
    %get3A_1456 = arith.constant 64 : index
    %get3A_1457 = tpu.vector_load %arg8[%get3A_1456] {strides = array<i32>} : memref<256xi32, #tpu.memory_space<vmem>>, vector<16xi32>,
    %get3A_1458 = vector.shape_cast %get3A_1457 : vector<16xi32> to vector<16xi32>
    %shift_right_arithmetic3A_1459 = arith.constant 14 : i32
    %shift_right_arithmetic3A_1460 = vector.broadcast %shift_right_arithmetic3A_1459 : i32 to vector<16xi32>
    %shift_right_arithmetic3A_1461 = arith.shrsi %get3A_1458, %shift_right_arithmetic3A_1460 : vector<16xi32>
    %shift_left3A_1462 = arith.constant 14 : i32
    %shift_left3A_1463 = vector.broadcast %shift_left3A_1462 : i32 to vector<16xi32>
    %shift_left3A_1464 = arith.shli %shift_right_arithmetic3A_1461, %shift_left3A_1463 : vector<16xi32>
    %and3A_1465 = arith.constant 8191 : i32
    %and3A_1466 = vector.broadcast %and3A_1465 : i32 to vector<16xi32>
    %and3A_1467 = arith.andi %get3A_1458, %and3A_1466 : vector<16xi32>
    %shift_left3A_1468 = arith.constant 1 : i32
    %shift_left3A_1469 = vector.broadcast %shift_left3A_1468 : i32 to vector<16xi32>
    %shift_left3A_1470 = arith.shli %and3A_1467, %shift_left3A_1469 : vector<16xi32>
    %or3A_1471 = arith.ori %shift_left3A_1464, %shift_left3A_1470 : vector<16xi32>
    %shift_right_arithmetic3A_1472 = arith.constant 13 : i32
    %shift_right_arithmetic3A_1473 = vector.broadcast %shift_right_arithmetic3A_1472 : i32 to vector<16xi32>
    %shift_right_arithmetic3A_1474 = arith.shrsi %get3A_1458, %shift_right_arithmetic3A_1473 : vector<16xi32>
    %and3A_1475 = arith.constant 1 : i32
    %and3A_1476 = vector.broadcast %and3A_1475 : i32 to vector<16xi32>
    %and3A_1477 = arith.andi %shift_right_arithmetic3A_1474, %and3A_1476 : vector<16xi32>
    %or3A_1478 = arith.ori %or3A_1471, %and3A_1477 : vector<16xi32>
    %swap3A_1479 = arith.constant 64 : index
    %swap3A_1480 = tpu.vector_load %arg12[%swap3A_1479] {strides = array<i32>} : memref<256xi32, #tpu.memory_space<vmem>>, vector<16xi32>,
    %swap3A_1481 = vector.shape_cast %swap3A_1480 : vector<16xi32> to vector<16xi32>
    %swap3A_1482 = vector.shape_cast %or3A_1478 : vector<16xi32> to vector<16xi32>
    tpu.vector_store %arg12[%swap3A_1479], %swap3A_1482 {strides = array<i32>} : memref<256xi32, #tpu.memory_space<vmem>>, vector<16xi32>,
    %get3A_1483 = arith.constant 80 : index
    %get3A_1484 = tpu.vector_load %arg8[%get3A_1483] {strides = array<i32>} : memref<256xi32, #tpu.memory_space<vmem>>, vector<16xi32>,
    %get3A_1485 = vector.shape_cast %get3A_1484 : vector<16xi32> to vector<16xi32>
    %shift_right_arithmetic3A_1486 = arith.constant 14 : i32
    %shift_right_arithmetic3A_1487 = vector.broadcast %shift_right_arithmetic3A_1486 : i32 to vector<16xi32>
    %shift_right_arithmetic3A_1488 = arith.shrsi %get3A_1485, %shift_right_arithmetic3A_1487 : vector<16xi32>
    %shift_left3A_1489 = arith.constant 14 : i32
    %shift_left3A_1490 = vector.broadcast %shift_left3A_1489 : i32 to vector<16xi32>
    %shift_left3A_1491 = arith.shli %shift_right_arithmetic3A_1488, %shift_left3A_1490 : vector<16xi32>
    %and3A_1492 = arith.constant 8191 : i32
    %and3A_1493 = vector.broadcast %and3A_1492 : i32 to vector<16xi32>
    %and3A_1494 = arith.andi %get3A_1485, %and3A_1493 : vector<16xi32>
    %shift_left3A_1495 = arith.constant 1 : i32
    %shift_left3A_1496 = vector.broadcast %shift_left3A_1495 : i32 to vector<16xi32>
    %shift_left3A_1497 = arith.shli %and3A_1494, %shift_left3A_1496 : vector<16xi32>
    %or3A_1498 = arith.ori %shift_left3A_1491, %shift_left3A_1497 : vector<16xi32>
    %shift_right_arithmetic3A_1499 = arith.constant 13 : i32
    %shift_right_arithmetic3A_1500 = vector.broadcast %shift_right_arithmetic3A_1499 : i32 to vector<16xi32>
    %shift_right_arithmetic3A_1501 = arith.shrsi %get3A_1485, %shift_right_arithmetic3A_1500 : vector<16xi32>
    %and3A_1502 = arith.constant 1 : i32
    %and3A_1503 = vector.broadcast %and3A_1502 : i32 to vector<16xi32>
    %and3A_1504 = arith.andi %shift_right_arithmetic3A_1501, %and3A_1503 : vector<16xi32>
    %or3A_1505 = arith.ori %or3A_1498, %and3A_1504 : vector<16xi32>
    %swap3A_1506 = arith.constant 80 : index
    %swap3A_1507 = tpu.vector_load %arg12[%swap3A_1506] {strides = array<i32>} : memref<256xi32, #tpu.memory_space<vmem>>, vector<16xi32>,
    %swap3A_1508 = vector.shape_cast %swap3A_1507 : vector<16xi32> to vector<16xi32>
    %swap3A_1509 = vector.shape_cast %or3A_1505 : vector<16xi32> to vector<16xi32>
    tpu.vector_store %arg12[%swap3A_1506], %swap3A_1509 {strides = array<i32>} : memref<256xi32, #tpu.memory_space<vmem>>, vector<16xi32>,
    %get3A_1510 = arith.constant 96 : index
    %get3A_1511 = tpu.vector_load %arg8[%get3A_1510] {strides = array<i32>} : memref<256xi32, #tpu.memory_space<vmem>>, vector<16xi32>,
    %get3A_1512 = vector.shape_cast %get3A_1511 : vector<16xi32> to vector<16xi32>
    %shift_right_arithmetic3A_1513 = arith.constant 14 : i32
    %shift_right_arithmetic3A_1514 = vector.broadcast %shift_right_arithmetic3A_1513 : i32 to vector<16xi32>
    %shift_right_arithmetic3A_1515 = arith.shrsi %get3A_1512, %shift_right_arithmetic3A_1514 : vector<16xi32>
    %shift_left3A_1516 = arith.constant 14 : i32
    %shift_left3A_1517 = vector.broadcast %shift_left3A_1516 : i32 to vector<16xi32>
    %shift_left3A_1518 = arith.shli %shift_right_arithmetic3A_1515, %shift_left3A_1517 : vector<16xi32>
    %and3A_1519 = arith.constant 8191 : i32
    %and3A_1520 = vector.broadcast %and3A_1519 : i32 to vector<16xi32>
    %and3A_1521 = arith.andi %get3A_1512, %and3A_1520 : vector<16xi32>
    %shift_left3A_1522 = arith.constant 1 : i32
    %shift_left3A_1523 = vector.broadcast %shift_left3A_1522 : i32 to vector<16xi32>
    %shift_left3A_1524 = arith.shli %and3A_1521, %shift_left3A_1523 : vector<16xi32>
    %or3A_1525 = arith.ori %shift_left3A_1518, %shift_left3A_1524 : vector<16xi32>
    %shift_right_arithmetic3A_1526 = arith.constant 13 : i32
    %shift_right_arithmetic3A_1527 = vector.broadcast %shift_right_arithmetic3A_1526 : i32 to vector<16xi32>
    %shift_right_arithmetic3A_1528 = arith.shrsi %get3A_1512, %shift_right_arithmetic3A_1527 : vector<16xi32>
    %and3A_1529 = arith.constant 1 : i32
    %and3A_1530 = vector.broadcast %and3A_1529 : i32 to vector<16xi32>
    %and3A_1531 = arith.andi %shift_right_arithmetic3A_1528, %and3A_1530 : vector<16xi32>
    %or3A_1532 = arith.ori %or3A_1525, %and3A_1531 : vector<16xi32>
    %swap3A_1533 = arith.constant 96 : index
    %swap3A_1534 = tpu.vector_load %arg12[%swap3A_1533] {strides = array<i32>} : memref<256xi32, #tpu.memory_space<vmem>>, vector<16xi32>,
    %swap3A_1535 = vector.shape_cast %swap3A_1534 : vector<16xi32> to vector<16xi32>
    %swap3A_1536 = vector.shape_cast %or3A_1532 : vector<16xi32> to vector<16xi32>
    tpu.vector_store %arg12[%swap3A_1533], %swap3A_1536 {strides = array<i32>} : memref<256xi32, #tpu.memory_space<vmem>>, vector<16xi32>,
    %get3A_1537 = arith.constant 112 : index
    %get3A_1538 = tpu.vector_load %arg8[%get3A_1537] {strides = array<i32>} : memref<256xi32, #tpu.memory_space<vmem>>, vector<16xi32>,
    %get3A_1539 = vector.shape_cast %get3A_1538 : vector<16xi32> to vector<16xi32>
    %shift_right_arithmetic3A_1540 = arith.constant 14 : i32
    %shift_right_arithmetic3A_1541 = vector.broadcast %shift_right_arithmetic3A_1540 : i32 to vector<16xi32>
    %shift_right_arithmetic3A_1542 = arith.shrsi %get3A_1539, %shift_right_arithmetic3A_1541 : vector<16xi32>
    %shift_left3A_1543 = arith.constant 14 : i32
    %shift_left3A_1544 = vector.broadcast %shift_left3A_1543 : i32 to vector<16xi32>
    %shift_left3A_1545 = arith.shli %shift_right_arithmetic3A_1542, %shift_left3A_1544 : vector<16xi32>
    %and3A_1546 = arith.constant 8191 : i32
    %and3A_1547 = vector.broadcast %and3A_1546 : i32 to vector<16xi32>
    %and3A_1548 = arith.andi %get3A_1539, %and3A_1547 : vector<16xi32>
    %shift_left3A_1549 = arith.constant 1 : i32
    %shift_left3A_1550 = vector.broadcast %shift_left3A_1549 : i32 to vector<16xi32>
    %shift_left3A_1551 = arith.shli %and3A_1548, %shift_left3A_1550 : vector<16xi32>
    %or3A_1552 = arith.ori %shift_left3A_1545, %shift_left3A_1551 : vector<16xi32>
    %shift_right_arithmetic3A_1553 = arith.constant 13 : i32
    %shift_right_arithmetic3A_1554 = vector.broadcast %shift_right_arithmetic3A_1553 : i32 to vector<16xi32>
    %shift_right_arithmetic3A_1555 = arith.shrsi %get3A_1539, %shift_right_arithmetic3A_1554 : vector<16xi32>
    %and3A_1556 = arith.constant 1 : i32
    %and3A_1557 = vector.broadcast %and3A_1556 : i32 to vector<16xi32>
    %and3A_1558 = arith.andi %shift_right_arithmetic3A_1555, %and3A_1557 : vector<16xi32>
    %or3A_1559 = arith.ori %or3A_1552, %and3A_1558 : vector<16xi32>
    %swap3A_1560 = arith.constant 112 : index
    %swap3A_1561 = tpu.vector_load %arg12[%swap3A_1560] {strides = array<i32>} : memref<256xi32, #tpu.memory_space<vmem>>, vector<16xi32>,
    %swap3A_1562 = vector.shape_cast %swap3A_1561 : vector<16xi32> to vector<16xi32>
    %swap3A_1563 = vector.shape_cast %or3A_1559 : vector<16xi32> to vector<16xi32>
    tpu.vector_store %arg12[%swap3A_1560], %swap3A_1563 {strides = array<i32>} : memref<256xi32, #tpu.memory_space<vmem>>, vector<16xi32>,
    %get3A_1564 = arith.constant 128 : index
    %get3A_1565 = tpu.vector_load %arg8[%get3A_1564] {strides = array<i32>} : memref<256xi32, #tpu.memory_space<vmem>>, vector<16xi32>,
    %get3A_1566 = vector.shape_cast %get3A_1565 : vector<16xi32> to vector<16xi32>
    %shift_right_arithmetic3A_1567 = arith.constant 14 : i32
    %shift_right_arithmetic3A_1568 = vector.broadcast %shift_right_arithmetic3A_1567 : i32 to vector<16xi32>
    %shift_right_arithmetic3A_1569 = arith.shrsi %get3A_1566, %shift_right_arithmetic3A_1568 : vector<16xi32>
    %shift_left3A_1570 = arith.constant 14 : i32
    %shift_left3A_1571 = vector.broadcast %shift_left3A_1570 : i32 to vector<16xi32>
    %shift_left3A_1572 = arith.shli %shift_right_arithmetic3A_1569, %shift_left3A_1571 : vector<16xi32>
    %and3A_1573 = arith.constant 8191 : i32
    %and3A_1574 = vector.broadcast %and3A_1573 : i32 to vector<16xi32>
    %and3A_1575 = arith.andi %get3A_1566, %and3A_1574 : vector<16xi32>
    %shift_left3A_1576 = arith.constant 1 : i32
    %shift_left3A_1577 = vector.broadcast %shift_left3A_1576 : i32 to vector<16xi32>
    %shift_left3A_1578 = arith.shli %and3A_1575, %shift_left3A_1577 : vector<16xi32>
    %or3A_1579 = arith.ori %shift_left3A_1572, %shift_left3A_1578 : vector<16xi32>
    %shift_right_arithmetic3A_1580 = arith.constant 13 : i32
    %shift_right_arithmetic3A_1581 = vector.broadcast %shift_right_arithmetic3A_1580 : i32 to vector<16xi32>
    %shift_right_arithmetic3A_1582 = arith.shrsi %get3A_1566, %shift_right_arithmetic3A_1581 : vector<16xi32>
    %and3A_1583 = arith.constant 1 : i32
    %and3A_1584 = vector.broadcast %and3A_1583 : i32 to vector<16xi32>
    %and3A_1585 = arith.andi %shift_right_arithmetic3A_1582, %and3A_1584 : vector<16xi32>
    %or3A_1586 = arith.ori %or3A_1579, %and3A_1585 : vector<16xi32>
    %swap3A_1587 = arith.constant 128 : index
    %swap3A_1588 = tpu.vector_load %arg12[%swap3A_1587] {strides = array<i32>} : memref<256xi32, #tpu.memory_space<vmem>>, vector<16xi32>,
    %swap3A_1589 = vector.shape_cast %swap3A_1588 : vector<16xi32> to vector<16xi32>
    %swap3A_1590 = vector.shape_cast %or3A_1586 : vector<16xi32> to vector<16xi32>
    tpu.vector_store %arg12[%swap3A_1587], %swap3A_1590 {strides = array<i32>} : memref<256xi32, #tpu.memory_space<vmem>>, vector<16xi32>,
    %get3A_1591 = arith.constant 144 : index
    %get3A_1592 = tpu.vector_load %arg8[%get3A_1591] {strides = array<i32>} : memref<256xi32, #tpu.memory_space<vmem>>, vector<16xi32>,
    %get3A_1593 = vector.shape_cast %get3A_1592 : vector<16xi32> to vector<16xi32>
    %shift_right_arithmetic3A_1594 = arith.constant 14 : i32
    %shift_right_arithmetic3A_1595 = vector.broadcast %shift_right_arithmetic3A_1594 : i32 to vector<16xi32>
    %shift_right_arithmetic3A_1596 = arith.shrsi %get3A_1593, %shift_right_arithmetic3A_1595 : vector<16xi32>
    %shift_left3A_1597 = arith.constant 14 : i32
    %shift_left3A_1598 = vector.broadcast %shift_left3A_1597 : i32 to vector<16xi32>
    %shift_left3A_1599 = arith.shli %shift_right_arithmetic3A_1596, %shift_left3A_1598 : vector<16xi32>
    %and3A_1600 = arith.constant 8191 : i32
    %and3A_1601 = vector.broadcast %and3A_1600 : i32 to vector<16xi32>
    %and3A_1602 = arith.andi %get3A_1593, %and3A_1601 : vector<16xi32>
    %shift_left3A_1603 = arith.constant 1 : i32
    %shift_left3A_1604 = vector.broadcast %shift_left3A_1603 : i32 to vector<16xi32>
    %shift_left3A_1605 = arith.shli %and3A_1602, %shift_left3A_1604 : vector<16xi32>
    %or3A_1606 = arith.ori %shift_left3A_1599, %shift_left3A_1605 : vector<16xi32>
    %shift_right_arithmetic3A_1607 = arith.constant 13 : i32
    %shift_right_arithmetic3A_1608 = vector.broadcast %shift_right_arithmetic3A_1607 : i32 to vector<16xi32>
    %shift_right_arithmetic3A_1609 = arith.shrsi %get3A_1593, %shift_right_arithmetic3A_1608 : vector<16xi32>
    %and3A_1610 = arith.constant 1 : i32
    %and3A_1611 = vector.broadcast %and3A_1610 : i32 to vector<16xi32>
    %and3A_1612 = arith.andi %shift_right_arithmetic3A_1609, %and3A_1611 : vector<16xi32>
    %or3A_1613 = arith.ori %or3A_1606, %and3A_1612 : vector<16xi32>
    %swap3A_1614 = arith.constant 144 : index
    %swap3A_1615 = tpu.vector_load %arg12[%swap3A_1614] {strides = array<i32>} : memref<256xi32, #tpu.memory_space<vmem>>, vector<16xi32>,
    %swap3A_1616 = vector.shape_cast %swap3A_1615 : vector<16xi32> to vector<16xi32>
    %swap3A_1617 = vector.shape_cast %or3A_1613 : vector<16xi32> to vector<16xi32>
    tpu.vector_store %arg12[%swap3A_1614], %swap3A_1617 {strides = array<i32>} : memref<256xi32, #tpu.memory_space<vmem>>, vector<16xi32>,
    %get3A_1618 = arith.constant 160 : index
    %get3A_1619 = tpu.vector_load %arg8[%get3A_1618] {strides = array<i32>} : memref<256xi32, #tpu.memory_space<vmem>>, vector<16xi32>,
    %get3A_1620 = vector.shape_cast %get3A_1619 : vector<16xi32> to vector<16xi32>
    %shift_right_arithmetic3A_1621 = arith.constant 14 : i32
    %shift_right_arithmetic3A_1622 = vector.broadcast %shift_right_arithmetic3A_1621 : i32 to vector<16xi32>
    %shift_right_arithmetic3A_1623 = arith.shrsi %get3A_1620, %shift_right_arithmetic3A_1622 : vector<16xi32>
    %shift_left3A_1624 = arith.constant 14 : i32
    %shift_left3A_1625 = vector.broadcast %shift_left3A_1624 : i32 to vector<16xi32>
    %shift_left3A_1626 = arith.shli %shift_right_arithmetic3A_1623, %shift_left3A_1625 : vector<16xi32>
    %and3A_1627 = arith.constant 8191 : i32
    %and3A_1628 = vector.broadcast %and3A_1627 : i32 to vector<16xi32>
    %and3A_1629 = arith.andi %get3A_1620, %and3A_1628 : vector<16xi32>
    %shift_left3A_1630 = arith.constant 1 : i32
    %shift_left3A_1631 = vector.broadcast %shift_left3A_1630 : i32 to vector<16xi32>
    %shift_left3A_1632 = arith.shli %and3A_1629, %shift_left3A_1631 : vector<16xi32>
    %or3A_1633 = arith.ori %shift_left3A_1626, %shift_left3A_1632 : vector<16xi32>
    %shift_right_arithmetic3A_1634 = arith.constant 13 : i32
    %shift_right_arithmetic3A_1635 = vector.broadcast %shift_right_arithmetic3A_1634 : i32 to vector<16xi32>
    %shift_right_arithmetic3A_1636 = arith.shrsi %get3A_1620, %shift_right_arithmetic3A_1635 : vector<16xi32>
    %and3A_1637 = arith.constant 1 : i32
    %and3A_1638 = vector.broadcast %and3A_1637 : i32 to vector<16xi32>
    %and3A_1639 = arith.andi %shift_right_arithmetic3A_1636, %and3A_1638 : vector<16xi32>
    %or3A_1640 = arith.ori %or3A_1633, %and3A_1639 : vector<16xi32>
    %swap3A_1641 = arith.constant 160 : index
    %swap3A_1642 = tpu.vector_load %arg12[%swap3A_1641] {strides = array<i32>} : memref<256xi32, #tpu.memory_space<vmem>>, vector<16xi32>,
    %swap3A_1643 = vector.shape_cast %swap3A_1642 : vector<16xi32> to vector<16xi32>
    %swap3A_1644 = vector.shape_cast %or3A_1640 : vector<16xi32> to vector<16xi32>
    tpu.vector_store %arg12[%swap3A_1641], %swap3A_1644 {strides = array<i32>} : memref<256xi32, #tpu.memory_space<vmem>>, vector<16xi32>,
    %get3A_1645 = arith.constant 176 : index
    %get3A_1646 = tpu.vector_load %arg8[%get3A_1645] {strides = array<i32>} : memref<256xi32, #tpu.memory_space<vmem>>, vector<16xi32>,
    %get3A_1647 = vector.shape_cast %get3A_1646 : vector<16xi32> to vector<16xi32>
    %shift_right_arithmetic3A_1648 = arith.constant 14 : i32
    %shift_right_arithmetic3A_1649 = vector.broadcast %shift_right_arithmetic3A_1648 : i32 to vector<16xi32>
    %shift_right_arithmetic3A_1650 = arith.shrsi %get3A_1647, %shift_right_arithmetic3A_1649 : vector<16xi32>
    %shift_left3A_1651 = arith.constant 14 : i32
    %shift_left3A_1652 = vector.broadcast %shift_left3A_1651 : i32 to vector<16xi32>
    %shift_left3A_1653 = arith.shli %shift_right_arithmetic3A_1650, %shift_left3A_1652 : vector<16xi32>
    %and3A_1654 = arith.constant 8191 : i32
    %and3A_1655 = vector.broadcast %and3A_1654 : i32 to vector<16xi32>
    %and3A_1656 = arith.andi %get3A_1647, %and3A_1655 : vector<16xi32>
    %shift_left3A_1657 = arith.constant 1 : i32
    %shift_left3A_1658 = vector.broadcast %shift_left3A_1657 : i32 to vector<16xi32>
    %shift_left3A_1659 = arith.shli %and3A_1656, %shift_left3A_1658 : vector<16xi32>
    %or3A_1660 = arith.ori %shift_left3A_1653, %shift_left3A_1659 : vector<16xi32>
    %shift_right_arithmetic3A_1661 = arith.constant 13 : i32
    %shift_right_arithmetic3A_1662 = vector.broadcast %shift_right_arithmetic3A_1661 : i32 to vector<16xi32>
    %shift_right_arithmetic3A_1663 = arith.shrsi %get3A_1647, %shift_right_arithmetic3A_1662 : vector<16xi32>
    %and3A_1664 = arith.constant 1 : i32
    %and3A_1665 = vector.broadcast %and3A_1664 : i32 to vector<16xi32>
    %and3A_1666 = arith.andi %shift_right_arithmetic3A_1663, %and3A_1665 : vector<16xi32>
    %or3A_1667 = arith.ori %or3A_1660, %and3A_1666 : vector<16xi32>
    %swap3A_1668 = arith.constant 176 : index
    %swap3A_1669 = tpu.vector_load %arg12[%swap3A_1668] {strides = array<i32>} : memref<256xi32, #tpu.memory_space<vmem>>, vector<16xi32>,
    %swap3A_1670 = vector.shape_cast %swap3A_1669 : vector<16xi32> to vector<16xi32>
    %swap3A_1671 = vector.shape_cast %or3A_1667 : vector<16xi32> to vector<16xi32>
    tpu.vector_store %arg12[%swap3A_1668], %swap3A_1671 {strides = array<i32>} : memref<256xi32, #tpu.memory_space<vmem>>, vector<16xi32>,
    %get3A_1672 = arith.constant 192 : index
    %get3A_1673 = tpu.vector_load %arg8[%get3A_1672] {strides = array<i32>} : memref<256xi32, #tpu.memory_space<vmem>>, vector<16xi32>,
    %get3A_1674 = vector.shape_cast %get3A_1673 : vector<16xi32> to vector<16xi32>
    %shift_right_arithmetic3A_1675 = arith.constant 14 : i32
    %shift_right_arithmetic3A_1676 = vector.broadcast %shift_right_arithmetic3A_1675 : i32 to vector<16xi32>
    %shift_right_arithmetic3A_1677 = arith.shrsi %get3A_1674, %shift_right_arithmetic3A_1676 : vector<16xi32>
    %shift_left3A_1678 = arith.constant 14 : i32
    %shift_left3A_1679 = vector.broadcast %shift_left3A_1678 : i32 to vector<16xi32>
    %shift_left3A_1680 = arith.shli %shift_right_arithmetic3A_1677, %shift_left3A_1679 : vector<16xi32>
    %and3A_1681 = arith.constant 8191 : i32
    %and3A_1682 = vector.broadcast %and3A_1681 : i32 to vector<16xi32>
    %and3A_1683 = arith.andi %get3A_1674, %and3A_1682 : vector<16xi32>
    %shift_left3A_1684 = arith.constant 1 : i32
    %shift_left3A_1685 = vector.broadcast %shift_left3A_1684 : i32 to vector<16xi32>
    %shift_left3A_1686 = arith.shli %and3A_1683, %shift_left3A_1685 : vector<16xi32>
    %or3A_1687 = arith.ori %shift_left3A_1680, %shift_left3A_1686 : vector<16xi32>
    %shift_right_arithmetic3A_1688 = arith.constant 13 : i32
    %shift_right_arithmetic3A_1689 = vector.broadcast %shift_right_arithmetic3A_1688 : i32 to vector<16xi32>
    %shift_right_arithmetic3A_1690 = arith.shrsi %get3A_1674, %shift_right_arithmetic3A_1689 : vector<16xi32>
    %and3A_1691 = arith.constant 1 : i32
    %and3A_1692 = vector.broadcast %and3A_1691 : i32 to vector<16xi32>
    %and3A_1693 = arith.andi %shift_right_arithmetic3A_1690, %and3A_1692 : vector<16xi32>
    %or3A_1694 = arith.ori %or3A_1687, %and3A_1693 : vector<16xi32>
    %swap3A_1695 = arith.constant 192 : index
    %swap3A_1696 = tpu.vector_load %arg12[%swap3A_1695] {strides = array<i32>} : memref<256xi32, #tpu.memory_space<vmem>>, vector<16xi32>,
    %swap3A_1697 = vector.shape_cast %swap3A_1696 : vector<16xi32> to vector<16xi32>
    %swap3A_1698 = vector.shape_cast %or3A_1694 : vector<16xi32> to vector<16xi32>
    tpu.vector_store %arg12[%swap3A_1695], %swap3A_1698 {strides = array<i32>} : memref<256xi32, #tpu.memory_space<vmem>>, vector<16xi32>,
    %get3A_1699 = arith.constant 208 : index
    %get3A_1700 = tpu.vector_load %arg8[%get3A_1699] {strides = array<i32>} : memref<256xi32, #tpu.memory_space<vmem>>, vector<16xi32>,
    %get3A_1701 = vector.shape_cast %get3A_1700 : vector<16xi32> to vector<16xi32>
    %shift_right_arithmetic3A_1702 = arith.constant 14 : i32
    %shift_right_arithmetic3A_1703 = vector.broadcast %shift_right_arithmetic3A_1702 : i32 to vector<16xi32>
    %shift_right_arithmetic3A_1704 = arith.shrsi %get3A_1701, %shift_right_arithmetic3A_1703 : vector<16xi32>
    %shift_left3A_1705 = arith.constant 14 : i32
    %shift_left3A_1706 = vector.broadcast %shift_left3A_1705 : i32 to vector<16xi32>
    %shift_left3A_1707 = arith.shli %shift_right_arithmetic3A_1704, %shift_left3A_1706 : vector<16xi32>
    %and3A_1708 = arith.constant 8191 : i32
    %and3A_1709 = vector.broadcast %and3A_1708 : i32 to vector<16xi32>
    %and3A_1710 = arith.andi %get3A_1701, %and3A_1709 : vector<16xi32>
    %shift_left3A_1711 = arith.constant 1 : i32
    %shift_left3A_1712 = vector.broadcast %shift_left3A_1711 : i32 to vector<16xi32>
    %shift_left3A_1713 = arith.shli %and3A_1710, %shift_left3A_1712 : vector<16xi32>
    %or3A_1714 = arith.ori %shift_left3A_1707, %shift_left3A_1713 : vector<16xi32>
    %shift_right_arithmetic3A_1715 = arith.constant 13 : i32
    %shift_right_arithmetic3A_1716 = vector.broadcast %shift_right_arithmetic3A_1715 : i32 to vector<16xi32>
    %shift_right_arithmetic3A_1717 = arith.shrsi %get3A_1701, %shift_right_arithmetic3A_1716 : vector<16xi32>
    %and3A_1718 = arith.constant 1 : i32
    %and3A_1719 = vector.broadcast %and3A_1718 : i32 to vector<16xi32>
    %and3A_1720 = arith.andi %shift_right_arithmetic3A_1717, %and3A_1719 : vector<16xi32>
    %or3A_1721 = arith.ori %or3A_1714, %and3A_1720 : vector<16xi32>
    %swap3A_1722 = arith.constant 208 : index
    %swap3A_1723 = tpu.vector_load %arg12[%swap3A_1722] {strides = array<i32>} : memref<256xi32, #tpu.memory_space<vmem>>, vector<16xi32>,
    %swap3A_1724 = vector.shape_cast %swap3A_1723 : vector<16xi32> to vector<16xi32>
    %swap3A_1725 = vector.shape_cast %or3A_1721 : vector<16xi32> to vector<16xi32>
    tpu.vector_store %arg12[%swap3A_1722], %swap3A_1725 {strides = array<i32>} : memref<256xi32, #tpu.memory_space<vmem>>, vector<16xi32>,
    %get3A_1726 = arith.constant 224 : index
    %get3A_1727 = tpu.vector_load %arg8[%get3A_1726] {strides = array<i32>} : memref<256xi32, #tpu.memory_space<vmem>>, vector<16xi32>,
    %get3A_1728 = vector.shape_cast %get3A_1727 : vector<16xi32> to vector<16xi32>
    %shift_right_arithmetic3A_1729 = arith.constant 14 : i32
    %shift_right_arithmetic3A_1730 = vector.broadcast %shift_right_arithmetic3A_1729 : i32 to vector<16xi32>
    %shift_right_arithmetic3A_1731 = arith.shrsi %get3A_1728, %shift_right_arithmetic3A_1730 : vector<16xi32>
    %shift_left3A_1732 = arith.constant 14 : i32
    %shift_left3A_1733 = vector.broadcast %shift_left3A_1732 : i32 to vector<16xi32>
    %shift_left3A_1734 = arith.shli %shift_right_arithmetic3A_1731, %shift_left3A_1733 : vector<16xi32>
    %and3A_1735 = arith.constant 8191 : i32
    %and3A_1736 = vector.broadcast %and3A_1735 : i32 to vector<16xi32>
    %and3A_1737 = arith.andi %get3A_1728, %and3A_1736 : vector<16xi32>
    %shift_left3A_1738 = arith.constant 1 : i32
    %shift_left3A_1739 = vector.broadcast %shift_left3A_1738 : i32 to vector<16xi32>
    %shift_left3A_1740 = arith.shli %and3A_1737, %shift_left3A_1739 : vector<16xi32>
    %or3A_1741 = arith.ori %shift_left3A_1734, %shift_left3A_1740 : vector<16xi32>
    %shift_right_arithmetic3A_1742 = arith.constant 13 : i32
    %shift_right_arithmetic3A_1743 = vector.broadcast %shift_right_arithmetic3A_1742 : i32 to vector<16xi32>
    %shift_right_arithmetic3A_1744 = arith.shrsi %get3A_1728, %shift_right_arithmetic3A_1743 : vector<16xi32>
    %and3A_1745 = arith.constant 1 : i32
    %and3A_1746 = vector.broadcast %and3A_1745 : i32 to vector<16xi32>
    %and3A_1747 = arith.andi %shift_right_arithmetic3A_1744, %and3A_1746 : vector<16xi32>
    %or3A_1748 = arith.ori %or3A_1741, %and3A_1747 : vector<16xi32>
    %swap3A_1749 = arith.constant 224 : index
    %swap3A_1750 = tpu.vector_load %arg12[%swap3A_1749] {strides = array<i32>} : memref<256xi32, #tpu.memory_space<vmem>>, vector<16xi32>,
    %swap3A_1751 = vector.shape_cast %swap3A_1750 : vector<16xi32> to vector<16xi32>
    %swap3A_1752 = vector.shape_cast %or3A_1748 : vector<16xi32> to vector<16xi32>
    tpu.vector_store %arg12[%swap3A_1749], %swap3A_1752 {strides = array<i32>} : memref<256xi32, #tpu.memory_space<vmem>>, vector<16xi32>,
    %get3A_1753 = arith.constant 240 : index
    %get3A_1754 = tpu.vector_load %arg8[%get3A_1753] {strides = array<i32>} : memref<256xi32, #tpu.memory_space<vmem>>, vector<16xi32>,
    %get3A_1755 = vector.shape_cast %get3A_1754 : vector<16xi32> to vector<16xi32>
    %shift_right_arithmetic3A_1756 = arith.constant 14 : i32
    %shift_right_arithmetic3A_1757 = vector.broadcast %shift_right_arithmetic3A_1756 : i32 to vector<16xi32>
    %shift_right_arithmetic3A_1758 = arith.shrsi %get3A_1755, %shift_right_arithmetic3A_1757 : vector<16xi32>
    %shift_left3A_1759 = arith.constant 14 : i32
    %shift_left3A_1760 = vector.broadcast %shift_left3A_1759 : i32 to vector<16xi32>
    %shift_left3A_1761 = arith.shli %shift_right_arithmetic3A_1758, %shift_left3A_1760 : vector<16xi32>
    %and3A_1762 = arith.constant 8191 : i32
    %and3A_1763 = vector.broadcast %and3A_1762 : i32 to vector<16xi32>
    %and3A_1764 = arith.andi %get3A_1755, %and3A_1763 : vector<16xi32>
    %shift_left3A_1765 = arith.constant 1 : i32
    %shift_left3A_1766 = vector.broadcast %shift_left3A_1765 : i32 to vector<16xi32>
    %shift_left3A_1767 = arith.shli %and3A_1764, %shift_left3A_1766 : vector<16xi32>
    %or3A_1768 = arith.ori %shift_left3A_1761, %shift_left3A_1767 : vector<16xi32>
    %shift_right_arithmetic3A_1769 = arith.constant 13 : i32
    %shift_right_arithmetic3A_1770 = vector.broadcast %shift_right_arithmetic3A_1769 : i32 to vector<16xi32>
    %shift_right_arithmetic3A_1771 = arith.shrsi %get3A_1755, %shift_right_arithmetic3A_1770 : vector<16xi32>
    %and3A_1772 = arith.constant 1 : i32
    %and3A_1773 = vector.broadcast %and3A_1772 : i32 to vector<16xi32>
    %and3A_1774 = arith.andi %shift_right_arithmetic3A_1771, %and3A_1773 : vector<16xi32>
    %or3A_1775 = arith.ori %or3A_1768, %and3A_1774 : vector<16xi32>
    %swap3A_1776 = arith.constant 240 : index
    %swap3A_1777 = tpu.vector_load %arg12[%swap3A_1776] {strides = array<i32>} : memref<256xi32, #tpu.memory_space<vmem>>, vector<16xi32>,
    %swap3A_1778 = vector.shape_cast %swap3A_1777 : vector<16xi32> to vector<16xi32>
    %swap3A_1779 = vector.shape_cast %or3A_1775 : vector<16xi32> to vector<16xi32>
    tpu.vector_store %arg12[%swap3A_1776], %swap3A_1779 {strides = array<i32>} : memref<256xi32, #tpu.memory_space<vmem>>, vector<16xi32>,
    %dma_start3A_1780 = arith.constant 0 : i32
    %dma_start3A_1781 = arith.constant 0 : i32
    %dma_start3A_1782 = tpu.memref_slice %arg3[%dma_start3A_1780, %dma_start3A_1781] : memref<1015808x64xf32, #tpu.memory_space<hbm>> -> memref<1015808x64xf32, #tpu.memory_space<hbm>>
    tpu.enqueue_indirect_dma source(%dma_start3A_1782 : memref<1015808x64xf32, #tpu.memory_space<hbm>>) target(%arg16 : memref<256x64xf32, #tpu.memory_space<vmem>>) offsets(%arg12 : memref<256xi32, #tpu.memory_space<vmem>>) semaphore(%arg20 : memref<!tpu.dma_semaphore, #tpu.memory_space<semaphore_mem>>)
    %dma_wait3A_1783 = arith.constant 0 : i32
    %dma_wait3A_1784 = arith.constant 0 : i32
    %dma_wait3A_1785 = tpu.memref_slice %arg3[%dma_wait3A_1783, %dma_wait3A_1784] : memref<1015808x64xf32, #tpu.memory_space<hbm>> -> memref<1015808x64xf32, #tpu.memory_space<hbm>>
    tpu.wait_indirect_dma semaphore(%arg19 : memref<!tpu.dma_semaphore, #tpu.memory_space<semaphore_mem>>) src(%dma_wait3A_1785 : memref<1015808x64xf32, #tpu.memory_space<hbm>>) dst(%arg15 : memref<256x64xf32, #tpu.memory_space<vmem>>)
    %add3A_1786 = arith.constant 512 : i32
    %add3A_1787 = arith.addi %mul3A_2, %add3A_1786 : i32
    %and3A_1788 = arith.constant 2047 : i32
    %and3A_1789 = arith.andi %add3A_1787, %and3A_1788 : i32
    %shift_right_arithmetic3A_1790 = arith.constant 11 : i32
    %shift_right_arithmetic3A_1791 = arith.shrsi %add3A_1787, %shift_right_arithmetic3A_1790 : i32
    %mul3A_1792 = arith.constant 1024 : i32
    %mul3A_1793 = arith.muli %shift_right_arithmetic3A_1791, %mul3A_1792 : i32
    %and3A_1794 = arith.constant 1023 : i32
    %and3A_1795 = arith.andi %and3A_1789, %and3A_1794 : i32
    %add3A_1796 = arith.addi %mul3A_1793, %and3A_1795 : i32
    %shift_right_arithmetic3A_1797 = arith.constant 10 : i32
    %shift_right_arithmetic3A_1798 = arith.shrsi %and3A_1789, %shift_right_arithmetic3A_1797 : i32
    %mul3A_1799 = arith.constant 64 : i32
    %mul3A_1800 = arith.muli %shift_right_arithmetic3A_1798, %mul3A_1799 : i32
    %dma_start3A_1801 = tpu.memref_slice %arg4[%add3A_1796, %mul3A_1800] : memref<409600x128xf32, #tpu.memory_space<hbm>> -> memref<256x64xf32, #tpu.memory_space<hbm>>
    %dma_start3A_1802 = tpu.memref_slice %arg4[%add3A_1796, %mul3A_1800] : memref<409600x128xf32, #tpu.memory_space<hbm>> -> memref<256x64xf32, #tpu.memory_space<hbm>>
    tpu.enqueue_dma source(%arg15 : memref<256x64xf32, #tpu.memory_space<vmem>>) target(%dma_start3A_1802 : memref<256x64xf32, #tpu.memory_space<hbm>>) target_semaphore(%arg23 : memref<!tpu.dma_semaphore, #tpu.memory_space<semaphore_mem>>)
    %jit3A = arith.constant 2 : i32
    %div3A = arith.divsi %mul3A_2, %jit3A : i32
    %sign3A = arith.constant 0 : i32
    %sign3A_1803 = arith.cmpi sgt, %mul3A_2, %sign3A : i32
    %sign3A_1804 = arith.extui %sign3A_1803 : i1 to i32
    %sign3A_1805 = arith.constant 0 : i32
    %sign3A_1806 = arith.cmpi slt, %mul3A_2, %sign3A_1805 : i32
    %sign3A_1807 = arith.extui %sign3A_1806 : i1 to i32
    %sign3A_1808 = arith.subi %sign3A_1804, %sign3A_1807 : i32
    %sign3A_1809 = arith.constant 0 : i32
    %sign3A_1810 = arith.cmpi sgt, %jit3A, %sign3A_1809 : i32
    %sign3A_1811 = arith.extui %sign3A_1810 : i1 to i32
    %sign3A_1812 = arith.constant 0 : i32
    %sign3A_1813 = arith.cmpi slt, %jit3A, %sign3A_1812 : i32
    %sign3A_1814 = arith.extui %sign3A_1813 : i1 to i32
    %sign3A_1815 = arith.subi %sign3A_1811, %sign3A_1814 : i32
    %ne3A = arith.cmpi ne, %sign3A_1808, %sign3A_1815 : i32
    %rem3A = arith.remsi %mul3A_2, %jit3A : i32
    %ne3A_1816 = arith.constant 0 : i32
    %ne3A_1817 = arith.cmpi ne, %rem3A, %ne3A_1816 : i32
    %and3A_1818 = arith.andi %ne3A, %ne3A_1817 : i1
    %sub3A = arith.constant 1 : i32
    %sub3A_1819 = arith.subi %div3A, %sub3A : i32
    %select_n3A = arith.select %and3A_1818, %sub3A_1819, %div3A : i32
    %dma_wait3A_1820 = arith.constant 0 : i32
    %dma_wait3A_1821 = tpu.memref_slice %arg4[%select_n3A, %dma_wait3A_1820] : memref<409600x128xf32, #tpu.memory_space<hbm>> -> memref<256x64xf32, #tpu.memory_space<hbm>>
    %dma_wait3A_1822 = arith.constant 0 : i32
    %dma_wait3A_1823 = tpu.memref_slice %arg4[%select_n3A, %dma_wait3A_1822] : memref<409600x128xf32, #tpu.memory_space<hbm>> -> memref<256x64xf32, #tpu.memory_space<hbm>>
    tpu.wait_dma2 semaphore(%arg21 : memref<!tpu.dma_semaphore, #tpu.memory_space<semaphore_mem>>) src(%arg13 : memref<256x64xf32, #tpu.memory_space<vmem>>) dst(%dma_wait3A_1823 : memref<256x64xf32, #tpu.memory_space<hbm>>)
    %add3A_1824 = arith.constant 1024 : i32
    %add3A_1825 = arith.addi %mul3A_2, %add3A_1824 : i32
    "tpu.region"() ({
      %run_scoped3A = tpu.sem_alloc : memref<!tpu.dma_semaphore, #tpu.memory_space<semaphore_mem>>
      %dma_start3A_2863 = tpu.memref_slice %arg2[%add3A_1825] : memref<819200xi32, #tpu.memory_space<hbm>> -> memref<256xi32, #tpu.memory_space<hbm>>
      %dma_start3A_2864 = tpu.memref_slice %arg2[%add3A_1825] : memref<819200xi32, #tpu.memory_space<hbm>> -> memref<256xi32, #tpu.memory_space<hbm>>
      tpu.enqueue_dma source(%dma_start3A_2864 : memref<256xi32, #tpu.memory_space<hbm>>) target(%arg5 : memref<256xi32, #tpu.memory_space<vmem>>) target_semaphore(%run_scoped3A : memref<!tpu.dma_semaphore, #tpu.memory_space<semaphore_mem>>)
      %dma_wait3A_2865 = tpu.memref_slice %arg2[%add3A_1825] : memref<819200xi32, #tpu.memory_space<hbm>> -> memref<256xi32, #tpu.memory_space<hbm>>
      %dma_wait3A_2866 = tpu.memref_slice %arg2[%add3A_1825] : memref<819200xi32, #tpu.memory_space<hbm>> -> memref<256xi32, #tpu.memory_space<hbm>>
      tpu.wait_dma2 semaphore(%run_scoped3A : memref<!tpu.dma_semaphore, #tpu.memory_space<semaphore_mem>>) src(%dma_wait3A_2866 : memref<256xi32, #tpu.memory_space<hbm>>) dst(%arg5 : memref<256xi32, #tpu.memory_space<vmem>>)
      tpu.yield
    }) : () -> ()
    %get3A_1826 = arith.constant 0 : index
    %get3A_1827 = tpu.vector_load %arg5[%get3A_1826] {strides = array<i32>} : memref<256xi32, #tpu.memory_space<vmem>>, vector<16xi32>,
    %get3A_1828 = vector.shape_cast %get3A_1827 : vector<16xi32> to vector<16xi32>
    %shift_right_arithmetic3A_1829 = arith.constant 14 : i32
    %shift_right_arithmetic3A_1830 = vector.broadcast %shift_right_arithmetic3A_1829 : i32 to vector<16xi32>
    %shift_right_arithmetic3A_1831 = arith.shrsi %get3A_1828, %shift_right_arithmetic3A_1830 : vector<16xi32>
    %shift_left3A_1832 = arith.constant 14 : i32
    %shift_left3A_1833 = vector.broadcast %shift_left3A_1832 : i32 to vector<16xi32>
    %shift_left3A_1834 = arith.shli %shift_right_arithmetic3A_1831, %shift_left3A_1833 : vector<16xi32>
    %and3A_1835 = arith.constant 8191 : i32
    %and3A_1836 = vector.broadcast %and3A_1835 : i32 to vector<16xi32>
    %and3A_1837 = arith.andi %get3A_1828, %and3A_1836 : vector<16xi32>
    %shift_left3A_1838 = arith.constant 1 : i32
    %shift_left3A_1839 = vector.broadcast %shift_left3A_1838 : i32 to vector<16xi32>
    %shift_left3A_1840 = arith.shli %and3A_1837, %shift_left3A_1839 : vector<16xi32>
    %or3A_1841 = arith.ori %shift_left3A_1834, %shift_left3A_1840 : vector<16xi32>
    %shift_right_arithmetic3A_1842 = arith.constant 13 : i32
    %shift_right_arithmetic3A_1843 = vector.broadcast %shift_right_arithmetic3A_1842 : i32 to vector<16xi32>
    %shift_right_arithmetic3A_1844 = arith.shrsi %get3A_1828, %shift_right_arithmetic3A_1843 : vector<16xi32>
    %and3A_1845 = arith.constant 1 : i32
    %and3A_1846 = vector.broadcast %and3A_1845 : i32 to vector<16xi32>
    %and3A_1847 = arith.andi %shift_right_arithmetic3A_1844, %and3A_1846 : vector<16xi32>
    %or3A_1848 = arith.ori %or3A_1841, %and3A_1847 : vector<16xi32>
    %swap3A_1849 = arith.constant 0 : index
    %swap3A_1850 = tpu.vector_load %arg9[%swap3A_1849] {strides = array<i32>} : memref<256xi32, #tpu.memory_space<vmem>>, vector<16xi32>,
    %swap3A_1851 = vector.shape_cast %swap3A_1850 : vector<16xi32> to vector<16xi32>
    %swap3A_1852 = vector.shape_cast %or3A_1848 : vector<16xi32> to vector<16xi32>
    tpu.vector_store %arg9[%swap3A_1849], %swap3A_1852 {strides = array<i32>} : memref<256xi32, #tpu.memory_space<vmem>>, vector<16xi32>,
    %get3A_1853 = arith.constant 16 : index
    %get3A_1854 = tpu.vector_load %arg5[%get3A_1853] {strides = array<i32>} : memref<256xi32, #tpu.memory_space<vmem>>, vector<16xi32>,
    %get3A_1855 = vector.shape_cast %get3A_1854 : vector<16xi32> to vector<16xi32>
    %shift_right_arithmetic3A_1856 = arith.constant 14 : i32
    %shift_right_arithmetic3A_1857 = vector.broadcast %shift_right_arithmetic3A_1856 : i32 to vector<16xi32>
    %shift_right_arithmetic3A_1858 = arith.shrsi %get3A_1855, %shift_right_arithmetic3A_1857 : vector<16xi32>
    %shift_left3A_1859 = arith.constant 14 : i32
    %shift_left3A_1860 = vector.broadcast %shift_left3A_1859 : i32 to vector<16xi32>
    %shift_left3A_1861 = arith.shli %shift_right_arithmetic3A_1858, %shift_left3A_1860 : vector<16xi32>
    %and3A_1862 = arith.constant 8191 : i32
    %and3A_1863 = vector.broadcast %and3A_1862 : i32 to vector<16xi32>
    %and3A_1864 = arith.andi %get3A_1855, %and3A_1863 : vector<16xi32>
    %shift_left3A_1865 = arith.constant 1 : i32
    %shift_left3A_1866 = vector.broadcast %shift_left3A_1865 : i32 to vector<16xi32>
    %shift_left3A_1867 = arith.shli %and3A_1864, %shift_left3A_1866 : vector<16xi32>
    %or3A_1868 = arith.ori %shift_left3A_1861, %shift_left3A_1867 : vector<16xi32>
    %shift_right_arithmetic3A_1869 = arith.constant 13 : i32
    %shift_right_arithmetic3A_1870 = vector.broadcast %shift_right_arithmetic3A_1869 : i32 to vector<16xi32>
    %shift_right_arithmetic3A_1871 = arith.shrsi %get3A_1855, %shift_right_arithmetic3A_1870 : vector<16xi32>
    %and3A_1872 = arith.constant 1 : i32
    %and3A_1873 = vector.broadcast %and3A_1872 : i32 to vector<16xi32>
    %and3A_1874 = arith.andi %shift_right_arithmetic3A_1871, %and3A_1873 : vector<16xi32>
    %or3A_1875 = arith.ori %or3A_1868, %and3A_1874 : vector<16xi32>
    %swap3A_1876 = arith.constant 16 : index
    %swap3A_1877 = tpu.vector_load %arg9[%swap3A_1876] {strides = array<i32>} : memref<256xi32, #tpu.memory_space<vmem>>, vector<16xi32>,
    %swap3A_1878 = vector.shape_cast %swap3A_1877 : vector<16xi32> to vector<16xi32>
    %swap3A_1879 = vector.shape_cast %or3A_1875 : vector<16xi32> to vector<16xi32>
    tpu.vector_store %arg9[%swap3A_1876], %swap3A_1879 {strides = array<i32>} : memref<256xi32, #tpu.memory_space<vmem>>, vector<16xi32>,
    %get3A_1880 = arith.constant 32 : index
    %get3A_1881 = tpu.vector_load %arg5[%get3A_1880] {strides = array<i32>} : memref<256xi32, #tpu.memory_space<vmem>>, vector<16xi32>,
    %get3A_1882 = vector.shape_cast %get3A_1881 : vector<16xi32> to vector<16xi32>
    %shift_right_arithmetic3A_1883 = arith.constant 14 : i32
    %shift_right_arithmetic3A_1884 = vector.broadcast %shift_right_arithmetic3A_1883 : i32 to vector<16xi32>
    %shift_right_arithmetic3A_1885 = arith.shrsi %get3A_1882, %shift_right_arithmetic3A_1884 : vector<16xi32>
    %shift_left3A_1886 = arith.constant 14 : i32
    %shift_left3A_1887 = vector.broadcast %shift_left3A_1886 : i32 to vector<16xi32>
    %shift_left3A_1888 = arith.shli %shift_right_arithmetic3A_1885, %shift_left3A_1887 : vector<16xi32>
    %and3A_1889 = arith.constant 8191 : i32
    %and3A_1890 = vector.broadcast %and3A_1889 : i32 to vector<16xi32>
    %and3A_1891 = arith.andi %get3A_1882, %and3A_1890 : vector<16xi32>
    %shift_left3A_1892 = arith.constant 1 : i32
    %shift_left3A_1893 = vector.broadcast %shift_left3A_1892 : i32 to vector<16xi32>
    %shift_left3A_1894 = arith.shli %and3A_1891, %shift_left3A_1893 : vector<16xi32>
    %or3A_1895 = arith.ori %shift_left3A_1888, %shift_left3A_1894 : vector<16xi32>
    %shift_right_arithmetic3A_1896 = arith.constant 13 : i32
    %shift_right_arithmetic3A_1897 = vector.broadcast %shift_right_arithmetic3A_1896 : i32 to vector<16xi32>
    %shift_right_arithmetic3A_1898 = arith.shrsi %get3A_1882, %shift_right_arithmetic3A_1897 : vector<16xi32>
    %and3A_1899 = arith.constant 1 : i32
    %and3A_1900 = vector.broadcast %and3A_1899 : i32 to vector<16xi32>
    %and3A_1901 = arith.andi %shift_right_arithmetic3A_1898, %and3A_1900 : vector<16xi32>
    %or3A_1902 = arith.ori %or3A_1895, %and3A_1901 : vector<16xi32>
    %swap3A_1903 = arith.constant 32 : index
    %swap3A_1904 = tpu.vector_load %arg9[%swap3A_1903] {strides = array<i32>} : memref<256xi32, #tpu.memory_space<vmem>>, vector<16xi32>,
    %swap3A_1905 = vector.shape_cast %swap3A_1904 : vector<16xi32> to vector<16xi32>
    %swap3A_1906 = vector.shape_cast %or3A_1902 : vector<16xi32> to vector<16xi32>
    tpu.vector_store %arg9[%swap3A_1903], %swap3A_1906 {strides = array<i32>} : memref<256xi32, #tpu.memory_space<vmem>>, vector<16xi32>,
    %get3A_1907 = arith.constant 48 : index
    %get3A_1908 = tpu.vector_load %arg5[%get3A_1907] {strides = array<i32>} : memref<256xi32, #tpu.memory_space<vmem>>, vector<16xi32>,
    %get3A_1909 = vector.shape_cast %get3A_1908 : vector<16xi32> to vector<16xi32>
    %shift_right_arithmetic3A_1910 = arith.constant 14 : i32
    %shift_right_arithmetic3A_1911 = vector.broadcast %shift_right_arithmetic3A_1910 : i32 to vector<16xi32>
    %shift_right_arithmetic3A_1912 = arith.shrsi %get3A_1909, %shift_right_arithmetic3A_1911 : vector<16xi32>
    %shift_left3A_1913 = arith.constant 14 : i32
    %shift_left3A_1914 = vector.broadcast %shift_left3A_1913 : i32 to vector<16xi32>
    %shift_left3A_1915 = arith.shli %shift_right_arithmetic3A_1912, %shift_left3A_1914 : vector<16xi32>
    %and3A_1916 = arith.constant 8191 : i32
    %and3A_1917 = vector.broadcast %and3A_1916 : i32 to vector<16xi32>
    %and3A_1918 = arith.andi %get3A_1909, %and3A_1917 : vector<16xi32>
    %shift_left3A_1919 = arith.constant 1 : i32
    %shift_left3A_1920 = vector.broadcast %shift_left3A_1919 : i32 to vector<16xi32>
    %shift_left3A_1921 = arith.shli %and3A_1918, %shift_left3A_1920 : vector<16xi32>
    %or3A_1922 = arith.ori %shift_left3A_1915, %shift_left3A_1921 : vector<16xi32>
    %shift_right_arithmetic3A_1923 = arith.constant 13 : i32
    %shift_right_arithmetic3A_1924 = vector.broadcast %shift_right_arithmetic3A_1923 : i32 to vector<16xi32>
    %shift_right_arithmetic3A_1925 = arith.shrsi %get3A_1909, %shift_right_arithmetic3A_1924 : vector<16xi32>
    %and3A_1926 = arith.constant 1 : i32
    %and3A_1927 = vector.broadcast %and3A_1926 : i32 to vector<16xi32>
    %and3A_1928 = arith.andi %shift_right_arithmetic3A_1925, %and3A_1927 : vector<16xi32>
    %or3A_1929 = arith.ori %or3A_1922, %and3A_1928 : vector<16xi32>
    %swap3A_1930 = arith.constant 48 : index
    %swap3A_1931 = tpu.vector_load %arg9[%swap3A_1930] {strides = array<i32>} : memref<256xi32, #tpu.memory_space<vmem>>, vector<16xi32>,
    %swap3A_1932 = vector.shape_cast %swap3A_1931 : vector<16xi32> to vector<16xi32>
    %swap3A_1933 = vector.shape_cast %or3A_1929 : vector<16xi32> to vector<16xi32>
    tpu.vector_store %arg9[%swap3A_1930], %swap3A_1933 {strides = array<i32>} : memref<256xi32, #tpu.memory_space<vmem>>, vector<16xi32>,
    %get3A_1934 = arith.constant 64 : index
    %get3A_1935 = tpu.vector_load %arg5[%get3A_1934] {strides = array<i32>} : memref<256xi32, #tpu.memory_space<vmem>>, vector<16xi32>,
    %get3A_1936 = vector.shape_cast %get3A_1935 : vector<16xi32> to vector<16xi32>
    %shift_right_arithmetic3A_1937 = arith.constant 14 : i32
    %shift_right_arithmetic3A_1938 = vector.broadcast %shift_right_arithmetic3A_1937 : i32 to vector<16xi32>
    %shift_right_arithmetic3A_1939 = arith.shrsi %get3A_1936, %shift_right_arithmetic3A_1938 : vector<16xi32>
    %shift_left3A_1940 = arith.constant 14 : i32
    %shift_left3A_1941 = vector.broadcast %shift_left3A_1940 : i32 to vector<16xi32>
    %shift_left3A_1942 = arith.shli %shift_right_arithmetic3A_1939, %shift_left3A_1941 : vector<16xi32>
    %and3A_1943 = arith.constant 8191 : i32
    %and3A_1944 = vector.broadcast %and3A_1943 : i32 to vector<16xi32>
    %and3A_1945 = arith.andi %get3A_1936, %and3A_1944 : vector<16xi32>
    %shift_left3A_1946 = arith.constant 1 : i32
    %shift_left3A_1947 = vector.broadcast %shift_left3A_1946 : i32 to vector<16xi32>
    %shift_left3A_1948 = arith.shli %and3A_1945, %shift_left3A_1947 : vector<16xi32>
    %or3A_1949 = arith.ori %shift_left3A_1942, %shift_left3A_1948 : vector<16xi32>
    %shift_right_arithmetic3A_1950 = arith.constant 13 : i32
    %shift_right_arithmetic3A_1951 = vector.broadcast %shift_right_arithmetic3A_1950 : i32 to vector<16xi32>
    %shift_right_arithmetic3A_1952 = arith.shrsi %get3A_1936, %shift_right_arithmetic3A_1951 : vector<16xi32>
    %and3A_1953 = arith.constant 1 : i32
    %and3A_1954 = vector.broadcast %and3A_1953 : i32 to vector<16xi32>
    %and3A_1955 = arith.andi %shift_right_arithmetic3A_1952, %and3A_1954 : vector<16xi32>
    %or3A_1956 = arith.ori %or3A_1949, %and3A_1955 : vector<16xi32>
    %swap3A_1957 = arith.constant 64 : index
    %swap3A_1958 = tpu.vector_load %arg9[%swap3A_1957] {strides = array<i32>} : memref<256xi32, #tpu.memory_space<vmem>>, vector<16xi32>,
    %swap3A_1959 = vector.shape_cast %swap3A_1958 : vector<16xi32> to vector<16xi32>
    %swap3A_1960 = vector.shape_cast %or3A_1956 : vector<16xi32> to vector<16xi32>
    tpu.vector_store %arg9[%swap3A_1957], %swap3A_1960 {strides = array<i32>} : memref<256xi32, #tpu.memory_space<vmem>>, vector<16xi32>,
    %get3A_1961 = arith.constant 80 : index
    %get3A_1962 = tpu.vector_load %arg5[%get3A_1961] {strides = array<i32>} : memref<256xi32, #tpu.memory_space<vmem>>, vector<16xi32>,
    %get3A_1963 = vector.shape_cast %get3A_1962 : vector<16xi32> to vector<16xi32>
    %shift_right_arithmetic3A_1964 = arith.constant 14 : i32
    %shift_right_arithmetic3A_1965 = vector.broadcast %shift_right_arithmetic3A_1964 : i32 to vector<16xi32>
    %shift_right_arithmetic3A_1966 = arith.shrsi %get3A_1963, %shift_right_arithmetic3A_1965 : vector<16xi32>
    %shift_left3A_1967 = arith.constant 14 : i32
    %shift_left3A_1968 = vector.broadcast %shift_left3A_1967 : i32 to vector<16xi32>
    %shift_left3A_1969 = arith.shli %shift_right_arithmetic3A_1966, %shift_left3A_1968 : vector<16xi32>
    %and3A_1970 = arith.constant 8191 : i32
    %and3A_1971 = vector.broadcast %and3A_1970 : i32 to vector<16xi32>
    %and3A_1972 = arith.andi %get3A_1963, %and3A_1971 : vector<16xi32>
    %shift_left3A_1973 = arith.constant 1 : i32
    %shift_left3A_1974 = vector.broadcast %shift_left3A_1973 : i32 to vector<16xi32>
    %shift_left3A_1975 = arith.shli %and3A_1972, %shift_left3A_1974 : vector<16xi32>
    %or3A_1976 = arith.ori %shift_left3A_1969, %shift_left3A_1975 : vector<16xi32>
    %shift_right_arithmetic3A_1977 = arith.constant 13 : i32
    %shift_right_arithmetic3A_1978 = vector.broadcast %shift_right_arithmetic3A_1977 : i32 to vector<16xi32>
    %shift_right_arithmetic3A_1979 = arith.shrsi %get3A_1963, %shift_right_arithmetic3A_1978 : vector<16xi32>
    %and3A_1980 = arith.constant 1 : i32
    %and3A_1981 = vector.broadcast %and3A_1980 : i32 to vector<16xi32>
    %and3A_1982 = arith.andi %shift_right_arithmetic3A_1979, %and3A_1981 : vector<16xi32>
    %or3A_1983 = arith.ori %or3A_1976, %and3A_1982 : vector<16xi32>
    %swap3A_1984 = arith.constant 80 : index
    %swap3A_1985 = tpu.vector_load %arg9[%swap3A_1984] {strides = array<i32>} : memref<256xi32, #tpu.memory_space<vmem>>, vector<16xi32>,
    %swap3A_1986 = vector.shape_cast %swap3A_1985 : vector<16xi32> to vector<16xi32>
    %swap3A_1987 = vector.shape_cast %or3A_1983 : vector<16xi32> to vector<16xi32>
    tpu.vector_store %arg9[%swap3A_1984], %swap3A_1987 {strides = array<i32>} : memref<256xi32, #tpu.memory_space<vmem>>, vector<16xi32>,
    %get3A_1988 = arith.constant 96 : index
    %get3A_1989 = tpu.vector_load %arg5[%get3A_1988] {strides = array<i32>} : memref<256xi32, #tpu.memory_space<vmem>>, vector<16xi32>,
    %get3A_1990 = vector.shape_cast %get3A_1989 : vector<16xi32> to vector<16xi32>
    %shift_right_arithmetic3A_1991 = arith.constant 14 : i32
    %shift_right_arithmetic3A_1992 = vector.broadcast %shift_right_arithmetic3A_1991 : i32 to vector<16xi32>
    %shift_right_arithmetic3A_1993 = arith.shrsi %get3A_1990, %shift_right_arithmetic3A_1992 : vector<16xi32>
    %shift_left3A_1994 = arith.constant 14 : i32
    %shift_left3A_1995 = vector.broadcast %shift_left3A_1994 : i32 to vector<16xi32>
    %shift_left3A_1996 = arith.shli %shift_right_arithmetic3A_1993, %shift_left3A_1995 : vector<16xi32>
    %and3A_1997 = arith.constant 8191 : i32
    %and3A_1998 = vector.broadcast %and3A_1997 : i32 to vector<16xi32>
    %and3A_1999 = arith.andi %get3A_1990, %and3A_1998 : vector<16xi32>
    %shift_left3A_2000 = arith.constant 1 : i32
    %shift_left3A_2001 = vector.broadcast %shift_left3A_2000 : i32 to vector<16xi32>
    %shift_left3A_2002 = arith.shli %and3A_1999, %shift_left3A_2001 : vector<16xi32>
    %or3A_2003 = arith.ori %shift_left3A_1996, %shift_left3A_2002 : vector<16xi32>
    %shift_right_arithmetic3A_2004 = arith.constant 13 : i32
    %shift_right_arithmetic3A_2005 = vector.broadcast %shift_right_arithmetic3A_2004 : i32 to vector<16xi32>
    %shift_right_arithmetic3A_2006 = arith.shrsi %get3A_1990, %shift_right_arithmetic3A_2005 : vector<16xi32>
    %and3A_2007 = arith.constant 1 : i32
    %and3A_2008 = vector.broadcast %and3A_2007 : i32 to vector<16xi32>
    %and3A_2009 = arith.andi %shift_right_arithmetic3A_2006, %and3A_2008 : vector<16xi32>
    %or3A_2010 = arith.ori %or3A_2003, %and3A_2009 : vector<16xi32>
    %swap3A_2011 = arith.constant 96 : index
    %swap3A_2012 = tpu.vector_load %arg9[%swap3A_2011] {strides = array<i32>} : memref<256xi32, #tpu.memory_space<vmem>>, vector<16xi32>,
    %swap3A_2013 = vector.shape_cast %swap3A_2012 : vector<16xi32> to vector<16xi32>
    %swap3A_2014 = vector.shape_cast %or3A_2010 : vector<16xi32> to vector<16xi32>
    tpu.vector_store %arg9[%swap3A_2011], %swap3A_2014 {strides = array<i32>} : memref<256xi32, #tpu.memory_space<vmem>>, vector<16xi32>,
    %get3A_2015 = arith.constant 112 : index
    %get3A_2016 = tpu.vector_load %arg5[%get3A_2015] {strides = array<i32>} : memref<256xi32, #tpu.memory_space<vmem>>, vector<16xi32>,
    %get3A_2017 = vector.shape_cast %get3A_2016 : vector<16xi32> to vector<16xi32>
    %shift_right_arithmetic3A_2018 = arith.constant 14 : i32
    %shift_right_arithmetic3A_2019 = vector.broadcast %shift_right_arithmetic3A_2018 : i32 to vector<16xi32>
    %shift_right_arithmetic3A_2020 = arith.shrsi %get3A_2017, %shift_right_arithmetic3A_2019 : vector<16xi32>
    %shift_left3A_2021 = arith.constant 14 : i32
    %shift_left3A_2022 = vector.broadcast %shift_left3A_2021 : i32 to vector<16xi32>
    %shift_left3A_2023 = arith.shli %shift_right_arithmetic3A_2020, %shift_left3A_2022 : vector<16xi32>
    %and3A_2024 = arith.constant 8191 : i32
    %and3A_2025 = vector.broadcast %and3A_2024 : i32 to vector<16xi32>
    %and3A_2026 = arith.andi %get3A_2017, %and3A_2025 : vector<16xi32>
    %shift_left3A_2027 = arith.constant 1 : i32
    %shift_left3A_2028 = vector.broadcast %shift_left3A_2027 : i32 to vector<16xi32>
    %shift_left3A_2029 = arith.shli %and3A_2026, %shift_left3A_2028 : vector<16xi32>
    %or3A_2030 = arith.ori %shift_left3A_2023, %shift_left3A_2029 : vector<16xi32>
    %shift_right_arithmetic3A_2031 = arith.constant 13 : i32
    %shift_right_arithmetic3A_2032 = vector.broadcast %shift_right_arithmetic3A_2031 : i32 to vector<16xi32>
    %shift_right_arithmetic3A_2033 = arith.shrsi %get3A_2017, %shift_right_arithmetic3A_2032 : vector<16xi32>
    %and3A_2034 = arith.constant 1 : i32
    %and3A_2035 = vector.broadcast %and3A_2034 : i32 to vector<16xi32>
    %and3A_2036 = arith.andi %shift_right_arithmetic3A_2033, %and3A_2035 : vector<16xi32>
    %or3A_2037 = arith.ori %or3A_2030, %and3A_2036 : vector<16xi32>
    %swap3A_2038 = arith.constant 112 : index
    %swap3A_2039 = tpu.vector_load %arg9[%swap3A_2038] {strides = array<i32>} : memref<256xi32, #tpu.memory_space<vmem>>, vector<16xi32>,
    %swap3A_2040 = vector.shape_cast %swap3A_2039 : vector<16xi32> to vector<16xi32>
    %swap3A_2041 = vector.shape_cast %or3A_2037 : vector<16xi32> to vector<16xi32>
    tpu.vector_store %arg9[%swap3A_2038], %swap3A_2041 {strides = array<i32>} : memref<256xi32, #tpu.memory_space<vmem>>, vector<16xi32>,
    %get3A_2042 = arith.constant 128 : index
    %get3A_2043 = tpu.vector_load %arg5[%get3A_2042] {strides = array<i32>} : memref<256xi32, #tpu.memory_space<vmem>>, vector<16xi32>,
    %get3A_2044 = vector.shape_cast %get3A_2043 : vector<16xi32> to vector<16xi32>
    %shift_right_arithmetic3A_2045 = arith.constant 14 : i32
    %shift_right_arithmetic3A_2046 = vector.broadcast %shift_right_arithmetic3A_2045 : i32 to vector<16xi32>
    %shift_right_arithmetic3A_2047 = arith.shrsi %get3A_2044, %shift_right_arithmetic3A_2046 : vector<16xi32>
    %shift_left3A_2048 = arith.constant 14 : i32
    %shift_left3A_2049 = vector.broadcast %shift_left3A_2048 : i32 to vector<16xi32>
    %shift_left3A_2050 = arith.shli %shift_right_arithmetic3A_2047, %shift_left3A_2049 : vector<16xi32>
    %and3A_2051 = arith.constant 8191 : i32
    %and3A_2052 = vector.broadcast %and3A_2051 : i32 to vector<16xi32>
    %and3A_2053 = arith.andi %get3A_2044, %and3A_2052 : vector<16xi32>
    %shift_left3A_2054 = arith.constant 1 : i32
    %shift_left3A_2055 = vector.broadcast %shift_left3A_2054 : i32 to vector<16xi32>
    %shift_left3A_2056 = arith.shli %and3A_2053, %shift_left3A_2055 : vector<16xi32>
    %or3A_2057 = arith.ori %shift_left3A_2050, %shift_left3A_2056 : vector<16xi32>
    %shift_right_arithmetic3A_2058 = arith.constant 13 : i32
    %shift_right_arithmetic3A_2059 = vector.broadcast %shift_right_arithmetic3A_2058 : i32 to vector<16xi32>
    %shift_right_arithmetic3A_2060 = arith.shrsi %get3A_2044, %shift_right_arithmetic3A_2059 : vector<16xi32>
    %and3A_2061 = arith.constant 1 : i32
    %and3A_2062 = vector.broadcast %and3A_2061 : i32 to vector<16xi32>
    %and3A_2063 = arith.andi %shift_right_arithmetic3A_2060, %and3A_2062 : vector<16xi32>
    %or3A_2064 = arith.ori %or3A_2057, %and3A_2063 : vector<16xi32>
    %swap3A_2065 = arith.constant 128 : index
    %swap3A_2066 = tpu.vector_load %arg9[%swap3A_2065] {strides = array<i32>} : memref<256xi32, #tpu.memory_space<vmem>>, vector<16xi32>,
    %swap3A_2067 = vector.shape_cast %swap3A_2066 : vector<16xi32> to vector<16xi32>
    %swap3A_2068 = vector.shape_cast %or3A_2064 : vector<16xi32> to vector<16xi32>
    tpu.vector_store %arg9[%swap3A_2065], %swap3A_2068 {strides = array<i32>} : memref<256xi32, #tpu.memory_space<vmem>>, vector<16xi32>,
    %get3A_2069 = arith.constant 144 : index
    %get3A_2070 = tpu.vector_load %arg5[%get3A_2069] {strides = array<i32>} : memref<256xi32, #tpu.memory_space<vmem>>, vector<16xi32>,
    %get3A_2071 = vector.shape_cast %get3A_2070 : vector<16xi32> to vector<16xi32>
    %shift_right_arithmetic3A_2072 = arith.constant 14 : i32
    %shift_right_arithmetic3A_2073 = vector.broadcast %shift_right_arithmetic3A_2072 : i32 to vector<16xi32>
    %shift_right_arithmetic3A_2074 = arith.shrsi %get3A_2071, %shift_right_arithmetic3A_2073 : vector<16xi32>
    %shift_left3A_2075 = arith.constant 14 : i32
    %shift_left3A_2076 = vector.broadcast %shift_left3A_2075 : i32 to vector<16xi32>
    %shift_left3A_2077 = arith.shli %shift_right_arithmetic3A_2074, %shift_left3A_2076 : vector<16xi32>
    %and3A_2078 = arith.constant 8191 : i32
    %and3A_2079 = vector.broadcast %and3A_2078 : i32 to vector<16xi32>
    %and3A_2080 = arith.andi %get3A_2071, %and3A_2079 : vector<16xi32>
    %shift_left3A_2081 = arith.constant 1 : i32
    %shift_left3A_2082 = vector.broadcast %shift_left3A_2081 : i32 to vector<16xi32>
    %shift_left3A_2083 = arith.shli %and3A_2080, %shift_left3A_2082 : vector<16xi32>
    %or3A_2084 = arith.ori %shift_left3A_2077, %shift_left3A_2083 : vector<16xi32>
    %shift_right_arithmetic3A_2085 = arith.constant 13 : i32
    %shift_right_arithmetic3A_2086 = vector.broadcast %shift_right_arithmetic3A_2085 : i32 to vector<16xi32>
    %shift_right_arithmetic3A_2087 = arith.shrsi %get3A_2071, %shift_right_arithmetic3A_2086 : vector<16xi32>
    %and3A_2088 = arith.constant 1 : i32
    %and3A_2089 = vector.broadcast %and3A_2088 : i32 to vector<16xi32>
    %and3A_2090 = arith.andi %shift_right_arithmetic3A_2087, %and3A_2089 : vector<16xi32>
    %or3A_2091 = arith.ori %or3A_2084, %and3A_2090 : vector<16xi32>
    %swap3A_2092 = arith.constant 144 : index
    %swap3A_2093 = tpu.vector_load %arg9[%swap3A_2092] {strides = array<i32>} : memref<256xi32, #tpu.memory_space<vmem>>, vector<16xi32>,
    %swap3A_2094 = vector.shape_cast %swap3A_2093 : vector<16xi32> to vector<16xi32>
    %swap3A_2095 = vector.shape_cast %or3A_2091 : vector<16xi32> to vector<16xi32>
    tpu.vector_store %arg9[%swap3A_2092], %swap3A_2095 {strides = array<i32>} : memref<256xi32, #tpu.memory_space<vmem>>, vector<16xi32>,
    %get3A_2096 = arith.constant 160 : index
    %get3A_2097 = tpu.vector_load %arg5[%get3A_2096] {strides = array<i32>} : memref<256xi32, #tpu.memory_space<vmem>>, vector<16xi32>,
    %get3A_2098 = vector.shape_cast %get3A_2097 : vector<16xi32> to vector<16xi32>
    %shift_right_arithmetic3A_2099 = arith.constant 14 : i32
    %shift_right_arithmetic3A_2100 = vector.broadcast %shift_right_arithmetic3A_2099 : i32 to vector<16xi32>
    %shift_right_arithmetic3A_2101 = arith.shrsi %get3A_2098, %shift_right_arithmetic3A_2100 : vector<16xi32>
    %shift_left3A_2102 = arith.constant 14 : i32
    %shift_left3A_2103 = vector.broadcast %shift_left3A_2102 : i32 to vector<16xi32>
    %shift_left3A_2104 = arith.shli %shift_right_arithmetic3A_2101, %shift_left3A_2103 : vector<16xi32>
    %and3A_2105 = arith.constant 8191 : i32
    %and3A_2106 = vector.broadcast %and3A_2105 : i32 to vector<16xi32>
    %and3A_2107 = arith.andi %get3A_2098, %and3A_2106 : vector<16xi32>
    %shift_left3A_2108 = arith.constant 1 : i32
    %shift_left3A_2109 = vector.broadcast %shift_left3A_2108 : i32 to vector<16xi32>
    %shift_left3A_2110 = arith.shli %and3A_2107, %shift_left3A_2109 : vector<16xi32>
    %or3A_2111 = arith.ori %shift_left3A_2104, %shift_left3A_2110 : vector<16xi32>
    %shift_right_arithmetic3A_2112 = arith.constant 13 : i32
    %shift_right_arithmetic3A_2113 = vector.broadcast %shift_right_arithmetic3A_2112 : i32 to vector<16xi32>
    %shift_right_arithmetic3A_2114 = arith.shrsi %get3A_2098, %shift_right_arithmetic3A_2113 : vector<16xi32>
    %and3A_2115 = arith.constant 1 : i32
    %and3A_2116 = vector.broadcast %and3A_2115 : i32 to vector<16xi32>
    %and3A_2117 = arith.andi %shift_right_arithmetic3A_2114, %and3A_2116 : vector<16xi32>
    %or3A_2118 = arith.ori %or3A_2111, %and3A_2117 : vector<16xi32>
    %swap3A_2119 = arith.constant 160 : index
    %swap3A_2120 = tpu.vector_load %arg9[%swap3A_2119] {strides = array<i32>} : memref<256xi32, #tpu.memory_space<vmem>>, vector<16xi32>,
    %swap3A_2121 = vector.shape_cast %swap3A_2120 : vector<16xi32> to vector<16xi32>
    %swap3A_2122 = vector.shape_cast %or3A_2118 : vector<16xi32> to vector<16xi32>
    tpu.vector_store %arg9[%swap3A_2119], %swap3A_2122 {strides = array<i32>} : memref<256xi32, #tpu.memory_space<vmem>>, vector<16xi32>,
    %get3A_2123 = arith.constant 176 : index
    %get3A_2124 = tpu.vector_load %arg5[%get3A_2123] {strides = array<i32>} : memref<256xi32, #tpu.memory_space<vmem>>, vector<16xi32>,
    %get3A_2125 = vector.shape_cast %get3A_2124 : vector<16xi32> to vector<16xi32>
    %shift_right_arithmetic3A_2126 = arith.constant 14 : i32
    %shift_right_arithmetic3A_2127 = vector.broadcast %shift_right_arithmetic3A_2126 : i32 to vector<16xi32>
    %shift_right_arithmetic3A_2128 = arith.shrsi %get3A_2125, %shift_right_arithmetic3A_2127 : vector<16xi32>
    %shift_left3A_2129 = arith.constant 14 : i32
    %shift_left3A_2130 = vector.broadcast %shift_left3A_2129 : i32 to vector<16xi32>
    %shift_left3A_2131 = arith.shli %shift_right_arithmetic3A_2128, %shift_left3A_2130 : vector<16xi32>
    %and3A_2132 = arith.constant 8191 : i32
    %and3A_2133 = vector.broadcast %and3A_2132 : i32 to vector<16xi32>
    %and3A_2134 = arith.andi %get3A_2125, %and3A_2133 : vector<16xi32>
    %shift_left3A_2135 = arith.constant 1 : i32
    %shift_left3A_2136 = vector.broadcast %shift_left3A_2135 : i32 to vector<16xi32>
    %shift_left3A_2137 = arith.shli %and3A_2134, %shift_left3A_2136 : vector<16xi32>
    %or3A_2138 = arith.ori %shift_left3A_2131, %shift_left3A_2137 : vector<16xi32>
    %shift_right_arithmetic3A_2139 = arith.constant 13 : i32
    %shift_right_arithmetic3A_2140 = vector.broadcast %shift_right_arithmetic3A_2139 : i32 to vector<16xi32>
    %shift_right_arithmetic3A_2141 = arith.shrsi %get3A_2125, %shift_right_arithmetic3A_2140 : vector<16xi32>
    %and3A_2142 = arith.constant 1 : i32
    %and3A_2143 = vector.broadcast %and3A_2142 : i32 to vector<16xi32>
    %and3A_2144 = arith.andi %shift_right_arithmetic3A_2141, %and3A_2143 : vector<16xi32>
    %or3A_2145 = arith.ori %or3A_2138, %and3A_2144 : vector<16xi32>
    %swap3A_2146 = arith.constant 176 : index
    %swap3A_2147 = tpu.vector_load %arg9[%swap3A_2146] {strides = array<i32>} : memref<256xi32, #tpu.memory_space<vmem>>, vector<16xi32>,
    %swap3A_2148 = vector.shape_cast %swap3A_2147 : vector<16xi32> to vector<16xi32>
    %swap3A_2149 = vector.shape_cast %or3A_2145 : vector<16xi32> to vector<16xi32>
    tpu.vector_store %arg9[%swap3A_2146], %swap3A_2149 {strides = array<i32>} : memref<256xi32, #tpu.memory_space<vmem>>, vector<16xi32>,
    %get3A_2150 = arith.constant 192 : index
    %get3A_2151 = tpu.vector_load %arg5[%get3A_2150] {strides = array<i32>} : memref<256xi32, #tpu.memory_space<vmem>>, vector<16xi32>,
    %get3A_2152 = vector.shape_cast %get3A_2151 : vector<16xi32> to vector<16xi32>
    %shift_right_arithmetic3A_2153 = arith.constant 14 : i32
    %shift_right_arithmetic3A_2154 = vector.broadcast %shift_right_arithmetic3A_2153 : i32 to vector<16xi32>
    %shift_right_arithmetic3A_2155 = arith.shrsi %get3A_2152, %shift_right_arithmetic3A_2154 : vector<16xi32>
    %shift_left3A_2156 = arith.constant 14 : i32
    %shift_left3A_2157 = vector.broadcast %shift_left3A_2156 : i32 to vector<16xi32>
    %shift_left3A_2158 = arith.shli %shift_right_arithmetic3A_2155, %shift_left3A_2157 : vector<16xi32>
    %and3A_2159 = arith.constant 8191 : i32
    %and3A_2160 = vector.broadcast %and3A_2159 : i32 to vector<16xi32>
    %and3A_2161 = arith.andi %get3A_2152, %and3A_2160 : vector<16xi32>
    %shift_left3A_2162 = arith.constant 1 : i32
    %shift_left3A_2163 = vector.broadcast %shift_left3A_2162 : i32 to vector<16xi32>
    %shift_left3A_2164 = arith.shli %and3A_2161, %shift_left3A_2163 : vector<16xi32>
    %or3A_2165 = arith.ori %shift_left3A_2158, %shift_left3A_2164 : vector<16xi32>
    %shift_right_arithmetic3A_2166 = arith.constant 13 : i32
    %shift_right_arithmetic3A_2167 = vector.broadcast %shift_right_arithmetic3A_2166 : i32 to vector<16xi32>
    %shift_right_arithmetic3A_2168 = arith.shrsi %get3A_2152, %shift_right_arithmetic3A_2167 : vector<16xi32>
    %and3A_2169 = arith.constant 1 : i32
    %and3A_2170 = vector.broadcast %and3A_2169 : i32 to vector<16xi32>
    %and3A_2171 = arith.andi %shift_right_arithmetic3A_2168, %and3A_2170 : vector<16xi32>
    %or3A_2172 = arith.ori %or3A_2165, %and3A_2171 : vector<16xi32>
    %swap3A_2173 = arith.constant 192 : index
    %swap3A_2174 = tpu.vector_load %arg9[%swap3A_2173] {strides = array<i32>} : memref<256xi32, #tpu.memory_space<vmem>>, vector<16xi32>,
    %swap3A_2175 = vector.shape_cast %swap3A_2174 : vector<16xi32> to vector<16xi32>
    %swap3A_2176 = vector.shape_cast %or3A_2172 : vector<16xi32> to vector<16xi32>
    tpu.vector_store %arg9[%swap3A_2173], %swap3A_2176 {strides = array<i32>} : memref<256xi32, #tpu.memory_space<vmem>>, vector<16xi32>,
    %get3A_2177 = arith.constant 208 : index
    %get3A_2178 = tpu.vector_load %arg5[%get3A_2177] {strides = array<i32>} : memref<256xi32, #tpu.memory_space<vmem>>, vector<16xi32>,
    %get3A_2179 = vector.shape_cast %get3A_2178 : vector<16xi32> to vector<16xi32>
    %shift_right_arithmetic3A_2180 = arith.constant 14 : i32
    %shift_right_arithmetic3A_2181 = vector.broadcast %shift_right_arithmetic3A_2180 : i32 to vector<16xi32>
    %shift_right_arithmetic3A_2182 = arith.shrsi %get3A_2179, %shift_right_arithmetic3A_2181 : vector<16xi32>
    %shift_left3A_2183 = arith.constant 14 : i32
    %shift_left3A_2184 = vector.broadcast %shift_left3A_2183 : i32 to vector<16xi32>
    %shift_left3A_2185 = arith.shli %shift_right_arithmetic3A_2182, %shift_left3A_2184 : vector<16xi32>
    %and3A_2186 = arith.constant 8191 : i32
    %and3A_2187 = vector.broadcast %and3A_2186 : i32 to vector<16xi32>
    %and3A_2188 = arith.andi %get3A_2179, %and3A_2187 : vector<16xi32>
    %shift_left3A_2189 = arith.constant 1 : i32
    %shift_left3A_2190 = vector.broadcast %shift_left3A_2189 : i32 to vector<16xi32>
    %shift_left3A_2191 = arith.shli %and3A_2188, %shift_left3A_2190 : vector<16xi32>
    %or3A_2192 = arith.ori %shift_left3A_2185, %shift_left3A_2191 : vector<16xi32>
    %shift_right_arithmetic3A_2193 = arith.constant 13 : i32
    %shift_right_arithmetic3A_2194 = vector.broadcast %shift_right_arithmetic3A_2193 : i32 to vector<16xi32>
    %shift_right_arithmetic3A_2195 = arith.shrsi %get3A_2179, %shift_right_arithmetic3A_2194 : vector<16xi32>
    %and3A_2196 = arith.constant 1 : i32
    %and3A_2197 = vector.broadcast %and3A_2196 : i32 to vector<16xi32>
    %and3A_2198 = arith.andi %shift_right_arithmetic3A_2195, %and3A_2197 : vector<16xi32>
    %or3A_2199 = arith.ori %or3A_2192, %and3A_2198 : vector<16xi32>
    %swap3A_2200 = arith.constant 208 : index
    %swap3A_2201 = tpu.vector_load %arg9[%swap3A_2200] {strides = array<i32>} : memref<256xi32, #tpu.memory_space<vmem>>, vector<16xi32>,
    %swap3A_2202 = vector.shape_cast %swap3A_2201 : vector<16xi32> to vector<16xi32>
    %swap3A_2203 = vector.shape_cast %or3A_2199 : vector<16xi32> to vector<16xi32>
    tpu.vector_store %arg9[%swap3A_2200], %swap3A_2203 {strides = array<i32>} : memref<256xi32, #tpu.memory_space<vmem>>, vector<16xi32>,
    %get3A_2204 = arith.constant 224 : index
    %get3A_2205 = tpu.vector_load %arg5[%get3A_2204] {strides = array<i32>} : memref<256xi32, #tpu.memory_space<vmem>>, vector<16xi32>,
    %get3A_2206 = vector.shape_cast %get3A_2205 : vector<16xi32> to vector<16xi32>
    %shift_right_arithmetic3A_2207 = arith.constant 14 : i32
    %shift_right_arithmetic3A_2208 = vector.broadcast %shift_right_arithmetic3A_2207 : i32 to vector<16xi32>
    %shift_right_arithmetic3A_2209 = arith.shrsi %get3A_2206, %shift_right_arithmetic3A_2208 : vector<16xi32>
    %shift_left3A_2210 = arith.constant 14 : i32
    %shift_left3A_2211 = vector.broadcast %shift_left3A_2210 : i32 to vector<16xi32>
    %shift_left3A_2212 = arith.shli %shift_right_arithmetic3A_2209, %shift_left3A_2211 : vector<16xi32>
    %and3A_2213 = arith.constant 8191 : i32
    %and3A_2214 = vector.broadcast %and3A_2213 : i32 to vector<16xi32>
    %and3A_2215 = arith.andi %get3A_2206, %and3A_2214 : vector<16xi32>
    %shift_left3A_2216 = arith.constant 1 : i32
    %shift_left3A_2217 = vector.broadcast %shift_left3A_2216 : i32 to vector<16xi32>
    %shift_left3A_2218 = arith.shli %and3A_2215, %shift_left3A_2217 : vector<16xi32>
    %or3A_2219 = arith.ori %shift_left3A_2212, %shift_left3A_2218 : vector<16xi32>
    %shift_right_arithmetic3A_2220 = arith.constant 13 : i32
    %shift_right_arithmetic3A_2221 = vector.broadcast %shift_right_arithmetic3A_2220 : i32 to vector<16xi32>
    %shift_right_arithmetic3A_2222 = arith.shrsi %get3A_2206, %shift_right_arithmetic3A_2221 : vector<16xi32>
    %and3A_2223 = arith.constant 1 : i32
    %and3A_2224 = vector.broadcast %and3A_2223 : i32 to vector<16xi32>
    %and3A_2225 = arith.andi %shift_right_arithmetic3A_2222, %and3A_2224 : vector<16xi32>
    %or3A_2226 = arith.ori %or3A_2219, %and3A_2225 : vector<16xi32>
    %swap3A_2227 = arith.constant 224 : index
    %swap3A_2228 = tpu.vector_load %arg9[%swap3A_2227] {strides = array<i32>} : memref<256xi32, #tpu.memory_space<vmem>>, vector<16xi32>,
    %swap3A_2229 = vector.shape_cast %swap3A_2228 : vector<16xi32> to vector<16xi32>
    %swap3A_2230 = vector.shape_cast %or3A_2226 : vector<16xi32> to vector<16xi32>
    tpu.vector_store %arg9[%swap3A_2227], %swap3A_2230 {strides = array<i32>} : memref<256xi32, #tpu.memory_space<vmem>>, vector<16xi32>,
    %get3A_2231 = arith.constant 240 : index
    %get3A_2232 = tpu.vector_load %arg5[%get3A_2231] {strides = array<i32>} : memref<256xi32, #tpu.memory_space<vmem>>, vector<16xi32>,
    %get3A_2233 = vector.shape_cast %get3A_2232 : vector<16xi32> to vector<16xi32>
    %shift_right_arithmetic3A_2234 = arith.constant 14 : i32
    %shift_right_arithmetic3A_2235 = vector.broadcast %shift_right_arithmetic3A_2234 : i32 to vector<16xi32>
    %shift_right_arithmetic3A_2236 = arith.shrsi %get3A_2233, %shift_right_arithmetic3A_2235 : vector<16xi32>
    %shift_left3A_2237 = arith.constant 14 : i32
    %shift_left3A_2238 = vector.broadcast %shift_left3A_2237 : i32 to vector<16xi32>
    %shift_left3A_2239 = arith.shli %shift_right_arithmetic3A_2236, %shift_left3A_2238 : vector<16xi32>
    %and3A_2240 = arith.constant 8191 : i32
    %and3A_2241 = vector.broadcast %and3A_2240 : i32 to vector<16xi32>
    %and3A_2242 = arith.andi %get3A_2233, %and3A_2241 : vector<16xi32>
    %shift_left3A_2243 = arith.constant 1 : i32
    %shift_left3A_2244 = vector.broadcast %shift_left3A_2243 : i32 to vector<16xi32>
    %shift_left3A_2245 = arith.shli %and3A_2242, %shift_left3A_2244 : vector<16xi32>
    %or3A_2246 = arith.ori %shift_left3A_2239, %shift_left3A_2245 : vector<16xi32>
    %shift_right_arithmetic3A_2247 = arith.constant 13 : i32
    %shift_right_arithmetic3A_2248 = vector.broadcast %shift_right_arithmetic3A_2247 : i32 to vector<16xi32>
    %shift_right_arithmetic3A_2249 = arith.shrsi %get3A_2233, %shift_right_arithmetic3A_2248 : vector<16xi32>
    %and3A_2250 = arith.constant 1 : i32
    %and3A_2251 = vector.broadcast %and3A_2250 : i32 to vector<16xi32>
    %and3A_2252 = arith.andi %shift_right_arithmetic3A_2249, %and3A_2251 : vector<16xi32>
    %or3A_2253 = arith.ori %or3A_2246, %and3A_2252 : vector<16xi32>
    %swap3A_2254 = arith.constant 240 : index
    %swap3A_2255 = tpu.vector_load %arg9[%swap3A_2254] {strides = array<i32>} : memref<256xi32, #tpu.memory_space<vmem>>, vector<16xi32>,
    %swap3A_2256 = vector.shape_cast %swap3A_2255 : vector<16xi32> to vector<16xi32>
    %swap3A_2257 = vector.shape_cast %or3A_2253 : vector<16xi32> to vector<16xi32>
    tpu.vector_store %arg9[%swap3A_2254], %swap3A_2257 {strides = array<i32>} : memref<256xi32, #tpu.memory_space<vmem>>, vector<16xi32>,
    %dma_start3A_2258 = arith.constant 0 : i32
    %dma_start3A_2259 = arith.constant 0 : i32
    %dma_start3A_2260 = tpu.memref_slice %arg3[%dma_start3A_2258, %dma_start3A_2259] : memref<1015808x64xf32, #tpu.memory_space<hbm>> -> memref<1015808x64xf32, #tpu.memory_space<hbm>>
    tpu.enqueue_indirect_dma source(%dma_start3A_2260 : memref<1015808x64xf32, #tpu.memory_space<hbm>>) target(%arg13 : memref<256x64xf32, #tpu.memory_space<vmem>>) offsets(%arg9 : memref<256xi32, #tpu.memory_space<vmem>>) semaphore(%arg17 : memref<!tpu.dma_semaphore, #tpu.memory_space<semaphore_mem>>)
    %dma_wait3A_2261 = arith.constant 0 : i32
    %dma_wait3A_2262 = arith.constant 0 : i32
    %dma_wait3A_2263 = tpu.memref_slice %arg3[%dma_wait3A_2261, %dma_wait3A_2262] : memref<1015808x64xf32, #tpu.memory_space<hbm>> -> memref<1015808x64xf32, #tpu.memory_space<hbm>>
    tpu.wait_indirect_dma semaphore(%arg20 : memref<!tpu.dma_semaphore, #tpu.memory_space<semaphore_mem>>) src(%dma_wait3A_2263 : memref<1015808x64xf32, #tpu.memory_space<hbm>>) dst(%arg16 : memref<256x64xf32, #tpu.memory_space<vmem>>)
    %add3A_2264 = arith.constant 768 : i32
    %add3A_2265 = arith.addi %mul3A_2, %add3A_2264 : i32
    %and3A_2266 = arith.constant 2047 : i32
    %and3A_2267 = arith.andi %add3A_2265, %and3A_2266 : i32
    %shift_right_arithmetic3A_2268 = arith.constant 11 : i32
    %shift_right_arithmetic3A_2269 = arith.shrsi %add3A_2265, %shift_right_arithmetic3A_2268 : i32
    %mul3A_2270 = arith.constant 1024 : i32
    %mul3A_2271 = arith.muli %shift_right_arithmetic3A_2269, %mul3A_2270 : i32
    %and3A_2272 = arith.constant 1023 : i32
    %and3A_2273 = arith.andi %and3A_2267, %and3A_2272 : i32
    %add3A_2274 = arith.addi %mul3A_2271, %and3A_2273 : i32
    %shift_right_arithmetic3A_2275 = arith.constant 10 : i32
    %shift_right_arithmetic3A_2276 = arith.shrsi %and3A_2267, %shift_right_arithmetic3A_2275 : i32
    %mul3A_2277 = arith.constant 64 : i32
    %mul3A_2278 = arith.muli %shift_right_arithmetic3A_2276, %mul3A_2277 : i32
    %dma_start3A_2279 = tpu.memref_slice %arg4[%add3A_2274, %mul3A_2278] : memref<409600x128xf32, #tpu.memory_space<hbm>> -> memref<256x64xf32, #tpu.memory_space<hbm>>
    %dma_start3A_2280 = tpu.memref_slice %arg4[%add3A_2274, %mul3A_2278] : memref<409600x128xf32, #tpu.memory_space<hbm>> -> memref<256x64xf32, #tpu.memory_space<hbm>>
    tpu.enqueue_dma source(%arg16 : memref<256x64xf32, #tpu.memory_space<vmem>>) target(%dma_start3A_2280 : memref<256x64xf32, #tpu.memory_space<hbm>>) target_semaphore(%arg24 : memref<!tpu.dma_semaphore, #tpu.memory_space<semaphore_mem>>)
    %jit3A_2281 = arith.constant 2 : i32
    %div3A_2282 = arith.divsi %mul3A_2, %jit3A_2281 : i32
    %sign3A_2283 = arith.constant 0 : i32
    %sign3A_2284 = arith.cmpi sgt, %mul3A_2, %sign3A_2283 : i32
    %sign3A_2285 = arith.extui %sign3A_2284 : i1 to i32
    %sign3A_2286 = arith.constant 0 : i32
    %sign3A_2287 = arith.cmpi slt, %mul3A_2, %sign3A_2286 : i32
    %sign3A_2288 = arith.extui %sign3A_2287 : i1 to i32
    %sign3A_2289 = arith.subi %sign3A_2285, %sign3A_2288 : i32
    %sign3A_2290 = arith.constant 0 : i32
    %sign3A_2291 = arith.cmpi sgt, %jit3A_2281, %sign3A_2290 : i32
    %sign3A_2292 = arith.extui %sign3A_2291 : i1 to i32
    %sign3A_2293 = arith.constant 0 : i32
    %sign3A_2294 = arith.cmpi slt, %jit3A_2281, %sign3A_2293 : i32
    %sign3A_2295 = arith.extui %sign3A_2294 : i1 to i32
    %sign3A_2296 = arith.subi %sign3A_2292, %sign3A_2295 : i32
    %ne3A_2297 = arith.cmpi ne, %sign3A_2289, %sign3A_2296 : i32
    %rem3A_2298 = arith.remsi %mul3A_2, %jit3A_2281 : i32
    %ne3A_2299 = arith.constant 0 : i32
    %ne3A_2300 = arith.cmpi ne, %rem3A_2298, %ne3A_2299 : i32
    %and3A_2301 = arith.andi %ne3A_2297, %ne3A_2300 : i1
    %sub3A_2302 = arith.constant 1 : i32
    %sub3A_2303 = arith.subi %div3A_2282, %sub3A_2302 : i32
    %select_n3A_2304 = arith.select %and3A_2301, %sub3A_2303, %div3A_2282 : i32
    %dma_wait3A_2305 = arith.constant 0 : i32
    %dma_wait3A_2306 = tpu.memref_slice %arg4[%select_n3A_2304, %dma_wait3A_2305] : memref<409600x128xf32, #tpu.memory_space<hbm>> -> memref<256x64xf32, #tpu.memory_space<hbm>>
    %dma_wait3A_2307 = arith.constant 0 : i32
    %dma_wait3A_2308 = tpu.memref_slice %arg4[%select_n3A_2304, %dma_wait3A_2307] : memref<409600x128xf32, #tpu.memory_space<hbm>> -> memref<256x64xf32, #tpu.memory_space<hbm>>
    tpu.wait_dma2 semaphore(%arg22 : memref<!tpu.dma_semaphore, #tpu.memory_space<semaphore_mem>>) src(%arg14 : memref<256x64xf32, #tpu.memory_space<vmem>>) dst(%dma_wait3A_2308 : memref<256x64xf32, #tpu.memory_space<hbm>>)
    %add3A_2309 = arith.constant 1280 : i32
    %add3A_2310 = arith.addi %mul3A_2, %add3A_2309 : i32
    "tpu.region"() ({
      %run_scoped3A = tpu.sem_alloc : memref<!tpu.dma_semaphore, #tpu.memory_space<semaphore_mem>>
      %dma_start3A_2863 = tpu.memref_slice %arg2[%add3A_2310] : memref<819200xi32, #tpu.memory_space<hbm>> -> memref<256xi32, #tpu.memory_space<hbm>>
      %dma_start3A_2864 = tpu.memref_slice %arg2[%add3A_2310] : memref<819200xi32, #tpu.memory_space<hbm>> -> memref<256xi32, #tpu.memory_space<hbm>>
      tpu.enqueue_dma source(%dma_start3A_2864 : memref<256xi32, #tpu.memory_space<hbm>>) target(%arg6 : memref<256xi32, #tpu.memory_space<vmem>>) target_semaphore(%run_scoped3A : memref<!tpu.dma_semaphore, #tpu.memory_space<semaphore_mem>>)
      %dma_wait3A_2865 = tpu.memref_slice %arg2[%add3A_2310] : memref<819200xi32, #tpu.memory_space<hbm>> -> memref<256xi32, #tpu.memory_space<hbm>>
      %dma_wait3A_2866 = tpu.memref_slice %arg2[%add3A_2310] : memref<819200xi32, #tpu.memory_space<hbm>> -> memref<256xi32, #tpu.memory_space<hbm>>
      tpu.wait_dma2 semaphore(%run_scoped3A : memref<!tpu.dma_semaphore, #tpu.memory_space<semaphore_mem>>) src(%dma_wait3A_2866 : memref<256xi32, #tpu.memory_space<hbm>>) dst(%arg6 : memref<256xi32, #tpu.memory_space<vmem>>)
      tpu.yield
    }) : () -> ()
    %get3A_2311 = arith.constant 0 : index
    %get3A_2312 = tpu.vector_load %arg6[%get3A_2311] {strides = array<i32>} : memref<256xi32, #tpu.memory_space<vmem>>, vector<16xi32>,
    %get3A_2313 = vector.shape_cast %get3A_2312 : vector<16xi32> to vector<16xi32>
    %shift_right_arithmetic3A_2314 = arith.constant 14 : i32
    %shift_right_arithmetic3A_2315 = vector.broadcast %shift_right_arithmetic3A_2314 : i32 to vector<16xi32>
    %shift_right_arithmetic3A_2316 = arith.shrsi %get3A_2313, %shift_right_arithmetic3A_2315 : vector<16xi32>
    %shift_left3A_2317 = arith.constant 14 : i32
    %shift_left3A_2318 = vector.broadcast %shift_left3A_2317 : i32 to vector<16xi32>
    %shift_left3A_2319 = arith.shli %shift_right_arithmetic3A_2316, %shift_left3A_2318 : vector<16xi32>
    %and3A_2320 = arith.constant 8191 : i32
    %and3A_2321 = vector.broadcast %and3A_2320 : i32 to vector<16xi32>
    %and3A_2322 = arith.andi %get3A_2313, %and3A_2321 : vector<16xi32>
    %shift_left3A_2323 = arith.constant 1 : i32
    %shift_left3A_2324 = vector.broadcast %shift_left3A_2323 : i32 to vector<16xi32>
    %shift_left3A_2325 = arith.shli %and3A_2322, %shift_left3A_2324 : vector<16xi32>
    %or3A_2326 = arith.ori %shift_left3A_2319, %shift_left3A_2325 : vector<16xi32>
    %shift_right_arithmetic3A_2327 = arith.constant 13 : i32
    %shift_right_arithmetic3A_2328 = vector.broadcast %shift_right_arithmetic3A_2327 : i32 to vector<16xi32>
    %shift_right_arithmetic3A_2329 = arith.shrsi %get3A_2313, %shift_right_arithmetic3A_2328 : vector<16xi32>
    %and3A_2330 = arith.constant 1 : i32
    %and3A_2331 = vector.broadcast %and3A_2330 : i32 to vector<16xi32>
    %and3A_2332 = arith.andi %shift_right_arithmetic3A_2329, %and3A_2331 : vector<16xi32>
    %or3A_2333 = arith.ori %or3A_2326, %and3A_2332 : vector<16xi32>
    %swap3A_2334 = arith.constant 0 : index
    %swap3A_2335 = tpu.vector_load %arg10[%swap3A_2334] {strides = array<i32>} : memref<256xi32, #tpu.memory_space<vmem>>, vector<16xi32>,
    %swap3A_2336 = vector.shape_cast %swap3A_2335 : vector<16xi32> to vector<16xi32>
    %swap3A_2337 = vector.shape_cast %or3A_2333 : vector<16xi32> to vector<16xi32>
    tpu.vector_store %arg10[%swap3A_2334], %swap3A_2337 {strides = array<i32>} : memref<256xi32, #tpu.memory_space<vmem>>, vector<16xi32>,
    %get3A_2338 = arith.constant 16 : index
    %get3A_2339 = tpu.vector_load %arg6[%get3A_2338] {strides = array<i32>} : memref<256xi32, #tpu.memory_space<vmem>>, vector<16xi32>,
    %get3A_2340 = vector.shape_cast %get3A_2339 : vector<16xi32> to vector<16xi32>
    %shift_right_arithmetic3A_2341 = arith.constant 14 : i32
    %shift_right_arithmetic3A_2342 = vector.broadcast %shift_right_arithmetic3A_2341 : i32 to vector<16xi32>
    %shift_right_arithmetic3A_2343 = arith.shrsi %get3A_2340, %shift_right_arithmetic3A_2342 : vector<16xi32>
    %shift_left3A_2344 = arith.constant 14 : i32
    %shift_left3A_2345 = vector.broadcast %shift_left3A_2344 : i32 to vector<16xi32>
    %shift_left3A_2346 = arith.shli %shift_right_arithmetic3A_2343, %shift_left3A_2345 : vector<16xi32>
    %and3A_2347 = arith.constant 8191 : i32
    %and3A_2348 = vector.broadcast %and3A_2347 : i32 to vector<16xi32>
    %and3A_2349 = arith.andi %get3A_2340, %and3A_2348 : vector<16xi32>
    %shift_left3A_2350 = arith.constant 1 : i32
    %shift_left3A_2351 = vector.broadcast %shift_left3A_2350 : i32 to vector<16xi32>
    %shift_left3A_2352 = arith.shli %and3A_2349, %shift_left3A_2351 : vector<16xi32>
    %or3A_2353 = arith.ori %shift_left3A_2346, %shift_left3A_2352 : vector<16xi32>
    %shift_right_arithmetic3A_2354 = arith.constant 13 : i32
    %shift_right_arithmetic3A_2355 = vector.broadcast %shift_right_arithmetic3A_2354 : i32 to vector<16xi32>
    %shift_right_arithmetic3A_2356 = arith.shrsi %get3A_2340, %shift_right_arithmetic3A_2355 : vector<16xi32>
    %and3A_2357 = arith.constant 1 : i32
    %and3A_2358 = vector.broadcast %and3A_2357 : i32 to vector<16xi32>
    %and3A_2359 = arith.andi %shift_right_arithmetic3A_2356, %and3A_2358 : vector<16xi32>
    %or3A_2360 = arith.ori %or3A_2353, %and3A_2359 : vector<16xi32>
    %swap3A_2361 = arith.constant 16 : index
    %swap3A_2362 = tpu.vector_load %arg10[%swap3A_2361] {strides = array<i32>} : memref<256xi32, #tpu.memory_space<vmem>>, vector<16xi32>,
    %swap3A_2363 = vector.shape_cast %swap3A_2362 : vector<16xi32> to vector<16xi32>
    %swap3A_2364 = vector.shape_cast %or3A_2360 : vector<16xi32> to vector<16xi32>
    tpu.vector_store %arg10[%swap3A_2361], %swap3A_2364 {strides = array<i32>} : memref<256xi32, #tpu.memory_space<vmem>>, vector<16xi32>,
    %get3A_2365 = arith.constant 32 : index
    %get3A_2366 = tpu.vector_load %arg6[%get3A_2365] {strides = array<i32>} : memref<256xi32, #tpu.memory_space<vmem>>, vector<16xi32>,
    %get3A_2367 = vector.shape_cast %get3A_2366 : vector<16xi32> to vector<16xi32>
    %shift_right_arithmetic3A_2368 = arith.constant 14 : i32
    %shift_right_arithmetic3A_2369 = vector.broadcast %shift_right_arithmetic3A_2368 : i32 to vector<16xi32>
    %shift_right_arithmetic3A_2370 = arith.shrsi %get3A_2367, %shift_right_arithmetic3A_2369 : vector<16xi32>
    %shift_left3A_2371 = arith.constant 14 : i32
    %shift_left3A_2372 = vector.broadcast %shift_left3A_2371 : i32 to vector<16xi32>
    %shift_left3A_2373 = arith.shli %shift_right_arithmetic3A_2370, %shift_left3A_2372 : vector<16xi32>
    %and3A_2374 = arith.constant 8191 : i32
    %and3A_2375 = vector.broadcast %and3A_2374 : i32 to vector<16xi32>
    %and3A_2376 = arith.andi %get3A_2367, %and3A_2375 : vector<16xi32>
    %shift_left3A_2377 = arith.constant 1 : i32
    %shift_left3A_2378 = vector.broadcast %shift_left3A_2377 : i32 to vector<16xi32>
    %shift_left3A_2379 = arith.shli %and3A_2376, %shift_left3A_2378 : vector<16xi32>
    %or3A_2380 = arith.ori %shift_left3A_2373, %shift_left3A_2379 : vector<16xi32>
    %shift_right_arithmetic3A_2381 = arith.constant 13 : i32
    %shift_right_arithmetic3A_2382 = vector.broadcast %shift_right_arithmetic3A_2381 : i32 to vector<16xi32>
    %shift_right_arithmetic3A_2383 = arith.shrsi %get3A_2367, %shift_right_arithmetic3A_2382 : vector<16xi32>
    %and3A_2384 = arith.constant 1 : i32
    %and3A_2385 = vector.broadcast %and3A_2384 : i32 to vector<16xi32>
    %and3A_2386 = arith.andi %shift_right_arithmetic3A_2383, %and3A_2385 : vector<16xi32>
    %or3A_2387 = arith.ori %or3A_2380, %and3A_2386 : vector<16xi32>
    %swap3A_2388 = arith.constant 32 : index
    %swap3A_2389 = tpu.vector_load %arg10[%swap3A_2388] {strides = array<i32>} : memref<256xi32, #tpu.memory_space<vmem>>, vector<16xi32>,
    %swap3A_2390 = vector.shape_cast %swap3A_2389 : vector<16xi32> to vector<16xi32>
    %swap3A_2391 = vector.shape_cast %or3A_2387 : vector<16xi32> to vector<16xi32>
    tpu.vector_store %arg10[%swap3A_2388], %swap3A_2391 {strides = array<i32>} : memref<256xi32, #tpu.memory_space<vmem>>, vector<16xi32>,
    %get3A_2392 = arith.constant 48 : index
    %get3A_2393 = tpu.vector_load %arg6[%get3A_2392] {strides = array<i32>} : memref<256xi32, #tpu.memory_space<vmem>>, vector<16xi32>,
    %get3A_2394 = vector.shape_cast %get3A_2393 : vector<16xi32> to vector<16xi32>
    %shift_right_arithmetic3A_2395 = arith.constant 14 : i32
    %shift_right_arithmetic3A_2396 = vector.broadcast %shift_right_arithmetic3A_2395 : i32 to vector<16xi32>
    %shift_right_arithmetic3A_2397 = arith.shrsi %get3A_2394, %shift_right_arithmetic3A_2396 : vector<16xi32>
    %shift_left3A_2398 = arith.constant 14 : i32
    %shift_left3A_2399 = vector.broadcast %shift_left3A_2398 : i32 to vector<16xi32>
    %shift_left3A_2400 = arith.shli %shift_right_arithmetic3A_2397, %shift_left3A_2399 : vector<16xi32>
    %and3A_2401 = arith.constant 8191 : i32
    %and3A_2402 = vector.broadcast %and3A_2401 : i32 to vector<16xi32>
    %and3A_2403 = arith.andi %get3A_2394, %and3A_2402 : vector<16xi32>
    %shift_left3A_2404 = arith.constant 1 : i32
    %shift_left3A_2405 = vector.broadcast %shift_left3A_2404 : i32 to vector<16xi32>
    %shift_left3A_2406 = arith.shli %and3A_2403, %shift_left3A_2405 : vector<16xi32>
    %or3A_2407 = arith.ori %shift_left3A_2400, %shift_left3A_2406 : vector<16xi32>
    %shift_right_arithmetic3A_2408 = arith.constant 13 : i32
    %shift_right_arithmetic3A_2409 = vector.broadcast %shift_right_arithmetic3A_2408 : i32 to vector<16xi32>
    %shift_right_arithmetic3A_2410 = arith.shrsi %get3A_2394, %shift_right_arithmetic3A_2409 : vector<16xi32>
    %and3A_2411 = arith.constant 1 : i32
    %and3A_2412 = vector.broadcast %and3A_2411 : i32 to vector<16xi32>
    %and3A_2413 = arith.andi %shift_right_arithmetic3A_2410, %and3A_2412 : vector<16xi32>
    %or3A_2414 = arith.ori %or3A_2407, %and3A_2413 : vector<16xi32>
    %swap3A_2415 = arith.constant 48 : index
    %swap3A_2416 = tpu.vector_load %arg10[%swap3A_2415] {strides = array<i32>} : memref<256xi32, #tpu.memory_space<vmem>>, vector<16xi32>,
    %swap3A_2417 = vector.shape_cast %swap3A_2416 : vector<16xi32> to vector<16xi32>
    %swap3A_2418 = vector.shape_cast %or3A_2414 : vector<16xi32> to vector<16xi32>
    tpu.vector_store %arg10[%swap3A_2415], %swap3A_2418 {strides = array<i32>} : memref<256xi32, #tpu.memory_space<vmem>>, vector<16xi32>,
    %get3A_2419 = arith.constant 64 : index
    %get3A_2420 = tpu.vector_load %arg6[%get3A_2419] {strides = array<i32>} : memref<256xi32, #tpu.memory_space<vmem>>, vector<16xi32>,
    %get3A_2421 = vector.shape_cast %get3A_2420 : vector<16xi32> to vector<16xi32>
    %shift_right_arithmetic3A_2422 = arith.constant 14 : i32
    %shift_right_arithmetic3A_2423 = vector.broadcast %shift_right_arithmetic3A_2422 : i32 to vector<16xi32>
    %shift_right_arithmetic3A_2424 = arith.shrsi %get3A_2421, %shift_right_arithmetic3A_2423 : vector<16xi32>
    %shift_left3A_2425 = arith.constant 14 : i32
    %shift_left3A_2426 = vector.broadcast %shift_left3A_2425 : i32 to vector<16xi32>
    %shift_left3A_2427 = arith.shli %shift_right_arithmetic3A_2424, %shift_left3A_2426 : vector<16xi32>
    %and3A_2428 = arith.constant 8191 : i32
    %and3A_2429 = vector.broadcast %and3A_2428 : i32 to vector<16xi32>
    %and3A_2430 = arith.andi %get3A_2421, %and3A_2429 : vector<16xi32>
    %shift_left3A_2431 = arith.constant 1 : i32
    %shift_left3A_2432 = vector.broadcast %shift_left3A_2431 : i32 to vector<16xi32>
    %shift_left3A_2433 = arith.shli %and3A_2430, %shift_left3A_2432 : vector<16xi32>
    %or3A_2434 = arith.ori %shift_left3A_2427, %shift_left3A_2433 : vector<16xi32>
    %shift_right_arithmetic3A_2435 = arith.constant 13 : i32
    %shift_right_arithmetic3A_2436 = vector.broadcast %shift_right_arithmetic3A_2435 : i32 to vector<16xi32>
    %shift_right_arithmetic3A_2437 = arith.shrsi %get3A_2421, %shift_right_arithmetic3A_2436 : vector<16xi32>
    %and3A_2438 = arith.constant 1 : i32
    %and3A_2439 = vector.broadcast %and3A_2438 : i32 to vector<16xi32>
    %and3A_2440 = arith.andi %shift_right_arithmetic3A_2437, %and3A_2439 : vector<16xi32>
    %or3A_2441 = arith.ori %or3A_2434, %and3A_2440 : vector<16xi32>
    %swap3A_2442 = arith.constant 64 : index
    %swap3A_2443 = tpu.vector_load %arg10[%swap3A_2442] {strides = array<i32>} : memref<256xi32, #tpu.memory_space<vmem>>, vector<16xi32>,
    %swap3A_2444 = vector.shape_cast %swap3A_2443 : vector<16xi32> to vector<16xi32>
    %swap3A_2445 = vector.shape_cast %or3A_2441 : vector<16xi32> to vector<16xi32>
    tpu.vector_store %arg10[%swap3A_2442], %swap3A_2445 {strides = array<i32>} : memref<256xi32, #tpu.memory_space<vmem>>, vector<16xi32>,
    %get3A_2446 = arith.constant 80 : index
    %get3A_2447 = tpu.vector_load %arg6[%get3A_2446] {strides = array<i32>} : memref<256xi32, #tpu.memory_space<vmem>>, vector<16xi32>,
    %get3A_2448 = vector.shape_cast %get3A_2447 : vector<16xi32> to vector<16xi32>
    %shift_right_arithmetic3A_2449 = arith.constant 14 : i32
    %shift_right_arithmetic3A_2450 = vector.broadcast %shift_right_arithmetic3A_2449 : i32 to vector<16xi32>
    %shift_right_arithmetic3A_2451 = arith.shrsi %get3A_2448, %shift_right_arithmetic3A_2450 : vector<16xi32>
    %shift_left3A_2452 = arith.constant 14 : i32
    %shift_left3A_2453 = vector.broadcast %shift_left3A_2452 : i32 to vector<16xi32>
    %shift_left3A_2454 = arith.shli %shift_right_arithmetic3A_2451, %shift_left3A_2453 : vector<16xi32>
    %and3A_2455 = arith.constant 8191 : i32
    %and3A_2456 = vector.broadcast %and3A_2455 : i32 to vector<16xi32>
    %and3A_2457 = arith.andi %get3A_2448, %and3A_2456 : vector<16xi32>
    %shift_left3A_2458 = arith.constant 1 : i32
    %shift_left3A_2459 = vector.broadcast %shift_left3A_2458 : i32 to vector<16xi32>
    %shift_left3A_2460 = arith.shli %and3A_2457, %shift_left3A_2459 : vector<16xi32>
    %or3A_2461 = arith.ori %shift_left3A_2454, %shift_left3A_2460 : vector<16xi32>
    %shift_right_arithmetic3A_2462 = arith.constant 13 : i32
    %shift_right_arithmetic3A_2463 = vector.broadcast %shift_right_arithmetic3A_2462 : i32 to vector<16xi32>
    %shift_right_arithmetic3A_2464 = arith.shrsi %get3A_2448, %shift_right_arithmetic3A_2463 : vector<16xi32>
    %and3A_2465 = arith.constant 1 : i32
    %and3A_2466 = vector.broadcast %and3A_2465 : i32 to vector<16xi32>
    %and3A_2467 = arith.andi %shift_right_arithmetic3A_2464, %and3A_2466 : vector<16xi32>
    %or3A_2468 = arith.ori %or3A_2461, %and3A_2467 : vector<16xi32>
    %swap3A_2469 = arith.constant 80 : index
    %swap3A_2470 = tpu.vector_load %arg10[%swap3A_2469] {strides = array<i32>} : memref<256xi32, #tpu.memory_space<vmem>>, vector<16xi32>,
    %swap3A_2471 = vector.shape_cast %swap3A_2470 : vector<16xi32> to vector<16xi32>
    %swap3A_2472 = vector.shape_cast %or3A_2468 : vector<16xi32> to vector<16xi32>
    tpu.vector_store %arg10[%swap3A_2469], %swap3A_2472 {strides = array<i32>} : memref<256xi32, #tpu.memory_space<vmem>>, vector<16xi32>,
    %get3A_2473 = arith.constant 96 : index
    %get3A_2474 = tpu.vector_load %arg6[%get3A_2473] {strides = array<i32>} : memref<256xi32, #tpu.memory_space<vmem>>, vector<16xi32>,
    %get3A_2475 = vector.shape_cast %get3A_2474 : vector<16xi32> to vector<16xi32>
    %shift_right_arithmetic3A_2476 = arith.constant 14 : i32
    %shift_right_arithmetic3A_2477 = vector.broadcast %shift_right_arithmetic3A_2476 : i32 to vector<16xi32>
    %shift_right_arithmetic3A_2478 = arith.shrsi %get3A_2475, %shift_right_arithmetic3A_2477 : vector<16xi32>
    %shift_left3A_2479 = arith.constant 14 : i32
    %shift_left3A_2480 = vector.broadcast %shift_left3A_2479 : i32 to vector<16xi32>
    %shift_left3A_2481 = arith.shli %shift_right_arithmetic3A_2478, %shift_left3A_2480 : vector<16xi32>
    %and3A_2482 = arith.constant 8191 : i32
    %and3A_2483 = vector.broadcast %and3A_2482 : i32 to vector<16xi32>
    %and3A_2484 = arith.andi %get3A_2475, %and3A_2483 : vector<16xi32>
    %shift_left3A_2485 = arith.constant 1 : i32
    %shift_left3A_2486 = vector.broadcast %shift_left3A_2485 : i32 to vector<16xi32>
    %shift_left3A_2487 = arith.shli %and3A_2484, %shift_left3A_2486 : vector<16xi32>
    %or3A_2488 = arith.ori %shift_left3A_2481, %shift_left3A_2487 : vector<16xi32>
    %shift_right_arithmetic3A_2489 = arith.constant 13 : i32
    %shift_right_arithmetic3A_2490 = vector.broadcast %shift_right_arithmetic3A_2489 : i32 to vector<16xi32>
    %shift_right_arithmetic3A_2491 = arith.shrsi %get3A_2475, %shift_right_arithmetic3A_2490 : vector<16xi32>
    %and3A_2492 = arith.constant 1 : i32
    %and3A_2493 = vector.broadcast %and3A_2492 : i32 to vector<16xi32>
    %and3A_2494 = arith.andi %shift_right_arithmetic3A_2491, %and3A_2493 : vector<16xi32>
    %or3A_2495 = arith.ori %or3A_2488, %and3A_2494 : vector<16xi32>
    %swap3A_2496 = arith.constant 96 : index
    %swap3A_2497 = tpu.vector_load %arg10[%swap3A_2496] {strides = array<i32>} : memref<256xi32, #tpu.memory_space<vmem>>, vector<16xi32>,
    %swap3A_2498 = vector.shape_cast %swap3A_2497 : vector<16xi32> to vector<16xi32>
    %swap3A_2499 = vector.shape_cast %or3A_2495 : vector<16xi32> to vector<16xi32>
    tpu.vector_store %arg10[%swap3A_2496], %swap3A_2499 {strides = array<i32>} : memref<256xi32, #tpu.memory_space<vmem>>, vector<16xi32>,
    %get3A_2500 = arith.constant 112 : index
    %get3A_2501 = tpu.vector_load %arg6[%get3A_2500] {strides = array<i32>} : memref<256xi32, #tpu.memory_space<vmem>>, vector<16xi32>,
    %get3A_2502 = vector.shape_cast %get3A_2501 : vector<16xi32> to vector<16xi32>
    %shift_right_arithmetic3A_2503 = arith.constant 14 : i32
    %shift_right_arithmetic3A_2504 = vector.broadcast %shift_right_arithmetic3A_2503 : i32 to vector<16xi32>
    %shift_right_arithmetic3A_2505 = arith.shrsi %get3A_2502, %shift_right_arithmetic3A_2504 : vector<16xi32>
    %shift_left3A_2506 = arith.constant 14 : i32
    %shift_left3A_2507 = vector.broadcast %shift_left3A_2506 : i32 to vector<16xi32>
    %shift_left3A_2508 = arith.shli %shift_right_arithmetic3A_2505, %shift_left3A_2507 : vector<16xi32>
    %and3A_2509 = arith.constant 8191 : i32
    %and3A_2510 = vector.broadcast %and3A_2509 : i32 to vector<16xi32>
    %and3A_2511 = arith.andi %get3A_2502, %and3A_2510 : vector<16xi32>
    %shift_left3A_2512 = arith.constant 1 : i32
    %shift_left3A_2513 = vector.broadcast %shift_left3A_2512 : i32 to vector<16xi32>
    %shift_left3A_2514 = arith.shli %and3A_2511, %shift_left3A_2513 : vector<16xi32>
    %or3A_2515 = arith.ori %shift_left3A_2508, %shift_left3A_2514 : vector<16xi32>
    %shift_right_arithmetic3A_2516 = arith.constant 13 : i32
    %shift_right_arithmetic3A_2517 = vector.broadcast %shift_right_arithmetic3A_2516 : i32 to vector<16xi32>
    %shift_right_arithmetic3A_2518 = arith.shrsi %get3A_2502, %shift_right_arithmetic3A_2517 : vector<16xi32>
    %and3A_2519 = arith.constant 1 : i32
    %and3A_2520 = vector.broadcast %and3A_2519 : i32 to vector<16xi32>
    %and3A_2521 = arith.andi %shift_right_arithmetic3A_2518, %and3A_2520 : vector<16xi32>
    %or3A_2522 = arith.ori %or3A_2515, %and3A_2521 : vector<16xi32>
    %swap3A_2523 = arith.constant 112 : index
    %swap3A_2524 = tpu.vector_load %arg10[%swap3A_2523] {strides = array<i32>} : memref<256xi32, #tpu.memory_space<vmem>>, vector<16xi32>,
    %swap3A_2525 = vector.shape_cast %swap3A_2524 : vector<16xi32> to vector<16xi32>
    %swap3A_2526 = vector.shape_cast %or3A_2522 : vector<16xi32> to vector<16xi32>
    tpu.vector_store %arg10[%swap3A_2523], %swap3A_2526 {strides = array<i32>} : memref<256xi32, #tpu.memory_space<vmem>>, vector<16xi32>,
    %get3A_2527 = arith.constant 128 : index
    %get3A_2528 = tpu.vector_load %arg6[%get3A_2527] {strides = array<i32>} : memref<256xi32, #tpu.memory_space<vmem>>, vector<16xi32>,
    %get3A_2529 = vector.shape_cast %get3A_2528 : vector<16xi32> to vector<16xi32>
    %shift_right_arithmetic3A_2530 = arith.constant 14 : i32
    %shift_right_arithmetic3A_2531 = vector.broadcast %shift_right_arithmetic3A_2530 : i32 to vector<16xi32>
    %shift_right_arithmetic3A_2532 = arith.shrsi %get3A_2529, %shift_right_arithmetic3A_2531 : vector<16xi32>
    %shift_left3A_2533 = arith.constant 14 : i32
    %shift_left3A_2534 = vector.broadcast %shift_left3A_2533 : i32 to vector<16xi32>
    %shift_left3A_2535 = arith.shli %shift_right_arithmetic3A_2532, %shift_left3A_2534 : vector<16xi32>
    %and3A_2536 = arith.constant 8191 : i32
    %and3A_2537 = vector.broadcast %and3A_2536 : i32 to vector<16xi32>
    %and3A_2538 = arith.andi %get3A_2529, %and3A_2537 : vector<16xi32>
    %shift_left3A_2539 = arith.constant 1 : i32
    %shift_left3A_2540 = vector.broadcast %shift_left3A_2539 : i32 to vector<16xi32>
    %shift_left3A_2541 = arith.shli %and3A_2538, %shift_left3A_2540 : vector<16xi32>
    %or3A_2542 = arith.ori %shift_left3A_2535, %shift_left3A_2541 : vector<16xi32>
    %shift_right_arithmetic3A_2543 = arith.constant 13 : i32
    %shift_right_arithmetic3A_2544 = vector.broadcast %shift_right_arithmetic3A_2543 : i32 to vector<16xi32>
    %shift_right_arithmetic3A_2545 = arith.shrsi %get3A_2529, %shift_right_arithmetic3A_2544 : vector<16xi32>
    %and3A_2546 = arith.constant 1 : i32
    %and3A_2547 = vector.broadcast %and3A_2546 : i32 to vector<16xi32>
    %and3A_2548 = arith.andi %shift_right_arithmetic3A_2545, %and3A_2547 : vector<16xi32>
    %or3A_2549 = arith.ori %or3A_2542, %and3A_2548 : vector<16xi32>
    %swap3A_2550 = arith.constant 128 : index
    %swap3A_2551 = tpu.vector_load %arg10[%swap3A_2550] {strides = array<i32>} : memref<256xi32, #tpu.memory_space<vmem>>, vector<16xi32>,
    %swap3A_2552 = vector.shape_cast %swap3A_2551 : vector<16xi32> to vector<16xi32>
    %swap3A_2553 = vector.shape_cast %or3A_2549 : vector<16xi32> to vector<16xi32>
    tpu.vector_store %arg10[%swap3A_2550], %swap3A_2553 {strides = array<i32>} : memref<256xi32, #tpu.memory_space<vmem>>, vector<16xi32>,
    %get3A_2554 = arith.constant 144 : index
    %get3A_2555 = tpu.vector_load %arg6[%get3A_2554] {strides = array<i32>} : memref<256xi32, #tpu.memory_space<vmem>>, vector<16xi32>,
    %get3A_2556 = vector.shape_cast %get3A_2555 : vector<16xi32> to vector<16xi32>
    %shift_right_arithmetic3A_2557 = arith.constant 14 : i32
    %shift_right_arithmetic3A_2558 = vector.broadcast %shift_right_arithmetic3A_2557 : i32 to vector<16xi32>
    %shift_right_arithmetic3A_2559 = arith.shrsi %get3A_2556, %shift_right_arithmetic3A_2558 : vector<16xi32>
    %shift_left3A_2560 = arith.constant 14 : i32
    %shift_left3A_2561 = vector.broadcast %shift_left3A_2560 : i32 to vector<16xi32>
    %shift_left3A_2562 = arith.shli %shift_right_arithmetic3A_2559, %shift_left3A_2561 : vector<16xi32>
    %and3A_2563 = arith.constant 8191 : i32
    %and3A_2564 = vector.broadcast %and3A_2563 : i32 to vector<16xi32>
    %and3A_2565 = arith.andi %get3A_2556, %and3A_2564 : vector<16xi32>
    %shift_left3A_2566 = arith.constant 1 : i32
    %shift_left3A_2567 = vector.broadcast %shift_left3A_2566 : i32 to vector<16xi32>
    %shift_left3A_2568 = arith.shli %and3A_2565, %shift_left3A_2567 : vector<16xi32>
    %or3A_2569 = arith.ori %shift_left3A_2562, %shift_left3A_2568 : vector<16xi32>
    %shift_right_arithmetic3A_2570 = arith.constant 13 : i32
    %shift_right_arithmetic3A_2571 = vector.broadcast %shift_right_arithmetic3A_2570 : i32 to vector<16xi32>
    %shift_right_arithmetic3A_2572 = arith.shrsi %get3A_2556, %shift_right_arithmetic3A_2571 : vector<16xi32>
    %and3A_2573 = arith.constant 1 : i32
    %and3A_2574 = vector.broadcast %and3A_2573 : i32 to vector<16xi32>
    %and3A_2575 = arith.andi %shift_right_arithmetic3A_2572, %and3A_2574 : vector<16xi32>
    %or3A_2576 = arith.ori %or3A_2569, %and3A_2575 : vector<16xi32>
    %swap3A_2577 = arith.constant 144 : index
    %swap3A_2578 = tpu.vector_load %arg10[%swap3A_2577] {strides = array<i32>} : memref<256xi32, #tpu.memory_space<vmem>>, vector<16xi32>,
    %swap3A_2579 = vector.shape_cast %swap3A_2578 : vector<16xi32> to vector<16xi32>
    %swap3A_2580 = vector.shape_cast %or3A_2576 : vector<16xi32> to vector<16xi32>
    tpu.vector_store %arg10[%swap3A_2577], %swap3A_2580 {strides = array<i32>} : memref<256xi32, #tpu.memory_space<vmem>>, vector<16xi32>,
    %get3A_2581 = arith.constant 160 : index
    %get3A_2582 = tpu.vector_load %arg6[%get3A_2581] {strides = array<i32>} : memref<256xi32, #tpu.memory_space<vmem>>, vector<16xi32>,
    %get3A_2583 = vector.shape_cast %get3A_2582 : vector<16xi32> to vector<16xi32>
    %shift_right_arithmetic3A_2584 = arith.constant 14 : i32
    %shift_right_arithmetic3A_2585 = vector.broadcast %shift_right_arithmetic3A_2584 : i32 to vector<16xi32>
    %shift_right_arithmetic3A_2586 = arith.shrsi %get3A_2583, %shift_right_arithmetic3A_2585 : vector<16xi32>
    %shift_left3A_2587 = arith.constant 14 : i32
    %shift_left3A_2588 = vector.broadcast %shift_left3A_2587 : i32 to vector<16xi32>
    %shift_left3A_2589 = arith.shli %shift_right_arithmetic3A_2586, %shift_left3A_2588 : vector<16xi32>
    %and3A_2590 = arith.constant 8191 : i32
    %and3A_2591 = vector.broadcast %and3A_2590 : i32 to vector<16xi32>
    %and3A_2592 = arith.andi %get3A_2583, %and3A_2591 : vector<16xi32>
    %shift_left3A_2593 = arith.constant 1 : i32
    %shift_left3A_2594 = vector.broadcast %shift_left3A_2593 : i32 to vector<16xi32>
    %shift_left3A_2595 = arith.shli %and3A_2592, %shift_left3A_2594 : vector<16xi32>
    %or3A_2596 = arith.ori %shift_left3A_2589, %shift_left3A_2595 : vector<16xi32>
    %shift_right_arithmetic3A_2597 = arith.constant 13 : i32
    %shift_right_arithmetic3A_2598 = vector.broadcast %shift_right_arithmetic3A_2597 : i32 to vector<16xi32>
    %shift_right_arithmetic3A_2599 = arith.shrsi %get3A_2583, %shift_right_arithmetic3A_2598 : vector<16xi32>
    %and3A_2600 = arith.constant 1 : i32
    %and3A_2601 = vector.broadcast %and3A_2600 : i32 to vector<16xi32>
    %and3A_2602 = arith.andi %shift_right_arithmetic3A_2599, %and3A_2601 : vector<16xi32>
    %or3A_2603 = arith.ori %or3A_2596, %and3A_2602 : vector<16xi32>
    %swap3A_2604 = arith.constant 160 : index
    %swap3A_2605 = tpu.vector_load %arg10[%swap3A_2604] {strides = array<i32>} : memref<256xi32, #tpu.memory_space<vmem>>, vector<16xi32>,
    %swap3A_2606 = vector.shape_cast %swap3A_2605 : vector<16xi32> to vector<16xi32>
    %swap3A_2607 = vector.shape_cast %or3A_2603 : vector<16xi32> to vector<16xi32>
    tpu.vector_store %arg10[%swap3A_2604], %swap3A_2607 {strides = array<i32>} : memref<256xi32, #tpu.memory_space<vmem>>, vector<16xi32>,
    %get3A_2608 = arith.constant 176 : index
    %get3A_2609 = tpu.vector_load %arg6[%get3A_2608] {strides = array<i32>} : memref<256xi32, #tpu.memory_space<vmem>>, vector<16xi32>,
    %get3A_2610 = vector.shape_cast %get3A_2609 : vector<16xi32> to vector<16xi32>
    %shift_right_arithmetic3A_2611 = arith.constant 14 : i32
    %shift_right_arithmetic3A_2612 = vector.broadcast %shift_right_arithmetic3A_2611 : i32 to vector<16xi32>
    %shift_right_arithmetic3A_2613 = arith.shrsi %get3A_2610, %shift_right_arithmetic3A_2612 : vector<16xi32>
    %shift_left3A_2614 = arith.constant 14 : i32
    %shift_left3A_2615 = vector.broadcast %shift_left3A_2614 : i32 to vector<16xi32>
    %shift_left3A_2616 = arith.shli %shift_right_arithmetic3A_2613, %shift_left3A_2615 : vector<16xi32>
    %and3A_2617 = arith.constant 8191 : i32
    %and3A_2618 = vector.broadcast %and3A_2617 : i32 to vector<16xi32>
    %and3A_2619 = arith.andi %get3A_2610, %and3A_2618 : vector<16xi32>
    %shift_left3A_2620 = arith.constant 1 : i32
    %shift_left3A_2621 = vector.broadcast %shift_left3A_2620 : i32 to vector<16xi32>
    %shift_left3A_2622 = arith.shli %and3A_2619, %shift_left3A_2621 : vector<16xi32>
    %or3A_2623 = arith.ori %shift_left3A_2616, %shift_left3A_2622 : vector<16xi32>
    %shift_right_arithmetic3A_2624 = arith.constant 13 : i32
    %shift_right_arithmetic3A_2625 = vector.broadcast %shift_right_arithmetic3A_2624 : i32 to vector<16xi32>
    %shift_right_arithmetic3A_2626 = arith.shrsi %get3A_2610, %shift_right_arithmetic3A_2625 : vector<16xi32>
    %and3A_2627 = arith.constant 1 : i32
    %and3A_2628 = vector.broadcast %and3A_2627 : i32 to vector<16xi32>
    %and3A_2629 = arith.andi %shift_right_arithmetic3A_2626, %and3A_2628 : vector<16xi32>
    %or3A_2630 = arith.ori %or3A_2623, %and3A_2629 : vector<16xi32>
    %swap3A_2631 = arith.constant 176 : index
    %swap3A_2632 = tpu.vector_load %arg10[%swap3A_2631] {strides = array<i32>} : memref<256xi32, #tpu.memory_space<vmem>>, vector<16xi32>,
    %swap3A_2633 = vector.shape_cast %swap3A_2632 : vector<16xi32> to vector<16xi32>
    %swap3A_2634 = vector.shape_cast %or3A_2630 : vector<16xi32> to vector<16xi32>
    tpu.vector_store %arg10[%swap3A_2631], %swap3A_2634 {strides = array<i32>} : memref<256xi32, #tpu.memory_space<vmem>>, vector<16xi32>,
    %get3A_2635 = arith.constant 192 : index
    %get3A_2636 = tpu.vector_load %arg6[%get3A_2635] {strides = array<i32>} : memref<256xi32, #tpu.memory_space<vmem>>, vector<16xi32>,
    %get3A_2637 = vector.shape_cast %get3A_2636 : vector<16xi32> to vector<16xi32>
    %shift_right_arithmetic3A_2638 = arith.constant 14 : i32
    %shift_right_arithmetic3A_2639 = vector.broadcast %shift_right_arithmetic3A_2638 : i32 to vector<16xi32>
    %shift_right_arithmetic3A_2640 = arith.shrsi %get3A_2637, %shift_right_arithmetic3A_2639 : vector<16xi32>
    %shift_left3A_2641 = arith.constant 14 : i32
    %shift_left3A_2642 = vector.broadcast %shift_left3A_2641 : i32 to vector<16xi32>
    %shift_left3A_2643 = arith.shli %shift_right_arithmetic3A_2640, %shift_left3A_2642 : vector<16xi32>
    %and3A_2644 = arith.constant 8191 : i32
    %and3A_2645 = vector.broadcast %and3A_2644 : i32 to vector<16xi32>
    %and3A_2646 = arith.andi %get3A_2637, %and3A_2645 : vector<16xi32>
    %shift_left3A_2647 = arith.constant 1 : i32
    %shift_left3A_2648 = vector.broadcast %shift_left3A_2647 : i32 to vector<16xi32>
    %shift_left3A_2649 = arith.shli %and3A_2646, %shift_left3A_2648 : vector<16xi32>
    %or3A_2650 = arith.ori %shift_left3A_2643, %shift_left3A_2649 : vector<16xi32>
    %shift_right_arithmetic3A_2651 = arith.constant 13 : i32
    %shift_right_arithmetic3A_2652 = vector.broadcast %shift_right_arithmetic3A_2651 : i32 to vector<16xi32>
    %shift_right_arithmetic3A_2653 = arith.shrsi %get3A_2637, %shift_right_arithmetic3A_2652 : vector<16xi32>
    %and3A_2654 = arith.constant 1 : i32
    %and3A_2655 = vector.broadcast %and3A_2654 : i32 to vector<16xi32>
    %and3A_2656 = arith.andi %shift_right_arithmetic3A_2653, %and3A_2655 : vector<16xi32>
    %or3A_2657 = arith.ori %or3A_2650, %and3A_2656 : vector<16xi32>
    %swap3A_2658 = arith.constant 192 : index
    %swap3A_2659 = tpu.vector_load %arg10[%swap3A_2658] {strides = array<i32>} : memref<256xi32, #tpu.memory_space<vmem>>, vector<16xi32>,
    %swap3A_2660 = vector.shape_cast %swap3A_2659 : vector<16xi32> to vector<16xi32>
    %swap3A_2661 = vector.shape_cast %or3A_2657 : vector<16xi32> to vector<16xi32>
    tpu.vector_store %arg10[%swap3A_2658], %swap3A_2661 {strides = array<i32>} : memref<256xi32, #tpu.memory_space<vmem>>, vector<16xi32>,
    %get3A_2662 = arith.constant 208 : index
    %get3A_2663 = tpu.vector_load %arg6[%get3A_2662] {strides = array<i32>} : memref<256xi32, #tpu.memory_space<vmem>>, vector<16xi32>,
    %get3A_2664 = vector.shape_cast %get3A_2663 : vector<16xi32> to vector<16xi32>
    %shift_right_arithmetic3A_2665 = arith.constant 14 : i32
    %shift_right_arithmetic3A_2666 = vector.broadcast %shift_right_arithmetic3A_2665 : i32 to vector<16xi32>
    %shift_right_arithmetic3A_2667 = arith.shrsi %get3A_2664, %shift_right_arithmetic3A_2666 : vector<16xi32>
    %shift_left3A_2668 = arith.constant 14 : i32
    %shift_left3A_2669 = vector.broadcast %shift_left3A_2668 : i32 to vector<16xi32>
    %shift_left3A_2670 = arith.shli %shift_right_arithmetic3A_2667, %shift_left3A_2669 : vector<16xi32>
    %and3A_2671 = arith.constant 8191 : i32
    %and3A_2672 = vector.broadcast %and3A_2671 : i32 to vector<16xi32>
    %and3A_2673 = arith.andi %get3A_2664, %and3A_2672 : vector<16xi32>
    %shift_left3A_2674 = arith.constant 1 : i32
    %shift_left3A_2675 = vector.broadcast %shift_left3A_2674 : i32 to vector<16xi32>
    %shift_left3A_2676 = arith.shli %and3A_2673, %shift_left3A_2675 : vector<16xi32>
    %or3A_2677 = arith.ori %shift_left3A_2670, %shift_left3A_2676 : vector<16xi32>
    %shift_right_arithmetic3A_2678 = arith.constant 13 : i32
    %shift_right_arithmetic3A_2679 = vector.broadcast %shift_right_arithmetic3A_2678 : i32 to vector<16xi32>
    %shift_right_arithmetic3A_2680 = arith.shrsi %get3A_2664, %shift_right_arithmetic3A_2679 : vector<16xi32>
    %and3A_2681 = arith.constant 1 : i32
    %and3A_2682 = vector.broadcast %and3A_2681 : i32 to vector<16xi32>
    %and3A_2683 = arith.andi %shift_right_arithmetic3A_2680, %and3A_2682 : vector<16xi32>
    %or3A_2684 = arith.ori %or3A_2677, %and3A_2683 : vector<16xi32>
    %swap3A_2685 = arith.constant 208 : index
    %swap3A_2686 = tpu.vector_load %arg10[%swap3A_2685] {strides = array<i32>} : memref<256xi32, #tpu.memory_space<vmem>>, vector<16xi32>,
    %swap3A_2687 = vector.shape_cast %swap3A_2686 : vector<16xi32> to vector<16xi32>
    %swap3A_2688 = vector.shape_cast %or3A_2684 : vector<16xi32> to vector<16xi32>
    tpu.vector_store %arg10[%swap3A_2685], %swap3A_2688 {strides = array<i32>} : memref<256xi32, #tpu.memory_space<vmem>>, vector<16xi32>,
    %get3A_2689 = arith.constant 224 : index
    %get3A_2690 = tpu.vector_load %arg6[%get3A_2689] {strides = array<i32>} : memref<256xi32, #tpu.memory_space<vmem>>, vector<16xi32>,
    %get3A_2691 = vector.shape_cast %get3A_2690 : vector<16xi32> to vector<16xi32>
    %shift_right_arithmetic3A_2692 = arith.constant 14 : i32
    %shift_right_arithmetic3A_2693 = vector.broadcast %shift_right_arithmetic3A_2692 : i32 to vector<16xi32>
    %shift_right_arithmetic3A_2694 = arith.shrsi %get3A_2691, %shift_right_arithmetic3A_2693 : vector<16xi32>
    %shift_left3A_2695 = arith.constant 14 : i32
    %shift_left3A_2696 = vector.broadcast %shift_left3A_2695 : i32 to vector<16xi32>
    %shift_left3A_2697 = arith.shli %shift_right_arithmetic3A_2694, %shift_left3A_2696 : vector<16xi32>
    %and3A_2698 = arith.constant 8191 : i32
    %and3A_2699 = vector.broadcast %and3A_2698 : i32 to vector<16xi32>
    %and3A_2700 = arith.andi %get3A_2691, %and3A_2699 : vector<16xi32>
    %shift_left3A_2701 = arith.constant 1 : i32
    %shift_left3A_2702 = vector.broadcast %shift_left3A_2701 : i32 to vector<16xi32>
    %shift_left3A_2703 = arith.shli %and3A_2700, %shift_left3A_2702 : vector<16xi32>
    %or3A_2704 = arith.ori %shift_left3A_2697, %shift_left3A_2703 : vector<16xi32>
    %shift_right_arithmetic3A_2705 = arith.constant 13 : i32
    %shift_right_arithmetic3A_2706 = vector.broadcast %shift_right_arithmetic3A_2705 : i32 to vector<16xi32>
    %shift_right_arithmetic3A_2707 = arith.shrsi %get3A_2691, %shift_right_arithmetic3A_2706 : vector<16xi32>
    %and3A_2708 = arith.constant 1 : i32
    %and3A_2709 = vector.broadcast %and3A_2708 : i32 to vector<16xi32>
    %and3A_2710 = arith.andi %shift_right_arithmetic3A_2707, %and3A_2709 : vector<16xi32>
    %or3A_2711 = arith.ori %or3A_2704, %and3A_2710 : vector<16xi32>
    %swap3A_2712 = arith.constant 224 : index
    %swap3A_2713 = tpu.vector_load %arg10[%swap3A_2712] {strides = array<i32>} : memref<256xi32, #tpu.memory_space<vmem>>, vector<16xi32>,
    %swap3A_2714 = vector.shape_cast %swap3A_2713 : vector<16xi32> to vector<16xi32>
    %swap3A_2715 = vector.shape_cast %or3A_2711 : vector<16xi32> to vector<16xi32>
    tpu.vector_store %arg10[%swap3A_2712], %swap3A_2715 {strides = array<i32>} : memref<256xi32, #tpu.memory_space<vmem>>, vector<16xi32>,
    %get3A_2716 = arith.constant 240 : index
    %get3A_2717 = tpu.vector_load %arg6[%get3A_2716] {strides = array<i32>} : memref<256xi32, #tpu.memory_space<vmem>>, vector<16xi32>,
    %get3A_2718 = vector.shape_cast %get3A_2717 : vector<16xi32> to vector<16xi32>
    %shift_right_arithmetic3A_2719 = arith.constant 14 : i32
    %shift_right_arithmetic3A_2720 = vector.broadcast %shift_right_arithmetic3A_2719 : i32 to vector<16xi32>
    %shift_right_arithmetic3A_2721 = arith.shrsi %get3A_2718, %shift_right_arithmetic3A_2720 : vector<16xi32>
    %shift_left3A_2722 = arith.constant 14 : i32
    %shift_left3A_2723 = vector.broadcast %shift_left3A_2722 : i32 to vector<16xi32>
    %shift_left3A_2724 = arith.shli %shift_right_arithmetic3A_2721, %shift_left3A_2723 : vector<16xi32>
    %and3A_2725 = arith.constant 8191 : i32
    %and3A_2726 = vector.broadcast %and3A_2725 : i32 to vector<16xi32>
    %and3A_2727 = arith.andi %get3A_2718, %and3A_2726 : vector<16xi32>
    %shift_left3A_2728 = arith.constant 1 : i32
    %shift_left3A_2729 = vector.broadcast %shift_left3A_2728 : i32 to vector<16xi32>
    %shift_left3A_2730 = arith.shli %and3A_2727, %shift_left3A_2729 : vector<16xi32>
    %or3A_2731 = arith.ori %shift_left3A_2724, %shift_left3A_2730 : vector<16xi32>
    %shift_right_arithmetic3A_2732 = arith.constant 13 : i32
    %shift_right_arithmetic3A_2733 = vector.broadcast %shift_right_arithmetic3A_2732 : i32 to vector<16xi32>
    %shift_right_arithmetic3A_2734 = arith.shrsi %get3A_2718, %shift_right_arithmetic3A_2733 : vector<16xi32>
    %and3A_2735 = arith.constant 1 : i32
    %and3A_2736 = vector.broadcast %and3A_2735 : i32 to vector<16xi32>
    %and3A_2737 = arith.andi %shift_right_arithmetic3A_2734, %and3A_2736 : vector<16xi32>
    %or3A_2738 = arith.ori %or3A_2731, %and3A_2737 : vector<16xi32>
    %swap3A_2739 = arith.constant 240 : index
    %swap3A_2740 = tpu.vector_load %arg10[%swap3A_2739] {strides = array<i32>} : memref<256xi32, #tpu.memory_space<vmem>>, vector<16xi32>,
    %swap3A_2741 = vector.shape_cast %swap3A_2740 : vector<16xi32> to vector<16xi32>
    %swap3A_2742 = vector.shape_cast %or3A_2738 : vector<16xi32> to vector<16xi32>
    tpu.vector_store %arg10[%swap3A_2739], %swap3A_2742 {strides = array<i32>} : memref<256xi32, #tpu.memory_space<vmem>>, vector<16xi32>,
    %dma_start3A_2743 = arith.constant 0 : i32
    %dma_start3A_2744 = arith.constant 0 : i32
    %dma_start3A_2745 = tpu.memref_slice %arg3[%dma_start3A_2743, %dma_start3A_2744] : memref<1015808x64xf32, #tpu.memory_space<hbm>> -> memref<1015808x64xf32, #tpu.memory_space<hbm>>
    tpu.enqueue_indirect_dma source(%dma_start3A_2745 : memref<1015808x64xf32, #tpu.memory_space<hbm>>) target(%arg14 : memref<256x64xf32, #tpu.memory_space<vmem>>) offsets(%arg10 : memref<256xi32, #tpu.memory_space<vmem>>) semaphore(%arg18 : memref<!tpu.dma_semaphore, #tpu.memory_space<semaphore_mem>>)
    %scan3A = arith.constant 0 : i32
    %scan3A_2746 = arith.constant 1 : i32
    %scan3A_2747 = arith.constant 24 : i32
    %scan3A_2748 = arith.addi %scan3A_2746, %scan3A_2747 : i32
    %scan3A_2749 = arith.constant 1 : i32
    scf.for %scan3A_2863 = %scan3A_2746 to %scan3A_2748 step %scan3A_2749  : i32 {
      %mul3A_2864 = arith.constant 4 : i32
      %mul3A_2865 = arith.muli %scan3A_2863, %mul3A_2864 : i32
      %add3A_2866 = arith.constant 0 : i32
      %add3A_2867 = arith.addi %mul3A_2865, %add3A_2866 : i32
      %dma_wait3A_2868 = arith.constant 0 : i32
      %dma_wait3A_2869 = arith.constant 0 : i32
      %dma_wait3A_2870 = tpu.memref_slice %arg3[%dma_wait3A_2868, %dma_wait3A_2869] : memref<1015808x64xf32, #tpu.memory_space<hbm>> -> memref<1015808x64xf32, #tpu.memory_space<hbm>>
      tpu.wait_indirect_dma semaphore(%arg17 : memref<!tpu.dma_semaphore, #tpu.memory_space<semaphore_mem>>) src(%dma_wait3A_2870 : memref<1015808x64xf32, #tpu.memory_space<hbm>>) dst(%arg13 : memref<256x64xf32, #tpu.memory_space<vmem>>)
      %mul3A_2871 = arith.constant 256 : i32
      %mul3A_2872 = arith.muli %add3A_2867, %mul3A_2871 : i32
      %add3A_2873 = arith.addi %mul3A_2, %mul3A_2872 : i32
      %and3A_2874 = arith.constant 2047 : i32
      %and3A_2875 = arith.andi %add3A_2873, %and3A_2874 : i32
      %shift_right_arithmetic3A_2876 = arith.constant 11 : i32
      %shift_right_arithmetic3A_2877 = arith.shrsi %add3A_2873, %shift_right_arithmetic3A_2876 : i32
      %mul3A_2878 = arith.constant 1024 : i32
      %mul3A_2879 = arith.muli %shift_right_arithmetic3A_2877, %mul3A_2878 : i32
      %and3A_2880 = arith.constant 1023 : i32
      %and3A_2881 = arith.andi %and3A_2875, %and3A_2880 : i32
      %add3A_2882 = arith.addi %mul3A_2879, %and3A_2881 : i32
      %shift_right_arithmetic3A_2883 = arith.constant 10 : i32
      %shift_right_arithmetic3A_2884 = arith.shrsi %and3A_2875, %shift_right_arithmetic3A_2883 : i32
      %mul3A_2885 = arith.constant 64 : i32
      %mul3A_2886 = arith.muli %shift_right_arithmetic3A_2884, %mul3A_2885 : i32
      %dma_start3A_2887 = tpu.memref_slice %arg4[%add3A_2882, %mul3A_2886] : memref<409600x128xf32, #tpu.memory_space<hbm>> -> memref<256x64xf32, #tpu.memory_space<hbm>>
      %dma_start3A_2888 = tpu.memref_slice %arg4[%add3A_2882, %mul3A_2886] : memref<409600x128xf32, #tpu.memory_space<hbm>> -> memref<256x64xf32, #tpu.memory_space<hbm>>
      tpu.enqueue_dma source(%arg13 : memref<256x64xf32, #tpu.memory_space<vmem>>) target(%dma_start3A_2888 : memref<256x64xf32, #tpu.memory_space<hbm>>) target_semaphore(%arg21 : memref<!tpu.dma_semaphore, #tpu.memory_space<semaphore_mem>>)
      %add3A_2889 = arith.constant 2 : i32
      %add3A_2890 = arith.addi %add3A_2867, %add3A_2889 : i32
      %lt3A = arith.constant 100 : i32
      %lt3A_2891 = arith.cmpi slt, %add3A_2890, %lt3A : i32
      %convert_element_type3A = arith.extui %lt3A_2891 : i1 to i32
      %cond3A = arith.constant 0 : i32
      %cond3A_2892 = arith.cmpi ne, %convert_element_type3A, %cond3A : i32
      scf.if %cond3A_2892 {
        %jit3A_2989 = arith.constant 2 : i32
        %div3A_2990 = arith.divsi %mul3A_2, %jit3A_2989 : i32
        %sign3A_2991 = arith.constant 0 : i32
        %sign3A_2992 = arith.cmpi sgt, %mul3A_2, %sign3A_2991 : i32
        %sign3A_2993 = arith.extui %sign3A_2992 : i1 to i32
        %sign3A_2994 = arith.constant 0 : i32
        %sign3A_2995 = arith.cmpi slt, %mul3A_2, %sign3A_2994 : i32
        %sign3A_2996 = arith.extui %sign3A_2995 : i1 to i32
        %sign3A_2997 = arith.subi %sign3A_2993, %sign3A_2996 : i32
        %sign3A_2998 = arith.constant 0 : i32
        %sign3A_2999 = arith.cmpi sgt, %jit3A_2989, %sign3A_2998 : i32
        %sign3A_3000 = arith.extui %sign3A_2999 : i1 to i32
        %sign3A_3001 = arith.constant 0 : i32
        %sign3A_3002 = arith.cmpi slt, %jit3A_2989, %sign3A_3001 : i32
        %sign3A_3003 = arith.extui %sign3A_3002 : i1 to i32
        %sign3A_3004 = arith.subi %sign3A_3000, %sign3A_3003 : i32
        %ne3A_3005 = arith.cmpi ne, %sign3A_2997, %sign3A_3004 : i32
        %rem3A_3006 = arith.remsi %mul3A_2, %jit3A_2989 : i32
        %ne3A_3007 = arith.constant 0 : i32
        %ne3A_3008 = arith.cmpi ne, %rem3A_3006, %ne3A_3007 : i32
        %and3A_3009 = arith.andi %ne3A_3005, %ne3A_3008 : i1
        %sub3A_3010 = arith.constant 1 : i32
        %sub3A_3011 = arith.subi %div3A_2990, %sub3A_3010 : i32
        %select_n3A_3012 = arith.select %and3A_3009, %sub3A_3011, %div3A_2990 : i32
        %dma_wait3A_3013 = arith.constant 0 : i32
        %dma_wait3A_3014 = tpu.memref_slice %arg4[%select_n3A_3012, %dma_wait3A_3013] : memref<409600x128xf32, #tpu.memory_space<hbm>> -> memref<256x64xf32, #tpu.memory_space<hbm>>
        %dma_wait3A_3015 = arith.constant 0 : i32
        %dma_wait3A_3016 = tpu.memref_slice %arg4[%select_n3A_3012, %dma_wait3A_3015] : memref<409600x128xf32, #tpu.memory_space<hbm>> -> memref<256x64xf32, #tpu.memory_space<hbm>>
        tpu.wait_dma2 semaphore(%arg23 : memref<!tpu.dma_semaphore, #tpu.memory_space<semaphore_mem>>) src(%arg15 : memref<256x64xf32, #tpu.memory_space<vmem>>) dst(%dma_wait3A_3016 : memref<256x64xf32, #tpu.memory_space<hbm>>)
        %mul3A_3017 = arith.constant 256 : i32
        %mul3A_3018 = arith.muli %add3A_2890, %mul3A_3017 : i32
        %add3A_3019 = arith.addi %mul3A_2, %mul3A_3018 : i32
        "tpu.region"() ({
          %run_scoped3A = tpu.sem_alloc : memref<!tpu.dma_semaphore, #tpu.memory_space<semaphore_mem>>
          %dma_start3A_3455 = tpu.memref_slice %arg2[%add3A_3019] : memref<819200xi32, #tpu.memory_space<hbm>> -> memref<256xi32, #tpu.memory_space<hbm>>
          %dma_start3A_3456 = tpu.memref_slice %arg2[%add3A_3019] : memref<819200xi32, #tpu.memory_space<hbm>> -> memref<256xi32, #tpu.memory_space<hbm>>
          tpu.enqueue_dma source(%dma_start3A_3456 : memref<256xi32, #tpu.memory_space<hbm>>) target(%arg7 : memref<256xi32, #tpu.memory_space<vmem>>) target_semaphore(%run_scoped3A : memref<!tpu.dma_semaphore, #tpu.memory_space<semaphore_mem>>)
          %dma_wait3A_3457 = tpu.memref_slice %arg2[%add3A_3019] : memref<819200xi32, #tpu.memory_space<hbm>> -> memref<256xi32, #tpu.memory_space<hbm>>
          %dma_wait3A_3458 = tpu.memref_slice %arg2[%add3A_3019] : memref<819200xi32, #tpu.memory_space<hbm>> -> memref<256xi32, #tpu.memory_space<hbm>>
          tpu.wait_dma2 semaphore(%run_scoped3A : memref<!tpu.dma_semaphore, #tpu.memory_space<semaphore_mem>>) src(%dma_wait3A_3458 : memref<256xi32, #tpu.memory_space<hbm>>) dst(%arg7 : memref<256xi32, #tpu.memory_space<vmem>>)
          tpu.yield
        }) : () -> ()
        %get3A_3020 = arith.constant 0 : index
        %get3A_3021 = tpu.vector_load %arg7[%get3A_3020] {strides = array<i32>} : memref<256xi32, #tpu.memory_space<vmem>>, vector<16xi32>,
        %get3A_3022 = vector.shape_cast %get3A_3021 : vector<16xi32> to vector<16xi32>
        %shift_right_arithmetic3A_3023 = arith.constant 14 : i32
        %shift_right_arithmetic3A_3024 = vector.broadcast %shift_right_arithmetic3A_3023 : i32 to vector<16xi32>
        %shift_right_arithmetic3A_3025 = arith.shrsi %get3A_3022, %shift_right_arithmetic3A_3024 : vector<16xi32>
        %shift_left3A_3026 = arith.constant 14 : i32
        %shift_left3A_3027 = vector.broadcast %shift_left3A_3026 : i32 to vector<16xi32>
        %shift_left3A_3028 = arith.shli %shift_right_arithmetic3A_3025, %shift_left3A_3027 : vector<16xi32>
        %and3A_3029 = arith.constant 8191 : i32
        %and3A_3030 = vector.broadcast %and3A_3029 : i32 to vector<16xi32>
        %and3A_3031 = arith.andi %get3A_3022, %and3A_3030 : vector<16xi32>
        %shift_left3A_3032 = arith.constant 1 : i32
        %shift_left3A_3033 = vector.broadcast %shift_left3A_3032 : i32 to vector<16xi32>
        %shift_left3A_3034 = arith.shli %and3A_3031, %shift_left3A_3033 : vector<16xi32>
        %or3A_3035 = arith.ori %shift_left3A_3028, %shift_left3A_3034 : vector<16xi32>
        %shift_right_arithmetic3A_3036 = arith.constant 13 : i32
        %shift_right_arithmetic3A_3037 = vector.broadcast %shift_right_arithmetic3A_3036 : i32 to vector<16xi32>
        %shift_right_arithmetic3A_3038 = arith.shrsi %get3A_3022, %shift_right_arithmetic3A_3037 : vector<16xi32>
        %and3A_3039 = arith.constant 1 : i32
        %and3A_3040 = vector.broadcast %and3A_3039 : i32 to vector<16xi32>
        %and3A_3041 = arith.andi %shift_right_arithmetic3A_3038, %and3A_3040 : vector<16xi32>
        %or3A_3042 = arith.ori %or3A_3035, %and3A_3041 : vector<16xi32>
        %swap3A_3043 = arith.constant 0 : index
        %swap3A_3044 = tpu.vector_load %arg11[%swap3A_3043] {strides = array<i32>} : memref<256xi32, #tpu.memory_space<vmem>>, vector<16xi32>,
        %swap3A_3045 = vector.shape_cast %swap3A_3044 : vector<16xi32> to vector<16xi32>
        %swap3A_3046 = vector.shape_cast %or3A_3042 : vector<16xi32> to vector<16xi32>
        tpu.vector_store %arg11[%swap3A_3043], %swap3A_3046 {strides = array<i32>} : memref<256xi32, #tpu.memory_space<vmem>>, vector<16xi32>,
        %get3A_3047 = arith.constant 16 : index
        %get3A_3048 = tpu.vector_load %arg7[%get3A_3047] {strides = array<i32>} : memref<256xi32, #tpu.memory_space<vmem>>, vector<16xi32>,
        %get3A_3049 = vector.shape_cast %get3A_3048 : vector<16xi32> to vector<16xi32>
        %shift_right_arithmetic3A_3050 = arith.constant 14 : i32
        %shift_right_arithmetic3A_3051 = vector.broadcast %shift_right_arithmetic3A_3050 : i32 to vector<16xi32>
        %shift_right_arithmetic3A_3052 = arith.shrsi %get3A_3049, %shift_right_arithmetic3A_3051 : vector<16xi32>
        %shift_left3A_3053 = arith.constant 14 : i32
        %shift_left3A_3054 = vector.broadcast %shift_left3A_3053 : i32 to vector<16xi32>
        %shift_left3A_3055 = arith.shli %shift_right_arithmetic3A_3052, %shift_left3A_3054 : vector<16xi32>
        %and3A_3056 = arith.constant 8191 : i32
        %and3A_3057 = vector.broadcast %and3A_3056 : i32 to vector<16xi32>
        %and3A_3058 = arith.andi %get3A_3049, %and3A_3057 : vector<16xi32>
        %shift_left3A_3059 = arith.constant 1 : i32
        %shift_left3A_3060 = vector.broadcast %shift_left3A_3059 : i32 to vector<16xi32>
        %shift_left3A_3061 = arith.shli %and3A_3058, %shift_left3A_3060 : vector<16xi32>
        %or3A_3062 = arith.ori %shift_left3A_3055, %shift_left3A_3061 : vector<16xi32>
        %shift_right_arithmetic3A_3063 = arith.constant 13 : i32
        %shift_right_arithmetic3A_3064 = vector.broadcast %shift_right_arithmetic3A_3063 : i32 to vector<16xi32>
        %shift_right_arithmetic3A_3065 = arith.shrsi %get3A_3049, %shift_right_arithmetic3A_3064 : vector<16xi32>
        %and3A_3066 = arith.constant 1 : i32
        %and3A_3067 = vector.broadcast %and3A_3066 : i32 to vector<16xi32>
        %and3A_3068 = arith.andi %shift_right_arithmetic3A_3065, %and3A_3067 : vector<16xi32>
        %or3A_3069 = arith.ori %or3A_3062, %and3A_3068 : vector<16xi32>
        %swap3A_3070 = arith.constant 16 : index
        %swap3A_3071 = tpu.vector_load %arg11[%swap3A_3070] {strides = array<i32>} : memref<256xi32, #tpu.memory_space<vmem>>, vector<16xi32>,
        %swap3A_3072 = vector.shape_cast %swap3A_3071 : vector<16xi32> to vector<16xi32>
        %swap3A_3073 = vector.shape_cast %or3A_3069 : vector<16xi32> to vector<16xi32>
        tpu.vector_store %arg11[%swap3A_3070], %swap3A_3073 {strides = array<i32>} : memref<256xi32, #tpu.memory_space<vmem>>, vector<16xi32>,
        %get3A_3074 = arith.constant 32 : index
        %get3A_3075 = tpu.vector_load %arg7[%get3A_3074] {strides = array<i32>} : memref<256xi32, #tpu.memory_space<vmem>>, vector<16xi32>,
        %get3A_3076 = vector.shape_cast %get3A_3075 : vector<16xi32> to vector<16xi32>
        %shift_right_arithmetic3A_3077 = arith.constant 14 : i32
        %shift_right_arithmetic3A_3078 = vector.broadcast %shift_right_arithmetic3A_3077 : i32 to vector<16xi32>
        %shift_right_arithmetic3A_3079 = arith.shrsi %get3A_3076, %shift_right_arithmetic3A_3078 : vector<16xi32>
        %shift_left3A_3080 = arith.constant 14 : i32
        %shift_left3A_3081 = vector.broadcast %shift_left3A_3080 : i32 to vector<16xi32>
        %shift_left3A_3082 = arith.shli %shift_right_arithmetic3A_3079, %shift_left3A_3081 : vector<16xi32>
        %and3A_3083 = arith.constant 8191 : i32
        %and3A_3084 = vector.broadcast %and3A_3083 : i32 to vector<16xi32>
        %and3A_3085 = arith.andi %get3A_3076, %and3A_3084 : vector<16xi32>
        %shift_left3A_3086 = arith.constant 1 : i32
        %shift_left3A_3087 = vector.broadcast %shift_left3A_3086 : i32 to vector<16xi32>
        %shift_left3A_3088 = arith.shli %and3A_3085, %shift_left3A_3087 : vector<16xi32>
        %or3A_3089 = arith.ori %shift_left3A_3082, %shift_left3A_3088 : vector<16xi32>
        %shift_right_arithmetic3A_3090 = arith.constant 13 : i32
        %shift_right_arithmetic3A_3091 = vector.broadcast %shift_right_arithmetic3A_3090 : i32 to vector<16xi32>
        %shift_right_arithmetic3A_3092 = arith.shrsi %get3A_3076, %shift_right_arithmetic3A_3091 : vector<16xi32>
        %and3A_3093 = arith.constant 1 : i32
        %and3A_3094 = vector.broadcast %and3A_3093 : i32 to vector<16xi32>
        %and3A_3095 = arith.andi %shift_right_arithmetic3A_3092, %and3A_3094 : vector<16xi32>
        %or3A_3096 = arith.ori %or3A_3089, %and3A_3095 : vector<16xi32>
        %swap3A_3097 = arith.constant 32 : index
        %swap3A_3098 = tpu.vector_load %arg11[%swap3A_3097] {strides = array<i32>} : memref<256xi32, #tpu.memory_space<vmem>>, vector<16xi32>,
        %swap3A_3099 = vector.shape_cast %swap3A_3098 : vector<16xi32> to vector<16xi32>
        %swap3A_3100 = vector.shape_cast %or3A_3096 : vector<16xi32> to vector<16xi32>
        tpu.vector_store %arg11[%swap3A_3097], %swap3A_3100 {strides = array<i32>} : memref<256xi32, #tpu.memory_space<vmem>>, vector<16xi32>,
        %get3A_3101 = arith.constant 48 : index
        %get3A_3102 = tpu.vector_load %arg7[%get3A_3101] {strides = array<i32>} : memref<256xi32, #tpu.memory_space<vmem>>, vector<16xi32>,
        %get3A_3103 = vector.shape_cast %get3A_3102 : vector<16xi32> to vector<16xi32>
        %shift_right_arithmetic3A_3104 = arith.constant 14 : i32
        %shift_right_arithmetic3A_3105 = vector.broadcast %shift_right_arithmetic3A_3104 : i32 to vector<16xi32>
        %shift_right_arithmetic3A_3106 = arith.shrsi %get3A_3103, %shift_right_arithmetic3A_3105 : vector<16xi32>
        %shift_left3A_3107 = arith.constant 14 : i32
        %shift_left3A_3108 = vector.broadcast %shift_left3A_3107 : i32 to vector<16xi32>
        %shift_left3A_3109 = arith.shli %shift_right_arithmetic3A_3106, %shift_left3A_3108 : vector<16xi32>
        %and3A_3110 = arith.constant 8191 : i32
        %and3A_3111 = vector.broadcast %and3A_3110 : i32 to vector<16xi32>
        %and3A_3112 = arith.andi %get3A_3103, %and3A_3111 : vector<16xi32>
        %shift_left3A_3113 = arith.constant 1 : i32
        %shift_left3A_3114 = vector.broadcast %shift_left3A_3113 : i32 to vector<16xi32>
        %shift_left3A_3115 = arith.shli %and3A_3112, %shift_left3A_3114 : vector<16xi32>
        %or3A_3116 = arith.ori %shift_left3A_3109, %shift_left3A_3115 : vector<16xi32>
        %shift_right_arithmetic3A_3117 = arith.constant 13 : i32
        %shift_right_arithmetic3A_3118 = vector.broadcast %shift_right_arithmetic3A_3117 : i32 to vector<16xi32>
        %shift_right_arithmetic3A_3119 = arith.shrsi %get3A_3103, %shift_right_arithmetic3A_3118 : vector<16xi32>
        %and3A_3120 = arith.constant 1 : i32
        %and3A_3121 = vector.broadcast %and3A_3120 : i32 to vector<16xi32>
        %and3A_3122 = arith.andi %shift_right_arithmetic3A_3119, %and3A_3121 : vector<16xi32>
        %or3A_3123 = arith.ori %or3A_3116, %and3A_3122 : vector<16xi32>
        %swap3A_3124 = arith.constant 48 : index
        %swap3A_3125 = tpu.vector_load %arg11[%swap3A_3124] {strides = array<i32>} : memref<256xi32, #tpu.memory_space<vmem>>, vector<16xi32>,
        %swap3A_3126 = vector.shape_cast %swap3A_3125 : vector<16xi32> to vector<16xi32>
        %swap3A_3127 = vector.shape_cast %or3A_3123 : vector<16xi32> to vector<16xi32>
        tpu.vector_store %arg11[%swap3A_3124], %swap3A_3127 {strides = array<i32>} : memref<256xi32, #tpu.memory_space<vmem>>, vector<16xi32>,
        %get3A_3128 = arith.constant 64 : index
        %get3A_3129 = tpu.vector_load %arg7[%get3A_3128] {strides = array<i32>} : memref<256xi32, #tpu.memory_space<vmem>>, vector<16xi32>,
        %get3A_3130 = vector.shape_cast %get3A_3129 : vector<16xi32> to vector<16xi32>
        %shift_right_arithmetic3A_3131 = arith.constant 14 : i32
        %shift_right_arithmetic3A_3132 = vector.broadcast %shift_right_arithmetic3A_3131 : i32 to vector<16xi32>
        %shift_right_arithmetic3A_3133 = arith.shrsi %get3A_3130, %shift_right_arithmetic3A_3132 : vector<16xi32>
        %shift_left3A_3134 = arith.constant 14 : i32
        %shift_left3A_3135 = vector.broadcast %shift_left3A_3134 : i32 to vector<16xi32>
        %shift_left3A_3136 = arith.shli %shift_right_arithmetic3A_3133, %shift_left3A_3135 : vector<16xi32>
        %and3A_3137 = arith.constant 8191 : i32
        %and3A_3138 = vector.broadcast %and3A_3137 : i32 to vector<16xi32>
        %and3A_3139 = arith.andi %get3A_3130, %and3A_3138 : vector<16xi32>
        %shift_left3A_3140 = arith.constant 1 : i32
        %shift_left3A_3141 = vector.broadcast %shift_left3A_3140 : i32 to vector<16xi32>
        %shift_left3A_3142 = arith.shli %and3A_3139, %shift_left3A_3141 : vector<16xi32>
        %or3A_3143 = arith.ori %shift_left3A_3136, %shift_left3A_3142 : vector<16xi32>
        %shift_right_arithmetic3A_3144 = arith.constant 13 : i32
        %shift_right_arithmetic3A_3145 = vector.broadcast %shift_right_arithmetic3A_3144 : i32 to vector<16xi32>
        %shift_right_arithmetic3A_3146 = arith.shrsi %get3A_3130, %shift_right_arithmetic3A_3145 : vector<16xi32>
        %and3A_3147 = arith.constant 1 : i32
        %and3A_3148 = vector.broadcast %and3A_3147 : i32 to vector<16xi32>
        %and3A_3149 = arith.andi %shift_right_arithmetic3A_3146, %and3A_3148 : vector<16xi32>
        %or3A_3150 = arith.ori %or3A_3143, %and3A_3149 : vector<16xi32>
        %swap3A_3151 = arith.constant 64 : index
        %swap3A_3152 = tpu.vector_load %arg11[%swap3A_3151] {strides = array<i32>} : memref<256xi32, #tpu.memory_space<vmem>>, vector<16xi32>,
        %swap3A_3153 = vector.shape_cast %swap3A_3152 : vector<16xi32> to vector<16xi32>
        %swap3A_3154 = vector.shape_cast %or3A_3150 : vector<16xi32> to vector<16xi32>
        tpu.vector_store %arg11[%swap3A_3151], %swap3A_3154 {strides = array<i32>} : memref<256xi32, #tpu.memory_space<vmem>>, vector<16xi32>,
        %get3A_3155 = arith.constant 80 : index
        %get3A_3156 = tpu.vector_load %arg7[%get3A_3155] {strides = array<i32>} : memref<256xi32, #tpu.memory_space<vmem>>, vector<16xi32>,
        %get3A_3157 = vector.shape_cast %get3A_3156 : vector<16xi32> to vector<16xi32>
        %shift_right_arithmetic3A_3158 = arith.constant 14 : i32
        %shift_right_arithmetic3A_3159 = vector.broadcast %shift_right_arithmetic3A_3158 : i32 to vector<16xi32>
        %shift_right_arithmetic3A_3160 = arith.shrsi %get3A_3157, %shift_right_arithmetic3A_3159 : vector<16xi32>
        %shift_left3A_3161 = arith.constant 14 : i32
        %shift_left3A_3162 = vector.broadcast %shift_left3A_3161 : i32 to vector<16xi32>
        %shift_left3A_3163 = arith.shli %shift_right_arithmetic3A_3160, %shift_left3A_3162 : vector<16xi32>
        %and3A_3164 = arith.constant 8191 : i32
        %and3A_3165 = vector.broadcast %and3A_3164 : i32 to vector<16xi32>
        %and3A_3166 = arith.andi %get3A_3157, %and3A_3165 : vector<16xi32>
        %shift_left3A_3167 = arith.constant 1 : i32
        %shift_left3A_3168 = vector.broadcast %shift_left3A_3167 : i32 to vector<16xi32>
        %shift_left3A_3169 = arith.shli %and3A_3166, %shift_left3A_3168 : vector<16xi32>
        %or3A_3170 = arith.ori %shift_left3A_3163, %shift_left3A_3169 : vector<16xi32>
        %shift_right_arithmetic3A_3171 = arith.constant 13 : i32
        %shift_right_arithmetic3A_3172 = vector.broadcast %shift_right_arithmetic3A_3171 : i32 to vector<16xi32>
        %shift_right_arithmetic3A_3173 = arith.shrsi %get3A_3157, %shift_right_arithmetic3A_3172 : vector<16xi32>
        %and3A_3174 = arith.constant 1 : i32
        %and3A_3175 = vector.broadcast %and3A_3174 : i32 to vector<16xi32>
        %and3A_3176 = arith.andi %shift_right_arithmetic3A_3173, %and3A_3175 : vector<16xi32>
        %or3A_3177 = arith.ori %or3A_3170, %and3A_3176 : vector<16xi32>
        %swap3A_3178 = arith.constant 80 : index
        %swap3A_3179 = tpu.vector_load %arg11[%swap3A_3178] {strides = array<i32>} : memref<256xi32, #tpu.memory_space<vmem>>, vector<16xi32>,
        %swap3A_3180 = vector.shape_cast %swap3A_3179 : vector<16xi32> to vector<16xi32>
        %swap3A_3181 = vector.shape_cast %or3A_3177 : vector<16xi32> to vector<16xi32>
        tpu.vector_store %arg11[%swap3A_3178], %swap3A_3181 {strides = array<i32>} : memref<256xi32, #tpu.memory_space<vmem>>, vector<16xi32>,
        %get3A_3182 = arith.constant 96 : index
        %get3A_3183 = tpu.vector_load %arg7[%get3A_3182] {strides = array<i32>} : memref<256xi32, #tpu.memory_space<vmem>>, vector<16xi32>,
        %get3A_3184 = vector.shape_cast %get3A_3183 : vector<16xi32> to vector<16xi32>
        %shift_right_arithmetic3A_3185 = arith.constant 14 : i32
        %shift_right_arithmetic3A_3186 = vector.broadcast %shift_right_arithmetic3A_3185 : i32 to vector<16xi32>
        %shift_right_arithmetic3A_3187 = arith.shrsi %get3A_3184, %shift_right_arithmetic3A_3186 : vector<16xi32>
        %shift_left3A_3188 = arith.constant 14 : i32
        %shift_left3A_3189 = vector.broadcast %shift_left3A_3188 : i32 to vector<16xi32>
        %shift_left3A_3190 = arith.shli %shift_right_arithmetic3A_3187, %shift_left3A_3189 : vector<16xi32>
        %and3A_3191 = arith.constant 8191 : i32
        %and3A_3192 = vector.broadcast %and3A_3191 : i32 to vector<16xi32>
        %and3A_3193 = arith.andi %get3A_3184, %and3A_3192 : vector<16xi32>
        %shift_left3A_3194 = arith.constant 1 : i32
        %shift_left3A_3195 = vector.broadcast %shift_left3A_3194 : i32 to vector<16xi32>
        %shift_left3A_3196 = arith.shli %and3A_3193, %shift_left3A_3195 : vector<16xi32>
        %or3A_3197 = arith.ori %shift_left3A_3190, %shift_left3A_3196 : vector<16xi32>
        %shift_right_arithmetic3A_3198 = arith.constant 13 : i32
        %shift_right_arithmetic3A_3199 = vector.broadcast %shift_right_arithmetic3A_3198 : i32 to vector<16xi32>
        %shift_right_arithmetic3A_3200 = arith.shrsi %get3A_3184, %shift_right_arithmetic3A_3199 : vector<16xi32>
        %and3A_3201 = arith.constant 1 : i32
        %and3A_3202 = vector.broadcast %and3A_3201 : i32 to vector<16xi32>
        %and3A_3203 = arith.andi %shift_right_arithmetic3A_3200, %and3A_3202 : vector<16xi32>
        %or3A_3204 = arith.ori %or3A_3197, %and3A_3203 : vector<16xi32>
        %swap3A_3205 = arith.constant 96 : index
        %swap3A_3206 = tpu.vector_load %arg11[%swap3A_3205] {strides = array<i32>} : memref<256xi32, #tpu.memory_space<vmem>>, vector<16xi32>,
        %swap3A_3207 = vector.shape_cast %swap3A_3206 : vector<16xi32> to vector<16xi32>
        %swap3A_3208 = vector.shape_cast %or3A_3204 : vector<16xi32> to vector<16xi32>
        tpu.vector_store %arg11[%swap3A_3205], %swap3A_3208 {strides = array<i32>} : memref<256xi32, #tpu.memory_space<vmem>>, vector<16xi32>,
        %get3A_3209 = arith.constant 112 : index
        %get3A_3210 = tpu.vector_load %arg7[%get3A_3209] {strides = array<i32>} : memref<256xi32, #tpu.memory_space<vmem>>, vector<16xi32>,
        %get3A_3211 = vector.shape_cast %get3A_3210 : vector<16xi32> to vector<16xi32>
        %shift_right_arithmetic3A_3212 = arith.constant 14 : i32
        %shift_right_arithmetic3A_3213 = vector.broadcast %shift_right_arithmetic3A_3212 : i32 to vector<16xi32>
        %shift_right_arithmetic3A_3214 = arith.shrsi %get3A_3211, %shift_right_arithmetic3A_3213 : vector<16xi32>
        %shift_left3A_3215 = arith.constant 14 : i32
        %shift_left3A_3216 = vector.broadcast %shift_left3A_3215 : i32 to vector<16xi32>
        %shift_left3A_3217 = arith.shli %shift_right_arithmetic3A_3214, %shift_left3A_3216 : vector<16xi32>
        %and3A_3218 = arith.constant 8191 : i32
        %and3A_3219 = vector.broadcast %and3A_3218 : i32 to vector<16xi32>
        %and3A_3220 = arith.andi %get3A_3211, %and3A_3219 : vector<16xi32>
        %shift_left3A_3221 = arith.constant 1 : i32
        %shift_left3A_3222 = vector.broadcast %shift_left3A_3221 : i32 to vector<16xi32>
        %shift_left3A_3223 = arith.shli %and3A_3220, %shift_left3A_3222 : vector<16xi32>
        %or3A_3224 = arith.ori %shift_left3A_3217, %shift_left3A_3223 : vector<16xi32>
        %shift_right_arithmetic3A_3225 = arith.constant 13 : i32
        %shift_right_arithmetic3A_3226 = vector.broadcast %shift_right_arithmetic3A_3225 : i32 to vector<16xi32>
        %shift_right_arithmetic3A_3227 = arith.shrsi %get3A_3211, %shift_right_arithmetic3A_3226 : vector<16xi32>
        %and3A_3228 = arith.constant 1 : i32
        %and3A_3229 = vector.broadcast %and3A_3228 : i32 to vector<16xi32>
        %and3A_3230 = arith.andi %shift_right_arithmetic3A_3227, %and3A_3229 : vector<16xi32>
        %or3A_3231 = arith.ori %or3A_3224, %and3A_3230 : vector<16xi32>
        %swap3A_3232 = arith.constant 112 : index
        %swap3A_3233 = tpu.vector_load %arg11[%swap3A_3232] {strides = array<i32>} : memref<256xi32, #tpu.memory_space<vmem>>, vector<16xi32>,
        %swap3A_3234 = vector.shape_cast %swap3A_3233 : vector<16xi32> to vector<16xi32>
        %swap3A_3235 = vector.shape_cast %or3A_3231 : vector<16xi32> to vector<16xi32>
        tpu.vector_store %arg11[%swap3A_3232], %swap3A_3235 {strides = array<i32>} : memref<256xi32, #tpu.memory_space<vmem>>, vector<16xi32>,
        %get3A_3236 = arith.constant 128 : index
        %get3A_3237 = tpu.vector_load %arg7[%get3A_3236] {strides = array<i32>} : memref<256xi32, #tpu.memory_space<vmem>>, vector<16xi32>,
        %get3A_3238 = vector.shape_cast %get3A_3237 : vector<16xi32> to vector<16xi32>
        %shift_right_arithmetic3A_3239 = arith.constant 14 : i32
        %shift_right_arithmetic3A_3240 = vector.broadcast %shift_right_arithmetic3A_3239 : i32 to vector<16xi32>
        %shift_right_arithmetic3A_3241 = arith.shrsi %get3A_3238, %shift_right_arithmetic3A_3240 : vector<16xi32>
        %shift_left3A_3242 = arith.constant 14 : i32
        %shift_left3A_3243 = vector.broadcast %shift_left3A_3242 : i32 to vector<16xi32>
        %shift_left3A_3244 = arith.shli %shift_right_arithmetic3A_3241, %shift_left3A_3243 : vector<16xi32>
        %and3A_3245 = arith.constant 8191 : i32
        %and3A_3246 = vector.broadcast %and3A_3245 : i32 to vector<16xi32>
        %and3A_3247 = arith.andi %get3A_3238, %and3A_3246 : vector<16xi32>
        %shift_left3A_3248 = arith.constant 1 : i32
        %shift_left3A_3249 = vector.broadcast %shift_left3A_3248 : i32 to vector<16xi32>
        %shift_left3A_3250 = arith.shli %and3A_3247, %shift_left3A_3249 : vector<16xi32>
        %or3A_3251 = arith.ori %shift_left3A_3244, %shift_left3A_3250 : vector<16xi32>
        %shift_right_arithmetic3A_3252 = arith.constant 13 : i32
        %shift_right_arithmetic3A_3253 = vector.broadcast %shift_right_arithmetic3A_3252 : i32 to vector<16xi32>
        %shift_right_arithmetic3A_3254 = arith.shrsi %get3A_3238, %shift_right_arithmetic3A_3253 : vector<16xi32>
        %and3A_3255 = arith.constant 1 : i32
        %and3A_3256 = vector.broadcast %and3A_3255 : i32 to vector<16xi32>
        %and3A_3257 = arith.andi %shift_right_arithmetic3A_3254, %and3A_3256 : vector<16xi32>
        %or3A_3258 = arith.ori %or3A_3251, %and3A_3257 : vector<16xi32>
        %swap3A_3259 = arith.constant 128 : index
        %swap3A_3260 = tpu.vector_load %arg11[%swap3A_3259] {strides = array<i32>} : memref<256xi32, #tpu.memory_space<vmem>>, vector<16xi32>,
        %swap3A_3261 = vector.shape_cast %swap3A_3260 : vector<16xi32> to vector<16xi32>
        %swap3A_3262 = vector.shape_cast %or3A_3258 : vector<16xi32> to vector<16xi32>
        tpu.vector_store %arg11[%swap3A_3259], %swap3A_3262 {strides = array<i32>} : memref<256xi32, #tpu.memory_space<vmem>>, vector<16xi32>,
        %get3A_3263 = arith.constant 144 : index
        %get3A_3264 = tpu.vector_load %arg7[%get3A_3263] {strides = array<i32>} : memref<256xi32, #tpu.memory_space<vmem>>, vector<16xi32>,
        %get3A_3265 = vector.shape_cast %get3A_3264 : vector<16xi32> to vector<16xi32>
        %shift_right_arithmetic3A_3266 = arith.constant 14 : i32
        %shift_right_arithmetic3A_3267 = vector.broadcast %shift_right_arithmetic3A_3266 : i32 to vector<16xi32>
        %shift_right_arithmetic3A_3268 = arith.shrsi %get3A_3265, %shift_right_arithmetic3A_3267 : vector<16xi32>
        %shift_left3A_3269 = arith.constant 14 : i32
        %shift_left3A_3270 = vector.broadcast %shift_left3A_3269 : i32 to vector<16xi32>
        %shift_left3A_3271 = arith.shli %shift_right_arithmetic3A_3268, %shift_left3A_3270 : vector<16xi32>
        %and3A_3272 = arith.constant 8191 : i32
        %and3A_3273 = vector.broadcast %and3A_3272 : i32 to vector<16xi32>
        %and3A_3274 = arith.andi %get3A_3265, %and3A_3273 : vector<16xi32>
        %shift_left3A_3275 = arith.constant 1 : i32
        %shift_left3A_3276 = vector.broadcast %shift_left3A_3275 : i32 to vector<16xi32>
        %shift_left3A_3277 = arith.shli %and3A_3274, %shift_left3A_3276 : vector<16xi32>
        %or3A_3278 = arith.ori %shift_left3A_3271, %shift_left3A_3277 : vector<16xi32>
        %shift_right_arithmetic3A_3279 = arith.constant 13 : i32
        %shift_right_arithmetic3A_3280 = vector.broadcast %shift_right_arithmetic3A_3279 : i32 to vector<16xi32>
        %shift_right_arithmetic3A_3281 = arith.shrsi %get3A_3265, %shift_right_arithmetic3A_3280 : vector<16xi32>
        %and3A_3282 = arith.constant 1 : i32
        %and3A_3283 = vector.broadcast %and3A_3282 : i32 to vector<16xi32>
        %and3A_3284 = arith.andi %shift_right_arithmetic3A_3281, %and3A_3283 : vector<16xi32>
        %or3A_3285 = arith.ori %or3A_3278, %and3A_3284 : vector<16xi32>
        %swap3A_3286 = arith.constant 144 : index
        %swap3A_3287 = tpu.vector_load %arg11[%swap3A_3286] {strides = array<i32>} : memref<256xi32, #tpu.memory_space<vmem>>, vector<16xi32>,
        %swap3A_3288 = vector.shape_cast %swap3A_3287 : vector<16xi32> to vector<16xi32>
        %swap3A_3289 = vector.shape_cast %or3A_3285 : vector<16xi32> to vector<16xi32>
        tpu.vector_store %arg11[%swap3A_3286], %swap3A_3289 {strides = array<i32>} : memref<256xi32, #tpu.memory_space<vmem>>, vector<16xi32>,
        %get3A_3290 = arith.constant 160 : index
        %get3A_3291 = tpu.vector_load %arg7[%get3A_3290] {strides = array<i32>} : memref<256xi32, #tpu.memory_space<vmem>>, vector<16xi32>,
        %get3A_3292 = vector.shape_cast %get3A_3291 : vector<16xi32> to vector<16xi32>
        %shift_right_arithmetic3A_3293 = arith.constant 14 : i32
        %shift_right_arithmetic3A_3294 = vector.broadcast %shift_right_arithmetic3A_3293 : i32 to vector<16xi32>
        %shift_right_arithmetic3A_3295 = arith.shrsi %get3A_3292, %shift_right_arithmetic3A_3294 : vector<16xi32>
        %shift_left3A_3296 = arith.constant 14 : i32
        %shift_left3A_3297 = vector.broadcast %shift_left3A_3296 : i32 to vector<16xi32>
        %shift_left3A_3298 = arith.shli %shift_right_arithmetic3A_3295, %shift_left3A_3297 : vector<16xi32>
        %and3A_3299 = arith.constant 8191 : i32
        %and3A_3300 = vector.broadcast %and3A_3299 : i32 to vector<16xi32>
        %and3A_3301 = arith.andi %get3A_3292, %and3A_3300 : vector<16xi32>
        %shift_left3A_3302 = arith.constant 1 : i32
        %shift_left3A_3303 = vector.broadcast %shift_left3A_3302 : i32 to vector<16xi32>
        %shift_left3A_3304 = arith.shli %and3A_3301, %shift_left3A_3303 : vector<16xi32>
        %or3A_3305 = arith.ori %shift_left3A_3298, %shift_left3A_3304 : vector<16xi32>
        %shift_right_arithmetic3A_3306 = arith.constant 13 : i32
        %shift_right_arithmetic3A_3307 = vector.broadcast %shift_right_arithmetic3A_3306 : i32 to vector<16xi32>
        %shift_right_arithmetic3A_3308 = arith.shrsi %get3A_3292, %shift_right_arithmetic3A_3307 : vector<16xi32>
        %and3A_3309 = arith.constant 1 : i32
        %and3A_3310 = vector.broadcast %and3A_3309 : i32 to vector<16xi32>
        %and3A_3311 = arith.andi %shift_right_arithmetic3A_3308, %and3A_3310 : vector<16xi32>
        %or3A_3312 = arith.ori %or3A_3305, %and3A_3311 : vector<16xi32>
        %swap3A_3313 = arith.constant 160 : index
        %swap3A_3314 = tpu.vector_load %arg11[%swap3A_3313] {strides = array<i32>} : memref<256xi32, #tpu.memory_space<vmem>>, vector<16xi32>,
        %swap3A_3315 = vector.shape_cast %swap3A_3314 : vector<16xi32> to vector<16xi32>
        %swap3A_3316 = vector.shape_cast %or3A_3312 : vector<16xi32> to vector<16xi32>
        tpu.vector_store %arg11[%swap3A_3313], %swap3A_3316 {strides = array<i32>} : memref<256xi32, #tpu.memory_space<vmem>>, vector<16xi32>,
        %get3A_3317 = arith.constant 176 : index
        %get3A_3318 = tpu.vector_load %arg7[%get3A_3317] {strides = array<i32>} : memref<256xi32, #tpu.memory_space<vmem>>, vector<16xi32>,
        %get3A_3319 = vector.shape_cast %get3A_3318 : vector<16xi32> to vector<16xi32>
        %shift_right_arithmetic3A_3320 = arith.constant 14 : i32
        %shift_right_arithmetic3A_3321 = vector.broadcast %shift_right_arithmetic3A_3320 : i32 to vector<16xi32>
        %shift_right_arithmetic3A_3322 = arith.shrsi %get3A_3319, %shift_right_arithmetic3A_3321 : vector<16xi32>
        %shift_left3A_3323 = arith.constant 14 : i32
        %shift_left3A_3324 = vector.broadcast %shift_left3A_3323 : i32 to vector<16xi32>
        %shift_left3A_3325 = arith.shli %shift_right_arithmetic3A_3322, %shift_left3A_3324 : vector<16xi32>
        %and3A_3326 = arith.constant 8191 : i32
        %and3A_3327 = vector.broadcast %and3A_3326 : i32 to vector<16xi32>
        %and3A_3328 = arith.andi %get3A_3319, %and3A_3327 : vector<16xi32>
        %shift_left3A_3329 = arith.constant 1 : i32
        %shift_left3A_3330 = vector.broadcast %shift_left3A_3329 : i32 to vector<16xi32>
        %shift_left3A_3331 = arith.shli %and3A_3328, %shift_left3A_3330 : vector<16xi32>
        %or3A_3332 = arith.ori %shift_left3A_3325, %shift_left3A_3331 : vector<16xi32>
        %shift_right_arithmetic3A_3333 = arith.constant 13 : i32
        %shift_right_arithmetic3A_3334 = vector.broadcast %shift_right_arithmetic3A_3333 : i32 to vector<16xi32>
        %shift_right_arithmetic3A_3335 = arith.shrsi %get3A_3319, %shift_right_arithmetic3A_3334 : vector<16xi32>
        %and3A_3336 = arith.constant 1 : i32
        %and3A_3337 = vector.broadcast %and3A_3336 : i32 to vector<16xi32>
        %and3A_3338 = arith.andi %shift_right_arithmetic3A_3335, %and3A_3337 : vector<16xi32>
        %or3A_3339 = arith.ori %or3A_3332, %and3A_3338 : vector<16xi32>
        %swap3A_3340 = arith.constant 176 : index
        %swap3A_3341 = tpu.vector_load %arg11[%swap3A_3340] {strides = array<i32>} : memref<256xi32, #tpu.memory_space<vmem>>, vector<16xi32>,
        %swap3A_3342 = vector.shape_cast %swap3A_3341 : vector<16xi32> to vector<16xi32>
        %swap3A_3343 = vector.shape_cast %or3A_3339 : vector<16xi32> to vector<16xi32>
        tpu.vector_store %arg11[%swap3A_3340], %swap3A_3343 {strides = array<i32>} : memref<256xi32, #tpu.memory_space<vmem>>, vector<16xi32>,
        %get3A_3344 = arith.constant 192 : index
        %get3A_3345 = tpu.vector_load %arg7[%get3A_3344] {strides = array<i32>} : memref<256xi32, #tpu.memory_space<vmem>>, vector<16xi32>,
        %get3A_3346 = vector.shape_cast %get3A_3345 : vector<16xi32> to vector<16xi32>
        %shift_right_arithmetic3A_3347 = arith.constant 14 : i32
        %shift_right_arithmetic3A_3348 = vector.broadcast %shift_right_arithmetic3A_3347 : i32 to vector<16xi32>
        %shift_right_arithmetic3A_3349 = arith.shrsi %get3A_3346, %shift_right_arithmetic3A_3348 : vector<16xi32>
        %shift_left3A_3350 = arith.constant 14 : i32
        %shift_left3A_3351 = vector.broadcast %shift_left3A_3350 : i32 to vector<16xi32>
        %shift_left3A_3352 = arith.shli %shift_right_arithmetic3A_3349, %shift_left3A_3351 : vector<16xi32>
        %and3A_3353 = arith.constant 8191 : i32
        %and3A_3354 = vector.broadcast %and3A_3353 : i32 to vector<16xi32>
        %and3A_3355 = arith.andi %get3A_3346, %and3A_3354 : vector<16xi32>
        %shift_left3A_3356 = arith.constant 1 : i32
        %shift_left3A_3357 = vector.broadcast %shift_left3A_3356 : i32 to vector<16xi32>
        %shift_left3A_3358 = arith.shli %and3A_3355, %shift_left3A_3357 : vector<16xi32>
        %or3A_3359 = arith.ori %shift_left3A_3352, %shift_left3A_3358 : vector<16xi32>
        %shift_right_arithmetic3A_3360 = arith.constant 13 : i32
        %shift_right_arithmetic3A_3361 = vector.broadcast %shift_right_arithmetic3A_3360 : i32 to vector<16xi32>
        %shift_right_arithmetic3A_3362 = arith.shrsi %get3A_3346, %shift_right_arithmetic3A_3361 : vector<16xi32>
        %and3A_3363 = arith.constant 1 : i32
        %and3A_3364 = vector.broadcast %and3A_3363 : i32 to vector<16xi32>
        %and3A_3365 = arith.andi %shift_right_arithmetic3A_3362, %and3A_3364 : vector<16xi32>
        %or3A_3366 = arith.ori %or3A_3359, %and3A_3365 : vector<16xi32>
        %swap3A_3367 = arith.constant 192 : index
        %swap3A_3368 = tpu.vector_load %arg11[%swap3A_3367] {strides = array<i32>} : memref<256xi32, #tpu.memory_space<vmem>>, vector<16xi32>,
        %swap3A_3369 = vector.shape_cast %swap3A_3368 : vector<16xi32> to vector<16xi32>
        %swap3A_3370 = vector.shape_cast %or3A_3366 : vector<16xi32> to vector<16xi32>
        tpu.vector_store %arg11[%swap3A_3367], %swap3A_3370 {strides = array<i32>} : memref<256xi32, #tpu.memory_space<vmem>>, vector<16xi32>,
        %get3A_3371 = arith.constant 208 : index
        %get3A_3372 = tpu.vector_load %arg7[%get3A_3371] {strides = array<i32>} : memref<256xi32, #tpu.memory_space<vmem>>, vector<16xi32>,
        %get3A_3373 = vector.shape_cast %get3A_3372 : vector<16xi32> to vector<16xi32>
        %shift_right_arithmetic3A_3374 = arith.constant 14 : i32
        %shift_right_arithmetic3A_3375 = vector.broadcast %shift_right_arithmetic3A_3374 : i32 to vector<16xi32>
        %shift_right_arithmetic3A_3376 = arith.shrsi %get3A_3373, %shift_right_arithmetic3A_3375 : vector<16xi32>
        %shift_left3A_3377 = arith.constant 14 : i32
        %shift_left3A_3378 = vector.broadcast %shift_left3A_3377 : i32 to vector<16xi32>
        %shift_left3A_3379 = arith.shli %shift_right_arithmetic3A_3376, %shift_left3A_3378 : vector<16xi32>
        %and3A_3380 = arith.constant 8191 : i32
        %and3A_3381 = vector.broadcast %and3A_3380 : i32 to vector<16xi32>
        %and3A_3382 = arith.andi %get3A_3373, %and3A_3381 : vector<16xi32>
        %shift_left3A_3383 = arith.constant 1 : i32
        %shift_left3A_3384 = vector.broadcast %shift_left3A_3383 : i32 to vector<16xi32>
        %shift_left3A_3385 = arith.shli %and3A_3382, %shift_left3A_3384 : vector<16xi32>
        %or3A_3386 = arith.ori %shift_left3A_3379, %shift_left3A_3385 : vector<16xi32>
        %shift_right_arithmetic3A_3387 = arith.constant 13 : i32
        %shift_right_arithmetic3A_3388 = vector.broadcast %shift_right_arithmetic3A_3387 : i32 to vector<16xi32>
        %shift_right_arithmetic3A_3389 = arith.shrsi %get3A_3373, %shift_right_arithmetic3A_3388 : vector<16xi32>
        %and3A_3390 = arith.constant 1 : i32
        %and3A_3391 = vector.broadcast %and3A_3390 : i32 to vector<16xi32>
        %and3A_3392 = arith.andi %shift_right_arithmetic3A_3389, %and3A_3391 : vector<16xi32>
        %or3A_3393 = arith.ori %or3A_3386, %and3A_3392 : vector<16xi32>
        %swap3A_3394 = arith.constant 208 : index
        %swap3A_3395 = tpu.vector_load %arg11[%swap3A_3394] {strides = array<i32>} : memref<256xi32, #tpu.memory_space<vmem>>, vector<16xi32>,
        %swap3A_3396 = vector.shape_cast %swap3A_3395 : vector<16xi32> to vector<16xi32>
        %swap3A_3397 = vector.shape_cast %or3A_3393 : vector<16xi32> to vector<16xi32>
        tpu.vector_store %arg11[%swap3A_3394], %swap3A_3397 {strides = array<i32>} : memref<256xi32, #tpu.memory_space<vmem>>, vector<16xi32>,
        %get3A_3398 = arith.constant 224 : index
        %get3A_3399 = tpu.vector_load %arg7[%get3A_3398] {strides = array<i32>} : memref<256xi32, #tpu.memory_space<vmem>>, vector<16xi32>,
        %get3A_3400 = vector.shape_cast %get3A_3399 : vector<16xi32> to vector<16xi32>
        %shift_right_arithmetic3A_3401 = arith.constant 14 : i32
        %shift_right_arithmetic3A_3402 = vector.broadcast %shift_right_arithmetic3A_3401 : i32 to vector<16xi32>
        %shift_right_arithmetic3A_3403 = arith.shrsi %get3A_3400, %shift_right_arithmetic3A_3402 : vector<16xi32>
        %shift_left3A_3404 = arith.constant 14 : i32
        %shift_left3A_3405 = vector.broadcast %shift_left3A_3404 : i32 to vector<16xi32>
        %shift_left3A_3406 = arith.shli %shift_right_arithmetic3A_3403, %shift_left3A_3405 : vector<16xi32>
        %and3A_3407 = arith.constant 8191 : i32
        %and3A_3408 = vector.broadcast %and3A_3407 : i32 to vector<16xi32>
        %and3A_3409 = arith.andi %get3A_3400, %and3A_3408 : vector<16xi32>
        %shift_left3A_3410 = arith.constant 1 : i32
        %shift_left3A_3411 = vector.broadcast %shift_left3A_3410 : i32 to vector<16xi32>
        %shift_left3A_3412 = arith.shli %and3A_3409, %shift_left3A_3411 : vector<16xi32>
        %or3A_3413 = arith.ori %shift_left3A_3406, %shift_left3A_3412 : vector<16xi32>
        %shift_right_arithmetic3A_3414 = arith.constant 13 : i32
        %shift_right_arithmetic3A_3415 = vector.broadcast %shift_right_arithmetic3A_3414 : i32 to vector<16xi32>
        %shift_right_arithmetic3A_3416 = arith.shrsi %get3A_3400, %shift_right_arithmetic3A_3415 : vector<16xi32>
        %and3A_3417 = arith.constant 1 : i32
        %and3A_3418 = vector.broadcast %and3A_3417 : i32 to vector<16xi32>
        %and3A_3419 = arith.andi %shift_right_arithmetic3A_3416, %and3A_3418 : vector<16xi32>
        %or3A_3420 = arith.ori %or3A_3413, %and3A_3419 : vector<16xi32>
        %swap3A_3421 = arith.constant 224 : index
        %swap3A_3422 = tpu.vector_load %arg11[%swap3A_3421] {strides = array<i32>} : memref<256xi32, #tpu.memory_space<vmem>>, vector<16xi32>,
        %swap3A_3423 = vector.shape_cast %swap3A_3422 : vector<16xi32> to vector<16xi32>
        %swap3A_3424 = vector.shape_cast %or3A_3420 : vector<16xi32> to vector<16xi32>
        tpu.vector_store %arg11[%swap3A_3421], %swap3A_3424 {strides = array<i32>} : memref<256xi32, #tpu.memory_space<vmem>>, vector<16xi32>,
        %get3A_3425 = arith.constant 240 : index
        %get3A_3426 = tpu.vector_load %arg7[%get3A_3425] {strides = array<i32>} : memref<256xi32, #tpu.memory_space<vmem>>, vector<16xi32>,
        %get3A_3427 = vector.shape_cast %get3A_3426 : vector<16xi32> to vector<16xi32>
        %shift_right_arithmetic3A_3428 = arith.constant 14 : i32
        %shift_right_arithmetic3A_3429 = vector.broadcast %shift_right_arithmetic3A_3428 : i32 to vector<16xi32>
        %shift_right_arithmetic3A_3430 = arith.shrsi %get3A_3427, %shift_right_arithmetic3A_3429 : vector<16xi32>
        %shift_left3A_3431 = arith.constant 14 : i32
        %shift_left3A_3432 = vector.broadcast %shift_left3A_3431 : i32 to vector<16xi32>
        %shift_left3A_3433 = arith.shli %shift_right_arithmetic3A_3430, %shift_left3A_3432 : vector<16xi32>
        %and3A_3434 = arith.constant 8191 : i32
        %and3A_3435 = vector.broadcast %and3A_3434 : i32 to vector<16xi32>
        %and3A_3436 = arith.andi %get3A_3427, %and3A_3435 : vector<16xi32>
        %shift_left3A_3437 = arith.constant 1 : i32
        %shift_left3A_3438 = vector.broadcast %shift_left3A_3437 : i32 to vector<16xi32>
        %shift_left3A_3439 = arith.shli %and3A_3436, %shift_left3A_3438 : vector<16xi32>
        %or3A_3440 = arith.ori %shift_left3A_3433, %shift_left3A_3439 : vector<16xi32>
        %shift_right_arithmetic3A_3441 = arith.constant 13 : i32
        %shift_right_arithmetic3A_3442 = vector.broadcast %shift_right_arithmetic3A_3441 : i32 to vector<16xi32>
        %shift_right_arithmetic3A_3443 = arith.shrsi %get3A_3427, %shift_right_arithmetic3A_3442 : vector<16xi32>
        %and3A_3444 = arith.constant 1 : i32
        %and3A_3445 = vector.broadcast %and3A_3444 : i32 to vector<16xi32>
        %and3A_3446 = arith.andi %shift_right_arithmetic3A_3443, %and3A_3445 : vector<16xi32>
        %or3A_3447 = arith.ori %or3A_3440, %and3A_3446 : vector<16xi32>
        %swap3A_3448 = arith.constant 240 : index
        %swap3A_3449 = tpu.vector_load %arg11[%swap3A_3448] {strides = array<i32>} : memref<256xi32, #tpu.memory_space<vmem>>, vector<16xi32>,
        %swap3A_3450 = vector.shape_cast %swap3A_3449 : vector<16xi32> to vector<16xi32>
        %swap3A_3451 = vector.shape_cast %or3A_3447 : vector<16xi32> to vector<16xi32>
        tpu.vector_store %arg11[%swap3A_3448], %swap3A_3451 {strides = array<i32>} : memref<256xi32, #tpu.memory_space<vmem>>, vector<16xi32>,
        %dma_start3A_3452 = arith.constant 0 : i32
        %dma_start3A_3453 = arith.constant 0 : i32
        %dma_start3A_3454 = tpu.memref_slice %arg3[%dma_start3A_3452, %dma_start3A_3453] : memref<1015808x64xf32, #tpu.memory_space<hbm>> -> memref<1015808x64xf32, #tpu.memory_space<hbm>>
        tpu.enqueue_indirect_dma source(%dma_start3A_3454 : memref<1015808x64xf32, #tpu.memory_space<hbm>>) target(%arg15 : memref<256x64xf32, #tpu.memory_space<vmem>>) offsets(%arg11 : memref<256xi32, #tpu.memory_space<vmem>>) semaphore(%arg19 : memref<!tpu.dma_semaphore, #tpu.memory_space<semaphore_mem>>)
      } else {
      }
      %mul3A_2893 = arith.constant 4 : i32
      %mul3A_2894 = arith.muli %scan3A_2863, %mul3A_2893 : i32
      %add3A_2895 = arith.constant 1 : i32
      %add3A_2896 = arith.addi %mul3A_2894, %add3A_2895 : i32
      %dma_wait3A_2897 = arith.constant 0 : i32
      %dma_wait3A_2898 = arith.constant 0 : i32
      %dma_wait3A_2899 = tpu.memref_slice %arg3[%dma_wait3A_2897, %dma_wait3A_2898] : memref<1015808x64xf32, #tpu.memory_space<hbm>> -> memref<1015808x64xf32, #tpu.memory_space<hbm>>
      tpu.wait_indirect_dma semaphore(%arg18 : memref<!tpu.dma_semaphore, #tpu.memory_space<semaphore_mem>>) src(%dma_wait3A_2899 : memref<1015808x64xf32, #tpu.memory_space<hbm>>) dst(%arg14 : memref<256x64xf32, #tpu.memory_space<vmem>>)
      %mul3A_2900 = arith.constant 256 : i32
      %mul3A_2901 = arith.muli %add3A_2896, %mul3A_2900 : i32
      %add3A_2902 = arith.addi %mul3A_2, %mul3A_2901 : i32
      %and3A_2903 = arith.constant 2047 : i32
      %and3A_2904 = arith.andi %add3A_2902, %and3A_2903 : i32
      %shift_right_arithmetic3A_2905 = arith.constant 11 : i32
      %shift_right_arithmetic3A_2906 = arith.shrsi %add3A_2902, %shift_right_arithmetic3A_2905 : i32
      %mul3A_2907 = arith.constant 1024 : i32
      %mul3A_2908 = arith.muli %shift_right_arithmetic3A_2906, %mul3A_2907 : i32
      %and3A_2909 = arith.constant 1023 : i32
      %and3A_2910 = arith.andi %and3A_2904, %and3A_2909 : i32
      %add3A_2911 = arith.addi %mul3A_2908, %and3A_2910 : i32
      %shift_right_arithmetic3A_2912 = arith.constant 10 : i32
      %shift_right_arithmetic3A_2913 = arith.shrsi %and3A_2904, %shift_right_arithmetic3A_2912 : i32
      %mul3A_2914 = arith.constant 64 : i32
      %mul3A_2915 = arith.muli %shift_right_arithmetic3A_2913, %mul3A_2914 : i32
      %dma_start3A_2916 = tpu.memref_slice %arg4[%add3A_2911, %mul3A_2915] : memref<409600x128xf32, #tpu.memory_space<hbm>> -> memref<256x64xf32, #tpu.memory_space<hbm>>
      %dma_start3A_2917 = tpu.memref_slice %arg4[%add3A_2911, %mul3A_2915] : memref<409600x128xf32, #tpu.memory_space<hbm>> -> memref<256x64xf32, #tpu.memory_space<hbm>>
      tpu.enqueue_dma source(%arg14 : memref<256x64xf32, #tpu.memory_space<vmem>>) target(%dma_start3A_2917 : memref<256x64xf32, #tpu.memory_space<hbm>>) target_semaphore(%arg22 : memref<!tpu.dma_semaphore, #tpu.memory_space<semaphore_mem>>)
      %add3A_2918 = arith.constant 2 : i32
      %add3A_2919 = arith.addi %add3A_2896, %add3A_2918 : i32
      %lt3A_2920 = arith.constant 100 : i32
      %lt3A_2921 = arith.cmpi slt, %add3A_2919, %lt3A_2920 : i32
      %convert_element_type3A_2922 = arith.extui %lt3A_2921 : i1 to i32
      %cond3A_2923 = arith.constant 0 : i32
      %cond3A_2924 = arith.cmpi ne, %convert_element_type3A_2922, %cond3A_2923 : i32
      scf.if %cond3A_2924 {
        %jit3A_2989 = arith.constant 2 : i32
        %div3A_2990 = arith.divsi %mul3A_2, %jit3A_2989 : i32
        %sign3A_2991 = arith.constant 0 : i32
        %sign3A_2992 = arith.cmpi sgt, %mul3A_2, %sign3A_2991 : i32
        %sign3A_2993 = arith.extui %sign3A_2992 : i1 to i32
        %sign3A_2994 = arith.constant 0 : i32
        %sign3A_2995 = arith.cmpi slt, %mul3A_2, %sign3A_2994 : i32
        %sign3A_2996 = arith.extui %sign3A_2995 : i1 to i32
        %sign3A_2997 = arith.subi %sign3A_2993, %sign3A_2996 : i32
        %sign3A_2998 = arith.constant 0 : i32
        %sign3A_2999 = arith.cmpi sgt, %jit3A_2989, %sign3A_2998 : i32
        %sign3A_3000 = arith.extui %sign3A_2999 : i1 to i32
        %sign3A_3001 = arith.constant 0 : i32
        %sign3A_3002 = arith.cmpi slt, %jit3A_2989, %sign3A_3001 : i32
        %sign3A_3003 = arith.extui %sign3A_3002 : i1 to i32
        %sign3A_3004 = arith.subi %sign3A_3000, %sign3A_3003 : i32
        %ne3A_3005 = arith.cmpi ne, %sign3A_2997, %sign3A_3004 : i32
        %rem3A_3006 = arith.remsi %mul3A_2, %jit3A_2989 : i32
        %ne3A_3007 = arith.constant 0 : i32
        %ne3A_3008 = arith.cmpi ne, %rem3A_3006, %ne3A_3007 : i32
        %and3A_3009 = arith.andi %ne3A_3005, %ne3A_3008 : i1
        %sub3A_3010 = arith.constant 1 : i32
        %sub3A_3011 = arith.subi %div3A_2990, %sub3A_3010 : i32
        %select_n3A_3012 = arith.select %and3A_3009, %sub3A_3011, %div3A_2990 : i32
        %dma_wait3A_3013 = arith.constant 0 : i32
        %dma_wait3A_3014 = tpu.memref_slice %arg4[%select_n3A_3012, %dma_wait3A_3013] : memref<409600x128xf32, #tpu.memory_space<hbm>> -> memref<256x64xf32, #tpu.memory_space<hbm>>
        %dma_wait3A_3015 = arith.constant 0 : i32
        %dma_wait3A_3016 = tpu.memref_slice %arg4[%select_n3A_3012, %dma_wait3A_3015] : memref<409600x128xf32, #tpu.memory_space<hbm>> -> memref<256x64xf32, #tpu.memory_space<hbm>>
        tpu.wait_dma2 semaphore(%arg24 : memref<!tpu.dma_semaphore, #tpu.memory_space<semaphore_mem>>) src(%arg16 : memref<256x64xf32, #tpu.memory_space<vmem>>) dst(%dma_wait3A_3016 : memref<256x64xf32, #tpu.memory_space<hbm>>)
        %mul3A_3017 = arith.constant 256 : i32
        %mul3A_3018 = arith.muli %add3A_2919, %mul3A_3017 : i32
        %add3A_3019 = arith.addi %mul3A_2, %mul3A_3018 : i32
        "tpu.region"() ({
          %run_scoped3A = tpu.sem_alloc : memref<!tpu.dma_semaphore, #tpu.memory_space<semaphore_mem>>
          %dma_start3A_3455 = tpu.memref_slice %arg2[%add3A_3019] : memref<819200xi32, #tpu.memory_space<hbm>> -> memref<256xi32, #tpu.memory_space<hbm>>
          %dma_start3A_3456 = tpu.memref_slice %arg2[%add3A_3019] : memref<819200xi32, #tpu.memory_space<hbm>> -> memref<256xi32, #tpu.memory_space<hbm>>
          tpu.enqueue_dma source(%dma_start3A_3456 : memref<256xi32, #tpu.memory_space<hbm>>) target(%arg8 : memref<256xi32, #tpu.memory_space<vmem>>) target_semaphore(%run_scoped3A : memref<!tpu.dma_semaphore, #tpu.memory_space<semaphore_mem>>)
          %dma_wait3A_3457 = tpu.memref_slice %arg2[%add3A_3019] : memref<819200xi32, #tpu.memory_space<hbm>> -> memref<256xi32, #tpu.memory_space<hbm>>
          %dma_wait3A_3458 = tpu.memref_slice %arg2[%add3A_3019] : memref<819200xi32, #tpu.memory_space<hbm>> -> memref<256xi32, #tpu.memory_space<hbm>>
          tpu.wait_dma2 semaphore(%run_scoped3A : memref<!tpu.dma_semaphore, #tpu.memory_space<semaphore_mem>>) src(%dma_wait3A_3458 : memref<256xi32, #tpu.memory_space<hbm>>) dst(%arg8 : memref<256xi32, #tpu.memory_space<vmem>>)
          tpu.yield
        }) : () -> ()
        %get3A_3020 = arith.constant 0 : index
        %get3A_3021 = tpu.vector_load %arg8[%get3A_3020] {strides = array<i32>} : memref<256xi32, #tpu.memory_space<vmem>>, vector<16xi32>,
        %get3A_3022 = vector.shape_cast %get3A_3021 : vector<16xi32> to vector<16xi32>
        %shift_right_arithmetic3A_3023 = arith.constant 14 : i32
        %shift_right_arithmetic3A_3024 = vector.broadcast %shift_right_arithmetic3A_3023 : i32 to vector<16xi32>
        %shift_right_arithmetic3A_3025 = arith.shrsi %get3A_3022, %shift_right_arithmetic3A_3024 : vector<16xi32>
        %shift_left3A_3026 = arith.constant 14 : i32
        %shift_left3A_3027 = vector.broadcast %shift_left3A_3026 : i32 to vector<16xi32>
        %shift_left3A_3028 = arith.shli %shift_right_arithmetic3A_3025, %shift_left3A_3027 : vector<16xi32>
        %and3A_3029 = arith.constant 8191 : i32
        %and3A_3030 = vector.broadcast %and3A_3029 : i32 to vector<16xi32>
        %and3A_3031 = arith.andi %get3A_3022, %and3A_3030 : vector<16xi32>
        %shift_left3A_3032 = arith.constant 1 : i32
        %shift_left3A_3033 = vector.broadcast %shift_left3A_3032 : i32 to vector<16xi32>
        %shift_left3A_3034 = arith.shli %and3A_3031, %shift_left3A_3033 : vector<16xi32>
        %or3A_3035 = arith.ori %shift_left3A_3028, %shift_left3A_3034 : vector<16xi32>
        %shift_right_arithmetic3A_3036 = arith.constant 13 : i32
        %shift_right_arithmetic3A_3037 = vector.broadcast %shift_right_arithmetic3A_3036 : i32 to vector<16xi32>
        %shift_right_arithmetic3A_3038 = arith.shrsi %get3A_3022, %shift_right_arithmetic3A_3037 : vector<16xi32>
        %and3A_3039 = arith.constant 1 : i32
        %and3A_3040 = vector.broadcast %and3A_3039 : i32 to vector<16xi32>
        %and3A_3041 = arith.andi %shift_right_arithmetic3A_3038, %and3A_3040 : vector<16xi32>
        %or3A_3042 = arith.ori %or3A_3035, %and3A_3041 : vector<16xi32>
        %swap3A_3043 = arith.constant 0 : index
        %swap3A_3044 = tpu.vector_load %arg12[%swap3A_3043] {strides = array<i32>} : memref<256xi32, #tpu.memory_space<vmem>>, vector<16xi32>,
        %swap3A_3045 = vector.shape_cast %swap3A_3044 : vector<16xi32> to vector<16xi32>
        %swap3A_3046 = vector.shape_cast %or3A_3042 : vector<16xi32> to vector<16xi32>
        tpu.vector_store %arg12[%swap3A_3043], %swap3A_3046 {strides = array<i32>} : memref<256xi32, #tpu.memory_space<vmem>>, vector<16xi32>,
        %get3A_3047 = arith.constant 16 : index
        %get3A_3048 = tpu.vector_load %arg8[%get3A_3047] {strides = array<i32>} : memref<256xi32, #tpu.memory_space<vmem>>, vector<16xi32>,
        %get3A_3049 = vector.shape_cast %get3A_3048 : vector<16xi32> to vector<16xi32>
        %shift_right_arithmetic3A_3050 = arith.constant 14 : i32
        %shift_right_arithmetic3A_3051 = vector.broadcast %shift_right_arithmetic3A_3050 : i32 to vector<16xi32>
        %shift_right_arithmetic3A_3052 = arith.shrsi %get3A_3049, %shift_right_arithmetic3A_3051 : vector<16xi32>
        %shift_left3A_3053 = arith.constant 14 : i32
        %shift_left3A_3054 = vector.broadcast %shift_left3A_3053 : i32 to vector<16xi32>
        %shift_left3A_3055 = arith.shli %shift_right_arithmetic3A_3052, %shift_left3A_3054 : vector<16xi32>
        %and3A_3056 = arith.constant 8191 : i32
        %and3A_3057 = vector.broadcast %and3A_3056 : i32 to vector<16xi32>
        %and3A_3058 = arith.andi %get3A_3049, %and3A_3057 : vector<16xi32>
        %shift_left3A_3059 = arith.constant 1 : i32
        %shift_left3A_3060 = vector.broadcast %shift_left3A_3059 : i32 to vector<16xi32>
        %shift_left3A_3061 = arith.shli %and3A_3058, %shift_left3A_3060 : vector<16xi32>
        %or3A_3062 = arith.ori %shift_left3A_3055, %shift_left3A_3061 : vector<16xi32>
        %shift_right_arithmetic3A_3063 = arith.constant 13 : i32
        %shift_right_arithmetic3A_3064 = vector.broadcast %shift_right_arithmetic3A_3063 : i32 to vector<16xi32>
        %shift_right_arithmetic3A_3065 = arith.shrsi %get3A_3049, %shift_right_arithmetic3A_3064 : vector<16xi32>
        %and3A_3066 = arith.constant 1 : i32
        %and3A_3067 = vector.broadcast %and3A_3066 : i32 to vector<16xi32>
        %and3A_3068 = arith.andi %shift_right_arithmetic3A_3065, %and3A_3067 : vector<16xi32>
        %or3A_3069 = arith.ori %or3A_3062, %and3A_3068 : vector<16xi32>
        %swap3A_3070 = arith.constant 16 : index
        %swap3A_3071 = tpu.vector_load %arg12[%swap3A_3070] {strides = array<i32>} : memref<256xi32, #tpu.memory_space<vmem>>, vector<16xi32>,
        %swap3A_3072 = vector.shape_cast %swap3A_3071 : vector<16xi32> to vector<16xi32>
        %swap3A_3073 = vector.shape_cast %or3A_3069 : vector<16xi32> to vector<16xi32>
        tpu.vector_store %arg12[%swap3A_3070], %swap3A_3073 {strides = array<i32>} : memref<256xi32, #tpu.memory_space<vmem>>, vector<16xi32>,
        %get3A_3074 = arith.constant 32 : index
        %get3A_3075 = tpu.vector_load %arg8[%get3A_3074] {strides = array<i32>} : memref<256xi32, #tpu.memory_space<vmem>>, vector<16xi32>,
        %get3A_3076 = vector.shape_cast %get3A_3075 : vector<16xi32> to vector<16xi32>
        %shift_right_arithmetic3A_3077 = arith.constant 14 : i32
        %shift_right_arithmetic3A_3078 = vector.broadcast %shift_right_arithmetic3A_3077 : i32 to vector<16xi32>
        %shift_right_arithmetic3A_3079 = arith.shrsi %get3A_3076, %shift_right_arithmetic3A_3078 : vector<16xi32>
        %shift_left3A_3080 = arith.constant 14 : i32
        %shift_left3A_3081 = vector.broadcast %shift_left3A_3080 : i32 to vector<16xi32>
        %shift_left3A_3082 = arith.shli %shift_right_arithmetic3A_3079, %shift_left3A_3081 : vector<16xi32>
        %and3A_3083 = arith.constant 8191 : i32
        %and3A_3084 = vector.broadcast %and3A_3083 : i32 to vector<16xi32>
        %and3A_3085 = arith.andi %get3A_3076, %and3A_3084 : vector<16xi32>
        %shift_left3A_3086 = arith.constant 1 : i32
        %shift_left3A_3087 = vector.broadcast %shift_left3A_3086 : i32 to vector<16xi32>
        %shift_left3A_3088 = arith.shli %and3A_3085, %shift_left3A_3087 : vector<16xi32>
        %or3A_3089 = arith.ori %shift_left3A_3082, %shift_left3A_3088 : vector<16xi32>
        %shift_right_arithmetic3A_3090 = arith.constant 13 : i32
        %shift_right_arithmetic3A_3091 = vector.broadcast %shift_right_arithmetic3A_3090 : i32 to vector<16xi32>
        %shift_right_arithmetic3A_3092 = arith.shrsi %get3A_3076, %shift_right_arithmetic3A_3091 : vector<16xi32>
        %and3A_3093 = arith.constant 1 : i32
        %and3A_3094 = vector.broadcast %and3A_3093 : i32 to vector<16xi32>
        %and3A_3095 = arith.andi %shift_right_arithmetic3A_3092, %and3A_3094 : vector<16xi32>
        %or3A_3096 = arith.ori %or3A_3089, %and3A_3095 : vector<16xi32>
        %swap3A_3097 = arith.constant 32 : index
        %swap3A_3098 = tpu.vector_load %arg12[%swap3A_3097] {strides = array<i32>} : memref<256xi32, #tpu.memory_space<vmem>>, vector<16xi32>,
        %swap3A_3099 = vector.shape_cast %swap3A_3098 : vector<16xi32> to vector<16xi32>
        %swap3A_3100 = vector.shape_cast %or3A_3096 : vector<16xi32> to vector<16xi32>
        tpu.vector_store %arg12[%swap3A_3097], %swap3A_3100 {strides = array<i32>} : memref<256xi32, #tpu.memory_space<vmem>>, vector<16xi32>,
        %get3A_3101 = arith.constant 48 : index
        %get3A_3102 = tpu.vector_load %arg8[%get3A_3101] {strides = array<i32>} : memref<256xi32, #tpu.memory_space<vmem>>, vector<16xi32>,
        %get3A_3103 = vector.shape_cast %get3A_3102 : vector<16xi32> to vector<16xi32>
        %shift_right_arithmetic3A_3104 = arith.constant 14 : i32
        %shift_right_arithmetic3A_3105 = vector.broadcast %shift_right_arithmetic3A_3104 : i32 to vector<16xi32>
        %shift_right_arithmetic3A_3106 = arith.shrsi %get3A_3103, %shift_right_arithmetic3A_3105 : vector<16xi32>
        %shift_left3A_3107 = arith.constant 14 : i32
        %shift_left3A_3108 = vector.broadcast %shift_left3A_3107 : i32 to vector<16xi32>
        %shift_left3A_3109 = arith.shli %shift_right_arithmetic3A_3106, %shift_left3A_3108 : vector<16xi32>
        %and3A_3110 = arith.constant 8191 : i32
        %and3A_3111 = vector.broadcast %and3A_3110 : i32 to vector<16xi32>
        %and3A_3112 = arith.andi %get3A_3103, %and3A_3111 : vector<16xi32>
        %shift_left3A_3113 = arith.constant 1 : i32
        %shift_left3A_3114 = vector.broadcast %shift_left3A_3113 : i32 to vector<16xi32>
        %shift_left3A_3115 = arith.shli %and3A_3112, %shift_left3A_3114 : vector<16xi32>
        %or3A_3116 = arith.ori %shift_left3A_3109, %shift_left3A_3115 : vector<16xi32>
        %shift_right_arithmetic3A_3117 = arith.constant 13 : i32
        %shift_right_arithmetic3A_3118 = vector.broadcast %shift_right_arithmetic3A_3117 : i32 to vector<16xi32>
        %shift_right_arithmetic3A_3119 = arith.shrsi %get3A_3103, %shift_right_arithmetic3A_3118 : vector<16xi32>
        %and3A_3120 = arith.constant 1 : i32
        %and3A_3121 = vector.broadcast %and3A_3120 : i32 to vector<16xi32>
        %and3A_3122 = arith.andi %shift_right_arithmetic3A_3119, %and3A_3121 : vector<16xi32>
        %or3A_3123 = arith.ori %or3A_3116, %and3A_3122 : vector<16xi32>
        %swap3A_3124 = arith.constant 48 : index
        %swap3A_3125 = tpu.vector_load %arg12[%swap3A_3124] {strides = array<i32>} : memref<256xi32, #tpu.memory_space<vmem>>, vector<16xi32>,
        %swap3A_3126 = vector.shape_cast %swap3A_3125 : vector<16xi32> to vector<16xi32>
        %swap3A_3127 = vector.shape_cast %or3A_3123 : vector<16xi32> to vector<16xi32>
        tpu.vector_store %arg12[%swap3A_3124], %swap3A_3127 {strides = array<i32>} : memref<256xi32, #tpu.memory_space<vmem>>, vector<16xi32>,
        %get3A_3128 = arith.constant 64 : index
        %get3A_3129 = tpu.vector_load %arg8[%get3A_3128] {strides = array<i32>} : memref<256xi32, #tpu.memory_space<vmem>>, vector<16xi32>,
        %get3A_3130 = vector.shape_cast %get3A_3129 : vector<16xi32> to vector<16xi32>
        %shift_right_arithmetic3A_3131 = arith.constant 14 : i32
        %shift_right_arithmetic3A_3132 = vector.broadcast %shift_right_arithmetic3A_3131 : i32 to vector<16xi32>
        %shift_right_arithmetic3A_3133 = arith.shrsi %get3A_3130, %shift_right_arithmetic3A_3132 : vector<16xi32>
        %shift_left3A_3134 = arith.constant 14 : i32
        %shift_left3A_3135 = vector.broadcast %shift_left3A_3134 : i32 to vector<16xi32>
        %shift_left3A_3136 = arith.shli %shift_right_arithmetic3A_3133, %shift_left3A_3135 : vector<16xi32>
        %and3A_3137 = arith.constant 8191 : i32
        %and3A_3138 = vector.broadcast %and3A_3137 : i32 to vector<16xi32>
        %and3A_3139 = arith.andi %get3A_3130, %and3A_3138 : vector<16xi32>
        %shift_left3A_3140 = arith.constant 1 : i32
        %shift_left3A_3141 = vector.broadcast %shift_left3A_3140 : i32 to vector<16xi32>
        %shift_left3A_3142 = arith.shli %and3A_3139, %shift_left3A_3141 : vector<16xi32>
        %or3A_3143 = arith.ori %shift_left3A_3136, %shift_left3A_3142 : vector<16xi32>
        %shift_right_arithmetic3A_3144 = arith.constant 13 : i32
        %shift_right_arithmetic3A_3145 = vector.broadcast %shift_right_arithmetic3A_3144 : i32 to vector<16xi32>
        %shift_right_arithmetic3A_3146 = arith.shrsi %get3A_3130, %shift_right_arithmetic3A_3145 : vector<16xi32>
        %and3A_3147 = arith.constant 1 : i32
        %and3A_3148 = vector.broadcast %and3A_3147 : i32 to vector<16xi32>
        %and3A_3149 = arith.andi %shift_right_arithmetic3A_3146, %and3A_3148 : vector<16xi32>
        %or3A_3150 = arith.ori %or3A_3143, %and3A_3149 : vector<16xi32>
        %swap3A_3151 = arith.constant 64 : index
        %swap3A_3152 = tpu.vector_load %arg12[%swap3A_3151] {strides = array<i32>} : memref<256xi32, #tpu.memory_space<vmem>>, vector<16xi32>,
        %swap3A_3153 = vector.shape_cast %swap3A_3152 : vector<16xi32> to vector<16xi32>
        %swap3A_3154 = vector.shape_cast %or3A_3150 : vector<16xi32> to vector<16xi32>
        tpu.vector_store %arg12[%swap3A_3151], %swap3A_3154 {strides = array<i32>} : memref<256xi32, #tpu.memory_space<vmem>>, vector<16xi32>,
        %get3A_3155 = arith.constant 80 : index
        %get3A_3156 = tpu.vector_load %arg8[%get3A_3155] {strides = array<i32>} : memref<256xi32, #tpu.memory_space<vmem>>, vector<16xi32>,
        %get3A_3157 = vector.shape_cast %get3A_3156 : vector<16xi32> to vector<16xi32>
        %shift_right_arithmetic3A_3158 = arith.constant 14 : i32
        %shift_right_arithmetic3A_3159 = vector.broadcast %shift_right_arithmetic3A_3158 : i32 to vector<16xi32>
        %shift_right_arithmetic3A_3160 = arith.shrsi %get3A_3157, %shift_right_arithmetic3A_3159 : vector<16xi32>
        %shift_left3A_3161 = arith.constant 14 : i32
        %shift_left3A_3162 = vector.broadcast %shift_left3A_3161 : i32 to vector<16xi32>
        %shift_left3A_3163 = arith.shli %shift_right_arithmetic3A_3160, %shift_left3A_3162 : vector<16xi32>
        %and3A_3164 = arith.constant 8191 : i32
        %and3A_3165 = vector.broadcast %and3A_3164 : i32 to vector<16xi32>
        %and3A_3166 = arith.andi %get3A_3157, %and3A_3165 : vector<16xi32>
        %shift_left3A_3167 = arith.constant 1 : i32
        %shift_left3A_3168 = vector.broadcast %shift_left3A_3167 : i32 to vector<16xi32>
        %shift_left3A_3169 = arith.shli %and3A_3166, %shift_left3A_3168 : vector<16xi32>
        %or3A_3170 = arith.ori %shift_left3A_3163, %shift_left3A_3169 : vector<16xi32>
        %shift_right_arithmetic3A_3171 = arith.constant 13 : i32
        %shift_right_arithmetic3A_3172 = vector.broadcast %shift_right_arithmetic3A_3171 : i32 to vector<16xi32>
        %shift_right_arithmetic3A_3173 = arith.shrsi %get3A_3157, %shift_right_arithmetic3A_3172 : vector<16xi32>
        %and3A_3174 = arith.constant 1 : i32
        %and3A_3175 = vector.broadcast %and3A_3174 : i32 to vector<16xi32>
        %and3A_3176 = arith.andi %shift_right_arithmetic3A_3173, %and3A_3175 : vector<16xi32>
        %or3A_3177 = arith.ori %or3A_3170, %and3A_3176 : vector<16xi32>
        %swap3A_3178 = arith.constant 80 : index
        %swap3A_3179 = tpu.vector_load %arg12[%swap3A_3178] {strides = array<i32>} : memref<256xi32, #tpu.memory_space<vmem>>, vector<16xi32>,
        %swap3A_3180 = vector.shape_cast %swap3A_3179 : vector<16xi32> to vector<16xi32>
        %swap3A_3181 = vector.shape_cast %or3A_3177 : vector<16xi32> to vector<16xi32>
        tpu.vector_store %arg12[%swap3A_3178], %swap3A_3181 {strides = array<i32>} : memref<256xi32, #tpu.memory_space<vmem>>, vector<16xi32>,
        %get3A_3182 = arith.constant 96 : index
        %get3A_3183 = tpu.vector_load %arg8[%get3A_3182] {strides = array<i32>} : memref<256xi32, #tpu.memory_space<vmem>>, vector<16xi32>,
        %get3A_3184 = vector.shape_cast %get3A_3183 : vector<16xi32> to vector<16xi32>
        %shift_right_arithmetic3A_3185 = arith.constant 14 : i32
        %shift_right_arithmetic3A_3186 = vector.broadcast %shift_right_arithmetic3A_3185 : i32 to vector<16xi32>
        %shift_right_arithmetic3A_3187 = arith.shrsi %get3A_3184, %shift_right_arithmetic3A_3186 : vector<16xi32>
        %shift_left3A_3188 = arith.constant 14 : i32
        %shift_left3A_3189 = vector.broadcast %shift_left3A_3188 : i32 to vector<16xi32>
        %shift_left3A_3190 = arith.shli %shift_right_arithmetic3A_3187, %shift_left3A_3189 : vector<16xi32>
        %and3A_3191 = arith.constant 8191 : i32
        %and3A_3192 = vector.broadcast %and3A_3191 : i32 to vector<16xi32>
        %and3A_3193 = arith.andi %get3A_3184, %and3A_3192 : vector<16xi32>
        %shift_left3A_3194 = arith.constant 1 : i32
        %shift_left3A_3195 = vector.broadcast %shift_left3A_3194 : i32 to vector<16xi32>
        %shift_left3A_3196 = arith.shli %and3A_3193, %shift_left3A_3195 : vector<16xi32>
        %or3A_3197 = arith.ori %shift_left3A_3190, %shift_left3A_3196 : vector<16xi32>
        %shift_right_arithmetic3A_3198 = arith.constant 13 : i32
        %shift_right_arithmetic3A_3199 = vector.broadcast %shift_right_arithmetic3A_3198 : i32 to vector<16xi32>
        %shift_right_arithmetic3A_3200 = arith.shrsi %get3A_3184, %shift_right_arithmetic3A_3199 : vector<16xi32>
        %and3A_3201 = arith.constant 1 : i32
        %and3A_3202 = vector.broadcast %and3A_3201 : i32 to vector<16xi32>
        %and3A_3203 = arith.andi %shift_right_arithmetic3A_3200, %and3A_3202 : vector<16xi32>
        %or3A_3204 = arith.ori %or3A_3197, %and3A_3203 : vector<16xi32>
        %swap3A_3205 = arith.constant 96 : index
        %swap3A_3206 = tpu.vector_load %arg12[%swap3A_3205] {strides = array<i32>} : memref<256xi32, #tpu.memory_space<vmem>>, vector<16xi32>,
        %swap3A_3207 = vector.shape_cast %swap3A_3206 : vector<16xi32> to vector<16xi32>
        %swap3A_3208 = vector.shape_cast %or3A_3204 : vector<16xi32> to vector<16xi32>
        tpu.vector_store %arg12[%swap3A_3205], %swap3A_3208 {strides = array<i32>} : memref<256xi32, #tpu.memory_space<vmem>>, vector<16xi32>,
        %get3A_3209 = arith.constant 112 : index
        %get3A_3210 = tpu.vector_load %arg8[%get3A_3209] {strides = array<i32>} : memref<256xi32, #tpu.memory_space<vmem>>, vector<16xi32>,
        %get3A_3211 = vector.shape_cast %get3A_3210 : vector<16xi32> to vector<16xi32>
        %shift_right_arithmetic3A_3212 = arith.constant 14 : i32
        %shift_right_arithmetic3A_3213 = vector.broadcast %shift_right_arithmetic3A_3212 : i32 to vector<16xi32>
        %shift_right_arithmetic3A_3214 = arith.shrsi %get3A_3211, %shift_right_arithmetic3A_3213 : vector<16xi32>
        %shift_left3A_3215 = arith.constant 14 : i32
        %shift_left3A_3216 = vector.broadcast %shift_left3A_3215 : i32 to vector<16xi32>
        %shift_left3A_3217 = arith.shli %shift_right_arithmetic3A_3214, %shift_left3A_3216 : vector<16xi32>
        %and3A_3218 = arith.constant 8191 : i32
        %and3A_3219 = vector.broadcast %and3A_3218 : i32 to vector<16xi32>
        %and3A_3220 = arith.andi %get3A_3211, %and3A_3219 : vector<16xi32>
        %shift_left3A_3221 = arith.constant 1 : i32
        %shift_left3A_3222 = vector.broadcast %shift_left3A_3221 : i32 to vector<16xi32>
        %shift_left3A_3223 = arith.shli %and3A_3220, %shift_left3A_3222 : vector<16xi32>
        %or3A_3224 = arith.ori %shift_left3A_3217, %shift_left3A_3223 : vector<16xi32>
        %shift_right_arithmetic3A_3225 = arith.constant 13 : i32
        %shift_right_arithmetic3A_3226 = vector.broadcast %shift_right_arithmetic3A_3225 : i32 to vector<16xi32>
        %shift_right_arithmetic3A_3227 = arith.shrsi %get3A_3211, %shift_right_arithmetic3A_3226 : vector<16xi32>
        %and3A_3228 = arith.constant 1 : i32
        %and3A_3229 = vector.broadcast %and3A_3228 : i32 to vector<16xi32>
        %and3A_3230 = arith.andi %shift_right_arithmetic3A_3227, %and3A_3229 : vector<16xi32>
        %or3A_3231 = arith.ori %or3A_3224, %and3A_3230 : vector<16xi32>
        %swap3A_3232 = arith.constant 112 : index
        %swap3A_3233 = tpu.vector_load %arg12[%swap3A_3232] {strides = array<i32>} : memref<256xi32, #tpu.memory_space<vmem>>, vector<16xi32>,
        %swap3A_3234 = vector.shape_cast %swap3A_3233 : vector<16xi32> to vector<16xi32>
        %swap3A_3235 = vector.shape_cast %or3A_3231 : vector<16xi32> to vector<16xi32>
        tpu.vector_store %arg12[%swap3A_3232], %swap3A_3235 {strides = array<i32>} : memref<256xi32, #tpu.memory_space<vmem>>, vector<16xi32>,
        %get3A_3236 = arith.constant 128 : index
        %get3A_3237 = tpu.vector_load %arg8[%get3A_3236] {strides = array<i32>} : memref<256xi32, #tpu.memory_space<vmem>>, vector<16xi32>,
        %get3A_3238 = vector.shape_cast %get3A_3237 : vector<16xi32> to vector<16xi32>
        %shift_right_arithmetic3A_3239 = arith.constant 14 : i32
        %shift_right_arithmetic3A_3240 = vector.broadcast %shift_right_arithmetic3A_3239 : i32 to vector<16xi32>
        %shift_right_arithmetic3A_3241 = arith.shrsi %get3A_3238, %shift_right_arithmetic3A_3240 : vector<16xi32>
        %shift_left3A_3242 = arith.constant 14 : i32
        %shift_left3A_3243 = vector.broadcast %shift_left3A_3242 : i32 to vector<16xi32>
        %shift_left3A_3244 = arith.shli %shift_right_arithmetic3A_3241, %shift_left3A_3243 : vector<16xi32>
        %and3A_3245 = arith.constant 8191 : i32
        %and3A_3246 = vector.broadcast %and3A_3245 : i32 to vector<16xi32>
        %and3A_3247 = arith.andi %get3A_3238, %and3A_3246 : vector<16xi32>
        %shift_left3A_3248 = arith.constant 1 : i32
        %shift_left3A_3249 = vector.broadcast %shift_left3A_3248 : i32 to vector<16xi32>
        %shift_left3A_3250 = arith.shli %and3A_3247, %shift_left3A_3249 : vector<16xi32>
        %or3A_3251 = arith.ori %shift_left3A_3244, %shift_left3A_3250 : vector<16xi32>
        %shift_right_arithmetic3A_3252 = arith.constant 13 : i32
        %shift_right_arithmetic3A_3253 = vector.broadcast %shift_right_arithmetic3A_3252 : i32 to vector<16xi32>
        %shift_right_arithmetic3A_3254 = arith.shrsi %get3A_3238, %shift_right_arithmetic3A_3253 : vector<16xi32>
        %and3A_3255 = arith.constant 1 : i32
        %and3A_3256 = vector.broadcast %and3A_3255 : i32 to vector<16xi32>
        %and3A_3257 = arith.andi %shift_right_arithmetic3A_3254, %and3A_3256 : vector<16xi32>
        %or3A_3258 = arith.ori %or3A_3251, %and3A_3257 : vector<16xi32>
        %swap3A_3259 = arith.constant 128 : index
        %swap3A_3260 = tpu.vector_load %arg12[%swap3A_3259] {strides = array<i32>} : memref<256xi32, #tpu.memory_space<vmem>>, vector<16xi32>,
        %swap3A_3261 = vector.shape_cast %swap3A_3260 : vector<16xi32> to vector<16xi32>
        %swap3A_3262 = vector.shape_cast %or3A_3258 : vector<16xi32> to vector<16xi32>
        tpu.vector_store %arg12[%swap3A_3259], %swap3A_3262 {strides = array<i32>} : memref<256xi32, #tpu.memory_space<vmem>>, vector<16xi32>,
        %get3A_3263 = arith.constant 144 : index
        %get3A_3264 = tpu.vector_load %arg8[%get3A_3263] {strides = array<i32>} : memref<256xi32, #tpu.memory_space<vmem>>, vector<16xi32>,
        %get3A_3265 = vector.shape_cast %get3A_3264 : vector<16xi32> to vector<16xi32>
        %shift_right_arithmetic3A_3266 = arith.constant 14 : i32
        %shift_right_arithmetic3A_3267 = vector.broadcast %shift_right_arithmetic3A_3266 : i32 to vector<16xi32>
        %shift_right_arithmetic3A_3268 = arith.shrsi %get3A_3265, %shift_right_arithmetic3A_3267 : vector<16xi32>
        %shift_left3A_3269 = arith.constant 14 : i32
        %shift_left3A_3270 = vector.broadcast %shift_left3A_3269 : i32 to vector<16xi32>
        %shift_left3A_3271 = arith.shli %shift_right_arithmetic3A_3268, %shift_left3A_3270 : vector<16xi32>
        %and3A_3272 = arith.constant 8191 : i32
        %and3A_3273 = vector.broadcast %and3A_3272 : i32 to vector<16xi32>
        %and3A_3274 = arith.andi %get3A_3265, %and3A_3273 : vector<16xi32>
        %shift_left3A_3275 = arith.constant 1 : i32
        %shift_left3A_3276 = vector.broadcast %shift_left3A_3275 : i32 to vector<16xi32>
        %shift_left3A_3277 = arith.shli %and3A_3274, %shift_left3A_3276 : vector<16xi32>
        %or3A_3278 = arith.ori %shift_left3A_3271, %shift_left3A_3277 : vector<16xi32>
        %shift_right_arithmetic3A_3279 = arith.constant 13 : i32
        %shift_right_arithmetic3A_3280 = vector.broadcast %shift_right_arithmetic3A_3279 : i32 to vector<16xi32>
        %shift_right_arithmetic3A_3281 = arith.shrsi %get3A_3265, %shift_right_arithmetic3A_3280 : vector<16xi32>
        %and3A_3282 = arith.constant 1 : i32
        %and3A_3283 = vector.broadcast %and3A_3282 : i32 to vector<16xi32>
        %and3A_3284 = arith.andi %shift_right_arithmetic3A_3281, %and3A_3283 : vector<16xi32>
        %or3A_3285 = arith.ori %or3A_3278, %and3A_3284 : vector<16xi32>
        %swap3A_3286 = arith.constant 144 : index
        %swap3A_3287 = tpu.vector_load %arg12[%swap3A_3286] {strides = array<i32>} : memref<256xi32, #tpu.memory_space<vmem>>, vector<16xi32>,
        %swap3A_3288 = vector.shape_cast %swap3A_3287 : vector<16xi32> to vector<16xi32>
        %swap3A_3289 = vector.shape_cast %or3A_3285 : vector<16xi32> to vector<16xi32>
        tpu.vector_store %arg12[%swap3A_3286], %swap3A_3289 {strides = array<i32>} : memref<256xi32, #tpu.memory_space<vmem>>, vector<16xi32>,
        %get3A_3290 = arith.constant 160 : index
        %get3A_3291 = tpu.vector_load %arg8[%get3A_3290] {strides = array<i32>} : memref<256xi32, #tpu.memory_space<vmem>>, vector<16xi32>,
        %get3A_3292 = vector.shape_cast %get3A_3291 : vector<16xi32> to vector<16xi32>
        %shift_right_arithmetic3A_3293 = arith.constant 14 : i32
        %shift_right_arithmetic3A_3294 = vector.broadcast %shift_right_arithmetic3A_3293 : i32 to vector<16xi32>
        %shift_right_arithmetic3A_3295 = arith.shrsi %get3A_3292, %shift_right_arithmetic3A_3294 : vector<16xi32>
        %shift_left3A_3296 = arith.constant 14 : i32
        %shift_left3A_3297 = vector.broadcast %shift_left3A_3296 : i32 to vector<16xi32>
        %shift_left3A_3298 = arith.shli %shift_right_arithmetic3A_3295, %shift_left3A_3297 : vector<16xi32>
        %and3A_3299 = arith.constant 8191 : i32
        %and3A_3300 = vector.broadcast %and3A_3299 : i32 to vector<16xi32>
        %and3A_3301 = arith.andi %get3A_3292, %and3A_3300 : vector<16xi32>
        %shift_left3A_3302 = arith.constant 1 : i32
        %shift_left3A_3303 = vector.broadcast %shift_left3A_3302 : i32 to vector<16xi32>
        %shift_left3A_3304 = arith.shli %and3A_3301, %shift_left3A_3303 : vector<16xi32>
        %or3A_3305 = arith.ori %shift_left3A_3298, %shift_left3A_3304 : vector<16xi32>
        %shift_right_arithmetic3A_3306 = arith.constant 13 : i32
        %shift_right_arithmetic3A_3307 = vector.broadcast %shift_right_arithmetic3A_3306 : i32 to vector<16xi32>
        %shift_right_arithmetic3A_3308 = arith.shrsi %get3A_3292, %shift_right_arithmetic3A_3307 : vector<16xi32>
        %and3A_3309 = arith.constant 1 : i32
        %and3A_3310 = vector.broadcast %and3A_3309 : i32 to vector<16xi32>
        %and3A_3311 = arith.andi %shift_right_arithmetic3A_3308, %and3A_3310 : vector<16xi32>
        %or3A_3312 = arith.ori %or3A_3305, %and3A_3311 : vector<16xi32>
        %swap3A_3313 = arith.constant 160 : index
        %swap3A_3314 = tpu.vector_load %arg12[%swap3A_3313] {strides = array<i32>} : memref<256xi32, #tpu.memory_space<vmem>>, vector<16xi32>,
        %swap3A_3315 = vector.shape_cast %swap3A_3314 : vector<16xi32> to vector<16xi32>
        %swap3A_3316 = vector.shape_cast %or3A_3312 : vector<16xi32> to vector<16xi32>
        tpu.vector_store %arg12[%swap3A_3313], %swap3A_3316 {strides = array<i32>} : memref<256xi32, #tpu.memory_space<vmem>>, vector<16xi32>,
        %get3A_3317 = arith.constant 176 : index
        %get3A_3318 = tpu.vector_load %arg8[%get3A_3317] {strides = array<i32>} : memref<256xi32, #tpu.memory_space<vmem>>, vector<16xi32>,
        %get3A_3319 = vector.shape_cast %get3A_3318 : vector<16xi32> to vector<16xi32>
        %shift_right_arithmetic3A_3320 = arith.constant 14 : i32
        %shift_right_arithmetic3A_3321 = vector.broadcast %shift_right_arithmetic3A_3320 : i32 to vector<16xi32>
        %shift_right_arithmetic3A_3322 = arith.shrsi %get3A_3319, %shift_right_arithmetic3A_3321 : vector<16xi32>
        %shift_left3A_3323 = arith.constant 14 : i32
        %shift_left3A_3324 = vector.broadcast %shift_left3A_3323 : i32 to vector<16xi32>
        %shift_left3A_3325 = arith.shli %shift_right_arithmetic3A_3322, %shift_left3A_3324 : vector<16xi32>
        %and3A_3326 = arith.constant 8191 : i32
        %and3A_3327 = vector.broadcast %and3A_3326 : i32 to vector<16xi32>
        %and3A_3328 = arith.andi %get3A_3319, %and3A_3327 : vector<16xi32>
        %shift_left3A_3329 = arith.constant 1 : i32
        %shift_left3A_3330 = vector.broadcast %shift_left3A_3329 : i32 to vector<16xi32>
        %shift_left3A_3331 = arith.shli %and3A_3328, %shift_left3A_3330 : vector<16xi32>
        %or3A_3332 = arith.ori %shift_left3A_3325, %shift_left3A_3331 : vector<16xi32>
        %shift_right_arithmetic3A_3333 = arith.constant 13 : i32
        %shift_right_arithmetic3A_3334 = vector.broadcast %shift_right_arithmetic3A_3333 : i32 to vector<16xi32>
        %shift_right_arithmetic3A_3335 = arith.shrsi %get3A_3319, %shift_right_arithmetic3A_3334 : vector<16xi32>
        %and3A_3336 = arith.constant 1 : i32
        %and3A_3337 = vector.broadcast %and3A_3336 : i32 to vector<16xi32>
        %and3A_3338 = arith.andi %shift_right_arithmetic3A_3335, %and3A_3337 : vector<16xi32>
        %or3A_3339 = arith.ori %or3A_3332, %and3A_3338 : vector<16xi32>
        %swap3A_3340 = arith.constant 176 : index
        %swap3A_3341 = tpu.vector_load %arg12[%swap3A_3340] {strides = array<i32>} : memref<256xi32, #tpu.memory_space<vmem>>, vector<16xi32>,
        %swap3A_3342 = vector.shape_cast %swap3A_3341 : vector<16xi32> to vector<16xi32>
        %swap3A_3343 = vector.shape_cast %or3A_3339 : vector<16xi32> to vector<16xi32>
        tpu.vector_store %arg12[%swap3A_3340], %swap3A_3343 {strides = array<i32>} : memref<256xi32, #tpu.memory_space<vmem>>, vector<16xi32>,
        %get3A_3344 = arith.constant 192 : index
        %get3A_3345 = tpu.vector_load %arg8[%get3A_3344] {strides = array<i32>} : memref<256xi32, #tpu.memory_space<vmem>>, vector<16xi32>,
        %get3A_3346 = vector.shape_cast %get3A_3345 : vector<16xi32> to vector<16xi32>
        %shift_right_arithmetic3A_3347 = arith.constant 14 : i32
        %shift_right_arithmetic3A_3348 = vector.broadcast %shift_right_arithmetic3A_3347 : i32 to vector<16xi32>
        %shift_right_arithmetic3A_3349 = arith.shrsi %get3A_3346, %shift_right_arithmetic3A_3348 : vector<16xi32>
        %shift_left3A_3350 = arith.constant 14 : i32
        %shift_left3A_3351 = vector.broadcast %shift_left3A_3350 : i32 to vector<16xi32>
        %shift_left3A_3352 = arith.shli %shift_right_arithmetic3A_3349, %shift_left3A_3351 : vector<16xi32>
        %and3A_3353 = arith.constant 8191 : i32
        %and3A_3354 = vector.broadcast %and3A_3353 : i32 to vector<16xi32>
        %and3A_3355 = arith.andi %get3A_3346, %and3A_3354 : vector<16xi32>
        %shift_left3A_3356 = arith.constant 1 : i32
        %shift_left3A_3357 = vector.broadcast %shift_left3A_3356 : i32 to vector<16xi32>
        %shift_left3A_3358 = arith.shli %and3A_3355, %shift_left3A_3357 : vector<16xi32>
        %or3A_3359 = arith.ori %shift_left3A_3352, %shift_left3A_3358 : vector<16xi32>
        %shift_right_arithmetic3A_3360 = arith.constant 13 : i32
        %shift_right_arithmetic3A_3361 = vector.broadcast %shift_right_arithmetic3A_3360 : i32 to vector<16xi32>
        %shift_right_arithmetic3A_3362 = arith.shrsi %get3A_3346, %shift_right_arithmetic3A_3361 : vector<16xi32>
        %and3A_3363 = arith.constant 1 : i32
        %and3A_3364 = vector.broadcast %and3A_3363 : i32 to vector<16xi32>
        %and3A_3365 = arith.andi %shift_right_arithmetic3A_3362, %and3A_3364 : vector<16xi32>
        %or3A_3366 = arith.ori %or3A_3359, %and3A_3365 : vector<16xi32>
        %swap3A_3367 = arith.constant 192 : index
        %swap3A_3368 = tpu.vector_load %arg12[%swap3A_3367] {strides = array<i32>} : memref<256xi32, #tpu.memory_space<vmem>>, vector<16xi32>,
        %swap3A_3369 = vector.shape_cast %swap3A_3368 : vector<16xi32> to vector<16xi32>
        %swap3A_3370 = vector.shape_cast %or3A_3366 : vector<16xi32> to vector<16xi32>
        tpu.vector_store %arg12[%swap3A_3367], %swap3A_3370 {strides = array<i32>} : memref<256xi32, #tpu.memory_space<vmem>>, vector<16xi32>,
        %get3A_3371 = arith.constant 208 : index
        %get3A_3372 = tpu.vector_load %arg8[%get3A_3371] {strides = array<i32>} : memref<256xi32, #tpu.memory_space<vmem>>, vector<16xi32>,
        %get3A_3373 = vector.shape_cast %get3A_3372 : vector<16xi32> to vector<16xi32>
        %shift_right_arithmetic3A_3374 = arith.constant 14 : i32
        %shift_right_arithmetic3A_3375 = vector.broadcast %shift_right_arithmetic3A_3374 : i32 to vector<16xi32>
        %shift_right_arithmetic3A_3376 = arith.shrsi %get3A_3373, %shift_right_arithmetic3A_3375 : vector<16xi32>
        %shift_left3A_3377 = arith.constant 14 : i32
        %shift_left3A_3378 = vector.broadcast %shift_left3A_3377 : i32 to vector<16xi32>
        %shift_left3A_3379 = arith.shli %shift_right_arithmetic3A_3376, %shift_left3A_3378 : vector<16xi32>
        %and3A_3380 = arith.constant 8191 : i32
        %and3A_3381 = vector.broadcast %and3A_3380 : i32 to vector<16xi32>
        %and3A_3382 = arith.andi %get3A_3373, %and3A_3381 : vector<16xi32>
        %shift_left3A_3383 = arith.constant 1 : i32
        %shift_left3A_3384 = vector.broadcast %shift_left3A_3383 : i32 to vector<16xi32>
        %shift_left3A_3385 = arith.shli %and3A_3382, %shift_left3A_3384 : vector<16xi32>
        %or3A_3386 = arith.ori %shift_left3A_3379, %shift_left3A_3385 : vector<16xi32>
        %shift_right_arithmetic3A_3387 = arith.constant 13 : i32
        %shift_right_arithmetic3A_3388 = vector.broadcast %shift_right_arithmetic3A_3387 : i32 to vector<16xi32>
        %shift_right_arithmetic3A_3389 = arith.shrsi %get3A_3373, %shift_right_arithmetic3A_3388 : vector<16xi32>
        %and3A_3390 = arith.constant 1 : i32
        %and3A_3391 = vector.broadcast %and3A_3390 : i32 to vector<16xi32>
        %and3A_3392 = arith.andi %shift_right_arithmetic3A_3389, %and3A_3391 : vector<16xi32>
        %or3A_3393 = arith.ori %or3A_3386, %and3A_3392 : vector<16xi32>
        %swap3A_3394 = arith.constant 208 : index
        %swap3A_3395 = tpu.vector_load %arg12[%swap3A_3394] {strides = array<i32>} : memref<256xi32, #tpu.memory_space<vmem>>, vector<16xi32>,
        %swap3A_3396 = vector.shape_cast %swap3A_3395 : vector<16xi32> to vector<16xi32>
        %swap3A_3397 = vector.shape_cast %or3A_3393 : vector<16xi32> to vector<16xi32>
        tpu.vector_store %arg12[%swap3A_3394], %swap3A_3397 {strides = array<i32>} : memref<256xi32, #tpu.memory_space<vmem>>, vector<16xi32>,
        %get3A_3398 = arith.constant 224 : index
        %get3A_3399 = tpu.vector_load %arg8[%get3A_3398] {strides = array<i32>} : memref<256xi32, #tpu.memory_space<vmem>>, vector<16xi32>,
        %get3A_3400 = vector.shape_cast %get3A_3399 : vector<16xi32> to vector<16xi32>
        %shift_right_arithmetic3A_3401 = arith.constant 14 : i32
        %shift_right_arithmetic3A_3402 = vector.broadcast %shift_right_arithmetic3A_3401 : i32 to vector<16xi32>
        %shift_right_arithmetic3A_3403 = arith.shrsi %get3A_3400, %shift_right_arithmetic3A_3402 : vector<16xi32>
        %shift_left3A_3404 = arith.constant 14 : i32
        %shift_left3A_3405 = vector.broadcast %shift_left3A_3404 : i32 to vector<16xi32>
        %shift_left3A_3406 = arith.shli %shift_right_arithmetic3A_3403, %shift_left3A_3405 : vector<16xi32>
        %and3A_3407 = arith.constant 8191 : i32
        %and3A_3408 = vector.broadcast %and3A_3407 : i32 to vector<16xi32>
        %and3A_3409 = arith.andi %get3A_3400, %and3A_3408 : vector<16xi32>
        %shift_left3A_3410 = arith.constant 1 : i32
        %shift_left3A_3411 = vector.broadcast %shift_left3A_3410 : i32 to vector<16xi32>
        %shift_left3A_3412 = arith.shli %and3A_3409, %shift_left3A_3411 : vector<16xi32>
        %or3A_3413 = arith.ori %shift_left3A_3406, %shift_left3A_3412 : vector<16xi32>
        %shift_right_arithmetic3A_3414 = arith.constant 13 : i32
        %shift_right_arithmetic3A_3415 = vector.broadcast %shift_right_arithmetic3A_3414 : i32 to vector<16xi32>
        %shift_right_arithmetic3A_3416 = arith.shrsi %get3A_3400, %shift_right_arithmetic3A_3415 : vector<16xi32>
        %and3A_3417 = arith.constant 1 : i32
        %and3A_3418 = vector.broadcast %and3A_3417 : i32 to vector<16xi32>
        %and3A_3419 = arith.andi %shift_right_arithmetic3A_3416, %and3A_3418 : vector<16xi32>
        %or3A_3420 = arith.ori %or3A_3413, %and3A_3419 : vector<16xi32>
        %swap3A_3421 = arith.constant 224 : index
        %swap3A_3422 = tpu.vector_load %arg12[%swap3A_3421] {strides = array<i32>} : memref<256xi32, #tpu.memory_space<vmem>>, vector<16xi32>,
        %swap3A_3423 = vector.shape_cast %swap3A_3422 : vector<16xi32> to vector<16xi32>
        %swap3A_3424 = vector.shape_cast %or3A_3420 : vector<16xi32> to vector<16xi32>
        tpu.vector_store %arg12[%swap3A_3421], %swap3A_3424 {strides = array<i32>} : memref<256xi32, #tpu.memory_space<vmem>>, vector<16xi32>,
        %get3A_3425 = arith.constant 240 : index
        %get3A_3426 = tpu.vector_load %arg8[%get3A_3425] {strides = array<i32>} : memref<256xi32, #tpu.memory_space<vmem>>, vector<16xi32>,
        %get3A_3427 = vector.shape_cast %get3A_3426 : vector<16xi32> to vector<16xi32>
        %shift_right_arithmetic3A_3428 = arith.constant 14 : i32
        %shift_right_arithmetic3A_3429 = vector.broadcast %shift_right_arithmetic3A_3428 : i32 to vector<16xi32>
        %shift_right_arithmetic3A_3430 = arith.shrsi %get3A_3427, %shift_right_arithmetic3A_3429 : vector<16xi32>
        %shift_left3A_3431 = arith.constant 14 : i32
        %shift_left3A_3432 = vector.broadcast %shift_left3A_3431 : i32 to vector<16xi32>
        %shift_left3A_3433 = arith.shli %shift_right_arithmetic3A_3430, %shift_left3A_3432 : vector<16xi32>
        %and3A_3434 = arith.constant 8191 : i32
        %and3A_3435 = vector.broadcast %and3A_3434 : i32 to vector<16xi32>
        %and3A_3436 = arith.andi %get3A_3427, %and3A_3435 : vector<16xi32>
        %shift_left3A_3437 = arith.constant 1 : i32
        %shift_left3A_3438 = vector.broadcast %shift_left3A_3437 : i32 to vector<16xi32>
        %shift_left3A_3439 = arith.shli %and3A_3436, %shift_left3A_3438 : vector<16xi32>
        %or3A_3440 = arith.ori %shift_left3A_3433, %shift_left3A_3439 : vector<16xi32>
        %shift_right_arithmetic3A_3441 = arith.constant 13 : i32
        %shift_right_arithmetic3A_3442 = vector.broadcast %shift_right_arithmetic3A_3441 : i32 to vector<16xi32>
        %shift_right_arithmetic3A_3443 = arith.shrsi %get3A_3427, %shift_right_arithmetic3A_3442 : vector<16xi32>
        %and3A_3444 = arith.constant 1 : i32
        %and3A_3445 = vector.broadcast %and3A_3444 : i32 to vector<16xi32>
        %and3A_3446 = arith.andi %shift_right_arithmetic3A_3443, %and3A_3445 : vector<16xi32>
        %or3A_3447 = arith.ori %or3A_3440, %and3A_3446 : vector<16xi32>
        %swap3A_3448 = arith.constant 240 : index
        %swap3A_3449 = tpu.vector_load %arg12[%swap3A_3448] {strides = array<i32>} : memref<256xi32, #tpu.memory_space<vmem>>, vector<16xi32>,
        %swap3A_3450 = vector.shape_cast %swap3A_3449 : vector<16xi32> to vector<16xi32>
        %swap3A_3451 = vector.shape_cast %or3A_3447 : vector<16xi32> to vector<16xi32>
        tpu.vector_store %arg12[%swap3A_3448], %swap3A_3451 {strides = array<i32>} : memref<256xi32, #tpu.memory_space<vmem>>, vector<16xi32>,
        %dma_start3A_3452 = arith.constant 0 : i32
        %dma_start3A_3453 = arith.constant 0 : i32
        %dma_start3A_3454 = tpu.memref_slice %arg3[%dma_start3A_3452, %dma_start3A_3453] : memref<1015808x64xf32, #tpu.memory_space<hbm>> -> memref<1015808x64xf32, #tpu.memory_space<hbm>>
        tpu.enqueue_indirect_dma source(%dma_start3A_3454 : memref<1015808x64xf32, #tpu.memory_space<hbm>>) target(%arg16 : memref<256x64xf32, #tpu.memory_space<vmem>>) offsets(%arg12 : memref<256xi32, #tpu.memory_space<vmem>>) semaphore(%arg20 : memref<!tpu.dma_semaphore, #tpu.memory_space<semaphore_mem>>)
      } else {
      }
      %mul3A_2925 = arith.constant 4 : i32
      %mul3A_2926 = arith.muli %scan3A_2863, %mul3A_2925 : i32
      %add3A_2927 = arith.constant 2 : i32
      %add3A_2928 = arith.addi %mul3A_2926, %add3A_2927 : i32
      %dma_wait3A_2929 = arith.constant 0 : i32
      %dma_wait3A_2930 = arith.constant 0 : i32
      %dma_wait3A_2931 = tpu.memref_slice %arg3[%dma_wait3A_2929, %dma_wait3A_2930] : memref<1015808x64xf32, #tpu.memory_space<hbm>> -> memref<1015808x64xf32, #tpu.memory_space<hbm>>
      tpu.wait_indirect_dma semaphore(%arg19 : memref<!tpu.dma_semaphore, #tpu.memory_space<semaphore_mem>>) src(%dma_wait3A_2931 : memref<1015808x64xf32, #tpu.memory_space<hbm>>) dst(%arg15 : memref<256x64xf32, #tpu.memory_space<vmem>>)
      %mul3A_2932 = arith.constant 256 : i32
      %mul3A_2933 = arith.muli %add3A_2928, %mul3A_2932 : i32
      %add3A_2934 = arith.addi %mul3A_2, %mul3A_2933 : i32
      %and3A_2935 = arith.constant 2047 : i32
      %and3A_2936 = arith.andi %add3A_2934, %and3A_2935 : i32
      %shift_right_arithmetic3A_2937 = arith.constant 11 : i32
      %shift_right_arithmetic3A_2938 = arith.shrsi %add3A_2934, %shift_right_arithmetic3A_2937 : i32
      %mul3A_2939 = arith.constant 1024 : i32
      %mul3A_2940 = arith.muli %shift_right_arithmetic3A_2938, %mul3A_2939 : i32
      %and3A_2941 = arith.constant 1023 : i32
      %and3A_2942 = arith.andi %and3A_2936, %and3A_2941 : i32
      %add3A_2943 = arith.addi %mul3A_2940, %and3A_2942 : i32
      %shift_right_arithmetic3A_2944 = arith.constant 10 : i32
      %shift_right_arithmetic3A_2945 = arith.shrsi %and3A_2936, %shift_right_arithmetic3A_2944 : i32
      %mul3A_2946 = arith.constant 64 : i32
      %mul3A_2947 = arith.muli %shift_right_arithmetic3A_2945, %mul3A_2946 : i32
      %dma_start3A_2948 = tpu.memref_slice %arg4[%add3A_2943, %mul3A_2947] : memref<409600x128xf32, #tpu.memory_space<hbm>> -> memref<256x64xf32, #tpu.memory_space<hbm>>
      %dma_start3A_2949 = tpu.memref_slice %arg4[%add3A_2943, %mul3A_2947] : memref<409600x128xf32, #tpu.memory_space<hbm>> -> memref<256x64xf32, #tpu.memory_space<hbm>>
      tpu.enqueue_dma source(%arg15 : memref<256x64xf32, #tpu.memory_space<vmem>>) target(%dma_start3A_2949 : memref<256x64xf32, #tpu.memory_space<hbm>>) target_semaphore(%arg23 : memref<!tpu.dma_semaphore, #tpu.memory_space<semaphore_mem>>)
      %add3A_2950 = arith.constant 2 : i32
      %add3A_2951 = arith.addi %add3A_2928, %add3A_2950 : i32
      %lt3A_2952 = arith.constant 100 : i32
      %lt3A_2953 = arith.cmpi slt, %add3A_2951, %lt3A_2952 : i32
      %convert_element_type3A_2954 = arith.extui %lt3A_2953 : i1 to i32
      %cond3A_2955 = arith.constant 0 : i32
      %cond3A_2956 = arith.cmpi ne, %convert_element_type3A_2954, %cond3A_2955 : i32
      scf.if %cond3A_2956 {
        %jit3A_2989 = arith.constant 2 : i32
        %div3A_2990 = arith.divsi %mul3A_2, %jit3A_2989 : i32
        %sign3A_2991 = arith.constant 0 : i32
        %sign3A_2992 = arith.cmpi sgt, %mul3A_2, %sign3A_2991 : i32
        %sign3A_2993 = arith.extui %sign3A_2992 : i1 to i32
        %sign3A_2994 = arith.constant 0 : i32
        %sign3A_2995 = arith.cmpi slt, %mul3A_2, %sign3A_2994 : i32
        %sign3A_2996 = arith.extui %sign3A_2995 : i1 to i32
        %sign3A_2997 = arith.subi %sign3A_2993, %sign3A_2996 : i32
        %sign3A_2998 = arith.constant 0 : i32
        %sign3A_2999 = arith.cmpi sgt, %jit3A_2989, %sign3A_2998 : i32
        %sign3A_3000 = arith.extui %sign3A_2999 : i1 to i32
        %sign3A_3001 = arith.constant 0 : i32
        %sign3A_3002 = arith.cmpi slt, %jit3A_2989, %sign3A_3001 : i32
        %sign3A_3003 = arith.extui %sign3A_3002 : i1 to i32
        %sign3A_3004 = arith.subi %sign3A_3000, %sign3A_3003 : i32
        %ne3A_3005 = arith.cmpi ne, %sign3A_2997, %sign3A_3004 : i32
        %rem3A_3006 = arith.remsi %mul3A_2, %jit3A_2989 : i32
        %ne3A_3007 = arith.constant 0 : i32
        %ne3A_3008 = arith.cmpi ne, %rem3A_3006, %ne3A_3007 : i32
        %and3A_3009 = arith.andi %ne3A_3005, %ne3A_3008 : i1
        %sub3A_3010 = arith.constant 1 : i32
        %sub3A_3011 = arith.subi %div3A_2990, %sub3A_3010 : i32
        %select_n3A_3012 = arith.select %and3A_3009, %sub3A_3011, %div3A_2990 : i32
        %dma_wait3A_3013 = arith.constant 0 : i32
        %dma_wait3A_3014 = tpu.memref_slice %arg4[%select_n3A_3012, %dma_wait3A_3013] : memref<409600x128xf32, #tpu.memory_space<hbm>> -> memref<256x64xf32, #tpu.memory_space<hbm>>
        %dma_wait3A_3015 = arith.constant 0 : i32
        %dma_wait3A_3016 = tpu.memref_slice %arg4[%select_n3A_3012, %dma_wait3A_3015] : memref<409600x128xf32, #tpu.memory_space<hbm>> -> memref<256x64xf32, #tpu.memory_space<hbm>>
        tpu.wait_dma2 semaphore(%arg21 : memref<!tpu.dma_semaphore, #tpu.memory_space<semaphore_mem>>) src(%arg13 : memref<256x64xf32, #tpu.memory_space<vmem>>) dst(%dma_wait3A_3016 : memref<256x64xf32, #tpu.memory_space<hbm>>)
        %mul3A_3017 = arith.constant 256 : i32
        %mul3A_3018 = arith.muli %add3A_2951, %mul3A_3017 : i32
        %add3A_3019 = arith.addi %mul3A_2, %mul3A_3018 : i32
        "tpu.region"() ({
          %run_scoped3A = tpu.sem_alloc : memref<!tpu.dma_semaphore, #tpu.memory_space<semaphore_mem>>
          %dma_start3A_3455 = tpu.memref_slice %arg2[%add3A_3019] : memref<819200xi32, #tpu.memory_space<hbm>> -> memref<256xi32, #tpu.memory_space<hbm>>
          %dma_start3A_3456 = tpu.memref_slice %arg2[%add3A_3019] : memref<819200xi32, #tpu.memory_space<hbm>> -> memref<256xi32, #tpu.memory_space<hbm>>
          tpu.enqueue_dma source(%dma_start3A_3456 : memref<256xi32, #tpu.memory_space<hbm>>) target(%arg5 : memref<256xi32, #tpu.memory_space<vmem>>) target_semaphore(%run_scoped3A : memref<!tpu.dma_semaphore, #tpu.memory_space<semaphore_mem>>)
          %dma_wait3A_3457 = tpu.memref_slice %arg2[%add3A_3019] : memref<819200xi32, #tpu.memory_space<hbm>> -> memref<256xi32, #tpu.memory_space<hbm>>
          %dma_wait3A_3458 = tpu.memref_slice %arg2[%add3A_3019] : memref<819200xi32, #tpu.memory_space<hbm>> -> memref<256xi32, #tpu.memory_space<hbm>>
          tpu.wait_dma2 semaphore(%run_scoped3A : memref<!tpu.dma_semaphore, #tpu.memory_space<semaphore_mem>>) src(%dma_wait3A_3458 : memref<256xi32, #tpu.memory_space<hbm>>) dst(%arg5 : memref<256xi32, #tpu.memory_space<vmem>>)
          tpu.yield
        }) : () -> ()
        %get3A_3020 = arith.constant 0 : index
        %get3A_3021 = tpu.vector_load %arg5[%get3A_3020] {strides = array<i32>} : memref<256xi32, #tpu.memory_space<vmem>>, vector<16xi32>,
        %get3A_3022 = vector.shape_cast %get3A_3021 : vector<16xi32> to vector<16xi32>
        %shift_right_arithmetic3A_3023 = arith.constant 14 : i32
        %shift_right_arithmetic3A_3024 = vector.broadcast %shift_right_arithmetic3A_3023 : i32 to vector<16xi32>
        %shift_right_arithmetic3A_3025 = arith.shrsi %get3A_3022, %shift_right_arithmetic3A_3024 : vector<16xi32>
        %shift_left3A_3026 = arith.constant 14 : i32
        %shift_left3A_3027 = vector.broadcast %shift_left3A_3026 : i32 to vector<16xi32>
        %shift_left3A_3028 = arith.shli %shift_right_arithmetic3A_3025, %shift_left3A_3027 : vector<16xi32>
        %and3A_3029 = arith.constant 8191 : i32
        %and3A_3030 = vector.broadcast %and3A_3029 : i32 to vector<16xi32>
        %and3A_3031 = arith.andi %get3A_3022, %and3A_3030 : vector<16xi32>
        %shift_left3A_3032 = arith.constant 1 : i32
        %shift_left3A_3033 = vector.broadcast %shift_left3A_3032 : i32 to vector<16xi32>
        %shift_left3A_3034 = arith.shli %and3A_3031, %shift_left3A_3033 : vector<16xi32>
        %or3A_3035 = arith.ori %shift_left3A_3028, %shift_left3A_3034 : vector<16xi32>
        %shift_right_arithmetic3A_3036 = arith.constant 13 : i32
        %shift_right_arithmetic3A_3037 = vector.broadcast %shift_right_arithmetic3A_3036 : i32 to vector<16xi32>
        %shift_right_arithmetic3A_3038 = arith.shrsi %get3A_3022, %shift_right_arithmetic3A_3037 : vector<16xi32>
        %and3A_3039 = arith.constant 1 : i32
        %and3A_3040 = vector.broadcast %and3A_3039 : i32 to vector<16xi32>
        %and3A_3041 = arith.andi %shift_right_arithmetic3A_3038, %and3A_3040 : vector<16xi32>
        %or3A_3042 = arith.ori %or3A_3035, %and3A_3041 : vector<16xi32>
        %swap3A_3043 = arith.constant 0 : index
        %swap3A_3044 = tpu.vector_load %arg9[%swap3A_3043] {strides = array<i32>} : memref<256xi32, #tpu.memory_space<vmem>>, vector<16xi32>,
        %swap3A_3045 = vector.shape_cast %swap3A_3044 : vector<16xi32> to vector<16xi32>
        %swap3A_3046 = vector.shape_cast %or3A_3042 : vector<16xi32> to vector<16xi32>
        tpu.vector_store %arg9[%swap3A_3043], %swap3A_3046 {strides = array<i32>} : memref<256xi32, #tpu.memory_space<vmem>>, vector<16xi32>,
        %get3A_3047 = arith.constant 16 : index
        %get3A_3048 = tpu.vector_load %arg5[%get3A_3047] {strides = array<i32>} : memref<256xi32, #tpu.memory_space<vmem>>, vector<16xi32>,
        %get3A_3049 = vector.shape_cast %get3A_3048 : vector<16xi32> to vector<16xi32>
        %shift_right_arithmetic3A_3050 = arith.constant 14 : i32
        %shift_right_arithmetic3A_3051 = vector.broadcast %shift_right_arithmetic3A_3050 : i32 to vector<16xi32>
        %shift_right_arithmetic3A_3052 = arith.shrsi %get3A_3049, %shift_right_arithmetic3A_3051 : vector<16xi32>
        %shift_left3A_3053 = arith.constant 14 : i32
        %shift_left3A_3054 = vector.broadcast %shift_left3A_3053 : i32 to vector<16xi32>
        %shift_left3A_3055 = arith.shli %shift_right_arithmetic3A_3052, %shift_left3A_3054 : vector<16xi32>
        %and3A_3056 = arith.constant 8191 : i32
        %and3A_3057 = vector.broadcast %and3A_3056 : i32 to vector<16xi32>
        %and3A_3058 = arith.andi %get3A_3049, %and3A_3057 : vector<16xi32>
        %shift_left3A_3059 = arith.constant 1 : i32
        %shift_left3A_3060 = vector.broadcast %shift_left3A_3059 : i32 to vector<16xi32>
        %shift_left3A_3061 = arith.shli %and3A_3058, %shift_left3A_3060 : vector<16xi32>
        %or3A_3062 = arith.ori %shift_left3A_3055, %shift_left3A_3061 : vector<16xi32>
        %shift_right_arithmetic3A_3063 = arith.constant 13 : i32
        %shift_right_arithmetic3A_3064 = vector.broadcast %shift_right_arithmetic3A_3063 : i32 to vector<16xi32>
        %shift_right_arithmetic3A_3065 = arith.shrsi %get3A_3049, %shift_right_arithmetic3A_3064 : vector<16xi32>
        %and3A_3066 = arith.constant 1 : i32
        %and3A_3067 = vector.broadcast %and3A_3066 : i32 to vector<16xi32>
        %and3A_3068 = arith.andi %shift_right_arithmetic3A_3065, %and3A_3067 : vector<16xi32>
        %or3A_3069 = arith.ori %or3A_3062, %and3A_3068 : vector<16xi32>
        %swap3A_3070 = arith.constant 16 : index
        %swap3A_3071 = tpu.vector_load %arg9[%swap3A_3070] {strides = array<i32>} : memref<256xi32, #tpu.memory_space<vmem>>, vector<16xi32>,
        %swap3A_3072 = vector.shape_cast %swap3A_3071 : vector<16xi32> to vector<16xi32>
        %swap3A_3073 = vector.shape_cast %or3A_3069 : vector<16xi32> to vector<16xi32>
        tpu.vector_store %arg9[%swap3A_3070], %swap3A_3073 {strides = array<i32>} : memref<256xi32, #tpu.memory_space<vmem>>, vector<16xi32>,
        %get3A_3074 = arith.constant 32 : index
        %get3A_3075 = tpu.vector_load %arg5[%get3A_3074] {strides = array<i32>} : memref<256xi32, #tpu.memory_space<vmem>>, vector<16xi32>,
        %get3A_3076 = vector.shape_cast %get3A_3075 : vector<16xi32> to vector<16xi32>
        %shift_right_arithmetic3A_3077 = arith.constant 14 : i32
        %shift_right_arithmetic3A_3078 = vector.broadcast %shift_right_arithmetic3A_3077 : i32 to vector<16xi32>
        %shift_right_arithmetic3A_3079 = arith.shrsi %get3A_3076, %shift_right_arithmetic3A_3078 : vector<16xi32>
        %shift_left3A_3080 = arith.constant 14 : i32
        %shift_left3A_3081 = vector.broadcast %shift_left3A_3080 : i32 to vector<16xi32>
        %shift_left3A_3082 = arith.shli %shift_right_arithmetic3A_3079, %shift_left3A_3081 : vector<16xi32>
        %and3A_3083 = arith.constant 8191 : i32
        %and3A_3084 = vector.broadcast %and3A_3083 : i32 to vector<16xi32>
        %and3A_3085 = arith.andi %get3A_3076, %and3A_3084 : vector<16xi32>
        %shift_left3A_3086 = arith.constant 1 : i32
        %shift_left3A_3087 = vector.broadcast %shift_left3A_3086 : i32 to vector<16xi32>
        %shift_left3A_3088 = arith.shli %and3A_3085, %shift_left3A_3087 : vector<16xi32>
        %or3A_3089 = arith.ori %shift_left3A_3082, %shift_left3A_3088 : vector<16xi32>
        %shift_right_arithmetic3A_3090 = arith.constant 13 : i32
        %shift_right_arithmetic3A_3091 = vector.broadcast %shift_right_arithmetic3A_3090 : i32 to vector<16xi32>
        %shift_right_arithmetic3A_3092 = arith.shrsi %get3A_3076, %shift_right_arithmetic3A_3091 : vector<16xi32>
        %and3A_3093 = arith.constant 1 : i32
        %and3A_3094 = vector.broadcast %and3A_3093 : i32 to vector<16xi32>
        %and3A_3095 = arith.andi %shift_right_arithmetic3A_3092, %and3A_3094 : vector<16xi32>
        %or3A_3096 = arith.ori %or3A_3089, %and3A_3095 : vector<16xi32>
        %swap3A_3097 = arith.constant 32 : index
        %swap3A_3098 = tpu.vector_load %arg9[%swap3A_3097] {strides = array<i32>} : memref<256xi32, #tpu.memory_space<vmem>>, vector<16xi32>,
        %swap3A_3099 = vector.shape_cast %swap3A_3098 : vector<16xi32> to vector<16xi32>
        %swap3A_3100 = vector.shape_cast %or3A_3096 : vector<16xi32> to vector<16xi32>
        tpu.vector_store %arg9[%swap3A_3097], %swap3A_3100 {strides = array<i32>} : memref<256xi32, #tpu.memory_space<vmem>>, vector<16xi32>,
        %get3A_3101 = arith.constant 48 : index
        %get3A_3102 = tpu.vector_load %arg5[%get3A_3101] {strides = array<i32>} : memref<256xi32, #tpu.memory_space<vmem>>, vector<16xi32>,
        %get3A_3103 = vector.shape_cast %get3A_3102 : vector<16xi32> to vector<16xi32>
        %shift_right_arithmetic3A_3104 = arith.constant 14 : i32
        %shift_right_arithmetic3A_3105 = vector.broadcast %shift_right_arithmetic3A_3104 : i32 to vector<16xi32>
        %shift_right_arithmetic3A_3106 = arith.shrsi %get3A_3103, %shift_right_arithmetic3A_3105 : vector<16xi32>
        %shift_left3A_3107 = arith.constant 14 : i32
        %shift_left3A_3108 = vector.broadcast %shift_left3A_3107 : i32 to vector<16xi32>
        %shift_left3A_3109 = arith.shli %shift_right_arithmetic3A_3106, %shift_left3A_3108 : vector<16xi32>
        %and3A_3110 = arith.constant 8191 : i32
        %and3A_3111 = vector.broadcast %and3A_3110 : i32 to vector<16xi32>
        %and3A_3112 = arith.andi %get3A_3103, %and3A_3111 : vector<16xi32>
        %shift_left3A_3113 = arith.constant 1 : i32
        %shift_left3A_3114 = vector.broadcast %shift_left3A_3113 : i32 to vector<16xi32>
        %shift_left3A_3115 = arith.shli %and3A_3112, %shift_left3A_3114 : vector<16xi32>
        %or3A_3116 = arith.ori %shift_left3A_3109, %shift_left3A_3115 : vector<16xi32>
        %shift_right_arithmetic3A_3117 = arith.constant 13 : i32
        %shift_right_arithmetic3A_3118 = vector.broadcast %shift_right_arithmetic3A_3117 : i32 to vector<16xi32>
        %shift_right_arithmetic3A_3119 = arith.shrsi %get3A_3103, %shift_right_arithmetic3A_3118 : vector<16xi32>
        %and3A_3120 = arith.constant 1 : i32
        %and3A_3121 = vector.broadcast %and3A_3120 : i32 to vector<16xi32>
        %and3A_3122 = arith.andi %shift_right_arithmetic3A_3119, %and3A_3121 : vector<16xi32>
        %or3A_3123 = arith.ori %or3A_3116, %and3A_3122 : vector<16xi32>
        %swap3A_3124 = arith.constant 48 : index
        %swap3A_3125 = tpu.vector_load %arg9[%swap3A_3124] {strides = array<i32>} : memref<256xi32, #tpu.memory_space<vmem>>, vector<16xi32>,
        %swap3A_3126 = vector.shape_cast %swap3A_3125 : vector<16xi32> to vector<16xi32>
        %swap3A_3127 = vector.shape_cast %or3A_3123 : vector<16xi32> to vector<16xi32>
        tpu.vector_store %arg9[%swap3A_3124], %swap3A_3127 {strides = array<i32>} : memref<256xi32, #tpu.memory_space<vmem>>, vector<16xi32>,
        %get3A_3128 = arith.constant 64 : index
        %get3A_3129 = tpu.vector_load %arg5[%get3A_3128] {strides = array<i32>} : memref<256xi32, #tpu.memory_space<vmem>>, vector<16xi32>,
        %get3A_3130 = vector.shape_cast %get3A_3129 : vector<16xi32> to vector<16xi32>
        %shift_right_arithmetic3A_3131 = arith.constant 14 : i32
        %shift_right_arithmetic3A_3132 = vector.broadcast %shift_right_arithmetic3A_3131 : i32 to vector<16xi32>
        %shift_right_arithmetic3A_3133 = arith.shrsi %get3A_3130, %shift_right_arithmetic3A_3132 : vector<16xi32>
        %shift_left3A_3134 = arith.constant 14 : i32
        %shift_left3A_3135 = vector.broadcast %shift_left3A_3134 : i32 to vector<16xi32>
        %shift_left3A_3136 = arith.shli %shift_right_arithmetic3A_3133, %shift_left3A_3135 : vector<16xi32>
        %and3A_3137 = arith.constant 8191 : i32
        %and3A_3138 = vector.broadcast %and3A_3137 : i32 to vector<16xi32>
        %and3A_3139 = arith.andi %get3A_3130, %and3A_3138 : vector<16xi32>
        %shift_left3A_3140 = arith.constant 1 : i32
        %shift_left3A_3141 = vector.broadcast %shift_left3A_3140 : i32 to vector<16xi32>
        %shift_left3A_3142 = arith.shli %and3A_3139, %shift_left3A_3141 : vector<16xi32>
        %or3A_3143 = arith.ori %shift_left3A_3136, %shift_left3A_3142 : vector<16xi32>
        %shift_right_arithmetic3A_3144 = arith.constant 13 : i32
        %shift_right_arithmetic3A_3145 = vector.broadcast %shift_right_arithmetic3A_3144 : i32 to vector<16xi32>
        %shift_right_arithmetic3A_3146 = arith.shrsi %get3A_3130, %shift_right_arithmetic3A_3145 : vector<16xi32>
        %and3A_3147 = arith.constant 1 : i32
        %and3A_3148 = vector.broadcast %and3A_3147 : i32 to vector<16xi32>
        %and3A_3149 = arith.andi %shift_right_arithmetic3A_3146, %and3A_3148 : vector<16xi32>
        %or3A_3150 = arith.ori %or3A_3143, %and3A_3149 : vector<16xi32>
        %swap3A_3151 = arith.constant 64 : index
        %swap3A_3152 = tpu.vector_load %arg9[%swap3A_3151] {strides = array<i32>} : memref<256xi32, #tpu.memory_space<vmem>>, vector<16xi32>,
        %swap3A_3153 = vector.shape_cast %swap3A_3152 : vector<16xi32> to vector<16xi32>
        %swap3A_3154 = vector.shape_cast %or3A_3150 : vector<16xi32> to vector<16xi32>
        tpu.vector_store %arg9[%swap3A_3151], %swap3A_3154 {strides = array<i32>} : memref<256xi32, #tpu.memory_space<vmem>>, vector<16xi32>,
        %get3A_3155 = arith.constant 80 : index
        %get3A_3156 = tpu.vector_load %arg5[%get3A_3155] {strides = array<i32>} : memref<256xi32, #tpu.memory_space<vmem>>, vector<16xi32>,
        %get3A_3157 = vector.shape_cast %get3A_3156 : vector<16xi32> to vector<16xi32>
        %shift_right_arithmetic3A_3158 = arith.constant 14 : i32
        %shift_right_arithmetic3A_3159 = vector.broadcast %shift_right_arithmetic3A_3158 : i32 to vector<16xi32>
        %shift_right_arithmetic3A_3160 = arith.shrsi %get3A_3157, %shift_right_arithmetic3A_3159 : vector<16xi32>
        %shift_left3A_3161 = arith.constant 14 : i32
        %shift_left3A_3162 = vector.broadcast %shift_left3A_3161 : i32 to vector<16xi32>
        %shift_left3A_3163 = arith.shli %shift_right_arithmetic3A_3160, %shift_left3A_3162 : vector<16xi32>
        %and3A_3164 = arith.constant 8191 : i32
        %and3A_3165 = vector.broadcast %and3A_3164 : i32 to vector<16xi32>
        %and3A_3166 = arith.andi %get3A_3157, %and3A_3165 : vector<16xi32>
        %shift_left3A_3167 = arith.constant 1 : i32
        %shift_left3A_3168 = vector.broadcast %shift_left3A_3167 : i32 to vector<16xi32>
        %shift_left3A_3169 = arith.shli %and3A_3166, %shift_left3A_3168 : vector<16xi32>
        %or3A_3170 = arith.ori %shift_left3A_3163, %shift_left3A_3169 : vector<16xi32>
        %shift_right_arithmetic3A_3171 = arith.constant 13 : i32
        %shift_right_arithmetic3A_3172 = vector.broadcast %shift_right_arithmetic3A_3171 : i32 to vector<16xi32>
        %shift_right_arithmetic3A_3173 = arith.shrsi %get3A_3157, %shift_right_arithmetic3A_3172 : vector<16xi32>
        %and3A_3174 = arith.constant 1 : i32
        %and3A_3175 = vector.broadcast %and3A_3174 : i32 to vector<16xi32>
        %and3A_3176 = arith.andi %shift_right_arithmetic3A_3173, %and3A_3175 : vector<16xi32>
        %or3A_3177 = arith.ori %or3A_3170, %and3A_3176 : vector<16xi32>
        %swap3A_3178 = arith.constant 80 : index
        %swap3A_3179 = tpu.vector_load %arg9[%swap3A_3178] {strides = array<i32>} : memref<256xi32, #tpu.memory_space<vmem>>, vector<16xi32>,
        %swap3A_3180 = vector.shape_cast %swap3A_3179 : vector<16xi32> to vector<16xi32>
        %swap3A_3181 = vector.shape_cast %or3A_3177 : vector<16xi32> to vector<16xi32>
        tpu.vector_store %arg9[%swap3A_3178], %swap3A_3181 {strides = array<i32>} : memref<256xi32, #tpu.memory_space<vmem>>, vector<16xi32>,
        %get3A_3182 = arith.constant 96 : index
        %get3A_3183 = tpu.vector_load %arg5[%get3A_3182] {strides = array<i32>} : memref<256xi32, #tpu.memory_space<vmem>>, vector<16xi32>,
        %get3A_3184 = vector.shape_cast %get3A_3183 : vector<16xi32> to vector<16xi32>
        %shift_right_arithmetic3A_3185 = arith.constant 14 : i32
        %shift_right_arithmetic3A_3186 = vector.broadcast %shift_right_arithmetic3A_3185 : i32 to vector<16xi32>
        %shift_right_arithmetic3A_3187 = arith.shrsi %get3A_3184, %shift_right_arithmetic3A_3186 : vector<16xi32>
        %shift_left3A_3188 = arith.constant 14 : i32
        %shift_left3A_3189 = vector.broadcast %shift_left3A_3188 : i32 to vector<16xi32>
        %shift_left3A_3190 = arith.shli %shift_right_arithmetic3A_3187, %shift_left3A_3189 : vector<16xi32>
        %and3A_3191 = arith.constant 8191 : i32
        %and3A_3192 = vector.broadcast %and3A_3191 : i32 to vector<16xi32>
        %and3A_3193 = arith.andi %get3A_3184, %and3A_3192 : vector<16xi32>
        %shift_left3A_3194 = arith.constant 1 : i32
        %shift_left3A_3195 = vector.broadcast %shift_left3A_3194 : i32 to vector<16xi32>
        %shift_left3A_3196 = arith.shli %and3A_3193, %shift_left3A_3195 : vector<16xi32>
        %or3A_3197 = arith.ori %shift_left3A_3190, %shift_left3A_3196 : vector<16xi32>
        %shift_right_arithmetic3A_3198 = arith.constant 13 : i32
        %shift_right_arithmetic3A_3199 = vector.broadcast %shift_right_arithmetic3A_3198 : i32 to vector<16xi32>
        %shift_right_arithmetic3A_3200 = arith.shrsi %get3A_3184, %shift_right_arithmetic3A_3199 : vector<16xi32>
        %and3A_3201 = arith.constant 1 : i32
        %and3A_3202 = vector.broadcast %and3A_3201 : i32 to vector<16xi32>
        %and3A_3203 = arith.andi %shift_right_arithmetic3A_3200, %and3A_3202 : vector<16xi32>
        %or3A_3204 = arith.ori %or3A_3197, %and3A_3203 : vector<16xi32>
        %swap3A_3205 = arith.constant 96 : index
        %swap3A_3206 = tpu.vector_load %arg9[%swap3A_3205] {strides = array<i32>} : memref<256xi32, #tpu.memory_space<vmem>>, vector<16xi32>,
        %swap3A_3207 = vector.shape_cast %swap3A_3206 : vector<16xi32> to vector<16xi32>
        %swap3A_3208 = vector.shape_cast %or3A_3204 : vector<16xi32> to vector<16xi32>
        tpu.vector_store %arg9[%swap3A_3205], %swap3A_3208 {strides = array<i32>} : memref<256xi32, #tpu.memory_space<vmem>>, vector<16xi32>,
        %get3A_3209 = arith.constant 112 : index
        %get3A_3210 = tpu.vector_load %arg5[%get3A_3209] {strides = array<i32>} : memref<256xi32, #tpu.memory_space<vmem>>, vector<16xi32>,
        %get3A_3211 = vector.shape_cast %get3A_3210 : vector<16xi32> to vector<16xi32>
        %shift_right_arithmetic3A_3212 = arith.constant 14 : i32
        %shift_right_arithmetic3A_3213 = vector.broadcast %shift_right_arithmetic3A_3212 : i32 to vector<16xi32>
        %shift_right_arithmetic3A_3214 = arith.shrsi %get3A_3211, %shift_right_arithmetic3A_3213 : vector<16xi32>
        %shift_left3A_3215 = arith.constant 14 : i32
        %shift_left3A_3216 = vector.broadcast %shift_left3A_3215 : i32 to vector<16xi32>
        %shift_left3A_3217 = arith.shli %shift_right_arithmetic3A_3214, %shift_left3A_3216 : vector<16xi32>
        %and3A_3218 = arith.constant 8191 : i32
        %and3A_3219 = vector.broadcast %and3A_3218 : i32 to vector<16xi32>
        %and3A_3220 = arith.andi %get3A_3211, %and3A_3219 : vector<16xi32>
        %shift_left3A_3221 = arith.constant 1 : i32
        %shift_left3A_3222 = vector.broadcast %shift_left3A_3221 : i32 to vector<16xi32>
        %shift_left3A_3223 = arith.shli %and3A_3220, %shift_left3A_3222 : vector<16xi32>
        %or3A_3224 = arith.ori %shift_left3A_3217, %shift_left3A_3223 : vector<16xi32>
        %shift_right_arithmetic3A_3225 = arith.constant 13 : i32
        %shift_right_arithmetic3A_3226 = vector.broadcast %shift_right_arithmetic3A_3225 : i32 to vector<16xi32>
        %shift_right_arithmetic3A_3227 = arith.shrsi %get3A_3211, %shift_right_arithmetic3A_3226 : vector<16xi32>
        %and3A_3228 = arith.constant 1 : i32
        %and3A_3229 = vector.broadcast %and3A_3228 : i32 to vector<16xi32>
        %and3A_3230 = arith.andi %shift_right_arithmetic3A_3227, %and3A_3229 : vector<16xi32>
        %or3A_3231 = arith.ori %or3A_3224, %and3A_3230 : vector<16xi32>
        %swap3A_3232 = arith.constant 112 : index
        %swap3A_3233 = tpu.vector_load %arg9[%swap3A_3232] {strides = array<i32>} : memref<256xi32, #tpu.memory_space<vmem>>, vector<16xi32>,
        %swap3A_3234 = vector.shape_cast %swap3A_3233 : vector<16xi32> to vector<16xi32>
        %swap3A_3235 = vector.shape_cast %or3A_3231 : vector<16xi32> to vector<16xi32>
        tpu.vector_store %arg9[%swap3A_3232], %swap3A_3235 {strides = array<i32>} : memref<256xi32, #tpu.memory_space<vmem>>, vector<16xi32>,
        %get3A_3236 = arith.constant 128 : index
        %get3A_3237 = tpu.vector_load %arg5[%get3A_3236] {strides = array<i32>} : memref<256xi32, #tpu.memory_space<vmem>>, vector<16xi32>,
        %get3A_3238 = vector.shape_cast %get3A_3237 : vector<16xi32> to vector<16xi32>
        %shift_right_arithmetic3A_3239 = arith.constant 14 : i32
        %shift_right_arithmetic3A_3240 = vector.broadcast %shift_right_arithmetic3A_3239 : i32 to vector<16xi32>
        %shift_right_arithmetic3A_3241 = arith.shrsi %get3A_3238, %shift_right_arithmetic3A_3240 : vector<16xi32>
        %shift_left3A_3242 = arith.constant 14 : i32
        %shift_left3A_3243 = vector.broadcast %shift_left3A_3242 : i32 to vector<16xi32>
        %shift_left3A_3244 = arith.shli %shift_right_arithmetic3A_3241, %shift_left3A_3243 : vector<16xi32>
        %and3A_3245 = arith.constant 8191 : i32
        %and3A_3246 = vector.broadcast %and3A_3245 : i32 to vector<16xi32>
        %and3A_3247 = arith.andi %get3A_3238, %and3A_3246 : vector<16xi32>
        %shift_left3A_3248 = arith.constant 1 : i32
        %shift_left3A_3249 = vector.broadcast %shift_left3A_3248 : i32 to vector<16xi32>
        %shift_left3A_3250 = arith.shli %and3A_3247, %shift_left3A_3249 : vector<16xi32>
        %or3A_3251 = arith.ori %shift_left3A_3244, %shift_left3A_3250 : vector<16xi32>
        %shift_right_arithmetic3A_3252 = arith.constant 13 : i32
        %shift_right_arithmetic3A_3253 = vector.broadcast %shift_right_arithmetic3A_3252 : i32 to vector<16xi32>
        %shift_right_arithmetic3A_3254 = arith.shrsi %get3A_3238, %shift_right_arithmetic3A_3253 : vector<16xi32>
        %and3A_3255 = arith.constant 1 : i32
        %and3A_3256 = vector.broadcast %and3A_3255 : i32 to vector<16xi32>
        %and3A_3257 = arith.andi %shift_right_arithmetic3A_3254, %and3A_3256 : vector<16xi32>
        %or3A_3258 = arith.ori %or3A_3251, %and3A_3257 : vector<16xi32>
        %swap3A_3259 = arith.constant 128 : index
        %swap3A_3260 = tpu.vector_load %arg9[%swap3A_3259] {strides = array<i32>} : memref<256xi32, #tpu.memory_space<vmem>>, vector<16xi32>,
        %swap3A_3261 = vector.shape_cast %swap3A_3260 : vector<16xi32> to vector<16xi32>
        %swap3A_3262 = vector.shape_cast %or3A_3258 : vector<16xi32> to vector<16xi32>
        tpu.vector_store %arg9[%swap3A_3259], %swap3A_3262 {strides = array<i32>} : memref<256xi32, #tpu.memory_space<vmem>>, vector<16xi32>,
        %get3A_3263 = arith.constant 144 : index
        %get3A_3264 = tpu.vector_load %arg5[%get3A_3263] {strides = array<i32>} : memref<256xi32, #tpu.memory_space<vmem>>, vector<16xi32>,
        %get3A_3265 = vector.shape_cast %get3A_3264 : vector<16xi32> to vector<16xi32>
        %shift_right_arithmetic3A_3266 = arith.constant 14 : i32
        %shift_right_arithmetic3A_3267 = vector.broadcast %shift_right_arithmetic3A_3266 : i32 to vector<16xi32>
        %shift_right_arithmetic3A_3268 = arith.shrsi %get3A_3265, %shift_right_arithmetic3A_3267 : vector<16xi32>
        %shift_left3A_3269 = arith.constant 14 : i32
        %shift_left3A_3270 = vector.broadcast %shift_left3A_3269 : i32 to vector<16xi32>
        %shift_left3A_3271 = arith.shli %shift_right_arithmetic3A_3268, %shift_left3A_3270 : vector<16xi32>
        %and3A_3272 = arith.constant 8191 : i32
        %and3A_3273 = vector.broadcast %and3A_3272 : i32 to vector<16xi32>
        %and3A_3274 = arith.andi %get3A_3265, %and3A_3273 : vector<16xi32>
        %shift_left3A_3275 = arith.constant 1 : i32
        %shift_left3A_3276 = vector.broadcast %shift_left3A_3275 : i32 to vector<16xi32>
        %shift_left3A_3277 = arith.shli %and3A_3274, %shift_left3A_3276 : vector<16xi32>
        %or3A_3278 = arith.ori %shift_left3A_3271, %shift_left3A_3277 : vector<16xi32>
        %shift_right_arithmetic3A_3279 = arith.constant 13 : i32
        %shift_right_arithmetic3A_3280 = vector.broadcast %shift_right_arithmetic3A_3279 : i32 to vector<16xi32>
        %shift_right_arithmetic3A_3281 = arith.shrsi %get3A_3265, %shift_right_arithmetic3A_3280 : vector<16xi32>
        %and3A_3282 = arith.constant 1 : i32
        %and3A_3283 = vector.broadcast %and3A_3282 : i32 to vector<16xi32>
        %and3A_3284 = arith.andi %shift_right_arithmetic3A_3281, %and3A_3283 : vector<16xi32>
        %or3A_3285 = arith.ori %or3A_3278, %and3A_3284 : vector<16xi32>
        %swap3A_3286 = arith.constant 144 : index
        %swap3A_3287 = tpu.vector_load %arg9[%swap3A_3286] {strides = array<i32>} : memref<256xi32, #tpu.memory_space<vmem>>, vector<16xi32>,
        %swap3A_3288 = vector.shape_cast %swap3A_3287 : vector<16xi32> to vector<16xi32>
        %swap3A_3289 = vector.shape_cast %or3A_3285 : vector<16xi32> to vector<16xi32>
        tpu.vector_store %arg9[%swap3A_3286], %swap3A_3289 {strides = array<i32>} : memref<256xi32, #tpu.memory_space<vmem>>, vector<16xi32>,
        %get3A_3290 = arith.constant 160 : index
        %get3A_3291 = tpu.vector_load %arg5[%get3A_3290] {strides = array<i32>} : memref<256xi32, #tpu.memory_space<vmem>>, vector<16xi32>,
        %get3A_3292 = vector.shape_cast %get3A_3291 : vector<16xi32> to vector<16xi32>
        %shift_right_arithmetic3A_3293 = arith.constant 14 : i32
        %shift_right_arithmetic3A_3294 = vector.broadcast %shift_right_arithmetic3A_3293 : i32 to vector<16xi32>
        %shift_right_arithmetic3A_3295 = arith.shrsi %get3A_3292, %shift_right_arithmetic3A_3294 : vector<16xi32>
        %shift_left3A_3296 = arith.constant 14 : i32
        %shift_left3A_3297 = vector.broadcast %shift_left3A_3296 : i32 to vector<16xi32>
        %shift_left3A_3298 = arith.shli %shift_right_arithmetic3A_3295, %shift_left3A_3297 : vector<16xi32>
        %and3A_3299 = arith.constant 8191 : i32
        %and3A_3300 = vector.broadcast %and3A_3299 : i32 to vector<16xi32>
        %and3A_3301 = arith.andi %get3A_3292, %and3A_3300 : vector<16xi32>
        %shift_left3A_3302 = arith.constant 1 : i32
        %shift_left3A_3303 = vector.broadcast %shift_left3A_3302 : i32 to vector<16xi32>
        %shift_left3A_3304 = arith.shli %and3A_3301, %shift_left3A_3303 : vector<16xi32>
        %or3A_3305 = arith.ori %shift_left3A_3298, %shift_left3A_3304 : vector<16xi32>
        %shift_right_arithmetic3A_3306 = arith.constant 13 : i32
        %shift_right_arithmetic3A_3307 = vector.broadcast %shift_right_arithmetic3A_3306 : i32 to vector<16xi32>
        %shift_right_arithmetic3A_3308 = arith.shrsi %get3A_3292, %shift_right_arithmetic3A_3307 : vector<16xi32>
        %and3A_3309 = arith.constant 1 : i32
        %and3A_3310 = vector.broadcast %and3A_3309 : i32 to vector<16xi32>
        %and3A_3311 = arith.andi %shift_right_arithmetic3A_3308, %and3A_3310 : vector<16xi32>
        %or3A_3312 = arith.ori %or3A_3305, %and3A_3311 : vector<16xi32>
        %swap3A_3313 = arith.constant 160 : index
        %swap3A_3314 = tpu.vector_load %arg9[%swap3A_3313] {strides = array<i32>} : memref<256xi32, #tpu.memory_space<vmem>>, vector<16xi32>,
        %swap3A_3315 = vector.shape_cast %swap3A_3314 : vector<16xi32> to vector<16xi32>
        %swap3A_3316 = vector.shape_cast %or3A_3312 : vector<16xi32> to vector<16xi32>
        tpu.vector_store %arg9[%swap3A_3313], %swap3A_3316 {strides = array<i32>} : memref<256xi32, #tpu.memory_space<vmem>>, vector<16xi32>,
        %get3A_3317 = arith.constant 176 : index
        %get3A_3318 = tpu.vector_load %arg5[%get3A_3317] {strides = array<i32>} : memref<256xi32, #tpu.memory_space<vmem>>, vector<16xi32>,
        %get3A_3319 = vector.shape_cast %get3A_3318 : vector<16xi32> to vector<16xi32>
        %shift_right_arithmetic3A_3320 = arith.constant 14 : i32
        %shift_right_arithmetic3A_3321 = vector.broadcast %shift_right_arithmetic3A_3320 : i32 to vector<16xi32>
        %shift_right_arithmetic3A_3322 = arith.shrsi %get3A_3319, %shift_right_arithmetic3A_3321 : vector<16xi32>
        %shift_left3A_3323 = arith.constant 14 : i32
        %shift_left3A_3324 = vector.broadcast %shift_left3A_3323 : i32 to vector<16xi32>
        %shift_left3A_3325 = arith.shli %shift_right_arithmetic3A_3322, %shift_left3A_3324 : vector<16xi32>
        %and3A_3326 = arith.constant 8191 : i32
        %and3A_3327 = vector.broadcast %and3A_3326 : i32 to vector<16xi32>
        %and3A_3328 = arith.andi %get3A_3319, %and3A_3327 : vector<16xi32>
        %shift_left3A_3329 = arith.constant 1 : i32
        %shift_left3A_3330 = vector.broadcast %shift_left3A_3329 : i32 to vector<16xi32>
        %shift_left3A_3331 = arith.shli %and3A_3328, %shift_left3A_3330 : vector<16xi32>
        %or3A_3332 = arith.ori %shift_left3A_3325, %shift_left3A_3331 : vector<16xi32>
        %shift_right_arithmetic3A_3333 = arith.constant 13 : i32
        %shift_right_arithmetic3A_3334 = vector.broadcast %shift_right_arithmetic3A_3333 : i32 to vector<16xi32>
        %shift_right_arithmetic3A_3335 = arith.shrsi %get3A_3319, %shift_right_arithmetic3A_3334 : vector<16xi32>
        %and3A_3336 = arith.constant 1 : i32
        %and3A_3337 = vector.broadcast %and3A_3336 : i32 to vector<16xi32>
        %and3A_3338 = arith.andi %shift_right_arithmetic3A_3335, %and3A_3337 : vector<16xi32>
        %or3A_3339 = arith.ori %or3A_3332, %and3A_3338 : vector<16xi32>
        %swap3A_3340 = arith.constant 176 : index
        %swap3A_3341 = tpu.vector_load %arg9[%swap3A_3340] {strides = array<i32>} : memref<256xi32, #tpu.memory_space<vmem>>, vector<16xi32>,
        %swap3A_3342 = vector.shape_cast %swap3A_3341 : vector<16xi32> to vector<16xi32>
        %swap3A_3343 = vector.shape_cast %or3A_3339 : vector<16xi32> to vector<16xi32>
        tpu.vector_store %arg9[%swap3A_3340], %swap3A_3343 {strides = array<i32>} : memref<256xi32, #tpu.memory_space<vmem>>, vector<16xi32>,
        %get3A_3344 = arith.constant 192 : index
        %get3A_3345 = tpu.vector_load %arg5[%get3A_3344] {strides = array<i32>} : memref<256xi32, #tpu.memory_space<vmem>>, vector<16xi32>,
        %get3A_3346 = vector.shape_cast %get3A_3345 : vector<16xi32> to vector<16xi32>
        %shift_right_arithmetic3A_3347 = arith.constant 14 : i32
        %shift_right_arithmetic3A_3348 = vector.broadcast %shift_right_arithmetic3A_3347 : i32 to vector<16xi32>
        %shift_right_arithmetic3A_3349 = arith.shrsi %get3A_3346, %shift_right_arithmetic3A_3348 : vector<16xi32>
        %shift_left3A_3350 = arith.constant 14 : i32
        %shift_left3A_3351 = vector.broadcast %shift_left3A_3350 : i32 to vector<16xi32>
        %shift_left3A_3352 = arith.shli %shift_right_arithmetic3A_3349, %shift_left3A_3351 : vector<16xi32>
        %and3A_3353 = arith.constant 8191 : i32
        %and3A_3354 = vector.broadcast %and3A_3353 : i32 to vector<16xi32>
        %and3A_3355 = arith.andi %get3A_3346, %and3A_3354 : vector<16xi32>
        %shift_left3A_3356 = arith.constant 1 : i32
        %shift_left3A_3357 = vector.broadcast %shift_left3A_3356 : i32 to vector<16xi32>
        %shift_left3A_3358 = arith.shli %and3A_3355, %shift_left3A_3357 : vector<16xi32>
        %or3A_3359 = arith.ori %shift_left3A_3352, %shift_left3A_3358 : vector<16xi32>
        %shift_right_arithmetic3A_3360 = arith.constant 13 : i32
        %shift_right_arithmetic3A_3361 = vector.broadcast %shift_right_arithmetic3A_3360 : i32 to vector<16xi32>
        %shift_right_arithmetic3A_3362 = arith.shrsi %get3A_3346, %shift_right_arithmetic3A_3361 : vector<16xi32>
        %and3A_3363 = arith.constant 1 : i32
        %and3A_3364 = vector.broadcast %and3A_3363 : i32 to vector<16xi32>
        %and3A_3365 = arith.andi %shift_right_arithmetic3A_3362, %and3A_3364 : vector<16xi32>
        %or3A_3366 = arith.ori %or3A_3359, %and3A_3365 : vector<16xi32>
        %swap3A_3367 = arith.constant 192 : index
        %swap3A_3368 = tpu.vector_load %arg9[%swap3A_3367] {strides = array<i32>} : memref<256xi32, #tpu.memory_space<vmem>>, vector<16xi32>,
        %swap3A_3369 = vector.shape_cast %swap3A_3368 : vector<16xi32> to vector<16xi32>
        %swap3A_3370 = vector.shape_cast %or3A_3366 : vector<16xi32> to vector<16xi32>
        tpu.vector_store %arg9[%swap3A_3367], %swap3A_3370 {strides = array<i32>} : memref<256xi32, #tpu.memory_space<vmem>>, vector<16xi32>,
        %get3A_3371 = arith.constant 208 : index
        %get3A_3372 = tpu.vector_load %arg5[%get3A_3371] {strides = array<i32>} : memref<256xi32, #tpu.memory_space<vmem>>, vector<16xi32>,
        %get3A_3373 = vector.shape_cast %get3A_3372 : vector<16xi32> to vector<16xi32>
        %shift_right_arithmetic3A_3374 = arith.constant 14 : i32
        %shift_right_arithmetic3A_3375 = vector.broadcast %shift_right_arithmetic3A_3374 : i32 to vector<16xi32>
        %shift_right_arithmetic3A_3376 = arith.shrsi %get3A_3373, %shift_right_arithmetic3A_3375 : vector<16xi32>
        %shift_left3A_3377 = arith.constant 14 : i32
        %shift_left3A_3378 = vector.broadcast %shift_left3A_3377 : i32 to vector<16xi32>
        %shift_left3A_3379 = arith.shli %shift_right_arithmetic3A_3376, %shift_left3A_3378 : vector<16xi32>
        %and3A_3380 = arith.constant 8191 : i32
        %and3A_3381 = vector.broadcast %and3A_3380 : i32 to vector<16xi32>
        %and3A_3382 = arith.andi %get3A_3373, %and3A_3381 : vector<16xi32>
        %shift_left3A_3383 = arith.constant 1 : i32
        %shift_left3A_3384 = vector.broadcast %shift_left3A_3383 : i32 to vector<16xi32>
        %shift_left3A_3385 = arith.shli %and3A_3382, %shift_left3A_3384 : vector<16xi32>
        %or3A_3386 = arith.ori %shift_left3A_3379, %shift_left3A_3385 : vector<16xi32>
        %shift_right_arithmetic3A_3387 = arith.constant 13 : i32
        %shift_right_arithmetic3A_3388 = vector.broadcast %shift_right_arithmetic3A_3387 : i32 to vector<16xi32>
        %shift_right_arithmetic3A_3389 = arith.shrsi %get3A_3373, %shift_right_arithmetic3A_3388 : vector<16xi32>
        %and3A_3390 = arith.constant 1 : i32
        %and3A_3391 = vector.broadcast %and3A_3390 : i32 to vector<16xi32>
        %and3A_3392 = arith.andi %shift_right_arithmetic3A_3389, %and3A_3391 : vector<16xi32>
        %or3A_3393 = arith.ori %or3A_3386, %and3A_3392 : vector<16xi32>
        %swap3A_3394 = arith.constant 208 : index
        %swap3A_3395 = tpu.vector_load %arg9[%swap3A_3394] {strides = array<i32>} : memref<256xi32, #tpu.memory_space<vmem>>, vector<16xi32>,
        %swap3A_3396 = vector.shape_cast %swap3A_3395 : vector<16xi32> to vector<16xi32>
        %swap3A_3397 = vector.shape_cast %or3A_3393 : vector<16xi32> to vector<16xi32>
        tpu.vector_store %arg9[%swap3A_3394], %swap3A_3397 {strides = array<i32>} : memref<256xi32, #tpu.memory_space<vmem>>, vector<16xi32>,
        %get3A_3398 = arith.constant 224 : index
        %get3A_3399 = tpu.vector_load %arg5[%get3A_3398] {strides = array<i32>} : memref<256xi32, #tpu.memory_space<vmem>>, vector<16xi32>,
        %get3A_3400 = vector.shape_cast %get3A_3399 : vector<16xi32> to vector<16xi32>
        %shift_right_arithmetic3A_3401 = arith.constant 14 : i32
        %shift_right_arithmetic3A_3402 = vector.broadcast %shift_right_arithmetic3A_3401 : i32 to vector<16xi32>
        %shift_right_arithmetic3A_3403 = arith.shrsi %get3A_3400, %shift_right_arithmetic3A_3402 : vector<16xi32>
        %shift_left3A_3404 = arith.constant 14 : i32
        %shift_left3A_3405 = vector.broadcast %shift_left3A_3404 : i32 to vector<16xi32>
        %shift_left3A_3406 = arith.shli %shift_right_arithmetic3A_3403, %shift_left3A_3405 : vector<16xi32>
        %and3A_3407 = arith.constant 8191 : i32
        %and3A_3408 = vector.broadcast %and3A_3407 : i32 to vector<16xi32>
        %and3A_3409 = arith.andi %get3A_3400, %and3A_3408 : vector<16xi32>
        %shift_left3A_3410 = arith.constant 1 : i32
        %shift_left3A_3411 = vector.broadcast %shift_left3A_3410 : i32 to vector<16xi32>
        %shift_left3A_3412 = arith.shli %and3A_3409, %shift_left3A_3411 : vector<16xi32>
        %or3A_3413 = arith.ori %shift_left3A_3406, %shift_left3A_3412 : vector<16xi32>
        %shift_right_arithmetic3A_3414 = arith.constant 13 : i32
        %shift_right_arithmetic3A_3415 = vector.broadcast %shift_right_arithmetic3A_3414 : i32 to vector<16xi32>
        %shift_right_arithmetic3A_3416 = arith.shrsi %get3A_3400, %shift_right_arithmetic3A_3415 : vector<16xi32>
        %and3A_3417 = arith.constant 1 : i32
        %and3A_3418 = vector.broadcast %and3A_3417 : i32 to vector<16xi32>
        %and3A_3419 = arith.andi %shift_right_arithmetic3A_3416, %and3A_3418 : vector<16xi32>
        %or3A_3420 = arith.ori %or3A_3413, %and3A_3419 : vector<16xi32>
        %swap3A_3421 = arith.constant 224 : index
        %swap3A_3422 = tpu.vector_load %arg9[%swap3A_3421] {strides = array<i32>} : memref<256xi32, #tpu.memory_space<vmem>>, vector<16xi32>,
        %swap3A_3423 = vector.shape_cast %swap3A_3422 : vector<16xi32> to vector<16xi32>
        %swap3A_3424 = vector.shape_cast %or3A_3420 : vector<16xi32> to vector<16xi32>
        tpu.vector_store %arg9[%swap3A_3421], %swap3A_3424 {strides = array<i32>} : memref<256xi32, #tpu.memory_space<vmem>>, vector<16xi32>,
        %get3A_3425 = arith.constant 240 : index
        %get3A_3426 = tpu.vector_load %arg5[%get3A_3425] {strides = array<i32>} : memref<256xi32, #tpu.memory_space<vmem>>, vector<16xi32>,
        %get3A_3427 = vector.shape_cast %get3A_3426 : vector<16xi32> to vector<16xi32>
        %shift_right_arithmetic3A_3428 = arith.constant 14 : i32
        %shift_right_arithmetic3A_3429 = vector.broadcast %shift_right_arithmetic3A_3428 : i32 to vector<16xi32>
        %shift_right_arithmetic3A_3430 = arith.shrsi %get3A_3427, %shift_right_arithmetic3A_3429 : vector<16xi32>
        %shift_left3A_3431 = arith.constant 14 : i32
        %shift_left3A_3432 = vector.broadcast %shift_left3A_3431 : i32 to vector<16xi32>
        %shift_left3A_3433 = arith.shli %shift_right_arithmetic3A_3430, %shift_left3A_3432 : vector<16xi32>
        %and3A_3434 = arith.constant 8191 : i32
        %and3A_3435 = vector.broadcast %and3A_3434 : i32 to vector<16xi32>
        %and3A_3436 = arith.andi %get3A_3427, %and3A_3435 : vector<16xi32>
        %shift_left3A_3437 = arith.constant 1 : i32
        %shift_left3A_3438 = vector.broadcast %shift_left3A_3437 : i32 to vector<16xi32>
        %shift_left3A_3439 = arith.shli %and3A_3436, %shift_left3A_3438 : vector<16xi32>
        %or3A_3440 = arith.ori %shift_left3A_3433, %shift_left3A_3439 : vector<16xi32>
        %shift_right_arithmetic3A_3441 = arith.constant 13 : i32
        %shift_right_arithmetic3A_3442 = vector.broadcast %shift_right_arithmetic3A_3441 : i32 to vector<16xi32>
        %shift_right_arithmetic3A_3443 = arith.shrsi %get3A_3427, %shift_right_arithmetic3A_3442 : vector<16xi32>
        %and3A_3444 = arith.constant 1 : i32
        %and3A_3445 = vector.broadcast %and3A_3444 : i32 to vector<16xi32>
        %and3A_3446 = arith.andi %shift_right_arithmetic3A_3443, %and3A_3445 : vector<16xi32>
        %or3A_3447 = arith.ori %or3A_3440, %and3A_3446 : vector<16xi32>
        %swap3A_3448 = arith.constant 240 : index
        %swap3A_3449 = tpu.vector_load %arg9[%swap3A_3448] {strides = array<i32>} : memref<256xi32, #tpu.memory_space<vmem>>, vector<16xi32>,
        %swap3A_3450 = vector.shape_cast %swap3A_3449 : vector<16xi32> to vector<16xi32>
        %swap3A_3451 = vector.shape_cast %or3A_3447 : vector<16xi32> to vector<16xi32>
        tpu.vector_store %arg9[%swap3A_3448], %swap3A_3451 {strides = array<i32>} : memref<256xi32, #tpu.memory_space<vmem>>, vector<16xi32>,
        %dma_start3A_3452 = arith.constant 0 : i32
        %dma_start3A_3453 = arith.constant 0 : i32
        %dma_start3A_3454 = tpu.memref_slice %arg3[%dma_start3A_3452, %dma_start3A_3453] : memref<1015808x64xf32, #tpu.memory_space<hbm>> -> memref<1015808x64xf32, #tpu.memory_space<hbm>>
        tpu.enqueue_indirect_dma source(%dma_start3A_3454 : memref<1015808x64xf32, #tpu.memory_space<hbm>>) target(%arg13 : memref<256x64xf32, #tpu.memory_space<vmem>>) offsets(%arg9 : memref<256xi32, #tpu.memory_space<vmem>>) semaphore(%arg17 : memref<!tpu.dma_semaphore, #tpu.memory_space<semaphore_mem>>)
      } else {
      }
      %mul3A_2957 = arith.constant 4 : i32
      %mul3A_2958 = arith.muli %scan3A_2863, %mul3A_2957 : i32
      %add3A_2959 = arith.constant 3 : i32
      %add3A_2960 = arith.addi %mul3A_2958, %add3A_2959 : i32
      %dma_wait3A_2961 = arith.constant 0 : i32
      %dma_wait3A_2962 = arith.constant 0 : i32
      %dma_wait3A_2963 = tpu.memref_slice %arg3[%dma_wait3A_2961, %dma_wait3A_2962] : memref<1015808x64xf32, #tpu.memory_space<hbm>> -> memref<1015808x64xf32, #tpu.memory_space<hbm>>
      tpu.wait_indirect_dma semaphore(%arg20 : memref<!tpu.dma_semaphore, #tpu.memory_space<semaphore_mem>>) src(%dma_wait3A_2963 : memref<1015808x64xf32, #tpu.memory_space<hbm>>) dst(%arg16 : memref<256x64xf32, #tpu.memory_space<vmem>>)
      %mul3A_2964 = arith.constant 256 : i32
      %mul3A_2965 = arith.muli %add3A_2960, %mul3A_2964 : i32
      %add3A_2966 = arith.addi %mul3A_2, %mul3A_2965 : i32
      %and3A_2967 = arith.constant 2047 : i32
      %and3A_2968 = arith.andi %add3A_2966, %and3A_2967 : i32
      %shift_right_arithmetic3A_2969 = arith.constant 11 : i32
      %shift_right_arithmetic3A_2970 = arith.shrsi %add3A_2966, %shift_right_arithmetic3A_2969 : i32
      %mul3A_2971 = arith.constant 1024 : i32
      %mul3A_2972 = arith.muli %shift_right_arithmetic3A_2970, %mul3A_2971 : i32
      %and3A_2973 = arith.constant 1023 : i32
      %and3A_2974 = arith.andi %and3A_2968, %and3A_2973 : i32
      %add3A_2975 = arith.addi %mul3A_2972, %and3A_2974 : i32
      %shift_right_arithmetic3A_2976 = arith.constant 10 : i32
      %shift_right_arithmetic3A_2977 = arith.shrsi %and3A_2968, %shift_right_arithmetic3A_2976 : i32
      %mul3A_2978 = arith.constant 64 : i32
      %mul3A_2979 = arith.muli %shift_right_arithmetic3A_2977, %mul3A_2978 : i32
      %dma_start3A_2980 = tpu.memref_slice %arg4[%add3A_2975, %mul3A_2979] : memref<409600x128xf32, #tpu.memory_space<hbm>> -> memref<256x64xf32, #tpu.memory_space<hbm>>
      %dma_start3A_2981 = tpu.memref_slice %arg4[%add3A_2975, %mul3A_2979] : memref<409600x128xf32, #tpu.memory_space<hbm>> -> memref<256x64xf32, #tpu.memory_space<hbm>>
      tpu.enqueue_dma source(%arg16 : memref<256x64xf32, #tpu.memory_space<vmem>>) target(%dma_start3A_2981 : memref<256x64xf32, #tpu.memory_space<hbm>>) target_semaphore(%arg24 : memref<!tpu.dma_semaphore, #tpu.memory_space<semaphore_mem>>)
      %add3A_2982 = arith.constant 2 : i32
      %add3A_2983 = arith.addi %add3A_2960, %add3A_2982 : i32
      %lt3A_2984 = arith.constant 100 : i32
      %lt3A_2985 = arith.cmpi slt, %add3A_2983, %lt3A_2984 : i32
      %convert_element_type3A_2986 = arith.extui %lt3A_2985 : i1 to i32
      %cond3A_2987 = arith.constant 0 : i32
      %cond3A_2988 = arith.cmpi ne, %convert_element_type3A_2986, %cond3A_2987 : i32
      scf.if %cond3A_2988 {
        %jit3A_2989 = arith.constant 2 : i32
        %div3A_2990 = arith.divsi %mul3A_2, %jit3A_2989 : i32
        %sign3A_2991 = arith.constant 0 : i32
        %sign3A_2992 = arith.cmpi sgt, %mul3A_2, %sign3A_2991 : i32
        %sign3A_2993 = arith.extui %sign3A_2992 : i1 to i32
        %sign3A_2994 = arith.constant 0 : i32
        %sign3A_2995 = arith.cmpi slt, %mul3A_2, %sign3A_2994 : i32
        %sign3A_2996 = arith.extui %sign3A_2995 : i1 to i32
        %sign3A_2997 = arith.subi %sign3A_2993, %sign3A_2996 : i32
        %sign3A_2998 = arith.constant 0 : i32
        %sign3A_2999 = arith.cmpi sgt, %jit3A_2989, %sign3A_2998 : i32
        %sign3A_3000 = arith.extui %sign3A_2999 : i1 to i32
        %sign3A_3001 = arith.constant 0 : i32
        %sign3A_3002 = arith.cmpi slt, %jit3A_2989, %sign3A_3001 : i32
        %sign3A_3003 = arith.extui %sign3A_3002 : i1 to i32
        %sign3A_3004 = arith.subi %sign3A_3000, %sign3A_3003 : i32
        %ne3A_3005 = arith.cmpi ne, %sign3A_2997, %sign3A_3004 : i32
        %rem3A_3006 = arith.remsi %mul3A_2, %jit3A_2989 : i32
        %ne3A_3007 = arith.constant 0 : i32
        %ne3A_3008 = arith.cmpi ne, %rem3A_3006, %ne3A_3007 : i32
        %and3A_3009 = arith.andi %ne3A_3005, %ne3A_3008 : i1
        %sub3A_3010 = arith.constant 1 : i32
        %sub3A_3011 = arith.subi %div3A_2990, %sub3A_3010 : i32
        %select_n3A_3012 = arith.select %and3A_3009, %sub3A_3011, %div3A_2990 : i32
        %dma_wait3A_3013 = arith.constant 0 : i32
        %dma_wait3A_3014 = tpu.memref_slice %arg4[%select_n3A_3012, %dma_wait3A_3013] : memref<409600x128xf32, #tpu.memory_space<hbm>> -> memref<256x64xf32, #tpu.memory_space<hbm>>
        %dma_wait3A_3015 = arith.constant 0 : i32
        %dma_wait3A_3016 = tpu.memref_slice %arg4[%select_n3A_3012, %dma_wait3A_3015] : memref<409600x128xf32, #tpu.memory_space<hbm>> -> memref<256x64xf32, #tpu.memory_space<hbm>>
        tpu.wait_dma2 semaphore(%arg22 : memref<!tpu.dma_semaphore, #tpu.memory_space<semaphore_mem>>) src(%arg14 : memref<256x64xf32, #tpu.memory_space<vmem>>) dst(%dma_wait3A_3016 : memref<256x64xf32, #tpu.memory_space<hbm>>)
        %mul3A_3017 = arith.constant 256 : i32
        %mul3A_3018 = arith.muli %add3A_2983, %mul3A_3017 : i32
        %add3A_3019 = arith.addi %mul3A_2, %mul3A_3018 : i32
        "tpu.region"() ({
          %run_scoped3A = tpu.sem_alloc : memref<!tpu.dma_semaphore, #tpu.memory_space<semaphore_mem>>
          %dma_start3A_3455 = tpu.memref_slice %arg2[%add3A_3019] : memref<819200xi32, #tpu.memory_space<hbm>> -> memref<256xi32, #tpu.memory_space<hbm>>
          %dma_start3A_3456 = tpu.memref_slice %arg2[%add3A_3019] : memref<819200xi32, #tpu.memory_space<hbm>> -> memref<256xi32, #tpu.memory_space<hbm>>
          tpu.enqueue_dma source(%dma_start3A_3456 : memref<256xi32, #tpu.memory_space<hbm>>) target(%arg6 : memref<256xi32, #tpu.memory_space<vmem>>) target_semaphore(%run_scoped3A : memref<!tpu.dma_semaphore, #tpu.memory_space<semaphore_mem>>)
          %dma_wait3A_3457 = tpu.memref_slice %arg2[%add3A_3019] : memref<819200xi32, #tpu.memory_space<hbm>> -> memref<256xi32, #tpu.memory_space<hbm>>
          %dma_wait3A_3458 = tpu.memref_slice %arg2[%add3A_3019] : memref<819200xi32, #tpu.memory_space<hbm>> -> memref<256xi32, #tpu.memory_space<hbm>>
          tpu.wait_dma2 semaphore(%run_scoped3A : memref<!tpu.dma_semaphore, #tpu.memory_space<semaphore_mem>>) src(%dma_wait3A_3458 : memref<256xi32, #tpu.memory_space<hbm>>) dst(%arg6 : memref<256xi32, #tpu.memory_space<vmem>>)
          tpu.yield
        }) : () -> ()
        %get3A_3020 = arith.constant 0 : index
        %get3A_3021 = tpu.vector_load %arg6[%get3A_3020] {strides = array<i32>} : memref<256xi32, #tpu.memory_space<vmem>>, vector<16xi32>,
        %get3A_3022 = vector.shape_cast %get3A_3021 : vector<16xi32> to vector<16xi32>
        %shift_right_arithmetic3A_3023 = arith.constant 14 : i32
        %shift_right_arithmetic3A_3024 = vector.broadcast %shift_right_arithmetic3A_3023 : i32 to vector<16xi32>
        %shift_right_arithmetic3A_3025 = arith.shrsi %get3A_3022, %shift_right_arithmetic3A_3024 : vector<16xi32>
        %shift_left3A_3026 = arith.constant 14 : i32
        %shift_left3A_3027 = vector.broadcast %shift_left3A_3026 : i32 to vector<16xi32>
        %shift_left3A_3028 = arith.shli %shift_right_arithmetic3A_3025, %shift_left3A_3027 : vector<16xi32>
        %and3A_3029 = arith.constant 8191 : i32
        %and3A_3030 = vector.broadcast %and3A_3029 : i32 to vector<16xi32>
        %and3A_3031 = arith.andi %get3A_3022, %and3A_3030 : vector<16xi32>
        %shift_left3A_3032 = arith.constant 1 : i32
        %shift_left3A_3033 = vector.broadcast %shift_left3A_3032 : i32 to vector<16xi32>
        %shift_left3A_3034 = arith.shli %and3A_3031, %shift_left3A_3033 : vector<16xi32>
        %or3A_3035 = arith.ori %shift_left3A_3028, %shift_left3A_3034 : vector<16xi32>
        %shift_right_arithmetic3A_3036 = arith.constant 13 : i32
        %shift_right_arithmetic3A_3037 = vector.broadcast %shift_right_arithmetic3A_3036 : i32 to vector<16xi32>
        %shift_right_arithmetic3A_3038 = arith.shrsi %get3A_3022, %shift_right_arithmetic3A_3037 : vector<16xi32>
        %and3A_3039 = arith.constant 1 : i32
        %and3A_3040 = vector.broadcast %and3A_3039 : i32 to vector<16xi32>
        %and3A_3041 = arith.andi %shift_right_arithmetic3A_3038, %and3A_3040 : vector<16xi32>
        %or3A_3042 = arith.ori %or3A_3035, %and3A_3041 : vector<16xi32>
        %swap3A_3043 = arith.constant 0 : index
        %swap3A_3044 = tpu.vector_load %arg10[%swap3A_3043] {strides = array<i32>} : memref<256xi32, #tpu.memory_space<vmem>>, vector<16xi32>,
        %swap3A_3045 = vector.shape_cast %swap3A_3044 : vector<16xi32> to vector<16xi32>
        %swap3A_3046 = vector.shape_cast %or3A_3042 : vector<16xi32> to vector<16xi32>
        tpu.vector_store %arg10[%swap3A_3043], %swap3A_3046 {strides = array<i32>} : memref<256xi32, #tpu.memory_space<vmem>>, vector<16xi32>,
        %get3A_3047 = arith.constant 16 : index
        %get3A_3048 = tpu.vector_load %arg6[%get3A_3047] {strides = array<i32>} : memref<256xi32, #tpu.memory_space<vmem>>, vector<16xi32>,
        %get3A_3049 = vector.shape_cast %get3A_3048 : vector<16xi32> to vector<16xi32>
        %shift_right_arithmetic3A_3050 = arith.constant 14 : i32
        %shift_right_arithmetic3A_3051 = vector.broadcast %shift_right_arithmetic3A_3050 : i32 to vector<16xi32>
        %shift_right_arithmetic3A_3052 = arith.shrsi %get3A_3049, %shift_right_arithmetic3A_3051 : vector<16xi32>
        %shift_left3A_3053 = arith.constant 14 : i32
        %shift_left3A_3054 = vector.broadcast %shift_left3A_3053 : i32 to vector<16xi32>
        %shift_left3A_3055 = arith.shli %shift_right_arithmetic3A_3052, %shift_left3A_3054 : vector<16xi32>
        %and3A_3056 = arith.constant 8191 : i32
        %and3A_3057 = vector.broadcast %and3A_3056 : i32 to vector<16xi32>
        %and3A_3058 = arith.andi %get3A_3049, %and3A_3057 : vector<16xi32>
        %shift_left3A_3059 = arith.constant 1 : i32
        %shift_left3A_3060 = vector.broadcast %shift_left3A_3059 : i32 to vector<16xi32>
        %shift_left3A_3061 = arith.shli %and3A_3058, %shift_left3A_3060 : vector<16xi32>
        %or3A_3062 = arith.ori %shift_left3A_3055, %shift_left3A_3061 : vector<16xi32>
        %shift_right_arithmetic3A_3063 = arith.constant 13 : i32
        %shift_right_arithmetic3A_3064 = vector.broadcast %shift_right_arithmetic3A_3063 : i32 to vector<16xi32>
        %shift_right_arithmetic3A_3065 = arith.shrsi %get3A_3049, %shift_right_arithmetic3A_3064 : vector<16xi32>
        %and3A_3066 = arith.constant 1 : i32
        %and3A_3067 = vector.broadcast %and3A_3066 : i32 to vector<16xi32>
        %and3A_3068 = arith.andi %shift_right_arithmetic3A_3065, %and3A_3067 : vector<16xi32>
        %or3A_3069 = arith.ori %or3A_3062, %and3A_3068 : vector<16xi32>
        %swap3A_3070 = arith.constant 16 : index
        %swap3A_3071 = tpu.vector_load %arg10[%swap3A_3070] {strides = array<i32>} : memref<256xi32, #tpu.memory_space<vmem>>, vector<16xi32>,
        %swap3A_3072 = vector.shape_cast %swap3A_3071 : vector<16xi32> to vector<16xi32>
        %swap3A_3073 = vector.shape_cast %or3A_3069 : vector<16xi32> to vector<16xi32>
        tpu.vector_store %arg10[%swap3A_3070], %swap3A_3073 {strides = array<i32>} : memref<256xi32, #tpu.memory_space<vmem>>, vector<16xi32>,
        %get3A_3074 = arith.constant 32 : index
        %get3A_3075 = tpu.vector_load %arg6[%get3A_3074] {strides = array<i32>} : memref<256xi32, #tpu.memory_space<vmem>>, vector<16xi32>,
        %get3A_3076 = vector.shape_cast %get3A_3075 : vector<16xi32> to vector<16xi32>
        %shift_right_arithmetic3A_3077 = arith.constant 14 : i32
        %shift_right_arithmetic3A_3078 = vector.broadcast %shift_right_arithmetic3A_3077 : i32 to vector<16xi32>
        %shift_right_arithmetic3A_3079 = arith.shrsi %get3A_3076, %shift_right_arithmetic3A_3078 : vector<16xi32>
        %shift_left3A_3080 = arith.constant 14 : i32
        %shift_left3A_3081 = vector.broadcast %shift_left3A_3080 : i32 to vector<16xi32>
        %shift_left3A_3082 = arith.shli %shift_right_arithmetic3A_3079, %shift_left3A_3081 : vector<16xi32>
        %and3A_3083 = arith.constant 8191 : i32
        %and3A_3084 = vector.broadcast %and3A_3083 : i32 to vector<16xi32>
        %and3A_3085 = arith.andi %get3A_3076, %and3A_3084 : vector<16xi32>
        %shift_left3A_3086 = arith.constant 1 : i32
        %shift_left3A_3087 = vector.broadcast %shift_left3A_3086 : i32 to vector<16xi32>
        %shift_left3A_3088 = arith.shli %and3A_3085, %shift_left3A_3087 : vector<16xi32>
        %or3A_3089 = arith.ori %shift_left3A_3082, %shift_left3A_3088 : vector<16xi32>
        %shift_right_arithmetic3A_3090 = arith.constant 13 : i32
        %shift_right_arithmetic3A_3091 = vector.broadcast %shift_right_arithmetic3A_3090 : i32 to vector<16xi32>
        %shift_right_arithmetic3A_3092 = arith.shrsi %get3A_3076, %shift_right_arithmetic3A_3091 : vector<16xi32>
        %and3A_3093 = arith.constant 1 : i32
        %and3A_3094 = vector.broadcast %and3A_3093 : i32 to vector<16xi32>
        %and3A_3095 = arith.andi %shift_right_arithmetic3A_3092, %and3A_3094 : vector<16xi32>
        %or3A_3096 = arith.ori %or3A_3089, %and3A_3095 : vector<16xi32>
        %swap3A_3097 = arith.constant 32 : index
        %swap3A_3098 = tpu.vector_load %arg10[%swap3A_3097] {strides = array<i32>} : memref<256xi32, #tpu.memory_space<vmem>>, vector<16xi32>,
        %swap3A_3099 = vector.shape_cast %swap3A_3098 : vector<16xi32> to vector<16xi32>
        %swap3A_3100 = vector.shape_cast %or3A_3096 : vector<16xi32> to vector<16xi32>
        tpu.vector_store %arg10[%swap3A_3097], %swap3A_3100 {strides = array<i32>} : memref<256xi32, #tpu.memory_space<vmem>>, vector<16xi32>,
        %get3A_3101 = arith.constant 48 : index
        %get3A_3102 = tpu.vector_load %arg6[%get3A_3101] {strides = array<i32>} : memref<256xi32, #tpu.memory_space<vmem>>, vector<16xi32>,
        %get3A_3103 = vector.shape_cast %get3A_3102 : vector<16xi32> to vector<16xi32>
        %shift_right_arithmetic3A_3104 = arith.constant 14 : i32
        %shift_right_arithmetic3A_3105 = vector.broadcast %shift_right_arithmetic3A_3104 : i32 to vector<16xi32>
        %shift_right_arithmetic3A_3106 = arith.shrsi %get3A_3103, %shift_right_arithmetic3A_3105 : vector<16xi32>
        %shift_left3A_3107 = arith.constant 14 : i32
        %shift_left3A_3108 = vector.broadcast %shift_left3A_3107 : i32 to vector<16xi32>
        %shift_left3A_3109 = arith.shli %shift_right_arithmetic3A_3106, %shift_left3A_3108 : vector<16xi32>
        %and3A_3110 = arith.constant 8191 : i32
        %and3A_3111 = vector.broadcast %and3A_3110 : i32 to vector<16xi32>
        %and3A_3112 = arith.andi %get3A_3103, %and3A_3111 : vector<16xi32>
        %shift_left3A_3113 = arith.constant 1 : i32
        %shift_left3A_3114 = vector.broadcast %shift_left3A_3113 : i32 to vector<16xi32>
        %shift_left3A_3115 = arith.shli %and3A_3112, %shift_left3A_3114 : vector<16xi32>
        %or3A_3116 = arith.ori %shift_left3A_3109, %shift_left3A_3115 : vector<16xi32>
        %shift_right_arithmetic3A_3117 = arith.constant 13 : i32
        %shift_right_arithmetic3A_3118 = vector.broadcast %shift_right_arithmetic3A_3117 : i32 to vector<16xi32>
        %shift_right_arithmetic3A_3119 = arith.shrsi %get3A_3103, %shift_right_arithmetic3A_3118 : vector<16xi32>
        %and3A_3120 = arith.constant 1 : i32
        %and3A_3121 = vector.broadcast %and3A_3120 : i32 to vector<16xi32>
        %and3A_3122 = arith.andi %shift_right_arithmetic3A_3119, %and3A_3121 : vector<16xi32>
        %or3A_3123 = arith.ori %or3A_3116, %and3A_3122 : vector<16xi32>
        %swap3A_3124 = arith.constant 48 : index
        %swap3A_3125 = tpu.vector_load %arg10[%swap3A_3124] {strides = array<i32>} : memref<256xi32, #tpu.memory_space<vmem>>, vector<16xi32>,
        %swap3A_3126 = vector.shape_cast %swap3A_3125 : vector<16xi32> to vector<16xi32>
        %swap3A_3127 = vector.shape_cast %or3A_3123 : vector<16xi32> to vector<16xi32>
        tpu.vector_store %arg10[%swap3A_3124], %swap3A_3127 {strides = array<i32>} : memref<256xi32, #tpu.memory_space<vmem>>, vector<16xi32>,
        %get3A_3128 = arith.constant 64 : index
        %get3A_3129 = tpu.vector_load %arg6[%get3A_3128] {strides = array<i32>} : memref<256xi32, #tpu.memory_space<vmem>>, vector<16xi32>,
        %get3A_3130 = vector.shape_cast %get3A_3129 : vector<16xi32> to vector<16xi32>
        %shift_right_arithmetic3A_3131 = arith.constant 14 : i32
        %shift_right_arithmetic3A_3132 = vector.broadcast %shift_right_arithmetic3A_3131 : i32 to vector<16xi32>
        %shift_right_arithmetic3A_3133 = arith.shrsi %get3A_3130, %shift_right_arithmetic3A_3132 : vector<16xi32>
        %shift_left3A_3134 = arith.constant 14 : i32
        %shift_left3A_3135 = vector.broadcast %shift_left3A_3134 : i32 to vector<16xi32>
        %shift_left3A_3136 = arith.shli %shift_right_arithmetic3A_3133, %shift_left3A_3135 : vector<16xi32>
        %and3A_3137 = arith.constant 8191 : i32
        %and3A_3138 = vector.broadcast %and3A_3137 : i32 to vector<16xi32>
        %and3A_3139 = arith.andi %get3A_3130, %and3A_3138 : vector<16xi32>
        %shift_left3A_3140 = arith.constant 1 : i32
        %shift_left3A_3141 = vector.broadcast %shift_left3A_3140 : i32 to vector<16xi32>
        %shift_left3A_3142 = arith.shli %and3A_3139, %shift_left3A_3141 : vector<16xi32>
        %or3A_3143 = arith.ori %shift_left3A_3136, %shift_left3A_3142 : vector<16xi32>
        %shift_right_arithmetic3A_3144 = arith.constant 13 : i32
        %shift_right_arithmetic3A_3145 = vector.broadcast %shift_right_arithmetic3A_3144 : i32 to vector<16xi32>
        %shift_right_arithmetic3A_3146 = arith.shrsi %get3A_3130, %shift_right_arithmetic3A_3145 : vector<16xi32>
        %and3A_3147 = arith.constant 1 : i32
        %and3A_3148 = vector.broadcast %and3A_3147 : i32 to vector<16xi32>
        %and3A_3149 = arith.andi %shift_right_arithmetic3A_3146, %and3A_3148 : vector<16xi32>
        %or3A_3150 = arith.ori %or3A_3143, %and3A_3149 : vector<16xi32>
        %swap3A_3151 = arith.constant 64 : index
        %swap3A_3152 = tpu.vector_load %arg10[%swap3A_3151] {strides = array<i32>} : memref<256xi32, #tpu.memory_space<vmem>>, vector<16xi32>,
        %swap3A_3153 = vector.shape_cast %swap3A_3152 : vector<16xi32> to vector<16xi32>
        %swap3A_3154 = vector.shape_cast %or3A_3150 : vector<16xi32> to vector<16xi32>
        tpu.vector_store %arg10[%swap3A_3151], %swap3A_3154 {strides = array<i32>} : memref<256xi32, #tpu.memory_space<vmem>>, vector<16xi32>,
        %get3A_3155 = arith.constant 80 : index
        %get3A_3156 = tpu.vector_load %arg6[%get3A_3155] {strides = array<i32>} : memref<256xi32, #tpu.memory_space<vmem>>, vector<16xi32>,
        %get3A_3157 = vector.shape_cast %get3A_3156 : vector<16xi32> to vector<16xi32>
        %shift_right_arithmetic3A_3158 = arith.constant 14 : i32
        %shift_right_arithmetic3A_3159 = vector.broadcast %shift_right_arithmetic3A_3158 : i32 to vector<16xi32>
        %shift_right_arithmetic3A_3160 = arith.shrsi %get3A_3157, %shift_right_arithmetic3A_3159 : vector<16xi32>
        %shift_left3A_3161 = arith.constant 14 : i32
        %shift_left3A_3162 = vector.broadcast %shift_left3A_3161 : i32 to vector<16xi32>
        %shift_left3A_3163 = arith.shli %shift_right_arithmetic3A_3160, %shift_left3A_3162 : vector<16xi32>
        %and3A_3164 = arith.constant 8191 : i32
        %and3A_3165 = vector.broadcast %and3A_3164 : i32 to vector<16xi32>
        %and3A_3166 = arith.andi %get3A_3157, %and3A_3165 : vector<16xi32>
        %shift_left3A_3167 = arith.constant 1 : i32
        %shift_left3A_3168 = vector.broadcast %shift_left3A_3167 : i32 to vector<16xi32>
        %shift_left3A_3169 = arith.shli %and3A_3166, %shift_left3A_3168 : vector<16xi32>
        %or3A_3170 = arith.ori %shift_left3A_3163, %shift_left3A_3169 : vector<16xi32>
        %shift_right_arithmetic3A_3171 = arith.constant 13 : i32
        %shift_right_arithmetic3A_3172 = vector.broadcast %shift_right_arithmetic3A_3171 : i32 to vector<16xi32>
        %shift_right_arithmetic3A_3173 = arith.shrsi %get3A_3157, %shift_right_arithmetic3A_3172 : vector<16xi32>
        %and3A_3174 = arith.constant 1 : i32
        %and3A_3175 = vector.broadcast %and3A_3174 : i32 to vector<16xi32>
        %and3A_3176 = arith.andi %shift_right_arithmetic3A_3173, %and3A_3175 : vector<16xi32>
        %or3A_3177 = arith.ori %or3A_3170, %and3A_3176 : vector<16xi32>
        %swap3A_3178 = arith.constant 80 : index
        %swap3A_3179 = tpu.vector_load %arg10[%swap3A_3178] {strides = array<i32>} : memref<256xi32, #tpu.memory_space<vmem>>, vector<16xi32>,
        %swap3A_3180 = vector.shape_cast %swap3A_3179 : vector<16xi32> to vector<16xi32>
        %swap3A_3181 = vector.shape_cast %or3A_3177 : vector<16xi32> to vector<16xi32>
        tpu.vector_store %arg10[%swap3A_3178], %swap3A_3181 {strides = array<i32>} : memref<256xi32, #tpu.memory_space<vmem>>, vector<16xi32>,
        %get3A_3182 = arith.constant 96 : index
        %get3A_3183 = tpu.vector_load %arg6[%get3A_3182] {strides = array<i32>} : memref<256xi32, #tpu.memory_space<vmem>>, vector<16xi32>,
        %get3A_3184 = vector.shape_cast %get3A_3183 : vector<16xi32> to vector<16xi32>
        %shift_right_arithmetic3A_3185 = arith.constant 14 : i32
        %shift_right_arithmetic3A_3186 = vector.broadcast %shift_right_arithmetic3A_3185 : i32 to vector<16xi32>
        %shift_right_arithmetic3A_3187 = arith.shrsi %get3A_3184, %shift_right_arithmetic3A_3186 : vector<16xi32>
        %shift_left3A_3188 = arith.constant 14 : i32
        %shift_left3A_3189 = vector.broadcast %shift_left3A_3188 : i32 to vector<16xi32>
        %shift_left3A_3190 = arith.shli %shift_right_arithmetic3A_3187, %shift_left3A_3189 : vector<16xi32>
        %and3A_3191 = arith.constant 8191 : i32
        %and3A_3192 = vector.broadcast %and3A_3191 : i32 to vector<16xi32>
        %and3A_3193 = arith.andi %get3A_3184, %and3A_3192 : vector<16xi32>
        %shift_left3A_3194 = arith.constant 1 : i32
        %shift_left3A_3195 = vector.broadcast %shift_left3A_3194 : i32 to vector<16xi32>
        %shift_left3A_3196 = arith.shli %and3A_3193, %shift_left3A_3195 : vector<16xi32>
        %or3A_3197 = arith.ori %shift_left3A_3190, %shift_left3A_3196 : vector<16xi32>
        %shift_right_arithmetic3A_3198 = arith.constant 13 : i32
        %shift_right_arithmetic3A_3199 = vector.broadcast %shift_right_arithmetic3A_3198 : i32 to vector<16xi32>
        %shift_right_arithmetic3A_3200 = arith.shrsi %get3A_3184, %shift_right_arithmetic3A_3199 : vector<16xi32>
        %and3A_3201 = arith.constant 1 : i32
        %and3A_3202 = vector.broadcast %and3A_3201 : i32 to vector<16xi32>
        %and3A_3203 = arith.andi %shift_right_arithmetic3A_3200, %and3A_3202 : vector<16xi32>
        %or3A_3204 = arith.ori %or3A_3197, %and3A_3203 : vector<16xi32>
        %swap3A_3205 = arith.constant 96 : index
        %swap3A_3206 = tpu.vector_load %arg10[%swap3A_3205] {strides = array<i32>} : memref<256xi32, #tpu.memory_space<vmem>>, vector<16xi32>,
        %swap3A_3207 = vector.shape_cast %swap3A_3206 : vector<16xi32> to vector<16xi32>
        %swap3A_3208 = vector.shape_cast %or3A_3204 : vector<16xi32> to vector<16xi32>
        tpu.vector_store %arg10[%swap3A_3205], %swap3A_3208 {strides = array<i32>} : memref<256xi32, #tpu.memory_space<vmem>>, vector<16xi32>,
        %get3A_3209 = arith.constant 112 : index
        %get3A_3210 = tpu.vector_load %arg6[%get3A_3209] {strides = array<i32>} : memref<256xi32, #tpu.memory_space<vmem>>, vector<16xi32>,
        %get3A_3211 = vector.shape_cast %get3A_3210 : vector<16xi32> to vector<16xi32>
        %shift_right_arithmetic3A_3212 = arith.constant 14 : i32
        %shift_right_arithmetic3A_3213 = vector.broadcast %shift_right_arithmetic3A_3212 : i32 to vector<16xi32>
        %shift_right_arithmetic3A_3214 = arith.shrsi %get3A_3211, %shift_right_arithmetic3A_3213 : vector<16xi32>
        %shift_left3A_3215 = arith.constant 14 : i32
        %shift_left3A_3216 = vector.broadcast %shift_left3A_3215 : i32 to vector<16xi32>
        %shift_left3A_3217 = arith.shli %shift_right_arithmetic3A_3214, %shift_left3A_3216 : vector<16xi32>
        %and3A_3218 = arith.constant 8191 : i32
        %and3A_3219 = vector.broadcast %and3A_3218 : i32 to vector<16xi32>
        %and3A_3220 = arith.andi %get3A_3211, %and3A_3219 : vector<16xi32>
        %shift_left3A_3221 = arith.constant 1 : i32
        %shift_left3A_3222 = vector.broadcast %shift_left3A_3221 : i32 to vector<16xi32>
        %shift_left3A_3223 = arith.shli %and3A_3220, %shift_left3A_3222 : vector<16xi32>
        %or3A_3224 = arith.ori %shift_left3A_3217, %shift_left3A_3223 : vector<16xi32>
        %shift_right_arithmetic3A_3225 = arith.constant 13 : i32
        %shift_right_arithmetic3A_3226 = vector.broadcast %shift_right_arithmetic3A_3225 : i32 to vector<16xi32>
        %shift_right_arithmetic3A_3227 = arith.shrsi %get3A_3211, %shift_right_arithmetic3A_3226 : vector<16xi32>
        %and3A_3228 = arith.constant 1 : i32
        %and3A_3229 = vector.broadcast %and3A_3228 : i32 to vector<16xi32>
        %and3A_3230 = arith.andi %shift_right_arithmetic3A_3227, %and3A_3229 : vector<16xi32>
        %or3A_3231 = arith.ori %or3A_3224, %and3A_3230 : vector<16xi32>
        %swap3A_3232 = arith.constant 112 : index
        %swap3A_3233 = tpu.vector_load %arg10[%swap3A_3232] {strides = array<i32>} : memref<256xi32, #tpu.memory_space<vmem>>, vector<16xi32>,
        %swap3A_3234 = vector.shape_cast %swap3A_3233 : vector<16xi32> to vector<16xi32>
        %swap3A_3235 = vector.shape_cast %or3A_3231 : vector<16xi32> to vector<16xi32>
        tpu.vector_store %arg10[%swap3A_3232], %swap3A_3235 {strides = array<i32>} : memref<256xi32, #tpu.memory_space<vmem>>, vector<16xi32>,
        %get3A_3236 = arith.constant 128 : index
        %get3A_3237 = tpu.vector_load %arg6[%get3A_3236] {strides = array<i32>} : memref<256xi32, #tpu.memory_space<vmem>>, vector<16xi32>,
        %get3A_3238 = vector.shape_cast %get3A_3237 : vector<16xi32> to vector<16xi32>
        %shift_right_arithmetic3A_3239 = arith.constant 14 : i32
        %shift_right_arithmetic3A_3240 = vector.broadcast %shift_right_arithmetic3A_3239 : i32 to vector<16xi32>
        %shift_right_arithmetic3A_3241 = arith.shrsi %get3A_3238, %shift_right_arithmetic3A_3240 : vector<16xi32>
        %shift_left3A_3242 = arith.constant 14 : i32
        %shift_left3A_3243 = vector.broadcast %shift_left3A_3242 : i32 to vector<16xi32>
        %shift_left3A_3244 = arith.shli %shift_right_arithmetic3A_3241, %shift_left3A_3243 : vector<16xi32>
        %and3A_3245 = arith.constant 8191 : i32
        %and3A_3246 = vector.broadcast %and3A_3245 : i32 to vector<16xi32>
        %and3A_3247 = arith.andi %get3A_3238, %and3A_3246 : vector<16xi32>
        %shift_left3A_3248 = arith.constant 1 : i32
        %shift_left3A_3249 = vector.broadcast %shift_left3A_3248 : i32 to vector<16xi32>
        %shift_left3A_3250 = arith.shli %and3A_3247, %shift_left3A_3249 : vector<16xi32>
        %or3A_3251 = arith.ori %shift_left3A_3244, %shift_left3A_3250 : vector<16xi32>
        %shift_right_arithmetic3A_3252 = arith.constant 13 : i32
        %shift_right_arithmetic3A_3253 = vector.broadcast %shift_right_arithmetic3A_3252 : i32 to vector<16xi32>
        %shift_right_arithmetic3A_3254 = arith.shrsi %get3A_3238, %shift_right_arithmetic3A_3253 : vector<16xi32>
        %and3A_3255 = arith.constant 1 : i32
        %and3A_3256 = vector.broadcast %and3A_3255 : i32 to vector<16xi32>
        %and3A_3257 = arith.andi %shift_right_arithmetic3A_3254, %and3A_3256 : vector<16xi32>
        %or3A_3258 = arith.ori %or3A_3251, %and3A_3257 : vector<16xi32>
        %swap3A_3259 = arith.constant 128 : index
        %swap3A_3260 = tpu.vector_load %arg10[%swap3A_3259] {strides = array<i32>} : memref<256xi32, #tpu.memory_space<vmem>>, vector<16xi32>,
        %swap3A_3261 = vector.shape_cast %swap3A_3260 : vector<16xi32> to vector<16xi32>
        %swap3A_3262 = vector.shape_cast %or3A_3258 : vector<16xi32> to vector<16xi32>
        tpu.vector_store %arg10[%swap3A_3259], %swap3A_3262 {strides = array<i32>} : memref<256xi32, #tpu.memory_space<vmem>>, vector<16xi32>,
        %get3A_3263 = arith.constant 144 : index
        %get3A_3264 = tpu.vector_load %arg6[%get3A_3263] {strides = array<i32>} : memref<256xi32, #tpu.memory_space<vmem>>, vector<16xi32>,
        %get3A_3265 = vector.shape_cast %get3A_3264 : vector<16xi32> to vector<16xi32>
        %shift_right_arithmetic3A_3266 = arith.constant 14 : i32
        %shift_right_arithmetic3A_3267 = vector.broadcast %shift_right_arithmetic3A_3266 : i32 to vector<16xi32>
        %shift_right_arithmetic3A_3268 = arith.shrsi %get3A_3265, %shift_right_arithmetic3A_3267 : vector<16xi32>
        %shift_left3A_3269 = arith.constant 14 : i32
        %shift_left3A_3270 = vector.broadcast %shift_left3A_3269 : i32 to vector<16xi32>
        %shift_left3A_3271 = arith.shli %shift_right_arithmetic3A_3268, %shift_left3A_3270 : vector<16xi32>
        %and3A_3272 = arith.constant 8191 : i32
        %and3A_3273 = vector.broadcast %and3A_3272 : i32 to vector<16xi32>
        %and3A_3274 = arith.andi %get3A_3265, %and3A_3273 : vector<16xi32>
        %shift_left3A_3275 = arith.constant 1 : i32
        %shift_left3A_3276 = vector.broadcast %shift_left3A_3275 : i32 to vector<16xi32>
        %shift_left3A_3277 = arith.shli %and3A_3274, %shift_left3A_3276 : vector<16xi32>
        %or3A_3278 = arith.ori %shift_left3A_3271, %shift_left3A_3277 : vector<16xi32>
        %shift_right_arithmetic3A_3279 = arith.constant 13 : i32
        %shift_right_arithmetic3A_3280 = vector.broadcast %shift_right_arithmetic3A_3279 : i32 to vector<16xi32>
        %shift_right_arithmetic3A_3281 = arith.shrsi %get3A_3265, %shift_right_arithmetic3A_3280 : vector<16xi32>
        %and3A_3282 = arith.constant 1 : i32
        %and3A_3283 = vector.broadcast %and3A_3282 : i32 to vector<16xi32>
        %and3A_3284 = arith.andi %shift_right_arithmetic3A_3281, %and3A_3283 : vector<16xi32>
        %or3A_3285 = arith.ori %or3A_3278, %and3A_3284 : vector<16xi32>
        %swap3A_3286 = arith.constant 144 : index
        %swap3A_3287 = tpu.vector_load %arg10[%swap3A_3286] {strides = array<i32>} : memref<256xi32, #tpu.memory_space<vmem>>, vector<16xi32>,
        %swap3A_3288 = vector.shape_cast %swap3A_3287 : vector<16xi32> to vector<16xi32>
        %swap3A_3289 = vector.shape_cast %or3A_3285 : vector<16xi32> to vector<16xi32>
        tpu.vector_store %arg10[%swap3A_3286], %swap3A_3289 {strides = array<i32>} : memref<256xi32, #tpu.memory_space<vmem>>, vector<16xi32>,
        %get3A_3290 = arith.constant 160 : index
        %get3A_3291 = tpu.vector_load %arg6[%get3A_3290] {strides = array<i32>} : memref<256xi32, #tpu.memory_space<vmem>>, vector<16xi32>,
        %get3A_3292 = vector.shape_cast %get3A_3291 : vector<16xi32> to vector<16xi32>
        %shift_right_arithmetic3A_3293 = arith.constant 14 : i32
        %shift_right_arithmetic3A_3294 = vector.broadcast %shift_right_arithmetic3A_3293 : i32 to vector<16xi32>
        %shift_right_arithmetic3A_3295 = arith.shrsi %get3A_3292, %shift_right_arithmetic3A_3294 : vector<16xi32>
        %shift_left3A_3296 = arith.constant 14 : i32
        %shift_left3A_3297 = vector.broadcast %shift_left3A_3296 : i32 to vector<16xi32>
        %shift_left3A_3298 = arith.shli %shift_right_arithmetic3A_3295, %shift_left3A_3297 : vector<16xi32>
        %and3A_3299 = arith.constant 8191 : i32
        %and3A_3300 = vector.broadcast %and3A_3299 : i32 to vector<16xi32>
        %and3A_3301 = arith.andi %get3A_3292, %and3A_3300 : vector<16xi32>
        %shift_left3A_3302 = arith.constant 1 : i32
        %shift_left3A_3303 = vector.broadcast %shift_left3A_3302 : i32 to vector<16xi32>
        %shift_left3A_3304 = arith.shli %and3A_3301, %shift_left3A_3303 : vector<16xi32>
        %or3A_3305 = arith.ori %shift_left3A_3298, %shift_left3A_3304 : vector<16xi32>
        %shift_right_arithmetic3A_3306 = arith.constant 13 : i32
        %shift_right_arithmetic3A_3307 = vector.broadcast %shift_right_arithmetic3A_3306 : i32 to vector<16xi32>
        %shift_right_arithmetic3A_3308 = arith.shrsi %get3A_3292, %shift_right_arithmetic3A_3307 : vector<16xi32>
        %and3A_3309 = arith.constant 1 : i32
        %and3A_3310 = vector.broadcast %and3A_3309 : i32 to vector<16xi32>
        %and3A_3311 = arith.andi %shift_right_arithmetic3A_3308, %and3A_3310 : vector<16xi32>
        %or3A_3312 = arith.ori %or3A_3305, %and3A_3311 : vector<16xi32>
        %swap3A_3313 = arith.constant 160 : index
        %swap3A_3314 = tpu.vector_load %arg10[%swap3A_3313] {strides = array<i32>} : memref<256xi32, #tpu.memory_space<vmem>>, vector<16xi32>,
        %swap3A_3315 = vector.shape_cast %swap3A_3314 : vector<16xi32> to vector<16xi32>
        %swap3A_3316 = vector.shape_cast %or3A_3312 : vector<16xi32> to vector<16xi32>
        tpu.vector_store %arg10[%swap3A_3313], %swap3A_3316 {strides = array<i32>} : memref<256xi32, #tpu.memory_space<vmem>>, vector<16xi32>,
        %get3A_3317 = arith.constant 176 : index
        %get3A_3318 = tpu.vector_load %arg6[%get3A_3317] {strides = array<i32>} : memref<256xi32, #tpu.memory_space<vmem>>, vector<16xi32>,
        %get3A_3319 = vector.shape_cast %get3A_3318 : vector<16xi32> to vector<16xi32>
        %shift_right_arithmetic3A_3320 = arith.constant 14 : i32
        %shift_right_arithmetic3A_3321 = vector.broadcast %shift_right_arithmetic3A_3320 : i32 to vector<16xi32>
        %shift_right_arithmetic3A_3322 = arith.shrsi %get3A_3319, %shift_right_arithmetic3A_3321 : vector<16xi32>
        %shift_left3A_3323 = arith.constant 14 : i32
        %shift_left3A_3324 = vector.broadcast %shift_left3A_3323 : i32 to vector<16xi32>
        %shift_left3A_3325 = arith.shli %shift_right_arithmetic3A_3322, %shift_left3A_3324 : vector<16xi32>
        %and3A_3326 = arith.constant 8191 : i32
        %and3A_3327 = vector.broadcast %and3A_3326 : i32 to vector<16xi32>
        %and3A_3328 = arith.andi %get3A_3319, %and3A_3327 : vector<16xi32>
        %shift_left3A_3329 = arith.constant 1 : i32
        %shift_left3A_3330 = vector.broadcast %shift_left3A_3329 : i32 to vector<16xi32>
        %shift_left3A_3331 = arith.shli %and3A_3328, %shift_left3A_3330 : vector<16xi32>
        %or3A_3332 = arith.ori %shift_left3A_3325, %shift_left3A_3331 : vector<16xi32>
        %shift_right_arithmetic3A_3333 = arith.constant 13 : i32
        %shift_right_arithmetic3A_3334 = vector.broadcast %shift_right_arithmetic3A_3333 : i32 to vector<16xi32>
        %shift_right_arithmetic3A_3335 = arith.shrsi %get3A_3319, %shift_right_arithmetic3A_3334 : vector<16xi32>
        %and3A_3336 = arith.constant 1 : i32
        %and3A_3337 = vector.broadcast %and3A_3336 : i32 to vector<16xi32>
        %and3A_3338 = arith.andi %shift_right_arithmetic3A_3335, %and3A_3337 : vector<16xi32>
        %or3A_3339 = arith.ori %or3A_3332, %and3A_3338 : vector<16xi32>
        %swap3A_3340 = arith.constant 176 : index
        %swap3A_3341 = tpu.vector_load %arg10[%swap3A_3340] {strides = array<i32>} : memref<256xi32, #tpu.memory_space<vmem>>, vector<16xi32>,
        %swap3A_3342 = vector.shape_cast %swap3A_3341 : vector<16xi32> to vector<16xi32>
        %swap3A_3343 = vector.shape_cast %or3A_3339 : vector<16xi32> to vector<16xi32>
        tpu.vector_store %arg10[%swap3A_3340], %swap3A_3343 {strides = array<i32>} : memref<256xi32, #tpu.memory_space<vmem>>, vector<16xi32>,
        %get3A_3344 = arith.constant 192 : index
        %get3A_3345 = tpu.vector_load %arg6[%get3A_3344] {strides = array<i32>} : memref<256xi32, #tpu.memory_space<vmem>>, vector<16xi32>,
        %get3A_3346 = vector.shape_cast %get3A_3345 : vector<16xi32> to vector<16xi32>
        %shift_right_arithmetic3A_3347 = arith.constant 14 : i32
        %shift_right_arithmetic3A_3348 = vector.broadcast %shift_right_arithmetic3A_3347 : i32 to vector<16xi32>
        %shift_right_arithmetic3A_3349 = arith.shrsi %get3A_3346, %shift_right_arithmetic3A_3348 : vector<16xi32>
        %shift_left3A_3350 = arith.constant 14 : i32
        %shift_left3A_3351 = vector.broadcast %shift_left3A_3350 : i32 to vector<16xi32>
        %shift_left3A_3352 = arith.shli %shift_right_arithmetic3A_3349, %shift_left3A_3351 : vector<16xi32>
        %and3A_3353 = arith.constant 8191 : i32
        %and3A_3354 = vector.broadcast %and3A_3353 : i32 to vector<16xi32>
        %and3A_3355 = arith.andi %get3A_3346, %and3A_3354 : vector<16xi32>
        %shift_left3A_3356 = arith.constant 1 : i32
        %shift_left3A_3357 = vector.broadcast %shift_left3A_3356 : i32 to vector<16xi32>
        %shift_left3A_3358 = arith.shli %and3A_3355, %shift_left3A_3357 : vector<16xi32>
        %or3A_3359 = arith.ori %shift_left3A_3352, %shift_left3A_3358 : vector<16xi32>
        %shift_right_arithmetic3A_3360 = arith.constant 13 : i32
        %shift_right_arithmetic3A_3361 = vector.broadcast %shift_right_arithmetic3A_3360 : i32 to vector<16xi32>
        %shift_right_arithmetic3A_3362 = arith.shrsi %get3A_3346, %shift_right_arithmetic3A_3361 : vector<16xi32>
        %and3A_3363 = arith.constant 1 : i32
        %and3A_3364 = vector.broadcast %and3A_3363 : i32 to vector<16xi32>
        %and3A_3365 = arith.andi %shift_right_arithmetic3A_3362, %and3A_3364 : vector<16xi32>
        %or3A_3366 = arith.ori %or3A_3359, %and3A_3365 : vector<16xi32>
        %swap3A_3367 = arith.constant 192 : index
        %swap3A_3368 = tpu.vector_load %arg10[%swap3A_3367] {strides = array<i32>} : memref<256xi32, #tpu.memory_space<vmem>>, vector<16xi32>,
        %swap3A_3369 = vector.shape_cast %swap3A_3368 : vector<16xi32> to vector<16xi32>
        %swap3A_3370 = vector.shape_cast %or3A_3366 : vector<16xi32> to vector<16xi32>
        tpu.vector_store %arg10[%swap3A_3367], %swap3A_3370 {strides = array<i32>} : memref<256xi32, #tpu.memory_space<vmem>>, vector<16xi32>,
        %get3A_3371 = arith.constant 208 : index
        %get3A_3372 = tpu.vector_load %arg6[%get3A_3371] {strides = array<i32>} : memref<256xi32, #tpu.memory_space<vmem>>, vector<16xi32>,
        %get3A_3373 = vector.shape_cast %get3A_3372 : vector<16xi32> to vector<16xi32>
        %shift_right_arithmetic3A_3374 = arith.constant 14 : i32
        %shift_right_arithmetic3A_3375 = vector.broadcast %shift_right_arithmetic3A_3374 : i32 to vector<16xi32>
        %shift_right_arithmetic3A_3376 = arith.shrsi %get3A_3373, %shift_right_arithmetic3A_3375 : vector<16xi32>
        %shift_left3A_3377 = arith.constant 14 : i32
        %shift_left3A_3378 = vector.broadcast %shift_left3A_3377 : i32 to vector<16xi32>
        %shift_left3A_3379 = arith.shli %shift_right_arithmetic3A_3376, %shift_left3A_3378 : vector<16xi32>
        %and3A_3380 = arith.constant 8191 : i32
        %and3A_3381 = vector.broadcast %and3A_3380 : i32 to vector<16xi32>
        %and3A_3382 = arith.andi %get3A_3373, %and3A_3381 : vector<16xi32>
        %shift_left3A_3383 = arith.constant 1 : i32
        %shift_left3A_3384 = vector.broadcast %shift_left3A_3383 : i32 to vector<16xi32>
        %shift_left3A_3385 = arith.shli %and3A_3382, %shift_left3A_3384 : vector<16xi32>
        %or3A_3386 = arith.ori %shift_left3A_3379, %shift_left3A_3385 : vector<16xi32>
        %shift_right_arithmetic3A_3387 = arith.constant 13 : i32
        %shift_right_arithmetic3A_3388 = vector.broadcast %shift_right_arithmetic3A_3387 : i32 to vector<16xi32>
        %shift_right_arithmetic3A_3389 = arith.shrsi %get3A_3373, %shift_right_arithmetic3A_3388 : vector<16xi32>
        %and3A_3390 = arith.constant 1 : i32
        %and3A_3391 = vector.broadcast %and3A_3390 : i32 to vector<16xi32>
        %and3A_3392 = arith.andi %shift_right_arithmetic3A_3389, %and3A_3391 : vector<16xi32>
        %or3A_3393 = arith.ori %or3A_3386, %and3A_3392 : vector<16xi32>
        %swap3A_3394 = arith.constant 208 : index
        %swap3A_3395 = tpu.vector_load %arg10[%swap3A_3394] {strides = array<i32>} : memref<256xi32, #tpu.memory_space<vmem>>, vector<16xi32>,
        %swap3A_3396 = vector.shape_cast %swap3A_3395 : vector<16xi32> to vector<16xi32>
        %swap3A_3397 = vector.shape_cast %or3A_3393 : vector<16xi32> to vector<16xi32>
        tpu.vector_store %arg10[%swap3A_3394], %swap3A_3397 {strides = array<i32>} : memref<256xi32, #tpu.memory_space<vmem>>, vector<16xi32>,
        %get3A_3398 = arith.constant 224 : index
        %get3A_3399 = tpu.vector_load %arg6[%get3A_3398] {strides = array<i32>} : memref<256xi32, #tpu.memory_space<vmem>>, vector<16xi32>,
        %get3A_3400 = vector.shape_cast %get3A_3399 : vector<16xi32> to vector<16xi32>
        %shift_right_arithmetic3A_3401 = arith.constant 14 : i32
        %shift_right_arithmetic3A_3402 = vector.broadcast %shift_right_arithmetic3A_3401 : i32 to vector<16xi32>
        %shift_right_arithmetic3A_3403 = arith.shrsi %get3A_3400, %shift_right_arithmetic3A_3402 : vector<16xi32>
        %shift_left3A_3404 = arith.constant 14 : i32
        %shift_left3A_3405 = vector.broadcast %shift_left3A_3404 : i32 to vector<16xi32>
        %shift_left3A_3406 = arith.shli %shift_right_arithmetic3A_3403, %shift_left3A_3405 : vector<16xi32>
        %and3A_3407 = arith.constant 8191 : i32
        %and3A_3408 = vector.broadcast %and3A_3407 : i32 to vector<16xi32>
        %and3A_3409 = arith.andi %get3A_3400, %and3A_3408 : vector<16xi32>
        %shift_left3A_3410 = arith.constant 1 : i32
        %shift_left3A_3411 = vector.broadcast %shift_left3A_3410 : i32 to vector<16xi32>
        %shift_left3A_3412 = arith.shli %and3A_3409, %shift_left3A_3411 : vector<16xi32>
        %or3A_3413 = arith.ori %shift_left3A_3406, %shift_left3A_3412 : vector<16xi32>
        %shift_right_arithmetic3A_3414 = arith.constant 13 : i32
        %shift_right_arithmetic3A_3415 = vector.broadcast %shift_right_arithmetic3A_3414 : i32 to vector<16xi32>
        %shift_right_arithmetic3A_3416 = arith.shrsi %get3A_3400, %shift_right_arithmetic3A_3415 : vector<16xi32>
        %and3A_3417 = arith.constant 1 : i32
        %and3A_3418 = vector.broadcast %and3A_3417 : i32 to vector<16xi32>
        %and3A_3419 = arith.andi %shift_right_arithmetic3A_3416, %and3A_3418 : vector<16xi32>
        %or3A_3420 = arith.ori %or3A_3413, %and3A_3419 : vector<16xi32>
        %swap3A_3421 = arith.constant 224 : index
        %swap3A_3422 = tpu.vector_load %arg10[%swap3A_3421] {strides = array<i32>} : memref<256xi32, #tpu.memory_space<vmem>>, vector<16xi32>,
        %swap3A_3423 = vector.shape_cast %swap3A_3422 : vector<16xi32> to vector<16xi32>
        %swap3A_3424 = vector.shape_cast %or3A_3420 : vector<16xi32> to vector<16xi32>
        tpu.vector_store %arg10[%swap3A_3421], %swap3A_3424 {strides = array<i32>} : memref<256xi32, #tpu.memory_space<vmem>>, vector<16xi32>,
        %get3A_3425 = arith.constant 240 : index
        %get3A_3426 = tpu.vector_load %arg6[%get3A_3425] {strides = array<i32>} : memref<256xi32, #tpu.memory_space<vmem>>, vector<16xi32>,
        %get3A_3427 = vector.shape_cast %get3A_3426 : vector<16xi32> to vector<16xi32>
        %shift_right_arithmetic3A_3428 = arith.constant 14 : i32
        %shift_right_arithmetic3A_3429 = vector.broadcast %shift_right_arithmetic3A_3428 : i32 to vector<16xi32>
        %shift_right_arithmetic3A_3430 = arith.shrsi %get3A_3427, %shift_right_arithmetic3A_3429 : vector<16xi32>
        %shift_left3A_3431 = arith.constant 14 : i32
        %shift_left3A_3432 = vector.broadcast %shift_left3A_3431 : i32 to vector<16xi32>
        %shift_left3A_3433 = arith.shli %shift_right_arithmetic3A_3430, %shift_left3A_3432 : vector<16xi32>
        %and3A_3434 = arith.constant 8191 : i32
        %and3A_3435 = vector.broadcast %and3A_3434 : i32 to vector<16xi32>
        %and3A_3436 = arith.andi %get3A_3427, %and3A_3435 : vector<16xi32>
        %shift_left3A_3437 = arith.constant 1 : i32
        %shift_left3A_3438 = vector.broadcast %shift_left3A_3437 : i32 to vector<16xi32>
        %shift_left3A_3439 = arith.shli %and3A_3436, %shift_left3A_3438 : vector<16xi32>
        %or3A_3440 = arith.ori %shift_left3A_3433, %shift_left3A_3439 : vector<16xi32>
        %shift_right_arithmetic3A_3441 = arith.constant 13 : i32
        %shift_right_arithmetic3A_3442 = vector.broadcast %shift_right_arithmetic3A_3441 : i32 to vector<16xi32>
        %shift_right_arithmetic3A_3443 = arith.shrsi %get3A_3427, %shift_right_arithmetic3A_3442 : vector<16xi32>
        %and3A_3444 = arith.constant 1 : i32
        %and3A_3445 = vector.broadcast %and3A_3444 : i32 to vector<16xi32>
        %and3A_3446 = arith.andi %shift_right_arithmetic3A_3443, %and3A_3445 : vector<16xi32>
        %or3A_3447 = arith.ori %or3A_3440, %and3A_3446 : vector<16xi32>
        %swap3A_3448 = arith.constant 240 : index
        %swap3A_3449 = tpu.vector_load %arg10[%swap3A_3448] {strides = array<i32>} : memref<256xi32, #tpu.memory_space<vmem>>, vector<16xi32>,
        %swap3A_3450 = vector.shape_cast %swap3A_3449 : vector<16xi32> to vector<16xi32>
        %swap3A_3451 = vector.shape_cast %or3A_3447 : vector<16xi32> to vector<16xi32>
        tpu.vector_store %arg10[%swap3A_3448], %swap3A_3451 {strides = array<i32>} : memref<256xi32, #tpu.memory_space<vmem>>, vector<16xi32>,
        %dma_start3A_3452 = arith.constant 0 : i32
        %dma_start3A_3453 = arith.constant 0 : i32
        %dma_start3A_3454 = tpu.memref_slice %arg3[%dma_start3A_3452, %dma_start3A_3453] : memref<1015808x64xf32, #tpu.memory_space<hbm>> -> memref<1015808x64xf32, #tpu.memory_space<hbm>>
        tpu.enqueue_indirect_dma source(%dma_start3A_3454 : memref<1015808x64xf32, #tpu.memory_space<hbm>>) target(%arg14 : memref<256x64xf32, #tpu.memory_space<vmem>>) offsets(%arg10 : memref<256xi32, #tpu.memory_space<vmem>>) semaphore(%arg18 : memref<!tpu.dma_semaphore, #tpu.memory_space<semaphore_mem>>)
      } else {
      }
    }
    %scan3A_2750 = arith.constant 24 : i32
    %jit3A_2751 = arith.constant 2 : i32
    %div3A_2752 = arith.divsi %mul3A_2, %jit3A_2751 : i32
    %sign3A_2753 = arith.constant 0 : i32
    %sign3A_2754 = arith.cmpi sgt, %mul3A_2, %sign3A_2753 : i32
    %sign3A_2755 = arith.extui %sign3A_2754 : i1 to i32
    %sign3A_2756 = arith.constant 0 : i32
    %sign3A_2757 = arith.cmpi slt, %mul3A_2, %sign3A_2756 : i32
    %sign3A_2758 = arith.extui %sign3A_2757 : i1 to i32
    %sign3A_2759 = arith.subi %sign3A_2755, %sign3A_2758 : i32
    %sign3A_2760 = arith.constant 0 : i32
    %sign3A_2761 = arith.cmpi sgt, %jit3A_2751, %sign3A_2760 : i32
    %sign3A_2762 = arith.extui %sign3A_2761 : i1 to i32
    %sign3A_2763 = arith.constant 0 : i32
    %sign3A_2764 = arith.cmpi slt, %jit3A_2751, %sign3A_2763 : i32
    %sign3A_2765 = arith.extui %sign3A_2764 : i1 to i32
    %sign3A_2766 = arith.subi %sign3A_2762, %sign3A_2765 : i32
    %ne3A_2767 = arith.cmpi ne, %sign3A_2759, %sign3A_2766 : i32
    %rem3A_2768 = arith.remsi %mul3A_2, %jit3A_2751 : i32
    %ne3A_2769 = arith.constant 0 : i32
    %ne3A_2770 = arith.cmpi ne, %rem3A_2768, %ne3A_2769 : i32
    %and3A_2771 = arith.andi %ne3A_2767, %ne3A_2770 : i1
    %sub3A_2772 = arith.constant 1 : i32
    %sub3A_2773 = arith.subi %div3A_2752, %sub3A_2772 : i32
    %select_n3A_2774 = arith.select %and3A_2771, %sub3A_2773, %div3A_2752 : i32
    %dma_wait3A_2775 = arith.constant 0 : i32
    %dma_wait3A_2776 = tpu.memref_slice %arg4[%select_n3A_2774, %dma_wait3A_2775] : memref<409600x128xf32, #tpu.memory_space<hbm>> -> memref<256x64xf32, #tpu.memory_space<hbm>>
    %dma_wait3A_2777 = arith.constant 0 : i32
    %dma_wait3A_2778 = tpu.memref_slice %arg4[%select_n3A_2774, %dma_wait3A_2777] : memref<409600x128xf32, #tpu.memory_space<hbm>> -> memref<256x64xf32, #tpu.memory_space<hbm>>
    tpu.wait_dma2 semaphore(%arg21 : memref<!tpu.dma_semaphore, #tpu.memory_space<semaphore_mem>>) src(%arg13 : memref<256x64xf32, #tpu.memory_space<vmem>>) dst(%dma_wait3A_2778 : memref<256x64xf32, #tpu.memory_space<hbm>>)
    %jit3A_2779 = arith.constant 2 : i32
    %div3A_2780 = arith.divsi %mul3A_2, %jit3A_2779 : i32
    %sign3A_2781 = arith.constant 0 : i32
    %sign3A_2782 = arith.cmpi sgt, %mul3A_2, %sign3A_2781 : i32
    %sign3A_2783 = arith.extui %sign3A_2782 : i1 to i32
    %sign3A_2784 = arith.constant 0 : i32
    %sign3A_2785 = arith.cmpi slt, %mul3A_2, %sign3A_2784 : i32
    %sign3A_2786 = arith.extui %sign3A_2785 : i1 to i32
    %sign3A_2787 = arith.subi %sign3A_2783, %sign3A_2786 : i32
    %sign3A_2788 = arith.constant 0 : i32
    %sign3A_2789 = arith.cmpi sgt, %jit3A_2779, %sign3A_2788 : i32
    %sign3A_2790 = arith.extui %sign3A_2789 : i1 to i32
    %sign3A_2791 = arith.constant 0 : i32
    %sign3A_2792 = arith.cmpi slt, %jit3A_2779, %sign3A_2791 : i32
    %sign3A_2793 = arith.extui %sign3A_2792 : i1 to i32
    %sign3A_2794 = arith.subi %sign3A_2790, %sign3A_2793 : i32
    %ne3A_2795 = arith.cmpi ne, %sign3A_2787, %sign3A_2794 : i32
    %rem3A_2796 = arith.remsi %mul3A_2, %jit3A_2779 : i32
    %ne3A_2797 = arith.constant 0 : i32
    %ne3A_2798 = arith.cmpi ne, %rem3A_2796, %ne3A_2797 : i32
    %and3A_2799 = arith.andi %ne3A_2795, %ne3A_2798 : i1
    %sub3A_2800 = arith.constant 1 : i32
    %sub3A_2801 = arith.subi %div3A_2780, %sub3A_2800 : i32
    %select_n3A_2802 = arith.select %and3A_2799, %sub3A_2801, %div3A_2780 : i32
    %dma_wait3A_2803 = arith.constant 0 : i32
    %dma_wait3A_2804 = tpu.memref_slice %arg4[%select_n3A_2802, %dma_wait3A_2803] : memref<409600x128xf32, #tpu.memory_space<hbm>> -> memref<256x64xf32, #tpu.memory_space<hbm>>
    %dma_wait3A_2805 = arith.constant 0 : i32
    %dma_wait3A_2806 = tpu.memref_slice %arg4[%select_n3A_2802, %dma_wait3A_2805] : memref<409600x128xf32, #tpu.memory_space<hbm>> -> memref<256x64xf32, #tpu.memory_space<hbm>>
    tpu.wait_dma2 semaphore(%arg22 : memref<!tpu.dma_semaphore, #tpu.memory_space<semaphore_mem>>) src(%arg14 : memref<256x64xf32, #tpu.memory_space<vmem>>) dst(%dma_wait3A_2806 : memref<256x64xf32, #tpu.memory_space<hbm>>)
    %jit3A_2807 = arith.constant 2 : i32
    %div3A_2808 = arith.divsi %mul3A_2, %jit3A_2807 : i32
    %sign3A_2809 = arith.constant 0 : i32
    %sign3A_2810 = arith.cmpi sgt, %mul3A_2, %sign3A_2809 : i32
    %sign3A_2811 = arith.extui %sign3A_2810 : i1 to i32
    %sign3A_2812 = arith.constant 0 : i32
    %sign3A_2813 = arith.cmpi slt, %mul3A_2, %sign3A_2812 : i32
    %sign3A_2814 = arith.extui %sign3A_2813 : i1 to i32
    %sign3A_2815 = arith.subi %sign3A_2811, %sign3A_2814 : i32
    %sign3A_2816 = arith.constant 0 : i32
    %sign3A_2817 = arith.cmpi sgt, %jit3A_2807, %sign3A_2816 : i32
    %sign3A_2818 = arith.extui %sign3A_2817 : i1 to i32
    %sign3A_2819 = arith.constant 0 : i32
    %sign3A_2820 = arith.cmpi slt, %jit3A_2807, %sign3A_2819 : i32
    %sign3A_2821 = arith.extui %sign3A_2820 : i1 to i32
    %sign3A_2822 = arith.subi %sign3A_2818, %sign3A_2821 : i32
    %ne3A_2823 = arith.cmpi ne, %sign3A_2815, %sign3A_2822 : i32
    %rem3A_2824 = arith.remsi %mul3A_2, %jit3A_2807 : i32
    %ne3A_2825 = arith.constant 0 : i32
    %ne3A_2826 = arith.cmpi ne, %rem3A_2824, %ne3A_2825 : i32
    %and3A_2827 = arith.andi %ne3A_2823, %ne3A_2826 : i1
    %sub3A_2828 = arith.constant 1 : i32
    %sub3A_2829 = arith.subi %div3A_2808, %sub3A_2828 : i32
    %select_n3A_2830 = arith.select %and3A_2827, %sub3A_2829, %div3A_2808 : i32
    %dma_wait3A_2831 = arith.constant 0 : i32
    %dma_wait3A_2832 = tpu.memref_slice %arg4[%select_n3A_2830, %dma_wait3A_2831] : memref<409600x128xf32, #tpu.memory_space<hbm>> -> memref<256x64xf32, #tpu.memory_space<hbm>>
    %dma_wait3A_2833 = arith.constant 0 : i32
    %dma_wait3A_2834 = tpu.memref_slice %arg4[%select_n3A_2830, %dma_wait3A_2833] : memref<409600x128xf32, #tpu.memory_space<hbm>> -> memref<256x64xf32, #tpu.memory_space<hbm>>
    tpu.wait_dma2 semaphore(%arg23 : memref<!tpu.dma_semaphore, #tpu.memory_space<semaphore_mem>>) src(%arg15 : memref<256x64xf32, #tpu.memory_space<vmem>>) dst(%dma_wait3A_2834 : memref<256x64xf32, #tpu.memory_space<hbm>>)
    %jit3A_2835 = arith.constant 2 : i32
    %div3A_2836 = arith.divsi %mul3A_2, %jit3A_2835 : i32
    %sign3A_2837 = arith.constant 0 : i32
    %sign3A_2838 = arith.cmpi sgt, %mul3A_2, %sign3A_2837 : i32
    %sign3A_2839 = arith.extui %sign3A_2838 : i1 to i32
    %sign3A_2840 = arith.constant 0 : i32
    %sign3A_2841 = arith.cmpi slt, %mul3A_2, %sign3A_2840 : i32
    %sign3A_2842 = arith.extui %sign3A_2841 : i1 to i32
    %sign3A_2843 = arith.subi %sign3A_2839, %sign3A_2842 : i32
    %sign3A_2844 = arith.constant 0 : i32
    %sign3A_2845 = arith.cmpi sgt, %jit3A_2835, %sign3A_2844 : i32
    %sign3A_2846 = arith.extui %sign3A_2845 : i1 to i32
    %sign3A_2847 = arith.constant 0 : i32
    %sign3A_2848 = arith.cmpi slt, %jit3A_2835, %sign3A_2847 : i32
    %sign3A_2849 = arith.extui %sign3A_2848 : i1 to i32
    %sign3A_2850 = arith.subi %sign3A_2846, %sign3A_2849 : i32
    %ne3A_2851 = arith.cmpi ne, %sign3A_2843, %sign3A_2850 : i32
    %rem3A_2852 = arith.remsi %mul3A_2, %jit3A_2835 : i32
    %ne3A_2853 = arith.constant 0 : i32
    %ne3A_2854 = arith.cmpi ne, %rem3A_2852, %ne3A_2853 : i32
    %and3A_2855 = arith.andi %ne3A_2851, %ne3A_2854 : i1
    %sub3A_2856 = arith.constant 1 : i32
    %sub3A_2857 = arith.subi %div3A_2836, %sub3A_2856 : i32
    %select_n3A_2858 = arith.select %and3A_2855, %sub3A_2857, %div3A_2836 : i32
    %dma_wait3A_2859 = arith.constant 0 : i32
    %dma_wait3A_2860 = tpu.memref_slice %arg4[%select_n3A_2858, %dma_wait3A_2859] : memref<409600x128xf32, #tpu.memory_space<hbm>> -> memref<256x64xf32, #tpu.memory_space<hbm>>
    %dma_wait3A_2861 = arith.constant 0 : i32
    %dma_wait3A_2862 = tpu.memref_slice %arg4[%select_n3A_2858, %dma_wait3A_2861] : memref<409600x128xf32, #tpu.memory_space<hbm>> -> memref<256x64xf32, #tpu.memory_space<hbm>>
    tpu.wait_dma2 semaphore(%arg24 : memref<!tpu.dma_semaphore, #tpu.memory_space<semaphore_mem>>) src(%arg16 : memref<256x64xf32, #tpu.memory_space<vmem>>) dst(%dma_wait3A_2862 : memref<256x64xf32, #tpu.memory_space<hbm>>)
    return
  }
}

module attributes {stable_mosaic.version = 14 : i64} {
  func.func @_unpack_body(%arg0: i32, %arg1: memref<8x1024x128xf32, #tpu.memory_space<vmem>>, %arg2: memref<4x64x4096xf32, #tpu.memory_space<vmem>>) attributes {dimension_semantics = [#tpu.dimension_semantics<arbitrary>], iteration_bounds = array<i64: 50>, scalar_prefetch = 0 : i64, scratch_operands = 0 : i64, tpu.core_type = #tpu.core_type<tc>, window_params = [{transform_indices = @transform_0, window_bounds = array<i64: 8, 1024, 128>}, {transform_indices = @transform_1, window_bounds = array<i64: 4, 64, 4096>}]} {
    %get3A = arith.constant 0 : index
    %get3A_0 = arith.constant 0 : index
    %get3A_1 = arith.constant 0 : index
    %get3A_2 = vector.load %arg1[%get3A, %get3A_0, %get3A_1] : memref<8x1024x128xf32, #tpu.memory_space<vmem>>, vector<1x1024x128xf32>
    %get3A_3 = vector.shape_cast %get3A_2 : vector<1x1024x128xf32> to vector<1024x128xf32>
    %transpose3A = tpu.transpose %get3A_3, [1, 0] : vector<1024x128xf32> -> vector<128x1024xf32>
    %get3A_4 = arith.constant 1 : index
    %get3A_5 = arith.constant 0 : index
    %get3A_6 = arith.constant 0 : index
    %get3A_7 = vector.load %arg1[%get3A_4, %get3A_5, %get3A_6] : memref<8x1024x128xf32, #tpu.memory_space<vmem>>, vector<1x1024x128xf32>
    %get3A_8 = vector.shape_cast %get3A_7 : vector<1x1024x128xf32> to vector<1024x128xf32>
    %transpose3A_9 = tpu.transpose %get3A_8, [1, 0] : vector<1024x128xf32> -> vector<128x1024xf32>
    %slice3A = vector.extract_strided_slice %transpose3A {offsets = [0, 0], sizes = [64, 1024], strides = [1, 1]} : vector<128x1024xf32> to vector<64x1024xf32>
    %slice3A_10 = vector.extract_strided_slice %transpose3A {offsets = [64, 0], sizes = [64, 1024], strides = [1, 1]} : vector<128x1024xf32> to vector<64x1024xf32>
    %slice3A_11 = vector.extract_strided_slice %transpose3A_9 {offsets = [0, 0], sizes = [64, 1024], strides = [1, 1]} : vector<128x1024xf32> to vector<64x1024xf32>
    %slice3A_12 = vector.extract_strided_slice %transpose3A_9 {offsets = [64, 0], sizes = [64, 1024], strides = [1, 1]} : vector<128x1024xf32> to vector<64x1024xf32>
    %concatenate3A = tpu.concatenate %slice3A, %slice3A_10, %slice3A_11, %slice3A_12 in 1 : vector<64x1024xf32>, vector<64x1024xf32>, vector<64x1024xf32>, vector<64x1024xf32> -> vector<64x4096xf32>
    %swap3A = arith.constant 0 : index
    %swap3A_13 = arith.constant 0 : index
    %swap3A_14 = arith.constant 0 : index
    %swap3A_15 = vector.load %arg2[%swap3A, %swap3A_13, %swap3A_14] : memref<4x64x4096xf32, #tpu.memory_space<vmem>>, vector<1x64x4096xf32>
    %swap3A_16 = vector.shape_cast %swap3A_15 : vector<1x64x4096xf32> to vector<64x4096xf32>
    %swap3A_17 = vector.shape_cast %concatenate3A : vector<64x4096xf32> to vector<1x64x4096xf32>
    tpu.vector_store %arg2[%swap3A, %swap3A_13, %swap3A_14], %swap3A_17 {strides = array<i32>} : memref<4x64x4096xf32, #tpu.memory_space<vmem>>, vector<1x64x4096xf32>,
    %get3A_18 = arith.constant 2 : index
    %get3A_19 = arith.constant 0 : index
    %get3A_20 = arith.constant 0 : index
    %get3A_21 = vector.load %arg1[%get3A_18, %get3A_19, %get3A_20] : memref<8x1024x128xf32, #tpu.memory_space<vmem>>, vector<1x1024x128xf32>
    %get3A_22 = vector.shape_cast %get3A_21 : vector<1x1024x128xf32> to vector<1024x128xf32>
    %transpose3A_23 = tpu.transpose %get3A_22, [1, 0] : vector<1024x128xf32> -> vector<128x1024xf32>
    %get3A_24 = arith.constant 3 : index
    %get3A_25 = arith.constant 0 : index
    %get3A_26 = arith.constant 0 : index
    %get3A_27 = vector.load %arg1[%get3A_24, %get3A_25, %get3A_26] : memref<8x1024x128xf32, #tpu.memory_space<vmem>>, vector<1x1024x128xf32>
    %get3A_28 = vector.shape_cast %get3A_27 : vector<1x1024x128xf32> to vector<1024x128xf32>
    %transpose3A_29 = tpu.transpose %get3A_28, [1, 0] : vector<1024x128xf32> -> vector<128x1024xf32>
    %slice3A_30 = vector.extract_strided_slice %transpose3A_23 {offsets = [0, 0], sizes = [64, 1024], strides = [1, 1]} : vector<128x1024xf32> to vector<64x1024xf32>
    %slice3A_31 = vector.extract_strided_slice %transpose3A_23 {offsets = [64, 0], sizes = [64, 1024], strides = [1, 1]} : vector<128x1024xf32> to vector<64x1024xf32>
    %slice3A_32 = vector.extract_strided_slice %transpose3A_29 {offsets = [0, 0], sizes = [64, 1024], strides = [1, 1]} : vector<128x1024xf32> to vector<64x1024xf32>
    %slice3A_33 = vector.extract_strided_slice %transpose3A_29 {offsets = [64, 0], sizes = [64, 1024], strides = [1, 1]} : vector<128x1024xf32> to vector<64x1024xf32>
    %concatenate3A_34 = tpu.concatenate %slice3A_30, %slice3A_31, %slice3A_32, %slice3A_33 in 1 : vector<64x1024xf32>, vector<64x1024xf32>, vector<64x1024xf32>, vector<64x1024xf32> -> vector<64x4096xf32>
    %swap3A_35 = arith.constant 1 : index
    %swap3A_36 = arith.constant 0 : index
    %swap3A_37 = arith.constant 0 : index
    %swap3A_38 = vector.load %arg2[%swap3A_35, %swap3A_36, %swap3A_37] : memref<4x64x4096xf32, #tpu.memory_space<vmem>>, vector<1x64x4096xf32>
    %swap3A_39 = vector.shape_cast %swap3A_38 : vector<1x64x4096xf32> to vector<64x4096xf32>
    %swap3A_40 = vector.shape_cast %concatenate3A_34 : vector<64x4096xf32> to vector<1x64x4096xf32>
    tpu.vector_store %arg2[%swap3A_35, %swap3A_36, %swap3A_37], %swap3A_40 {strides = array<i32>} : memref<4x64x4096xf32, #tpu.memory_space<vmem>>, vector<1x64x4096xf32>,
    %get3A_41 = arith.constant 4 : index
    %get3A_42 = arith.constant 0 : index
    %get3A_43 = arith.constant 0 : index
    %get3A_44 = vector.load %arg1[%get3A_41, %get3A_42, %get3A_43] : memref<8x1024x128xf32, #tpu.memory_space<vmem>>, vector<1x1024x128xf32>
    %get3A_45 = vector.shape_cast %get3A_44 : vector<1x1024x128xf32> to vector<1024x128xf32>
    %transpose3A_46 = tpu.transpose %get3A_45, [1, 0] : vector<1024x128xf32> -> vector<128x1024xf32>
    %get3A_47 = arith.constant 5 : index
    %get3A_48 = arith.constant 0 : index
    %get3A_49 = arith.constant 0 : index
    %get3A_50 = vector.load %arg1[%get3A_47, %get3A_48, %get3A_49] : memref<8x1024x128xf32, #tpu.memory_space<vmem>>, vector<1x1024x128xf32>
    %get3A_51 = vector.shape_cast %get3A_50 : vector<1x1024x128xf32> to vector<1024x128xf32>
    %transpose3A_52 = tpu.transpose %get3A_51, [1, 0] : vector<1024x128xf32> -> vector<128x1024xf32>
    %slice3A_53 = vector.extract_strided_slice %transpose3A_46 {offsets = [0, 0], sizes = [64, 1024], strides = [1, 1]} : vector<128x1024xf32> to vector<64x1024xf32>
    %slice3A_54 = vector.extract_strided_slice %transpose3A_46 {offsets = [64, 0], sizes = [64, 1024], strides = [1, 1]} : vector<128x1024xf32> to vector<64x1024xf32>
    %slice3A_55 = vector.extract_strided_slice %transpose3A_52 {offsets = [0, 0], sizes = [64, 1024], strides = [1, 1]} : vector<128x1024xf32> to vector<64x1024xf32>
    %slice3A_56 = vector.extract_strided_slice %transpose3A_52 {offsets = [64, 0], sizes = [64, 1024], strides = [1, 1]} : vector<128x1024xf32> to vector<64x1024xf32>
    %concatenate3A_57 = tpu.concatenate %slice3A_53, %slice3A_54, %slice3A_55, %slice3A_56 in 1 : vector<64x1024xf32>, vector<64x1024xf32>, vector<64x1024xf32>, vector<64x1024xf32> -> vector<64x4096xf32>
    %swap3A_58 = arith.constant 2 : index
    %swap3A_59 = arith.constant 0 : index
    %swap3A_60 = arith.constant 0 : index
    %swap3A_61 = vector.load %arg2[%swap3A_58, %swap3A_59, %swap3A_60] : memref<4x64x4096xf32, #tpu.memory_space<vmem>>, vector<1x64x4096xf32>
    %swap3A_62 = vector.shape_cast %swap3A_61 : vector<1x64x4096xf32> to vector<64x4096xf32>
    %swap3A_63 = vector.shape_cast %concatenate3A_57 : vector<64x4096xf32> to vector<1x64x4096xf32>
    tpu.vector_store %arg2[%swap3A_58, %swap3A_59, %swap3A_60], %swap3A_63 {strides = array<i32>} : memref<4x64x4096xf32, #tpu.memory_space<vmem>>, vector<1x64x4096xf32>,
    %get3A_64 = arith.constant 6 : index
    %get3A_65 = arith.constant 0 : index
    %get3A_66 = arith.constant 0 : index
    %get3A_67 = vector.load %arg1[%get3A_64, %get3A_65, %get3A_66] : memref<8x1024x128xf32, #tpu.memory_space<vmem>>, vector<1x1024x128xf32>
    %get3A_68 = vector.shape_cast %get3A_67 : vector<1x1024x128xf32> to vector<1024x128xf32>
    %transpose3A_69 = tpu.transpose %get3A_68, [1, 0] : vector<1024x128xf32> -> vector<128x1024xf32>
    %get3A_70 = arith.constant 7 : index
    %get3A_71 = arith.constant 0 : index
    %get3A_72 = arith.constant 0 : index
    %get3A_73 = vector.load %arg1[%get3A_70, %get3A_71, %get3A_72] : memref<8x1024x128xf32, #tpu.memory_space<vmem>>, vector<1x1024x128xf32>
    %get3A_74 = vector.shape_cast %get3A_73 : vector<1x1024x128xf32> to vector<1024x128xf32>
    %transpose3A_75 = tpu.transpose %get3A_74, [1, 0] : vector<1024x128xf32> -> vector<128x1024xf32>
    %slice3A_76 = vector.extract_strided_slice %transpose3A_69 {offsets = [0, 0], sizes = [64, 1024], strides = [1, 1]} : vector<128x1024xf32> to vector<64x1024xf32>
    %slice3A_77 = vector.extract_strided_slice %transpose3A_69 {offsets = [64, 0], sizes = [64, 1024], strides = [1, 1]} : vector<128x1024xf32> to vector<64x1024xf32>
    %slice3A_78 = vector.extract_strided_slice %transpose3A_75 {offsets = [0, 0], sizes = [64, 1024], strides = [1, 1]} : vector<128x1024xf32> to vector<64x1024xf32>
    %slice3A_79 = vector.extract_strided_slice %transpose3A_75 {offsets = [64, 0], sizes = [64, 1024], strides = [1, 1]} : vector<128x1024xf32> to vector<64x1024xf32>
    %concatenate3A_80 = tpu.concatenate %slice3A_76, %slice3A_77, %slice3A_78, %slice3A_79 in 1 : vector<64x1024xf32>, vector<64x1024xf32>, vector<64x1024xf32>, vector<64x1024xf32> -> vector<64x4096xf32>
    %swap3A_81 = arith.constant 3 : index
    %swap3A_82 = arith.constant 0 : index
    %swap3A_83 = arith.constant 0 : index
    %swap3A_84 = vector.load %arg2[%swap3A_81, %swap3A_82, %swap3A_83] : memref<4x64x4096xf32, #tpu.memory_space<vmem>>, vector<1x64x4096xf32>
    %swap3A_85 = vector.shape_cast %swap3A_84 : vector<1x64x4096xf32> to vector<64x4096xf32>
    %swap3A_86 = vector.shape_cast %concatenate3A_80 : vector<64x4096xf32> to vector<1x64x4096xf32>
    tpu.vector_store %arg2[%swap3A_81, %swap3A_82, %swap3A_83], %swap3A_86 {strides = array<i32>} : memref<4x64x4096xf32, #tpu.memory_space<vmem>>, vector<1x64x4096xf32>,
    return
  }
  func.func @transform_0(%arg0: i32) -> (i32, i32, i32) {
    %c0_i32 = arith.constant 0 : i32
    %c0_i32_0 = arith.constant 0 : i32
    %c0_i32_1 = arith.constant 0 : i32
    return %arg0, %c0_i32, %c0_i32_0 : i32, i32, i32
  }
  func.func @transform_1(%arg0: i32) -> (i32, i32, i32) {
    %c0_i32 = arith.constant 0 : i32
    %c0_i32_0 = arith.constant 0 : i32
    %c0_i32_1 = arith.constant 0 : i32
    return %arg0, %c0_i32, %c0_i32_0 : i32, i32, i32
  }
}

module attributes {stable_mosaic.version = 14 : i64} {
  func.func @_pack_body(%arg0: i32, %arg1: memref<64x16384xf32, #tpu.memory_space<vmem>>, %arg2: memref<8192x128xf32, #tpu.memory_space<vmem>>) attributes {dimension_semantics = [#tpu.dimension_semantics<arbitrary>], iteration_bounds = array<i64: 62>, scalar_prefetch = 0 : i64, scratch_operands = 0 : i64, tpu.core_type = #tpu.core_type<tc>, window_params = [{transform_indices = @transform_0, window_bounds = array<i64: 64, 16384>}, {transform_indices = @transform_1, window_bounds = array<i64: 8192, 128>}]} {
    %get3A = arith.constant 0 : index
    %get3A_0 = arith.constant 0 : index
    %get3A_1 = vector.load %arg1[%get3A, %get3A_0] : memref<64x16384xf32, #tpu.memory_space<vmem>>, vector<64x16384xf32>
    %transpose3A = tpu.transpose %get3A_1, [1, 0] : vector<64x16384xf32> -> vector<16384x64xf32>
    %slice3A = vector.extract_strided_slice %transpose3A {offsets = [0, 0], sizes = [8192, 64], strides = [1, 1]} : vector<16384x64xf32> to vector<8192x64xf32>
    %slice3A_2 = vector.extract_strided_slice %transpose3A {offsets = [8192, 0], sizes = [8192, 64], strides = [1, 1]} : vector<16384x64xf32> to vector<8192x64xf32>
    %concatenate3A = tpu.concatenate %slice3A, %slice3A_2 in 1 : vector<8192x64xf32>, vector<8192x64xf32> -> vector<8192x128xf32>
    %swap3A = arith.constant 0 : index
    %swap3A_3 = arith.constant 0 : index
    %swap3A_4 = vector.load %arg2[%swap3A, %swap3A_3] : memref<8192x128xf32, #tpu.memory_space<vmem>>, vector<8192x128xf32>
    tpu.vector_store %arg2[%swap3A, %swap3A_3], %concatenate3A {strides = array<i32>} : memref<8192x128xf32, #tpu.memory_space<vmem>>, vector<8192x128xf32>,
    return
  }
  func.func @transform_0(%arg0: i32) -> (i32, i32) {
    %c0_i32 = arith.constant 0 : i32
    %c0_i32_0 = arith.constant 0 : i32
    return %c0_i32, %arg0 : i32, i32
  }
  func.func @transform_1(%arg0: i32) -> (i32, i32) {
    %c0_i32 = arith.constant 0 : i32
    %c0_i32_0 = arith.constant 0 : i32
    return %arg0, %c0_i32 : i32, i32
  }
}

</mosaic_0001>

<sc_bundles>
// kernel: kernel.5.cloned.1.call-start
scs
__scs_entry_jumppad:
0x0: {  	(pc) =	sbr.rel $0x88, $3  }
0x1: {  	(tag) =	ssettag $0x0;
	lr =	simm.s32 $0x1  }
0x2: {  	[smem:$0x3F9F] =	sst lr;
	_ =	strace $0xD0000000  }
0x3: {  	_ = 	snop  }
0x4: {  	_ = 	snop  }
0x5: {  	_ = 	snop  }
0x6: {  	_ = 	snop  }
0x7: {  	_ = 	snop  }
__scs_overlays_trampoline_lowered:
0x8: {  	[smem:$0x3FAE] =	sst s0  }
0x9: {  	[smem:$0x3FAF] =	sst s1  }
0xa: {  	[smem:$0x3FB0] =	sst s2  }
0xb: {  	[smem:$0x3FB1] =	sst s3  }
0xc: {  	[smem:$0x3FB2] =	sst s4  }
0xd: {  	[smem:$0x3FB3] =	sst s5  }
0xe: {  	[smem:$0x3FB4] =	sst s6  }
0xf: {  	[smem:$0x3FB5] =	sst s7  }
0x10: {  	[smem:$0x3FB6] =	sst s8  }
0x11: {  	[smem:$0x3FB7] =	sst s9;
	s0 =	simm.s32 @!p0 $0x0  }
0x12: {  	s1 =	sld [smem:$0x3F9D];
	s0 =	simm.s32 @p0 $0x1  }
0x13: {  	[smem:$0x3FB8] =	sst s0;
	s0 =	simm.s32 @!p1 $0x0  }
0x14: {  	s2 =	sld [smem:$0x3F9C];
	s0 =	simm.s32 @p1 $0x1  }
0x15: {  	[smem:$0x3FB9] =	sst s0;
	s0 =	simm.s32 @!p2 $0x0  }
0x16: {  	s3 =	sld [smem:$0x3FDB];
	s0 =	simm.s32 @p2 $0x1  }
0x17: {  	s4 =	simm.s32 $0x1BF5;
	[smem:$0x3FBB] =	sst s0  }
0x18: {  	s0 =	sld [smem:$0x3F9E];
	_ =	swait.ge [sflag:s4], $0x0  }
0x19: {  	s7 =	sld [smem:$0x3F9F]  }
0x1a: {  	s8 =	sadd.s32 $0xFFFFE003, lr  }
0x1b: {  	s9 =	sadd.s32 $0xFFFFFEF7, lr;
	s5 =	simm.s32 $0xFFFFFFFF;
	p2 =	slt.u32 s8, $0xFFFFF086  }
0x1c: {  	p1 =	slt.u32 s9, $0xF7A;
	s5 =	simm.s32 @!p2 $0x0  }
0x1d: {  	s5 =	simm.s32 @p1 $0x1;
	p0 =	seq.s32 s7, s2  }
0x1e: {  	s7 =	smul.u32 @!p0 $0xF7A, s2;
	p2 =	seq.s32 @!p0 s5, $0x0  }
0x1f: {  	s9 =	smul.u32 $0xF7A, s1;
	s8 =	simm.s32 @!p0 $0x1BF5;
	p2 =	por !p2, p0  }
0x20: {  	[sflag:s8] =	ssyncset.s32 @!p0 $0xFFFFF086;
	s6 =	sadd.s32 @!p0 s3, s7;
	s7 =	simm.s32 @!p0 $0x108  }
0x21: {  	s3 =	sadd.s32 s3, s9;
	s6 =	sadd.s32 @!p0 $0x88, s6;
	s7 =	simm.s32 @p2 $0x1082  }
0x22: {  	[simem:s7], [sflag:s8] =	dma.local @!p0 [hbm:s6], $0xF7A  }
0x23: {  	s9 =	sor.u32 $0xD0000000, s2;
	s6 =	simm.s32 $0x108;
	_ =	swait.ge @!p0 [sflag:s8], $0x0  }
0x24: {  	s3 =	sadd.s32 $0x88, s3;
	s6 =	simm.s32 @!p1 $0x1082;
	[sflag:s4] =	ssyncset.s32 $0xFFFFF086  }
0x25: {  	[simem:s6], [sflag:s4] =	dma.local [hbm:s3], $0xF7A  }
0x26: {  	[smem:$0x3F9F] =	sst s1;
	(tag) =	ssettag s2;
	_ =	strace s9  }
0x27: {  	s1 =	sld [smem:$0x3FAF]  }
0x28: {  	s2 =	sld [smem:$0x3FB0]  }
0x29: {  	s4 =	sld [smem:$0x3FB2]  }
0x2a: {  	p0 =	seq.s32 s5, $0x0;
	s5 =	sld [smem:$0x3FB3]  }
0x2b: {  	s6 =	sld [smem:$0x3FB4]  }
0x2c: {  	s7 =	sld [smem:$0x3FB5]  }
0x2d: {  	s3 =	simm.s32 $0x108;
	s8 =	sld [smem:$0x3FB6]  }
0x2e: {  	s3 =	simm.s32 @!p0 $0x1082;
	s9 =	sld [smem:$0x3FB7]  }
0x2f: {  	lr =	sadd.s32 s0, s3;
	s0 =	sld [smem:$0x3FAE]  }
0x30: {  	s3 =	sld [smem:$0x3FB1]  }
0x31: {  	[smem:$0x3FBA] =	sst s10  }
0x32: {  	s10 =	sld [smem:$0x3FB8];
	_ =	sdelay $0x3  }
0x33: {  	p0 =	seq.s32 s10, $0x1;
	s10 =	sld [smem:$0x3FBA];
	_ =	sdelay $0x3  }
0x34: {  	[smem:$0x3FBA] =	sst s10  }
0x35: {  	s10 =	sld [smem:$0x3FB9];
	_ =	sdelay $0x3  }
0x36: {  	p1 =	seq.s32 s10, $0x1;
	s10 =	sld [smem:$0x3FBA];
	_ =	sdelay $0x3  }
0x37: {  	[smem:$0x3FBA] =	sst s10  }
0x38: {  	s10 =	sld [smem:$0x3FBB]  }
0x39: {  	_ = 	snop;
	(pc) =	sbr.ind lr, $3  }
0x3a: {  	_ = 	snop  }
0x3b: {  	_ = 	snop  }
0x3c: {  	p2 =	seq.s32 s10, $0x1;
	s10 =	sld [smem:$0x3FBA]  }
0x3d: {  	_ =	shalt  }
0x3e: {  	_ =	shalt  }
0x3f: {  	_ =	shalt  }
0x40: {  	_ =	shalt  }
0x41: {  	_ =	shalt  }
0x42: {  	_ =	shalt  }
0x43: {  	_ =	shalt  }
0x44: {  	_ =	shalt  }
0x45: {  	_ =	shalt  }
0x46: {  	_ =	shalt  }
0x47: {  	_ =	shalt  }
0x48: {  	_ =	shalt  }
0x49: {  	_ =	shalt  }
0x4a: {  	_ =	shalt  }
0x4b: {  	_ =	shalt  }
0x4c: {  	_ =	shalt  }
0x4d: {  	_ =	shalt  }
0x4e: {  	_ =	shalt  }
0x4f: {  	_ =	shalt  }
0x50: {  	_ =	shalt  }
0x51: {  	_ =	shalt  }
0x52: {  	_ =	shalt  }
0x53: {  	_ =	shalt  }
0x54: {  	_ =	shalt  }
0x55: {  	_ =	shalt  }
0x56: {  	_ =	shalt  }
0x57: {  	_ =	shalt  }
0x58: {  	_ =	shalt  }
0x59: {  	_ =	shalt  }
0x5a: {  	_ =	shalt  }
0x5b: {  	_ =	shalt  }
0x5c: {  	_ =	shalt  }
0x5d: {  	_ =	shalt  }
0x5e: {  	_ =	shalt  }
0x5f: {  	_ =	shalt  }
0x60: {  	_ =	shalt  }
0x61: {  	_ =	shalt  }
0x62: {  	_ =	shalt  }
0x63: {  	_ =	shalt  }
0x64: {  	_ =	shalt  }
0x65: {  	_ =	shalt  }
0x66: {  	_ =	shalt  }
0x67: {  	_ =	shalt  }
0x68: {  	_ =	shalt  }
0x69: {  	_ =	shalt  }
0x6a: {  	_ =	shalt  }
0x6b: {  	_ =	shalt  }
0x6c: {  	_ =	shalt  }
0x6d: {  	_ =	shalt  }
0x6e: {  	_ =	shalt  }
0x6f: {  	_ =	shalt  }
0x70: {  	_ =	shalt  }
0x71: {  	_ =	shalt  }
0x72: {  	_ =	shalt  }
0x73: {  	_ =	shalt  }
0x74: {  	_ =	shalt  }
0x75: {  	_ =	shalt  }
0x76: {  	_ =	shalt  }
0x77: {  	_ =	shalt  }
0x78: {  	_ =	shalt  }
0x79: {  	_ =	shalt  }
0x7a: {  	_ =	shalt  }
0x7b: {  	_ =	shalt  }
0x7c: {  	_ =	shalt  }
0x7d: {  	_ =	shalt  }
0x7e: {  	_ =	shalt  }
0x7f: {  	_ =	shalt  }
0x80: {  	_ =	shalt  }
0x81: {  	_ =	shalt  }
0x82: {  	_ =	shalt  }
0x83: {  	_ =	shalt  }
0x84: {  	_ =	shalt  }
0x85: {  	_ =	shalt  }
0x86: {  	_ =	shalt  }
0x87: {  	_ =	shalt  }
.Lfunc_end0:
.L_simem_size_0:
called_computation_lowered:
.L_overlay_start_0:
0x88: {  	s2 =	sld [smem:$0x3FD9]  }
0x89: {  	s3 =	sld [smem:$0x3FFE];
	_ =	sdelay $0x1  }
0x8a: {  	s1 =	srdreg.scid  }
0x8b: {  	s0 =	sand.u32 $0x1, s1  }
0x8c: {  	s17 =	sshll.u32 s0, $0xA;
	s2 =	sadd.s32 s3, s2  }
0x8d: {  	s2 =	sadd.s32 s2, s17  }
0x8e: {  	[smem:$0x3FC6] =	sst s2  }
0x8f: {  	_ = 	snop  }
0x90: {  	s2 =	sld [smem:$0x3FD0];
	(tm) =	ssettm $0x1  }
0x91: {  	s18 =	sld [smem:$0x3FFB];
	_ =	sdelay $0x3  }
0x92: {  	_ =	strace s18  }
0x93: {  	s3 =	sld [smem:$0x3FFC];
	_ =	sdelay $0x3  }
0x94: {  	_ =	strace s3  }
0x95: {  	s3 =	sld [smem:$0x3FFD];
	_ =	sdelay $0x3  }
0x96: {  	_ =	strace s3  }
0x97: {  	_ =	strace $0x8FFFFFFF  }
0x98: {  	s19 =	sld [smem:$0x3FDB];
	_ =	sdelay $0x1  }
0x99: {  	s4 =	simm.s32 $_scs_section_size  }
0x9a: {  	s5 =	simm.s32 $_size__tile_overlayer_lowered;
	s6 =	simm.s32 $_tile_overlayer_lowered  }
0x9b: {  	s22 =	simm.s32 $0x1BFF;
	s21 =	sshll.u32 s6, $0x1;
	s3 =	sadd.s32 s4, s19  }
0x9c: {  	s7 =	simm.s32 $0x0;
	s20 =	sshll.u32 s5, $0x1;
	s5 =	sadd.s32 s21, s3  }
0x9d: {  	[timem:s7], [sflag:s22] =	dma.local [hbm:s5], s20  }
0x9e: {  	_ =	swait.ge [sflag:s22], s20  }
0x9f: {  	s4 =	ssub.s32 $0x0, s20;
	[sflag:s22] =	ssyncset.done $0x0  }
0xa0: {  	[sflag:s22] =	ssyncadd.s32 s4;
	_ =	sdelay $0x1  }
0xa1: {  	s23 =	simm.s32 $0x1B8B  }
0xa2: {  	_ =	swait.ge [sflag:s23], $0x1  }
0xa3: {  	[sflag:s23] =	ssyncset.done $0x0  }
0xa4: {  	s25 =	simm.s32 $0x1B8E;
	s24 =	sld [smem:$0x3FFE];
	[sflag:s23] =	ssyncadd.s32 $0xFFFFFFFF  }
0xa5: {  	s26 =	simm.s32 $execute0_lowered;
	[smem:$0x3FD2] =	sst s25  }
0xa6: {  	s5 =	sshll.u32 s26, $0x1;
	_ =	strace $0x80000046;
	[dreg:$0x1] =	wrdreg $0xFFFFFFFF  }
0xa7: {  	s28 =	simm.s32 $_size_execute0_lowered;
	s3 =	sadd.s32 s3, s5;
	[dreg:$0x0] =	wrdreg $0x0  }
0xa8: {  	s5 =	sshll.u32 s28, $0x1;
	[dreg:$0x2] =	wrdreg s3  }
0xa9: {  	[dreg:$0x3] =	wrdreg s5  }
0xaa: {  	[dreg:$0x4] =	wrdreg $0xC0  }
0xab: {  	_ =	task [dreg:s7], $0x5FFFF  }
0xac: {  	[dreg:$0x1] =	wrdreg $0xFFFFFFFF  }
0xad: {  	[dreg:$0x0] =	wrdreg $0x60  }
0xae: {  	[dreg:$0x2] =	wrdreg s2  }
0xaf: {  	[dreg:$0x3] =	wrdreg s24  }
0xb0: {  	[dreg:$0x4] =	wrdreg $0x9  }
0xb1: {  	_ =	task.clear_ibuf [dreg:s7], $0x5FFFF;
	_ =	strace $0x90000046  }
0xb2: {  	s29 =	simm.s32 $0x9;
	_ =	strace $0x80000048  }
0xb3: {  	_ =	swait.ge [sflag:s29], $0x1  }
0xb4: {  	[sflag:s29] =	ssyncadd.s32 $0xFFFFFFFF  }
0xb5: {  	_ =	strace $0x90000048  }
0xb6: {  	_ =	sfence  }
0xb7: {  	s30 =	sld [smem:$0x0];
	_ =	sdelay $0x2  }
0xb8: {  	s31 =	sshll.u32 s1, $0xD;
	s1 =	sshrl.u32 s1, $0x2  }
0xb9: {  	s3 =	sand.u32 $0x4000, s31;
	s1 =	sadd.s32 s1, s30  }
0xba: {  	s0 =	sor.u32 s3, s0;
	s1 =	sshll.u32 s1, $0x11  }
0xbb: {  	s0 =	sor.u32 s1, s0  }
0xbc: {  	s0 =	sadd.s32 $0x8F2B, s0  }
0xbd: {  	[sflag:s0] =	ssyncadd.remote.s32 $0x1  }
0xbe: {  	_ =	sfence.sel $0xFFFF  }
0xbf: {  	[dreg:$0x0] =	wrdreg $0xFFFFFFFF;
	(pc) =	sbr.abs _section_cstart, $3  }
0xc0: {  	[dreg:$0x1] =	wrdreg $0xFFFFFFFF  }
0xc1: {  	_ =	task.clear_ibuf [dreg:s7], $0x2FFFF;
	_ =	strace $0x9FFFFFFF  }
0xc2: {  	(tm) =	ssettm $0x7FFFFFFF  }
0xc3: {  	_ =	shalt  }
tec
execute0_lowered:
.L_overlay_start_1:
0x0: {  	(tag) =	ssettag $0x1  }
0x1: {  	s0 =	rddreg [dreg:$0x0];
	s1 =	srdreg.scid  }
0x2: {  	s12 =	stileid.u32;
	s5 =	rddreg [dreg:$0x1]  }
0x3: {  	s2 =	simm.s32 $0x0;
	s28 =	simm.s32 $0x9;
	s29 =	simm.s32 $0x100  }
0x4: {  	s30 =	simm.s32 $0x8;
	s1 =	sand.u32 $0x1, s1;
	s3 =	sshll.u32 s12, $0x1  }
0x5: {  	[smem:$0x7FF] =	sst s2;
	s15 =	sadd.s32 $0x7C0400, s5;
	s21 =	smul.u32 $0xC800, s12  }
0x6: {  	s22 =	sadd.s32 $0x7C1400, s5;
	s26 =	smul.u32 $0x320000, s12;
	s12 =	simm.s32 $0x8800  }
0x7: {  	s4 =	sor.u32 s1, s3;
	_ =	strace $0x80000047;
	s23 =	smul.u32 $0x6400, s1  }
0x8: {  	s3 =	sadd.s32 $0x400, s5;
	s8 =	ssub.s32 $0x2, s1;
	s1 =	smul.u32 $0x190000, s1  }
0x9: {  	[dreg:$0x15] =	wrdreg s22;
	s6 =	smul.u32 $0x6400, s4;
	s10 =	sshrl.u32 s8, $0x1  }
0xa: {  	s7 =	smul.u32 $0x190000, s4;
	s4 =	simm.s32 $0x0;
	s8 =	ssub.s32 s8, s10  }
0xb: {  	s10 =	sadd.s32 s23, s21;
	s1 =	sadd.s32 s1, s26;
	s9 =	sshrl.u32 s6, $0x4  }
0xc: {  	s6 =	sshrl.u32 s6, $0x3;
	s31 =	sadd.s32 $0x600, s10;
	[dreg:$0xc] =	wrdreg s1  }
0xd: {  	s23 =	smax.u32 s8, $0x1;
	s8 =	simm.s32 $0x80;
	s11 =	sor.u32 s7, s9  }
0xe: {  	s13 =	sadd.s32 s0, s6;
	s18 =	sand.u32 $0x40, s9;
	[dreg:$0xe] =	wrdreg s23  }
0xf: {  	s14 =	sshrl.u32 s31, $0x3;
	s17 =	sadd.s32 $0x20, s13;
	[dreg:$0x3] =	wrdreg s13  }
0x10: {  	s16 =	sand.u32 $0x3FE0040, s11;
	s20 =	sadd.s32 $0x40, s13;
	[dreg:$0x4] =	wrdreg s17  }
0x11: {  	s7 =	sor.u32 s7, s18;
	s24 =	sadd.s32 $0x60, s13;
	[dreg:$0x6] =	wrdreg s20  }
0x12: {  	s9 =	sadd.s32 $0x80, s13;
	s18 =	sadd.s32 $0x700, s10;
	[dreg:$0x8] =	wrdreg s24  }
0x13: {  	s6 =	sshrl.u32 s16, $0x3;
	s25 =	sshrl.u32 s7, $0x3;
	[dreg:$0xa] =	wrdreg s9  }
0x14: {  	s9 =	smov.u32 s15;
	s16 =	sadd.s32 $0x800, s10;
	s17 =	sadd.s32 $0x900, s10  }
0x15: {  	s21 =	sshrl.u32 s18, $0x3;
	s20 =	sadd.s32 $0x7C2400, s5;
	s24 =	sshrl.u32 s31, $0x4  }
0x16: {  	s26 =	sshrl.u32 s18, $0x4;
	s31 =	sadd.s32 $0xA0, s13;
	s13 =	simm.s32 $0x2  }
0x17: {  	s18 =	simm.s32 $0x800;
	s19 =	sadd.s32 s15, s6;
	[dreg:$0xf] =	wrdreg s24  }
0x18: {  	s6 =	sadd.s32 s6, s22;
	s7 =	sor.u32 $0x2000, s25;
	[dreg:$0x11] =	wrdreg s26  }
0x19: {  	s1 =	sshrl.u32 s16, $0x3;
	[dreg:$0x12] =	wrdreg s31;
	s26 =	simm.s32 $0x3  }
0x1a: {  	s16 =	simm.s32 $0x5;
	s24 =	simm.s32 $0x4;
	[dreg:$0x5] =	wrdreg s19  }
0x1b: {  	[dreg:$0x7] =	wrdreg s6;
	s7 =	sadd.s32 s15, s7;
	s6 =	sor.u32 $0x3000, s25  }
0x1c: {  	s1 =	sadd.s32 s1, s0;
	s19 =	sadd.s32 s21, s0;
	s21 =	sadd.s32 $0x7C3400, s5  }
0x1d: {  	s25 =	sadd.s32 $0x400, s10;
	s5 =	simm.s32 $0x7;
	[dreg:$0x9] =	wrdreg s7  }
.Ltmp0:
0x1e: {  	s6 =	sadd.s32 s15, s6;
	[dreg:$0xd] =	wrdreg s1;
	(pc) =	sbr.rel .LBB2_1-.Ltmp0, $4  }
0x1f: {  	s15 =	sadd.s32 s14, s0;
	[dreg:$0x10] =	wrdreg s25;
	s7 =	simm.s32 $0x40  }
0x20: {  	s25 =	simm.s32 $0x6;
	[dreg:$0xb] =	wrdreg s6;
	s6 =	sshrl.u32 s17, $0x3  }
0x21: {  	[dreg:$0x14] =	wrdreg s15;
	s15 =	simm.s32 $0xC800;
	s22 =	sadd.s32 s6, s0  }
0x22: {  	s0 =	simm.s32 $0x4800;
	s6 =	simm.s32 $0x1;
	[dreg:$0x13] =	wrdreg s22  }
.LBB2_6:
0x23: {  	s16 =	simm.s32 $0x5  }
0x24: {  	_ =	swait.ge [sflag:s16], $0x4000  }
0x25: {  	[sflag:s16] =	ssyncset.done $0x0  }
0x26: {  	[sflag:s16] =	ssyncadd.s32 $0xFFFFC000  }
0x27: {  	_ =	swait.ge [sflag:s25], $0x4000  }
0x28: {  	[sflag:s25] =	ssyncset.done $0x0  }
0x29: {  	[sflag:s25] =	ssyncadd.s32 $0xFFFFC000  }
0x2a: {  	_ =	swait.ge [sflag:s5], $0x4000  }
0x2b: {  	[sflag:s5] =	ssyncset.done $0x0  }
0x2c: {  	[sflag:s5] =	ssyncadd.s32 $0xFFFFC000  }
0x2d: {  	_ =	swait.ge [sflag:s30], $0x4000  }
0x2e: {  	s4 =	rddreg [dreg:$0x16]  }
0x2f: {  	s1 =	rddreg [dreg:$0xe];
	s4 =	sadd.s32 $0x1, s4  }
0x30: {  	p0 =	sne.s32 s4, s1  }
.Ltmp1:
0x31: {  	_ = 	snop;
	(pc) =	sbr.rel @!p0 .LBB2_7-.Ltmp1, $3  }
0x32: {  	_ =	sdelay $0x1  }
0x33: {  	[sflag:s30] =	ssyncset.done $0x0  }
0x34: {  	[sflag:s30] =	ssyncadd.s32 $0xFFFFC000  }
.LBB2_1:
0x35: {  	[dreg:$0x16] =	wrdreg s4  }
0x36: {  	s1 =	rddreg [dreg:$0x3]  }
0x37: {  	[tilespmem:s2], [sflag:$0x9] =	stream.linear.gather [hbm4b:s1+s2], $0x100, $0x38;
	[tilespmem:$0x10800] =	vst v63  }
0x38: {  	_ =	swait.ge [sflag:s28], $0x100  }
0x39: {  	[sflag:s28] =	ssyncset.done $0x0  }
0x3a: {  	[sflag:s28] =	ssyncadd.s32 $0xFFFFFF00  }
0x3b: {  	v0 =	vld [tilespmem:$0x0]  }
0x3c: {  	v1 =	vld [tilespmem:$0x10]  }
0x3d: {  	v3 =	vld [tilespmem:$0x20]  }
0x3e: {  	v5 =	vld [tilespmem:$0x30]  }
0x3f: {  	v23 =	vld [tilespmem:$0x40]  }
0x40: {  	v7 =	vld [tilespmem:$0x50]  }
0x41: {  	v8 =	vld [tilespmem:$0x60];
	v2 =	vshll.u32 v0, $0x1;
	v4 =	vand.u32 $0xFFFFC000, v0;
	v0 =	vshrl.u32 v0, $0xD  }
0x42: {  	v30 =	vld [tilespmem:$0x70];
	v22 =	vshll.u32 v1, $0x1;
	v6 =	vand.u32 $0xFFFFC000, v1;
	v1 =	vshrl.u32 v1, $0xD  }
0x43: {  	v10 =	vld [tilespmem:$0x80];
	v24 =	vshll.u32 v3, $0x1;
	v25 =	vand.u32 $0xFFFFC000, v3;
	v3 =	vshrl.u32 v3, $0xD  }
0x44: {  	v11 =	vld [tilespmem:$0x90];
	v26 =	vshll.u32 v5, $0x1;
	v27 =	vand.u32 $0xFFFFC000, v5;
	v28 =	vshrl.u32 v5, $0xD  }
0x45: {  	v39 =	vld [tilespmem:$0xA0];
	v29 =	vshll.u32 v23, $0x1;
	v9 =	vand.u32 $0xFFFFC000, v23;
	v32 =	vshll.u32 v7, $0x1  }
0x46: {  	v13 =	vld [tilespmem:$0xB0];
	v33 =	vand.u32 $0xFFFFC000, v7;
	v7 =	vshrl.u32 v7, $0xD;
	v35 =	vshll.u32 v8, $0x1  }
0x47: {  	v14 =	vld [tilespmem:$0xC0];
	v36 =	vand.u32 $0xFFFFC000, v8;
	v37 =	vshrl.u32 v8, $0xD;
	v38 =	vshll.u32 v30, $0x1  }
0x48: {  	v51 =	vld [tilespmem:$0xD0];
	v12 =	vand.u32 $0xFFFFC000, v30;
	v41 =	vshll.u32 v10, $0x1;
	v42 =	vand.u32 $0xFFFFC000, v10  }
0x49: {  	v57 =	vld [tilespmem:$0xE0];
	v10 =	vshrl.u32 v10, $0xD;
	v44 =	vshll.u32 v11, $0x1;
	v45 =	vand.u32 $0xFFFFC000, v11  }
0x4a: {  	v61 =	vld [tilespmem:$0xF0];
	v46 =	vshrl.u32 v11, $0xD;
	v47 =	vshll.u32 v39, $0x1;
	v48 =	vand.u32 $0xFFFFC000, v39  }
0x4b: {  	v52 =	vshll.u32 v13, $0x1;
	v53 =	vand.u32 $0xFFFFC000, v13;
	v54 =	vshrl.u32 v13, $0xD  }
0x4c: {  	v56 =	vshll.u32 v14, $0x1;
	v58 =	vand.u32 $0xFFFFC000, v14;
	v59 =	vshrl.u32 v14, $0xD  }
0x4d: {  	v60 =	vshll.u32 v51, $0x1;
	v62 =	vand.u32 $0xFFFFC000, v51;
	v63 =	vshrl.u32 v51, $0xD  }
0x4e: {  	v14 =	vshll.u32 v57, $0x1;
	v15 =	vand.u32 $0xFFFFC000, v57;
	v16 =	vshrl.u32 v57, $0xD  }
0x4f: {  	v18 =	vshll.u32 v61, $0x1;
	v19 =	vand.u32 $0xFFFFC000, v61;
	v20 =	vshrl.u32 v61, $0xD  }
0x50: {  	v2 =	vand.u32 $0x3FFE, v2;
	v0 =	vand.u32 $0x1, v0;
	v1 =	vand.u32 $0x1, v1  }
0x51: {  	v3 =	vand.u32 $0x1, v3;
	v5 =	vand.u32 $0x3FFE, v29;
	v34 =	vand.u32 $0x1, v7  }
0x52: {  	v7 =	vand.u32 $0x3FFE, v35;
	v8 =	vand.u32 $0x3FFE, v38;
	v43 =	vand.u32 $0x1, v10  }
0x53: {  	v10 =	vand.u32 $0x3FFE, v44;
	v11 =	vand.u32 $0x3FFE, v47;
	v49 =	vand.u32 $0x1, v46  }
0x54: {  	v55 =	vand.u32 $0x1, v54;
	v17 =	vand.u32 $0x1, v16;
	v2 =	vor.u32 v4, v2  }
0x55: {  	v4 =	vand.u32 $0x3FFE, v22;
	v5 =	vor.u32 v9, v5;
	v9 =	vshrl.u32 v30, $0xD  }
0x56: {  	v8 =	vor.u32 v12, v8;
	v12 =	vshrl.u32 v39, $0xD;
	v4 =	vor.u32 v6, v4  }
0x57: {  	v0 =	vor.u32 v0, v2;
	v2 =	vand.u32 $0x3FFE, v24;
	v6 =	vshrl.u32 v23, $0xD  }
0x58: {  	v9 =	vand.u32 $0x1, v9;
	v50 =	vand.u32 $0x1, v12;
	v1 =	vor.u32 v1, v4;
	[tilespmem:$0x400] =	vst v0  }
0x59: {  	v2 =	vor.u32 v25, v2;
	v4 =	vand.u32 $0x3FFE, v26;
	v40 =	vor.u32 v9, v8;
	[tilespmem:$0x410] =	vst v1  }
0x5a: {  	v6 =	vand.u32 $0x1, v6;
	v8 =	vand.u32 $0x3FFE, v41;
	v2 =	vor.u32 v3, v2;
	[tilespmem:$0x470] =	vst v40  }
0x5b: {  	v9 =	vor.u32 v45, v10;
	v0 =	vor.u32 v48, v11;
	v31 =	vor.u32 v6, v5;
	[tilespmem:$0x420] =	vst v2  }
0x5c: {  	v11 =	vand.u32 $0x1, v63;
	v3 =	vor.u32 v27, v4;
	v1 =	vor.u32 v49, v9;
	[tilespmem:$0x440] =	vst v31  }
0x5d: {  	v4 =	vand.u32 $0x1, v28;
	v5 =	vand.u32 $0x3FFE, v32;
	v0 =	vor.u32 v50, v0;
	[tilespmem:$0x490] =	vst v1  }
0x5e: {  	v6 =	vor.u32 v36, v7;
	v7 =	vand.u32 $0x1, v37;
	v3 =	vor.u32 v4, v3;
	[tilespmem:$0x4A0] =	vst v0  }
0x5f: {  	v8 =	vor.u32 v42, v8;
	v5 =	vor.u32 v33, v5;
	v6 =	vor.u32 v7, v6;
	[tilespmem:$0x430] =	vst v3  }
0x60: {  	v8 =	vor.u32 v43, v8;
	v2 =	vand.u32 $0x3FFE, v52;
	v4 =	vand.u32 $0x3FFE, v56;
	[tilespmem:$0x460] =	vst v6  }
0x61: {  	v5 =	vor.u32 v34, v5;
	v2 =	vor.u32 v53, v2;
	v3 =	vor.u32 v58, v4;
	[tilespmem:$0x480] =	vst v8  }
0x62: {  	v4 =	vand.u32 $0x1, v59;
	[tilespmem:$0x450] =	vst v5;
	v2 =	vor.u32 v55, v2;
	v5 =	vand.u32 $0x3FFE, v60  }
0x63: {  	v12 =	vor.u32 v4, v3;
	v4 =	vand.u32 $0x3FFE, v14;
	v5 =	vor.u32 v62, v5;
	[tilespmem:$0x4B0] =	vst v2  }
0x64: {  	v0 =	vor.u32 v15, v4;
	[tilespmem:$0x4C0] =	vst v12;
	v4 =	vand.u32 $0x3FFE, v18;
	v13 =	vor.u32 v11, v5  }
0x65: {  	v21 =	vand.u32 $0x1, v20;
	v0 =	vor.u32 v17, v0;
	v1 =	vor.u32 v19, v4;
	[tilespmem:$0x4D0] =	vst v13  }
0x66: {  	[tilespmem:$0x4E0] =	vst v0;
	v22 =	vor.u32 v21, v1  }
0x67: {  	s10 =	simm.s32 $0x400;
	s11 =	simm.s32 $0x800;
	[tilespmem:$0x4F0] =	vst v22  }
0x68: {  	[tilespmem:s11], [sflag:$0x1] =	stream.indirect.gather [hbm4b:s3+s29], $0x40, s10, s29, $0xb8;
	[tilespmem:$0x10800] =	vst v63  }
0x69: {  	s17 =	rddreg [dreg:$0x4]  }
0x6a: {  	[tilespmem:s29], [sflag:$0x9] =	stream.linear.gather [hbm4b:s17+s2], $0x100, $0x38;
	[tilespmem:$0x10800] =	vst v63  }
0x6b: {  	_ =	swait.ge [sflag:s28], $0x100  }
0x6c: {  	[sflag:s28] =	ssyncset.done $0x0  }
0x6d: {  	[sflag:s28] =	ssyncadd.s32 $0xFFFFFF00  }
0x6e: {  	v23 =	vld [tilespmem:$0x100]  }
0x6f: {  	v24 =	vld [tilespmem:$0x110]  }
0x70: {  	v26 =	vld [tilespmem:$0x120]  }
0x71: {  	v29 =	vld [tilespmem:$0x130]  }
0x72: {  	v31 =	vld [tilespmem:$0x140]  }
0x73: {  	v35 =	vld [tilespmem:$0x150]  }
0x74: {  	v39 =	vld [tilespmem:$0x160];
	v25 =	vshll.u32 v23, $0x1;
	v27 =	vand.u32 $0xFFFFC000, v23;
	v0 =	vshrl.u32 v23, $0xD  }
0x75: {  	v41 =	vld [tilespmem:$0x170];
	v28 =	vshll.u32 v24, $0x1;
	v30 =	vand.u32 $0xFFFFC000, v24;
	v1 =	vshrl.u32 v24, $0xD  }
0x76: {  	v47 =	vld [tilespmem:$0x180];
	v32 =	vshll.u32 v26, $0x1;
	v33 =	vand.u32 $0xFFFFC000, v26;
	v3 =	vshrl.u32 v26, $0xD  }
0x77: {  	v51 =	vld [tilespmem:$0x190];
	v34 =	vshll.u32 v29, $0x1;
	v36 =	vand.u32 $0xFFFFC000, v29;
	v37 =	vshrl.u32 v29, $0xD  }
0x78: {  	v53 =	vld [tilespmem:$0x1A0];
	v38 =	vshll.u32 v31, $0x1;
	v40 =	vand.u32 $0xFFFFC000, v31;
	v6 =	vshrl.u32 v31, $0xD  }
0x79: {  	v59 =	vld [tilespmem:$0x1B0];
	v43 =	vshll.u32 v35, $0x1;
	v44 =	vand.u32 $0xFFFFC000, v35;
	v7 =	vshrl.u32 v35, $0xD  }
0x7a: {  	v63 =	vld [tilespmem:$0x1C0];
	v46 =	vshll.u32 v39, $0x1;
	v48 =	vand.u32 $0xFFFFC000, v39;
	v49 =	vshrl.u32 v39, $0xD  }
0x7b: {  	v19 =	vld [tilespmem:$0x1D0];
	v50 =	vshll.u32 v41, $0x1;
	v52 =	vand.u32 $0xFFFFC000, v41;
	v9 =	vshrl.u32 v41, $0xD  }
0x7c: {  	v55 =	vshll.u32 v47, $0x1;
	v56 =	vand.u32 $0xFFFFC000, v47;
	v10 =	vshrl.u32 v47, $0xD  }
0x7d: {  	v58 =	vshll.u32 v51, $0x1;
	v60 =	vand.u32 $0xFFFFC000, v51;
	v61 =	vshrl.u32 v51, $0xD  }
0x7e: {  	v62 =	vshll.u32 v53, $0x1;
	v16 =	vand.u32 $0xFFFFC000, v53;
	v12 =	vshrl.u32 v53, $0xD  }
0x7f: {  	v20 =	vshll.u32 v59, $0x1;
	v21 =	vand.u32 $0xFFFFC000, v59;
	v22 =	vshrl.u32 v59, $0xD  }
0x80: {  	v24 =	vshll.u32 v63, $0x1;
	v26 =	vand.u32 $0xFFFFC000, v63;
	v31 =	vshrl.u32 v19, $0xD  }
0x81: {  	v2 =	vand.u32 $0x3FFE, v25;
	v4 =	vand.u32 $0x3FFE, v28;
	v0 =	vand.u32 $0x1, v0  }
0x82: {  	v1 =	vand.u32 $0x1, v1;
	v3 =	vand.u32 $0x1, v3;
	v5 =	vand.u32 $0x3FFE, v38  }
0x83: {  	v6 =	vand.u32 $0x1, v6;
	v45 =	vand.u32 $0x1, v7;
	v7 =	vand.u32 $0x3FFE, v46  }
0x84: {  	v8 =	vand.u32 $0x3FFE, v50;
	v9 =	vand.u32 $0x1, v9;
	v57 =	vand.u32 $0x1, v10  }
0x85: {  	v10 =	vand.u32 $0x3FFE, v58;
	v11 =	vand.u32 $0x3FFE, v62;
	v17 =	vand.u32 $0x1, v61  }
0x86: {  	v18 =	vand.u32 $0x1, v12;
	v23 =	vand.u32 $0x1, v22;
	v28 =	vshll.u32 v19, $0x1  }
0x87: {  	v2 =	vor.u32 v27, v2;
	v4 =	vor.u32 v30, v4;
	v5 =	vor.u32 v40, v5  }
0x88: {  	v8 =	vor.u32 v52, v8;
	v27 =	vshrl.u32 v63, $0xD;
	v30 =	vand.u32 $0xFFFFC000, v19  }
0x89: {  	v0 =	vor.u32 v0, v2;
	v1 =	vor.u32 v1, v4;
	v2 =	vand.u32 $0x3FFE, v32  }
0x8a: {  	v4 =	vand.u32 $0x3FFE, v34;
	v42 =	vor.u32 v6, v5;
	v5 =	vand.u32 $0x3FFE, v43  }
0x8b: {  	v6 =	vor.u32 v48, v7;
	v7 =	vand.u32 $0x1, v49;
	v54 =	vor.u32 v9, v8;
	[tilespmem:$0x500] =	vst v0  }
0x8c: {  	v29 =	vld [tilespmem:$0x1F0];
	v8 =	vand.u32 $0x3FFE, v55;
	v9 =	vor.u32 v60, v10;
	v32 =	vand.u32 $0x1, v31;
	[tilespmem:$0x510] =	vst v1  }
0x8d: {  	v2 =	vor.u32 v33, v2;
	v5 =	vor.u32 v44, v5;
	v6 =	vor.u32 v7, v6;
	[tilespmem:$0x540] =	vst v42  }
0x8e: {  	v25 =	vld [tilespmem:$0x1E0];
	v8 =	vor.u32 v56, v8;
	v0 =	vor.u32 v16, v11;
	v1 =	vor.u32 v17, v9;
	[tilespmem:$0x570] =	vst v54  }
0x8f: {  	v2 =	vor.u32 v3, v2;
	v3 =	vor.u32 v36, v4;
	v4 =	vand.u32 $0x1, v37;
	[tilespmem:$0x560] =	vst v6  }
0x90: {  	v5 =	vor.u32 v45, v5;
	v8 =	vor.u32 v57, v8;
	v0 =	vor.u32 v18, v0;
	[tilespmem:$0x590] =	vst v1  }
0x91: {  	v39 =	vshll.u32 v29, $0x1;
	v40 =	vand.u32 $0xFFFFC000, v29;
	v41 =	vshrl.u32 v29, $0xD;
	[tilespmem:$0x520] =	vst v2  }
0x92: {  	v3 =	vor.u32 v4, v3;
	v2 =	vand.u32 $0x3FFE, v20;
	[tilespmem:$0x550] =	vst v5;
	v4 =	vand.u32 $0x3FFE, v24  }
0x93: {  	v5 =	vand.u32 $0x3FFE, v28;
	[tilespmem:$0x580] =	vst v8;
	v35 =	vshll.u32 v25, $0x1;
	v36 =	vand.u32 $0xFFFFC000, v25  }
0x94: {  	v37 =	vshrl.u32 v25, $0xD;
	[tilespmem:$0x530] =	vst v3;
	v2 =	vor.u32 v21, v2;
	v3 =	vor.u32 v26, v4  }
0x95: {  	[tilespmem:$0x5A0] =	vst v0;
	v4 =	vand.u32 $0x1, v27;
	v5 =	vor.u32 v30, v5;
	v2 =	vor.u32 v23, v2  }
0x96: {  	v38 =	vand.u32 $0x1, v37;
	v33 =	vor.u32 v4, v3;
	v4 =	vand.u32 $0x3FFE, v35;
	[tilespmem:$0x5B0] =	vst v2  }
0x97: {  	v34 =	vor.u32 v32, v5;
	v0 =	vor.u32 v36, v4;
	[tilespmem:$0x5C0] =	vst v33;
	v4 =	vand.u32 $0x3FFE, v39  }
0x98: {  	v42 =	vand.u32 $0x1, v41;
	[tilespmem:$0x5D0] =	vst v34;
	v0 =	vor.u32 v38, v0;
	v1 =	vor.u32 v40, v4  }
0x99: {  	[tilespmem:$0x5E0] =	vst v0;
	v43 =	vor.u32 v42, v1  }
0x9a: {  	s14 =	simm.s32 $0x500;
	[tilespmem:$0x5F0] =	vst v43  }
0x9b: {  	[tilespmem:s0], [sflag:$0x2] =	stream.indirect.gather [hbm4b:s3+s29], $0x40, s14, s29, $0xb8;
	[tilespmem:$0x10800] =	vst v63  }
0x9c: {  	_ =	swait.ge [sflag:s6], $0x4000  }
0x9d: {  	[sflag:s6] =	ssyncset.done $0x0  }
0x9e: {  	s22 =	rddreg [dreg:$0x5];
	[sflag:s6] =	ssyncadd.s32 $0xFFFFC000  }
0x9f: {  	[hbm4b:s22+s7] =	stream.strided.scatter [tilespmem:s11], [sflag:$0x5], $0x4000, s8, s7, $0x38;
	[tilespmem:$0x10800] =	vst v63  }
0xa0: {  	s31 =	simm.s32 $0x200;
	s23 =	rddreg [dreg:$0x6]  }
0xa1: {  	[tilespmem:s31], [sflag:$0x9] =	stream.linear.gather [hbm4b:s23+s2], $0x100, $0x38;
	[tilespmem:$0x10800] =	vst v63  }
0xa2: {  	_ =	swait.ge [sflag:s28], $0x100  }
0xa3: {  	[sflag:s28] =	ssyncset.done $0x0  }
0xa4: {  	[sflag:s28] =	ssyncadd.s32 $0xFFFFFF00  }
0xa5: {  	v44 =	vld [tilespmem:$0x200]  }
0xa6: {  	v45 =	vld [tilespmem:$0x210]  }
0xa7: {  	v47 =	vld [tilespmem:$0x220]  }
0xa8: {  	v50 =	vld [tilespmem:$0x230]  }
0xa9: {  	v52 =	vld [tilespmem:$0x240]  }
0xaa: {  	v56 =	vld [tilespmem:$0x250];
	v46 =	vshll.u32 v44, $0x1;
	v48 =	vand.u32 $0xFFFFC000, v44;
	v0 =	vshrl.u32 v44, $0xD  }
0xab: {  	v60 =	vld [tilespmem:$0x260];
	v49 =	vshll.u32 v45, $0x1;
	v51 =	vand.u32 $0xFFFFC000, v45;
	v1 =	vshrl.u32 v45, $0xD  }
0xac: {  	v62 =	vld [tilespmem:$0x270];
	v53 =	vshll.u32 v47, $0x1;
	v54 =	vand.u32 $0xFFFFC000, v47;
	v3 =	vshrl.u32 v47, $0xD  }
0xad: {  	v17 =	vld [tilespmem:$0x280];
	v55 =	vshll.u32 v50, $0x1;
	v57 =	vand.u32 $0xFFFFC000, v50;
	v58 =	vshrl.u32 v50, $0xD  }
0xae: {  	v21 =	vld [tilespmem:$0x290];
	v59 =	vshll.u32 v52, $0x1;
	v61 =	vand.u32 $0xFFFFC000, v52;
	v6 =	vshrl.u32 v52, $0xD  }
0xaf: {  	v23 =	vld [tilespmem:$0x2A0];
	v13 =	vshll.u32 v56, $0x1;
	v14 =	vand.u32 $0xFFFFC000, v56;
	v7 =	vshrl.u32 v56, $0xD  }
0xb0: {  	v29 =	vld [tilespmem:$0x2B0];
	v16 =	vshll.u32 v60, $0x1;
	v18 =	vand.u32 $0xFFFFC000, v60;
	v19 =	vshrl.u32 v60, $0xD  }
0xb1: {  	v33 =	vld [tilespmem:$0x2C0];
	v20 =	vshll.u32 v62, $0x1;
	v22 =	vand.u32 $0xFFFFC000, v62;
	v9 =	vshrl.u32 v62, $0xD  }
0xb2: {  	v25 =	vshll.u32 v17, $0x1;
	v26 =	vand.u32 $0xFFFFC000, v17;
	v10 =	vshrl.u32 v17, $0xD  }
0xb3: {  	v28 =	vshll.u32 v21, $0x1;
	v30 =	vand.u32 $0xFFFFC000, v21;
	v31 =	vshrl.u32 v21, $0xD  }
0xb4: {  	v32 =	vshll.u32 v23, $0x1;
	v34 =	vand.u32 $0xFFFFC000, v23;
	v12 =	vshrl.u32 v23, $0xD  }
0xb5: {  	v38 =	vshll.u32 v29, $0x1;
	v39 =	vand.u32 $0xFFFFC000, v29;
	v40 =	vshrl.u32 v29, $0xD  }
0xb6: {  	v42 =	vshll.u32 v33, $0x1;
	v44 =	vand.u32 $0xFFFFC000, v33;
	v45 =	vshrl.u32 v33, $0xD  }
0xb7: {  	v37 =	vld [tilespmem:$0x2D0];
	v2 =	vand.u32 $0x3FFE, v46;
	v4 =	vand.u32 $0x3FFE, v49;
	v0 =	vand.u32 $0x1, v0  }
0xb8: {  	v1 =	vand.u32 $0x1, v1;
	v3 =	vand.u32 $0x1, v3;
	v5 =	vand.u32 $0x3FFE, v59  }
0xb9: {  	v6 =	vand.u32 $0x1, v6;
	v15 =	vand.u32 $0x1, v7;
	v7 =	vand.u32 $0x3FFE, v16  }
0xba: {  	v8 =	vand.u32 $0x3FFE, v20;
	v9 =	vand.u32 $0x1, v9;
	v27 =	vand.u32 $0x1, v10  }
0xbb: {  	v10 =	vand.u32 $0x3FFE, v28;
	v11 =	vand.u32 $0x3FFE, v32;
	v35 =	vand.u32 $0x1, v31  }
0xbc: {  	v36 =	vand.u32 $0x1, v12;
	v41 =	vand.u32 $0x1, v40;
	v46 =	vshll.u32 v37, $0x1  }
0xbd: {  	v49 =	vshrl.u32 v37, $0xD;
	v2 =	vor.u32 v48, v2;
	v4 =	vor.u32 v51, v4  }
0xbe: {  	v43 =	vld [tilespmem:$0x2E0];
	v5 =	vor.u32 v61, v5;
	v8 =	vor.u32 v22, v8;
	v48 =	vand.u32 $0xFFFFC000, v37  }
0xbf: {  	v50 =	vand.u32 $0x1, v49;
	v0 =	vor.u32 v0, v2;
	v1 =	vor.u32 v1, v4  }
0xc0: {  	v2 =	vand.u32 $0x3FFE, v53;
	v4 =	vand.u32 $0x3FFE, v55;
	v63 =	vor.u32 v6, v5  }
0xc1: {  	v5 =	vand.u32 $0x3FFE, v13;
	v6 =	vor.u32 v18, v7;
	v7 =	vand.u32 $0x1, v19;
	[tilespmem:$0x600] =	vst v0  }
0xc2: {  	v24 =	vor.u32 v9, v8;
	v8 =	vand.u32 $0x3FFE, v25;
	v9 =	vor.u32 v30, v10;
	[tilespmem:$0x610] =	vst v1  }
0xc3: {  	v47 =	vld [tilespmem:$0x2F0];
	v53 =	vshll.u32 v43, $0x1;
	v55 =	vshrl.u32 v43, $0xD;
	v2 =	vor.u32 v54, v2;
	[tilespmem:$0x640] =	vst v63  }
0xc4: {  	v5 =	vor.u32 v14, v5;
	v6 =	vor.u32 v7, v6;
	v8 =	vor.u32 v26, v8;
	[tilespmem:$0x670] =	vst v24  }
0xc5: {  	v0 =	vor.u32 v34, v11;
	v1 =	vor.u32 v35, v9;
	v54 =	vand.u32 $0xFFFFC000, v43;
	[tilespmem:$0x660] =	vst v6  }
0xc6: {  	v56 =	vand.u32 $0x1, v55;
	v2 =	vor.u32 v3, v2;
	v3 =	vor.u32 v57, v4;
	[tilespmem:$0x690] =	vst v1  }
0xc7: {  	v4 =	vand.u32 $0x1, v58;
	v5 =	vor.u32 v15, v5;
	v8 =	vor.u32 v27, v8;
	[tilespmem:$0x620] =	vst v2  }
0xc8: {  	v0 =	vor.u32 v36, v0;
	v57 =	vshll.u32 v47, $0x1;
	v58 =	vand.u32 $0xFFFFC000, v47;
	[tilespmem:$0x650] =	vst v5  }
0xc9: {  	v59 =	vshrl.u32 v47, $0xD;
	v3 =	vor.u32 v4, v3;
	v2 =	vand.u32 $0x3FFE, v38;
	[tilespmem:$0x680] =	vst v8  }
0xca: {  	v4 =	vand.u32 $0x3FFE, v42;
	v5 =	vand.u32 $0x3FFE, v46;
	[tilespmem:$0x6A0] =	vst v0;
	v2 =	vor.u32 v39, v2  }
0xcb: {  	[tilespmem:$0x630] =	vst v3;
	v3 =	vor.u32 v44, v4;
	v4 =	vand.u32 $0x1, v45;
	v2 =	vor.u32 v41, v2  }
0xcc: {  	v5 =	vor.u32 v48, v5;
	v51 =	vor.u32 v4, v3;
	v4 =	vand.u32 $0x3FFE, v53;
	[tilespmem:$0x6B0] =	vst v2  }
0xcd: {  	v52 =	vor.u32 v50, v5;
	v0 =	vor.u32 v54, v4;
	[tilespmem:$0x6C0] =	vst v51;
	v4 =	vand.u32 $0x3FFE, v57  }
0xce: {  	v60 =	vand.u32 $0x1, v59;
	[tilespmem:$0x6D0] =	vst v52;
	v0 =	vor.u32 v56, v0;
	v1 =	vor.u32 v58, v4  }
0xcf: {  	[tilespmem:$0x6E0] =	vst v0;
	v61 =	vor.u32 v60, v1  }
0xd0: {  	s17 =	simm.s32 $0x600;
	[tilespmem:$0x6F0] =	vst v61  }
0xd1: {  	[tilespmem:s12], [sflag:$0x3] =	stream.indirect.gather [hbm4b:s3+s29], $0x40, s17, s29, $0xb8;
	[tilespmem:$0x10800] =	vst v63  }
0xd2: {  	_ =	swait.ge [sflag:s13], $0x4000  }
0xd3: {  	[sflag:s13] =	ssyncset.done $0x0  }
0xd4: {  	s22 =	rddreg [dreg:$0x7];
	[sflag:s13] =	ssyncadd.s32 $0xFFFFC000  }
0xd5: {  	[hbm4b:s22+s7] =	stream.strided.scatter [tilespmem:s0], [sflag:$0x6], $0x4000, s8, s7, $0x38;
	[tilespmem:$0x10800] =	vst v63  }
0xd6: {  	s31 =	simm.s32 $0x300;
	s23 =	rddreg [dreg:$0x8]  }
0xd7: {  	[tilespmem:s31], [sflag:$0x9] =	stream.linear.gather [hbm4b:s23+s2], $0x100, $0x38;
	[tilespmem:$0x10800] =	vst v63  }
0xd8: {  	_ =	swait.ge [sflag:s28], $0x100  }
0xd9: {  	[sflag:s28] =	ssyncset.done $0x0  }
0xda: {  	[sflag:s28] =	ssyncadd.s32 $0xFFFFFF00  }
0xdb: {  	v62 =	vld [tilespmem:$0x300]  }
0xdc: {  	v63 =	vld [tilespmem:$0x310]  }
0xdd: {  	v10 =	vld [tilespmem:$0x320]  }
0xde: {  	v13 =	vld [tilespmem:$0x330]  }
0xdf: {  	v15 =	vld [tilespmem:$0x340]  }
0xe0: {  	v19 =	vld [tilespmem:$0x350]  }
0xe1: {  	v23 =	vld [tilespmem:$0x360]  }
0xe2: {  	v25 =	vld [tilespmem:$0x370];
	v9 =	vshll.u32 v62, $0x1;
	v11 =	vand.u32 $0xFFFFC000, v62;
	v0 =	vshrl.u32 v62, $0xD  }
0xe3: {  	v31 =	vld [tilespmem:$0x380];
	v12 =	vshll.u32 v63, $0x1;
	v14 =	vand.u32 $0xFFFFC000, v63;
	v1 =	vshrl.u32 v63, $0xD  }
0xe4: {  	v35 =	vld [tilespmem:$0x390];
	v16 =	vshll.u32 v10, $0x1;
	v17 =	vand.u32 $0xFFFFC000, v10;
	v3 =	vshrl.u32 v10, $0xD  }
0xe5: {  	v37 =	vld [tilespmem:$0x3A0];
	v18 =	vshll.u32 v13, $0x1;
	v20 =	vand.u32 $0xFFFFC000, v13;
	v21 =	vshrl.u32 v13, $0xD  }
0xe6: {  	v43 =	vld [tilespmem:$0x3B0];
	v22 =	vshll.u32 v15, $0x1;
	v24 =	vand.u32 $0xFFFFC000, v15;
	v6 =	vshrl.u32 v15, $0xD  }
0xe7: {  	v47 =	vld [tilespmem:$0x3C0];
	v27 =	vshll.u32 v19, $0x1;
	v28 =	vand.u32 $0xFFFFC000, v19;
	v7 =	vshrl.u32 v19, $0xD  }
0xe8: {  	v51 =	vld [tilespmem:$0x3D0];
	v30 =	vshll.u32 v23, $0x1;
	v32 =	vand.u32 $0xFFFFC000, v23;
	v33 =	vshrl.u32 v23, $0xD  }
0xe9: {  	v57 =	vld [tilespmem:$0x3E0];
	v34 =	vshll.u32 v25, $0x1;
	v36 =	vand.u32 $0xFFFFC000, v25;
	v39 =	vshll.u32 v31, $0x1  }
0xea: {  	v61 =	vld [tilespmem:$0x3F0];
	v40 =	vand.u32 $0xFFFFC000, v31;
	v10 =	vshrl.u32 v31, $0xD;
	v42 =	vshll.u32 v35, $0x1  }
0xeb: {  	v44 =	vand.u32 $0xFFFFC000, v35;
	v45 =	vshrl.u32 v35, $0xD;
	v46 =	vshll.u32 v37, $0x1  }
0xec: {  	v48 =	vand.u32 $0xFFFFC000, v37;
	v52 =	vshll.u32 v43, $0x1;
	v53 =	vand.u32 $0xFFFFC000, v43  }
0xed: {  	v54 =	vshrl.u32 v43, $0xD;
	v56 =	vshll.u32 v47, $0x1;
	v58 =	vand.u32 $0xFFFFC000, v47  }
0xee: {  	v59 =	vshrl.u32 v47, $0xD;
	v60 =	vshll.u32 v51, $0x1;
	v62 =	vand.u32 $0xFFFFC000, v51  }
0xef: {  	v63 =	vshrl.u32 v51, $0xD;
	v15 =	vand.u32 $0xFFFFC000, v57;
	v19 =	vand.u32 $0xFFFFC000, v61  }
0xf0: {  	v2 =	vand.u32 $0x3FFE, v9;
	v4 =	vand.u32 $0x3FFE, v12;
	v0 =	vand.u32 $0x1, v0  }
0xf1: {  	v1 =	vand.u32 $0x1, v1;
	v3 =	vand.u32 $0x1, v3;
	v5 =	vand.u32 $0x3FFE, v22  }
0xf2: {  	v6 =	vand.u32 $0x1, v6;
	v29 =	vand.u32 $0x1, v7;
	v7 =	vand.u32 $0x3FFE, v30  }
0xf3: {  	v8 =	vand.u32 $0x3FFE, v34;
	v9 =	vshrl.u32 v25, $0xD;
	v41 =	vand.u32 $0x1, v10  }
0xf4: {  	v10 =	vand.u32 $0x3FFE, v42;
	v12 =	vshrl.u32 v37, $0xD;
	v49 =	vand.u32 $0x1, v45  }
0xf5: {  	v55 =	vand.u32 $0x1, v54;
	v2 =	vor.u32 v11, v2;
	v4 =	vor.u32 v14, v4  }
0xf6: {  	v5 =	vor.u32 v24, v5;
	v8 =	vor.u32 v36, v8;
	v9 =	vand.u32 $0x1, v9  }
0xf7: {  	v11 =	vand.u32 $0x3FFE, v46;
	v50 =	vand.u32 $0x1, v12;
	v14 =	vshll.u32 v57, $0x1  }
0xf8: {  	v0 =	vor.u32 v0, v2;
	v1 =	vor.u32 v1, v4;
	v2 =	vand.u32 $0x3FFE, v16  }
0xf9: {  	v4 =	vand.u32 $0x3FFE, v18;
	v26 =	vor.u32 v6, v5;
	v5 =	vand.u32 $0x3FFE, v27;
	[tilespmem:$0x700] =	vst v0  }
0xfa: {  	v6 =	vor.u32 v32, v7;
	v7 =	vand.u32 $0x1, v33;
	v38 =	vor.u32 v9, v8;
	[tilespmem:$0x710] =	vst v1  }
0xfb: {  	v8 =	vand.u32 $0x3FFE, v39;
	v9 =	vor.u32 v44, v10;
	v16 =	vshrl.u32 v57, $0xD;
	[tilespmem:$0x740] =	vst v26  }
0xfc: {  	v18 =	vshll.u32 v61, $0x1;
	v2 =	vor.u32 v17, v2;
	v6 =	vor.u32 v7, v6;
	[tilespmem:$0x770] =	vst v38  }
0xfd: {  	v5 =	vor.u32 v28, v5;
	v8 =	vor.u32 v40, v8;
	v1 =	vor.u32 v49, v9;
	[tilespmem:$0x760] =	vst v6  }
0xfe: {  	v0 =	vor.u32 v48, v11;
	v11 =	vand.u32 $0x1, v63;
	v2 =	vor.u32 v3, v2;
	[tilespmem:$0x790] =	vst v1  }
0xff: {  	v17 =	vand.u32 $0x1, v16;
	v3 =	vor.u32 v20, v4;
	v5 =	vor.u32 v29, v5;
	[tilespmem:$0x720] =	vst v2  }
0x100: {  	v4 =	vand.u32 $0x1, v21;
	v8 =	vor.u32 v41, v8;
	v0 =	vor.u32 v50, v0;
	[tilespmem:$0x750] =	vst v5  }
0x101: {  	v20 =	vshrl.u32 v61, $0xD;
	v3 =	vor.u32 v4, v3;
	v2 =	vand.u32 $0x3FFE, v52;
	[tilespmem:$0x780] =	vst v8  }
0x102: {  	v4 =	vand.u32 $0x3FFE, v56;
	v5 =	vand.u32 $0x3FFE, v60;
	[tilespmem:$0x7A0] =	vst v0;
	v2 =	vor.u32 v53, v2  }
0x103: {  	[tilespmem:$0x730] =	vst v3;
	v3 =	vor.u32 v58, v4;
	v4 =	vand.u32 $0x1, v59;
	v2 =	vor.u32 v55, v2  }
0x104: {  	v5 =	vor.u32 v62, v5;
	v12 =	vor.u32 v4, v3;
	v4 =	vand.u32 $0x3FFE, v14;
	[tilespmem:$0x7B0] =	vst v2  }
0x105: {  	v13 =	vor.u32 v11, v5;
	v0 =	vor.u32 v15, v4;
	[tilespmem:$0x7C0] =	vst v12;
	v4 =	vand.u32 $0x3FFE, v18  }
0x106: {  	v21 =	vand.u32 $0x1, v20;
	[tilespmem:$0x7D0] =	vst v13;
	v0 =	vor.u32 v17, v0;
	v1 =	vor.u32 v19, v4  }
0x107: {  	[tilespmem:$0x7E0] =	vst v0;
	v22 =	vor.u32 v21, v1  }
0x108: {  	s4 =	simm.s32 $0x700;
	[tilespmem:$0x7F0] =	vst v22  }
0x109: {  	[tilespmem:s15], [sflag:$0x4] =	stream.indirect.gather [hbm4b:s3+s29], $0x40, s4, s29, $0xb8;
	[tilespmem:$0x10800] =	vst v63  }
0x10a: {  	_ =	swait.ge [sflag:s26], $0x4000  }
0x10b: {  	[sflag:s26] =	ssyncset.done $0x0  }
0x10c: {  	s17 =	rddreg [dreg:$0x9];
	[sflag:s26] =	ssyncadd.s32 $0xFFFFC000  }
0x10d: {  	[hbm4b:s17+s7] =	stream.strided.scatter [tilespmem:s12], [sflag:$0x7], $0x4000, s8, s7, $0x38;
	[tilespmem:$0x10800] =	vst v63  }
0x10e: {  	_ =	swait.ge [sflag:s16], $0x4000  }
0x10f: {  	[sflag:s16] =	ssyncset.done $0x0  }
0x110: {  	s22 =	rddreg [dreg:$0xa];
	[sflag:s16] =	ssyncadd.s32 $0xFFFFC000  }
0x111: {  	[tilespmem:s2], [sflag:$0x9] =	stream.linear.gather [hbm4b:s22+s2], $0x100, $0x38;
	[tilespmem:$0x10800] =	vst v63  }
0x112: {  	_ =	swait.ge [sflag:s28], $0x100  }
0x113: {  	[sflag:s28] =	ssyncset.done $0x0  }
0x114: {  	[sflag:s28] =	ssyncadd.s32 $0xFFFFFF00  }
0x115: {  	v23 =	vld [tilespmem:$0x0]  }
0x116: {  	v24 =	vld [tilespmem:$0x10]  }
0x117: {  	v26 =	vld [tilespmem:$0x20]  }
0x118: {  	v29 =	vld [tilespmem:$0x30]  }
0x119: {  	v31 =	vld [tilespmem:$0x40]  }
0x11a: {  	v35 =	vld [tilespmem:$0x50]  }
0x11b: {  	v39 =	vld [tilespmem:$0x60];
	v25 =	vshll.u32 v23, $0x1;
	v27 =	vand.u32 $0xFFFFC000, v23;
	v0 =	vshrl.u32 v23, $0xD  }
0x11c: {  	v41 =	vld [tilespmem:$0x70];
	v28 =	vshll.u32 v24, $0x1;
	v30 =	vand.u32 $0xFFFFC000, v24;
	v1 =	vshrl.u32 v24, $0xD  }
0x11d: {  	v47 =	vld [tilespmem:$0x80];
	v32 =	vshll.u32 v26, $0x1;
	v33 =	vand.u32 $0xFFFFC000, v26;
	v3 =	vshrl.u32 v26, $0xD  }
0x11e: {  	v51 =	vld [tilespmem:$0x90];
	v34 =	vshll.u32 v29, $0x1;
	v36 =	vand.u32 $0xFFFFC000, v29;
	v37 =	vshrl.u32 v29, $0xD  }
0x11f: {  	v53 =	vld [tilespmem:$0xA0];
	v38 =	vshll.u32 v31, $0x1;
	v40 =	vand.u32 $0xFFFFC000, v31;
	v6 =	vshrl.u32 v31, $0xD  }
0x120: {  	v59 =	vld [tilespmem:$0xB0];
	v43 =	vshll.u32 v35, $0x1;
	v44 =	vand.u32 $0xFFFFC000, v35;
	v7 =	vshrl.u32 v35, $0xD  }
0x121: {  	v63 =	vld [tilespmem:$0xC0];
	v46 =	vshll.u32 v39, $0x1;
	v48 =	vand.u32 $0xFFFFC000, v39;
	v49 =	vshrl.u32 v39, $0xD  }
0x122: {  	v19 =	vld [tilespmem:$0xD0];
	v50 =	vshll.u32 v41, $0x1;
	v52 =	vand.u32 $0xFFFFC000, v41;
	v9 =	vshrl.u32 v41, $0xD  }
0x123: {  	v55 =	vshll.u32 v47, $0x1;
	v56 =	vand.u32 $0xFFFFC000, v47;
	v10 =	vshrl.u32 v47, $0xD  }
0x124: {  	v58 =	vshll.u32 v51, $0x1;
	v60 =	vand.u32 $0xFFFFC000, v51;
	v61 =	vshrl.u32 v51, $0xD  }
0x125: {  	v62 =	vshll.u32 v53, $0x1;
	v16 =	vand.u32 $0xFFFFC000, v53;
	v12 =	vshrl.u32 v53, $0xD  }
0x126: {  	v20 =	vshll.u32 v59, $0x1;
	v21 =	vand.u32 $0xFFFFC000, v59;
	v22 =	vshrl.u32 v59, $0xD  }
0x127: {  	v24 =	vshll.u32 v63, $0x1;
	v26 =	vand.u32 $0xFFFFC000, v63;
	v31 =	vshrl.u32 v19, $0xD  }
0x128: {  	v2 =	vand.u32 $0x3FFE, v25;
	v4 =	vand.u32 $0x3FFE, v28;
	v0 =	vand.u32 $0x1, v0  }
0x129: {  	v1 =	vand.u32 $0x1, v1;
	v3 =	vand.u32 $0x1, v3;
	v5 =	vand.u32 $0x3FFE, v38  }
0x12a: {  	v6 =	vand.u32 $0x1, v6;
	v45 =	vand.u32 $0x1, v7;
	v7 =	vand.u32 $0x3FFE, v46  }
0x12b: {  	v8 =	vand.u32 $0x3FFE, v50;
	v9 =	vand.u32 $0x1, v9;
	v57 =	vand.u32 $0x1, v10  }
0x12c: {  	v10 =	vand.u32 $0x3FFE, v58;
	v11 =	vand.u32 $0x3FFE, v62;
	v17 =	vand.u32 $0x1, v61  }
0x12d: {  	v18 =	vand.u32 $0x1, v12;
	v23 =	vand.u32 $0x1, v22;
	v28 =	vshll.u32 v19, $0x1  }
0x12e: {  	v2 =	vor.u32 v27, v2;
	v4 =	vor.u32 v30, v4;
	v5 =	vor.u32 v40, v5  }
0x12f: {  	v8 =	vor.u32 v52, v8;
	v27 =	vshrl.u32 v63, $0xD;
	v30 =	vand.u32 $0xFFFFC000, v19  }
0x130: {  	v0 =	vor.u32 v0, v2;
	v1 =	vor.u32 v1, v4;
	v2 =	vand.u32 $0x3FFE, v32  }
0x131: {  	v4 =	vand.u32 $0x3FFE, v34;
	v42 =	vor.u32 v6, v5;
	v5 =	vand.u32 $0x3FFE, v43  }
0x132: {  	v6 =	vor.u32 v48, v7;
	v7 =	vand.u32 $0x1, v49;
	v54 =	vor.u32 v9, v8;
	[tilespmem:$0x400] =	vst v0  }
0x133: {  	v29 =	vld [tilespmem:$0xF0];
	v8 =	vand.u32 $0x3FFE, v55;
	v9 =	vor.u32 v60, v10;
	v32 =	vand.u32 $0x1, v31;
	[tilespmem:$0x410] =	vst v1  }
0x134: {  	v2 =	vor.u32 v33, v2;
	v5 =	vor.u32 v44, v5;
	v6 =	vor.u32 v7, v6;
	[tilespmem:$0x440] =	vst v42  }
0x135: {  	v25 =	vld [tilespmem:$0xE0];
	v8 =	vor.u32 v56, v8;
	v0 =	vor.u32 v16, v11;
	v1 =	vor.u32 v17, v9;
	[tilespmem:$0x470] =	vst v54  }
0x136: {  	v2 =	vor.u32 v3, v2;
	v3 =	vor.u32 v36, v4;
	v4 =	vand.u32 $0x1, v37;
	[tilespmem:$0x460] =	vst v6  }
0x137: {  	v5 =	vor.u32 v45, v5;
	v8 =	vor.u32 v57, v8;
	v0 =	vor.u32 v18, v0;
	[tilespmem:$0x490] =	vst v1  }
0x138: {  	v39 =	vshll.u32 v29, $0x1;
	v40 =	vand.u32 $0xFFFFC000, v29;
	v41 =	vshrl.u32 v29, $0xD;
	[tilespmem:$0x420] =	vst v2  }
0x139: {  	v3 =	vor.u32 v4, v3;
	v2 =	vand.u32 $0x3FFE, v20;
	[tilespmem:$0x450] =	vst v5;
	v4 =	vand.u32 $0x3FFE, v24  }
0x13a: {  	v5 =	vand.u32 $0x3FFE, v28;
	[tilespmem:$0x480] =	vst v8;
	v35 =	vshll.u32 v25, $0x1;
	v36 =	vand.u32 $0xFFFFC000, v25  }
0x13b: {  	v37 =	vshrl.u32 v25, $0xD;
	[tilespmem:$0x430] =	vst v3;
	v2 =	vor.u32 v21, v2;
	v3 =	vor.u32 v26, v4  }
0x13c: {  	[tilespmem:$0x4A0] =	vst v0;
	v4 =	vand.u32 $0x1, v27;
	v5 =	vor.u32 v30, v5;
	v2 =	vor.u32 v23, v2  }
0x13d: {  	v38 =	vand.u32 $0x1, v37;
	v33 =	vor.u32 v4, v3;
	v4 =	vand.u32 $0x3FFE, v35;
	[tilespmem:$0x4B0] =	vst v2  }
0x13e: {  	v34 =	vor.u32 v32, v5;
	v0 =	vor.u32 v36, v4;
	[tilespmem:$0x4C0] =	vst v33;
	v4 =	vand.u32 $0x3FFE, v39  }
0x13f: {  	v42 =	vand.u32 $0x1, v41;
	[tilespmem:$0x4D0] =	vst v34;
	v0 =	vor.u32 v38, v0;
	v1 =	vor.u32 v40, v4  }
0x140: {  	[tilespmem:$0x4E0] =	vst v0;
	v43 =	vor.u32 v42, v1  }
0x141: {  	[tilespmem:$0x4F0] =	vst v43  }
0x142: {  	[tilespmem:s11], [sflag:$0x1] =	stream.indirect.gather [hbm4b:s3+s29], $0x40, s10, s29, $0xb8;
	[tilespmem:$0x10800] =	vst v63  }
0x143: {  	_ =	swait.ge [sflag:s24], $0x4000  }
0x144: {  	[sflag:s24] =	ssyncset.done $0x0  }
0x145: {  	s23 =	rddreg [dreg:$0xb];
	[sflag:s24] =	ssyncadd.s32 $0xFFFFC000  }
0x146: {  	[hbm4b:s23+s7] =	stream.strided.scatter [tilespmem:s15], [sflag:$0x8], $0x4000, s8, s7, $0x38;
	[tilespmem:$0x10800] =	vst v63  }
0x147: {  	_ =	swait.ge [sflag:s25], $0x4000  }
0x148: {  	[sflag:s25] =	ssyncset.done $0x0  }
0x149: {  	s31 =	rddreg [dreg:$0x12];
	[sflag:s25] =	ssyncadd.s32 $0xFFFFC000  }
0x14a: {  	[tilespmem:s29], [sflag:$0x9] =	stream.linear.gather [hbm4b:s31+s2], $0x100, $0x38;
	[tilespmem:$0x10800] =	vst v63  }
0x14b: {  	_ =	swait.ge [sflag:s28], $0x100  }
0x14c: {  	[sflag:s28] =	ssyncset.done $0x0  }
0x14d: {  	[sflag:s28] =	ssyncadd.s32 $0xFFFFFF00  }
0x14e: {  	v44 =	vld [tilespmem:$0x100]  }
0x14f: {  	v45 =	vld [tilespmem:$0x110]  }
0x150: {  	v47 =	vld [tilespmem:$0x120]  }
0x151: {  	v50 =	vld [tilespmem:$0x130]  }
0x152: {  	v52 =	vld [tilespmem:$0x140]  }
0x153: {  	v56 =	vld [tilespmem:$0x150]  }
0x154: {  	v60 =	vld [tilespmem:$0x160];
	v46 =	vshll.u32 v44, $0x1;
	v48 =	vand.u32 $0xFFFFC000, v44;
	v0 =	vshrl.u32 v44, $0xD  }
0x155: {  	v62 =	vld [tilespmem:$0x170];
	v49 =	vshll.u32 v45, $0x1;
	v51 =	vand.u32 $0xFFFFC000, v45;
	v1 =	vshrl.u32 v45, $0xD  }
0x156: {  	v19 =	vld [tilespmem:$0x180];
	v53 =	vshll.u32 v47, $0x1;
	v54 =	vand.u32 $0xFFFFC000, v47;
	v3 =	vshrl.u32 v47, $0xD  }
0x157: {  	v23 =	vld [tilespmem:$0x190];
	v55 =	vshll.u32 v50, $0x1;
	v57 =	vand.u32 $0xFFFFC000, v50;
	v58 =	vshrl.u32 v50, $0xD  }
0x158: {  	v25 =	vld [tilespmem:$0x1A0];
	v59 =	vshll.u32 v52, $0x1;
	v61 =	vand.u32 $0xFFFFC000, v52;
	v6 =	vshrl.u32 v52, $0xD  }
0x159: {  	v31 =	vld [tilespmem:$0x1B0];
	v15 =	vshll.u32 v56, $0x1;
	v16 =	vand.u32 $0xFFFFC000, v56;
	v7 =	vshrl.u32 v56, $0xD  }
0x15a: {  	v35 =	vld [tilespmem:$0x1C0];
	v18 =	vshll.u32 v60, $0x1;
	v20 =	vand.u32 $0xFFFFC000, v60;
	v21 =	vshrl.u32 v60, $0xD  }
0x15b: {  	v39 =	vld [tilespmem:$0x1D0];
	v22 =	vshll.u32 v62, $0x1;
	v24 =	vand.u32 $0xFFFFC000, v62;
	v9 =	vshrl.u32 v62, $0xD  }
0x15c: {  	v27 =	vshll.u32 v19, $0x1;
	v28 =	vand.u32 $0xFFFFC000, v19;
	v10 =	vshrl.u32 v19, $0xD  }
0x15d: {  	v30 =	vshll.u32 v23, $0x1;
	v32 =	vand.u32 $0xFFFFC000, v23;
	v33 =	vshrl.u32 v23, $0xD  }
0x15e: {  	v34 =	vshll.u32 v25, $0x1;
	v36 =	vand.u32 $0xFFFFC000, v25;
	v12 =	vshrl.u32 v25, $0xD  }
0x15f: {  	v40 =	vshll.u32 v31, $0x1;
	v41 =	vand.u32 $0xFFFFC000, v31;
	v42 =	vshrl.u32 v31, $0xD  }
0x160: {  	v44 =	vshll.u32 v35, $0x1;
	v47 =	vshrl.u32 v35, $0xD;
	v50 =	vand.u32 $0xFFFFC000, v39  }
0x161: {  	v2 =	vand.u32 $0x3FFE, v46;
	v4 =	vand.u32 $0x3FFE, v49;
	v0 =	vand.u32 $0x1, v0  }
0x162: {  	v1 =	vand.u32 $0x1, v1;
	v3 =	vand.u32 $0x1, v3;
	v5 =	vand.u32 $0x3FFE, v59  }
0x163: {  	v6 =	vand.u32 $0x1, v6;
	v17 =	vand.u32 $0x1, v7;
	v7 =	vand.u32 $0x3FFE, v18  }
0x164: {  	v8 =	vand.u32 $0x3FFE, v22;
	v9 =	vand.u32 $0x1, v9;
	v29 =	vand.u32 $0x1, v10  }
0x165: {  	v10 =	vand.u32 $0x3FFE, v30;
	v11 =	vand.u32 $0x3FFE, v34;
	v37 =	vand.u32 $0x1, v33  }
0x166: {  	v38 =	vand.u32 $0x1, v12;
	v43 =	vand.u32 $0x1, v42;
	v46 =	vand.u32 $0xFFFFC000, v35  }
0x167: {  	v2 =	vor.u32 v48, v2;
	v4 =	vor.u32 v51, v4;
	v5 =	vor.u32 v61, v5  }
0x168: {  	v8 =	vor.u32 v24, v8;
	v48 =	vshll.u32 v39, $0x1;
	v51 =	vshrl.u32 v39, $0xD  }
0x169: {  	v0 =	vor.u32 v0, v2;
	v1 =	vor.u32 v1, v4;
	v2 =	vand.u32 $0x3FFE, v53  }
0x16a: {  	v4 =	vand.u32 $0x3FFE, v55;
	v63 =	vor.u32 v6, v5;
	v5 =	vand.u32 $0x3FFE, v15  }
0x16b: {  	v6 =	vor.u32 v20, v7;
	v7 =	vand.u32 $0x1, v21;
	v26 =	vor.u32 v9, v8;
	[tilespmem:$0x500] =	vst v0  }
0x16c: {  	v45 =	vld [tilespmem:$0x1E0];
	v8 =	vand.u32 $0x3FFE, v27;
	v9 =	vor.u32 v32, v10;
	v52 =	vand.u32 $0x1, v51;
	[tilespmem:$0x510] =	vst v1  }
0x16d: {  	v2 =	vor.u32 v54, v2;
	v5 =	vor.u32 v16, v5;
	v6 =	vor.u32 v7, v6;
	[tilespmem:$0x540] =	vst v63  }
0x16e: {  	v49 =	vld [tilespmem:$0x1F0];
	v8 =	vor.u32 v28, v8;
	v0 =	vor.u32 v36, v11;
	v1 =	vor.u32 v37, v9;
	[tilespmem:$0x570] =	vst v26  }
0x16f: {  	v2 =	vor.u32 v3, v2;
	v3 =	vor.u32 v57, v4;
	v4 =	vand.u32 $0x1, v58;
	[tilespmem:$0x560] =	vst v6  }
0x170: {  	v5 =	vor.u32 v17, v5;
	v8 =	vor.u32 v29, v8;
	v0 =	vor.u32 v38, v0;
	[tilespmem:$0x590] =	vst v1  }
0x171: {  	v55 =	vshll.u32 v45, $0x1;
	v56 =	vand.u32 $0xFFFFC000, v45;
	v57 =	vshrl.u32 v45, $0xD;
	[tilespmem:$0x520] =	vst v2  }
0x172: {  	v3 =	vor.u32 v4, v3;
	v2 =	vand.u32 $0x3FFE, v40;
	[tilespmem:$0x550] =	vst v5;
	v4 =	vand.u32 $0x3FFE, v44  }
0x173: {  	v5 =	vand.u32 $0x3FFE, v48;
	[tilespmem:$0x580] =	vst v8;
	v58 =	vand.u32 $0x1, v57;
	v59 =	vshll.u32 v49, $0x1  }
0x174: {  	[tilespmem:$0x5A0] =	vst v0;
	v60 =	vand.u32 $0xFFFFC000, v49;
	v61 =	vshrl.u32 v49, $0xD;
	v2 =	vor.u32 v41, v2  }
0x175: {  	[tilespmem:$0x530] =	vst v3;
	v3 =	vor.u32 v46, v4;
	v4 =	vand.u32 $0x1, v47;
	v2 =	vor.u32 v43, v2  }
0x176: {  	v5 =	vor.u32 v50, v5;
	v53 =	vor.u32 v4, v3;
	v4 =	vand.u32 $0x3FFE, v55;
	[tilespmem:$0x5B0] =	vst v2  }
0x177: {  	v54 =	vor.u32 v52, v5;
	v0 =	vor.u32 v56, v4;
	[tilespmem:$0x5C0] =	vst v53;
	v4 =	vand.u32 $0x3FFE, v59  }
0x178: {  	s17 =	rddreg [dreg:$0x11];
	v62 =	vand.u32 $0x1, v61;
	[tilespmem:$0x5D0] =	vst v54;
	v0 =	vor.u32 v58, v0;
	v1 =	vor.u32 v60, v4  }
0x179: {  	s1 =	rddreg [dreg:$0x10];
	[tilespmem:$0x5E0] =	vst v0;
	v63 =	vor.u32 v62, v1  }
0x17a: {  	s11 =	rddreg [dreg:$0xf];
	[tilespmem:$0x5F0] =	vst v63  }
0x17b: {  	[tilespmem:s0], [sflag:$0x2] =	stream.indirect.gather [hbm4b:s3+s29], $0x40, s14, s29, $0xb8;
	[tilespmem:$0x10800] =	vst v63  }
0x17c: {  	s4 =	simm.s32 $0x500;
	s10 =	simm.s32 $0x0;
	s14 =	rddreg [dreg:$0xc]  }
.LBB2_2:
0x17d: {  	s22 =	sadd.s32 $0x10000, s14;
	s31 =	sshrl.u32 s1, $0x4  }
0x17e: {  	s23 =	sand.u32 $0x7FFE0000, s22;
	s31 =	sand.u32 $0x40, s31  }
0x17f: {  	_ =	swait.ge [sflag:s6], $0x4000;
	s23 =	sor.u32 s31, s23  }
0x180: {  	[sflag:s6] =	ssyncset.done $0x0;
	s31 =	sshrl.u32 s23, $0x3  }
0x181: {  	[sflag:s6] =	ssyncadd.s32 $0xFFFFC000;
	s23 =	sadd.s32 s9, s31  }
0x182: {  	[hbm4b:s23+s7] =	stream.strided.scatter [tilespmem:s18], [sflag:$0x5], $0x4000, s8, s7, $0x38;
	[tilespmem:$0x10800] =	vst v63  }
0x183: {  	_ =	swait.ge [sflag:s5], $0x4000  }
0x184: {  	[sflag:s5] =	ssyncset.done $0x0;
	s16 =	rddreg [dreg:$0x14]  }
0x185: {  	[sflag:s5] =	ssyncadd.s32 $0xFFFFC000;
	s23 =	sadd.s32 s10, s16;
	s16 =	simm.s32 $0x200  }
0x186: {  	[tilespmem:s16], [sflag:$0x9] =	stream.linear.gather [hbm4b:s23+s2], $0x100, $0x38;
	[tilespmem:$0x10800] =	vst v63  }
0x187: {  	_ =	swait.ge [sflag:s28], $0x100  }
0x188: {  	[sflag:s28] =	ssyncset.done $0x0  }
0x189: {  	[sflag:s28] =	ssyncadd.s32 $0xFFFFFF00  }
0x18a: {  	v0 =	vld [tilespmem:$0x200]  }
0x18b: {  	v1 =	vld [tilespmem:$0x210]  }
0x18c: {  	v3 =	vld [tilespmem:$0x220]  }
0x18d: {  	v5 =	vld [tilespmem:$0x230]  }
0x18e: {  	v39 =	vld [tilespmem:$0x240]  }
0x18f: {  	v7 =	vld [tilespmem:$0x250]  }
0x190: {  	v8 =	vld [tilespmem:$0x260];
	v2 =	vshll.u32 v0, $0x1;
	v4 =	vand.u32 $0xFFFFC000, v0;
	v0 =	vshrl.u32 v0, $0xD  }
0x191: {  	v46 =	vld [tilespmem:$0x270];
	v38 =	vshll.u32 v1, $0x1;
	v6 =	vand.u32 $0xFFFFC000, v1;
	v1 =	vshrl.u32 v1, $0xD  }
0x192: {  	v10 =	vld [tilespmem:$0x280];
	v40 =	vshll.u32 v3, $0x1;
	v41 =	vand.u32 $0xFFFFC000, v3;
	v3 =	vshrl.u32 v3, $0xD  }
0x193: {  	v11 =	vld [tilespmem:$0x290];
	v42 =	vshll.u32 v5, $0x1;
	v43 =	vand.u32 $0xFFFFC000, v5;
	v44 =	vshrl.u32 v5, $0xD  }
0x194: {  	v55 =	vld [tilespmem:$0x2A0];
	v45 =	vshll.u32 v39, $0x1;
	v9 =	vand.u32 $0xFFFFC000, v39;
	v48 =	vshll.u32 v7, $0x1  }
0x195: {  	v13 =	vld [tilespmem:$0x2B0];
	v49 =	vand.u32 $0xFFFFC000, v7;
	v7 =	vshrl.u32 v7, $0xD;
	v51 =	vshll.u32 v8, $0x1  }
0x196: {  	v14 =	vld [tilespmem:$0x2C0];
	v52 =	vand.u32 $0xFFFFC000, v8;
	v53 =	vshrl.u32 v8, $0xD;
	v54 =	vshll.u32 v46, $0x1  }
0x197: {  	v19 =	vld [tilespmem:$0x2D0];
	v12 =	vand.u32 $0xFFFFC000, v46;
	v57 =	vshll.u32 v10, $0x1;
	v58 =	vand.u32 $0xFFFFC000, v10  }
0x198: {  	v25 =	vld [tilespmem:$0x2E0];
	v10 =	vshrl.u32 v10, $0xD;
	v60 =	vshll.u32 v11, $0x1;
	v61 =	vand.u32 $0xFFFFC000, v11  }
0x199: {  	v62 =	vshrl.u32 v11, $0xD;
	v63 =	vshll.u32 v55, $0x1;
	v16 =	vand.u32 $0xFFFFC000, v55  }
0x19a: {  	v20 =	vshll.u32 v13, $0x1;
	v21 =	vand.u32 $0xFFFFC000, v13;
	v22 =	vshrl.u32 v13, $0xD  }
0x19b: {  	v24 =	vshll.u32 v14, $0x1;
	v26 =	vand.u32 $0xFFFFC000, v14;
	v27 =	vshrl.u32 v14, $0xD  }
0x19c: {  	v28 =	vshll.u32 v19, $0x1;
	v30 =	vand.u32 $0xFFFFC000, v19;
	v31 =	vshrl.u32 v19, $0xD  }
0x19d: {  	v35 =	vshll.u32 v25, $0x1;
	v36 =	vand.u32 $0xFFFFC000, v25;
	v37 =	vshrl.u32 v25, $0xD  }
0x19e: {  	v2 =	vand.u32 $0x3FFE, v2;
	v0 =	vand.u32 $0x1, v0;
	v1 =	vand.u32 $0x1, v1  }
0x19f: {  	v3 =	vand.u32 $0x1, v3;
	v5 =	vand.u32 $0x3FFE, v45;
	v50 =	vand.u32 $0x1, v7  }
0x1a0: {  	v7 =	vand.u32 $0x3FFE, v51;
	v8 =	vand.u32 $0x3FFE, v54;
	v59 =	vand.u32 $0x1, v10  }
0x1a1: {  	v10 =	vand.u32 $0x3FFE, v60;
	v11 =	vand.u32 $0x3FFE, v63;
	v17 =	vand.u32 $0x1, v62  }
0x1a2: {  	v29 =	vld [tilespmem:$0x2F0];
	v23 =	vand.u32 $0x1, v22;
	v32 =	vand.u32 $0x1, v31;
	v2 =	vor.u32 v4, v2  }
0x1a3: {  	v4 =	vand.u32 $0x3FFE, v38;
	v5 =	vor.u32 v9, v5;
	v9 =	vshrl.u32 v46, $0xD  }
0x1a4: {  	v8 =	vor.u32 v12, v8;
	v12 =	vshrl.u32 v55, $0xD;
	v38 =	vand.u32 $0x1, v37  }
0x1a5: {  	v4 =	vor.u32 v6, v4;
	v0 =	vor.u32 v0, v2;
	v2 =	vand.u32 $0x3FFE, v40  }
0x1a6: {  	v6 =	vshrl.u32 v39, $0xD;
	v9 =	vand.u32 $0x1, v9;
	v18 =	vand.u32 $0x1, v12  }
0x1a7: {  	v39 =	vshll.u32 v29, $0x1;
	v40 =	vand.u32 $0xFFFFC000, v29;
	v1 =	vor.u32 v1, v4;
	[tilespmem:$0x600] =	vst v0  }
0x1a8: {  	v2 =	vor.u32 v41, v2;
	v4 =	vand.u32 $0x3FFE, v42;
	v56 =	vor.u32 v9, v8;
	[tilespmem:$0x610] =	vst v1  }
0x1a9: {  	v6 =	vand.u32 $0x1, v6;
	v8 =	vand.u32 $0x3FFE, v57;
	v2 =	vor.u32 v3, v2;
	[tilespmem:$0x670] =	vst v56  }
0x1aa: {  	v9 =	vor.u32 v61, v10;
	v0 =	vor.u32 v16, v11;
	v47 =	vor.u32 v6, v5;
	[tilespmem:$0x620] =	vst v2  }
0x1ab: {  	v41 =	vshrl.u32 v29, $0xD;
	v3 =	vor.u32 v43, v4;
	v1 =	vor.u32 v17, v9;
	[tilespmem:$0x640] =	vst v47  }
0x1ac: {  	v4 =	vand.u32 $0x1, v44;
	v5 =	vand.u32 $0x3FFE, v48;
	v0 =	vor.u32 v18, v0;
	[tilespmem:$0x690] =	vst v1  }
0x1ad: {  	v6 =	vor.u32 v52, v7;
	v7 =	vand.u32 $0x1, v53;
	v3 =	vor.u32 v4, v3;
	[tilespmem:$0x6A0] =	vst v0  }
0x1ae: {  	v8 =	vor.u32 v58, v8;
	v5 =	vor.u32 v49, v5;
	v6 =	vor.u32 v7, v6;
	[tilespmem:$0x630] =	vst v3  }
0x1af: {  	v8 =	vor.u32 v59, v8;
	v2 =	vand.u32 $0x3FFE, v20;
	v4 =	vand.u32 $0x3FFE, v24;
	[tilespmem:$0x660] =	vst v6  }
0x1b0: {  	v5 =	vor.u32 v50, v5;
	v2 =	vor.u32 v21, v2;
	v3 =	vor.u32 v26, v4;
	[tilespmem:$0x680] =	vst v8  }
0x1b1: {  	v4 =	vand.u32 $0x1, v27;
	[tilespmem:$0x650] =	vst v5;
	v2 =	vor.u32 v23, v2;
	v5 =	vand.u32 $0x3FFE, v28  }
0x1b2: {  	v33 =	vor.u32 v4, v3;
	v4 =	vand.u32 $0x3FFE, v35;
	v5 =	vor.u32 v30, v5;
	[tilespmem:$0x6B0] =	vst v2  }
0x1b3: {  	v0 =	vor.u32 v36, v4;
	[tilespmem:$0x6C0] =	vst v33;
	v4 =	vand.u32 $0x3FFE, v39;
	v34 =	vor.u32 v32, v5  }
0x1b4: {  	v42 =	vand.u32 $0x1, v41;
	v0 =	vor.u32 v38, v0;
	v1 =	vor.u32 v40, v4;
	[tilespmem:$0x6D0] =	vst v34  }
0x1b5: {  	[tilespmem:$0x6E0] =	vst v0;
	v43 =	vor.u32 v42, v1  }
0x1b6: {  	s23 =	simm.s32 $0x600;
	[tilespmem:$0x6F0] =	vst v43  }
0x1b7: {  	[tilespmem:s12], [sflag:$0x3] =	stream.indirect.gather [hbm4b:s3+s29], $0x40, s23, s29, $0xb8;
	[tilespmem:$0x10800] =	vst v63  }
0x1b8: {  	_ =	swait.ge [sflag:s13], $0x4000  }
0x1b9: {  	[sflag:s13] =	ssyncset.done $0x0;
	s23 =	rddreg [dreg:$0x15]  }
0x1ba: {  	[sflag:s13] =	ssyncadd.s32 $0xFFFFC000;
	s31 =	sadd.s32 s31, s23  }
0x1bb: {  	[hbm4b:s31+s7] =	stream.strided.scatter [tilespmem:s0], [sflag:$0x6], $0x4000, s8, s7, $0x38;
	[tilespmem:$0x10800] =	vst v63  }
0x1bc: {  	_ =	swait.ge [sflag:s30], $0x4000  }
0x1bd: {  	[sflag:s30] =	ssyncset.done $0x0  }
0x1be: {  	s16 =	sadd.s32 s10, s19;
	s31 =	simm.s32 $0x300;
	[sflag:s30] =	ssyncadd.s32 $0xFFFFC000  }
0x1bf: {  	[tilespmem:s31], [sflag:$0x9] =	stream.linear.gather [hbm4b:s16+s2], $0x100, $0x38;
	[tilespmem:$0x10800] =	vst v63  }
0x1c0: {  	_ =	swait.ge [sflag:s28], $0x100  }
0x1c1: {  	[sflag:s28] =	ssyncset.done $0x0  }
0x1c2: {  	[sflag:s28] =	ssyncadd.s32 $0xFFFFFF00  }
0x1c3: {  	v44 =	vld [tilespmem:$0x300]  }
0x1c4: {  	v45 =	vld [tilespmem:$0x310]  }
0x1c5: {  	v47 =	vld [tilespmem:$0x320]  }
0x1c6: {  	v50 =	vld [tilespmem:$0x330]  }
0x1c7: {  	v52 =	vld [tilespmem:$0x340]  }
0x1c8: {  	v56 =	vld [tilespmem:$0x350]  }
0x1c9: {  	v60 =	vld [tilespmem:$0x360];
	v46 =	vshll.u32 v44, $0x1;
	v48 =	vand.u32 $0xFFFFC000, v44;
	v0 =	vshrl.u32 v44, $0xD  }
0x1ca: {  	v62 =	vld [tilespmem:$0x370];
	v49 =	vshll.u32 v45, $0x1;
	v51 =	vand.u32 $0xFFFFC000, v45;
	v1 =	vshrl.u32 v45, $0xD  }
0x1cb: {  	v19 =	vld [tilespmem:$0x380];
	v53 =	vshll.u32 v47, $0x1;
	v54 =	vand.u32 $0xFFFFC000, v47;
	v3 =	vshrl.u32 v47, $0xD  }
0x1cc: {  	v23 =	vld [tilespmem:$0x390];
	v55 =	vshll.u32 v50, $0x1;
	v57 =	vand.u32 $0xFFFFC000, v50;
	v58 =	vshrl.u32 v50, $0xD  }
0x1cd: {  	v25 =	vld [tilespmem:$0x3A0];
	v59 =	vshll.u32 v52, $0x1;
	v61 =	vand.u32 $0xFFFFC000, v52;
	v6 =	vshrl.u32 v52, $0xD  }
0x1ce: {  	v31 =	vld [tilespmem:$0x3B0];
	v15 =	vshll.u32 v56, $0x1;
	v16 =	vand.u32 $0xFFFFC000, v56;
	v7 =	vshrl.u32 v56, $0xD  }
0x1cf: {  	v35 =	vld [tilespmem:$0x3C0];
	v18 =	vshll.u32 v60, $0x1;
	v20 =	vand.u32 $0xFFFFC000, v60;
	v21 =	vshrl.u32 v60, $0xD  }
0x1d0: {  	v39 =	vld [tilespmem:$0x3D0];
	v22 =	vshll.u32 v62, $0x1;
	v24 =	vand.u32 $0xFFFFC000, v62;
	v9 =	vshrl.u32 v62, $0xD  }
0x1d1: {  	v27 =	vshll.u32 v19, $0x1;
	v28 =	vand.u32 $0xFFFFC000, v19;
	v10 =	vshrl.u32 v19, $0xD  }
0x1d2: {  	v30 =	vshll.u32 v23, $0x1;
	v32 =	vand.u32 $0xFFFFC000, v23;
	v33 =	vshrl.u32 v23, $0xD  }
0x1d3: {  	v34 =	vshll.u32 v25, $0x1;
	v36 =	vand.u32 $0xFFFFC000, v25;
	v12 =	vshrl.u32 v25, $0xD  }
0x1d4: {  	v40 =	vshll.u32 v31, $0x1;
	v41 =	vand.u32 $0xFFFFC000, v31;
	v42 =	vshrl.u32 v31, $0xD  }
0x1d5: {  	v44 =	vshll.u32 v35, $0x1;
	v47 =	vshrl.u32 v35, $0xD;
	v50 =	vand.u32 $0xFFFFC000, v39  }
0x1d6: {  	v2 =	vand.u32 $0x3FFE, v46;
	v4 =	vand.u32 $0x3FFE, v49;
	v0 =	vand.u32 $0x1, v0  }
0x1d7: {  	v1 =	vand.u32 $0x1, v1;
	v3 =	vand.u32 $0x1, v3;
	v5 =	vand.u32 $0x3FFE, v59  }
0x1d8: {  	v6 =	vand.u32 $0x1, v6;
	v17 =	vand.u32 $0x1, v7;
	v7 =	vand.u32 $0x3FFE, v18  }
0x1d9: {  	v8 =	vand.u32 $0x3FFE, v22;
	v9 =	vand.u32 $0x1, v9;
	v29 =	vand.u32 $0x1, v10  }
0x1da: {  	v10 =	vand.u32 $0x3FFE, v30;
	v11 =	vand.u32 $0x3FFE, v34;
	v37 =	vand.u32 $0x1, v33  }
0x1db: {  	v38 =	vand.u32 $0x1, v12;
	v43 =	vand.u32 $0x1, v42;
	v46 =	vand.u32 $0xFFFFC000, v35  }
0x1dc: {  	v2 =	vor.u32 v48, v2;
	v4 =	vor.u32 v51, v4;
	v5 =	vor.u32 v61, v5  }
0x1dd: {  	v8 =	vor.u32 v24, v8;
	v48 =	vshll.u32 v39, $0x1;
	v51 =	vshrl.u32 v39, $0xD  }
0x1de: {  	v0 =	vor.u32 v0, v2;
	v1 =	vor.u32 v1, v4;
	v2 =	vand.u32 $0x3FFE, v53  }
0x1df: {  	v4 =	vand.u32 $0x3FFE, v55;
	v63 =	vor.u32 v6, v5;
	v5 =	vand.u32 $0x3FFE, v15  }
0x1e0: {  	v6 =	vor.u32 v20, v7;
	v7 =	vand.u32 $0x1, v21;
	v26 =	vor.u32 v9, v8;
	[tilespmem:$0x700] =	vst v0  }
0x1e1: {  	v45 =	vld [tilespmem:$0x3E0];
	v8 =	vand.u32 $0x3FFE, v27;
	v9 =	vor.u32 v32, v10;
	v52 =	vand.u32 $0x1, v51;
	[tilespmem:$0x710] =	vst v1  }
0x1e2: {  	v2 =	vor.u32 v54, v2;
	v5 =	vor.u32 v16, v5;
	v6 =	vor.u32 v7, v6;
	[tilespmem:$0x740] =	vst v63  }
0x1e3: {  	v49 =	vld [tilespmem:$0x3F0];
	v8 =	vor.u32 v28, v8;
	v0 =	vor.u32 v36, v11;
	v1 =	vor.u32 v37, v9;
	[tilespmem:$0x770] =	vst v26  }
0x1e4: {  	v2 =	vor.u32 v3, v2;
	v3 =	vor.u32 v57, v4;
	v4 =	vand.u32 $0x1, v58;
	[tilespmem:$0x760] =	vst v6  }
0x1e5: {  	v5 =	vor.u32 v17, v5;
	v8 =	vor.u32 v29, v8;
	v0 =	vor.u32 v38, v0;
	[tilespmem:$0x790] =	vst v1  }
0x1e6: {  	v55 =	vshll.u32 v45, $0x1;
	v56 =	vand.u32 $0xFFFFC000, v45;
	v57 =	vshrl.u32 v45, $0xD;
	[tilespmem:$0x720] =	vst v2  }
0x1e7: {  	v3 =	vor.u32 v4, v3;
	v2 =	vand.u32 $0x3FFE, v40;
	[tilespmem:$0x750] =	vst v5;
	v4 =	vand.u32 $0x3FFE, v44  }
0x1e8: {  	v5 =	vand.u32 $0x3FFE, v48;
	[tilespmem:$0x780] =	vst v8;
	v58 =	vand.u32 $0x1, v57;
	v59 =	vshll.u32 v49, $0x1  }
0x1e9: {  	[tilespmem:$0x7A0] =	vst v0;
	v60 =	vand.u32 $0xFFFFC000, v49;
	v61 =	vshrl.u32 v49, $0xD;
	v2 =	vor.u32 v41, v2  }
0x1ea: {  	[tilespmem:$0x730] =	vst v3;
	v3 =	vor.u32 v46, v4;
	v4 =	vand.u32 $0x1, v47;
	v2 =	vor.u32 v43, v2  }
0x1eb: {  	v5 =	vor.u32 v50, v5;
	v53 =	vor.u32 v4, v3;
	v4 =	vand.u32 $0x3FFE, v55;
	[tilespmem:$0x7B0] =	vst v2  }
0x1ec: {  	v54 =	vor.u32 v52, v5;
	v0 =	vor.u32 v56, v4;
	[tilespmem:$0x7C0] =	vst v53;
	v4 =	vand.u32 $0x3FFE, v59  }
0x1ed: {  	v62 =	vand.u32 $0x1, v61;
	[tilespmem:$0x7D0] =	vst v54;
	v0 =	vor.u32 v58, v0;
	v1 =	vor.u32 v60, v4  }
0x1ee: {  	[tilespmem:$0x7E0] =	vst v0;
	v63 =	vor.u32 v62, v1  }
0x1ef: {  	p0 =	seq.s32 s10, $0xB80;
	s23 =	simm.s32 $0x700;
	s31 =	sadd.s32 $0x18000, s14;
	[tilespmem:$0x7F0] =	vst v63  }
0x1f0: {  	[tilespmem:s15], [sflag:$0x4] =	stream.indirect.gather [hbm4b:s3+s29], $0x40, s23, s29, $0xb8;
	[tilespmem:$0x10800] =	vst v63  }
.Ltmp2:
0x1f1: {  	s16 =	sand.u32 $0x40, s11;
	s23 =	sand.u32 $0x7FFE0000, s31;
	(pc) =	sbr.rel @p0 .LBB2_4-.Ltmp2, $4  }
0x1f2: {  	s23 =	sor.u32 s16, s23;
	_ =	swait.ge [sflag:s26], $0x4000  }
0x1f3: {  	[sflag:s26] =	ssyncset.done $0x0;
	s23 =	sshrl.u32 s23, $0x3  }
0x1f4: {  	[sflag:s26] =	ssyncadd.s32 $0xFFFFC000;
	s23 =	sadd.s32 s23, s20  }
0x1f5: {  	[hbm4b:s23+s7] =	stream.strided.scatter [tilespmem:s12], [sflag:$0x7], $0x4000, s8, s7, $0x38;
	[tilespmem:$0x10800] =	vst v63  }
0x1f6: {  	s16 =	simm.s32 $0x5  }
0x1f7: {  	_ =	swait.ge [sflag:s16], $0x4000  }
0x1f8: {  	[sflag:s16] =	ssyncset.done $0x0;
	s23 =	rddreg [dreg:$0xd]  }
0x1f9: {  	[sflag:s16] =	ssyncadd.s32 $0xFFFFC000;
	s23 =	sadd.s32 s10, s23  }
0x1fa: {  	[tilespmem:s2], [sflag:$0x9] =	stream.linear.gather [hbm4b:s23+s2], $0x100, $0x38;
	[tilespmem:$0x10800] =	vst v63  }
0x1fb: {  	_ =	swait.ge [sflag:s28], $0x100  }
0x1fc: {  	[sflag:s28] =	ssyncset.done $0x0  }
0x1fd: {  	[sflag:s28] =	ssyncadd.s32 $0xFFFFFF00  }
0x1fe: {  	v0 =	vld [tilespmem:$0x0]  }
0x1ff: {  	v1 =	vld [tilespmem:$0x10]  }
0x200: {  	v3 =	vld [tilespmem:$0x20]  }
0x201: {  	v5 =	vld [tilespmem:$0x30]  }
0x202: {  	v63 =	vld [tilespmem:$0x40]  }
0x203: {  	v7 =	vld [tilespmem:$0x50]  }
0x204: {  	v8 =	vld [tilespmem:$0x60]  }
0x205: {  	v18 =	vld [tilespmem:$0x70];
	v2 =	vshll.u32 v0, $0x1;
	v4 =	vand.u32 $0xFFFFC000, v0;
	v0 =	vshrl.u32 v0, $0xD  }
0x206: {  	v10 =	vld [tilespmem:$0x80];
	v62 =	vshll.u32 v1, $0x1;
	v6 =	vand.u32 $0xFFFFC000, v1;
	v1 =	vshrl.u32 v1, $0xD  }
0x207: {  	v11 =	vld [tilespmem:$0x90];
	v12 =	vshll.u32 v3, $0x1;
	v13 =	vand.u32 $0xFFFFC000, v3;
	v3 =	vshrl.u32 v3, $0xD  }
0x208: {  	v27 =	vld [tilespmem:$0xA0];
	v14 =	vshll.u32 v5, $0x1;
	v15 =	vand.u32 $0xFFFFC000, v5;
	v16 =	vshrl.u32 v5, $0xD  }
0x209: {  	v39 =	vld [tilespmem:$0xD0];
	v17 =	vshll.u32 v63, $0x1;
	v9 =	vand.u32 $0xFFFFC000, v63;
	v20 =	vshll.u32 v7, $0x1  }
0x20a: {  	v45 =	vld [tilespmem:$0xE0];
	v21 =	vand.u32 $0xFFFFC000, v7;
	v7 =	vshrl.u32 v7, $0xD;
	v23 =	vshll.u32 v8, $0x1  }
0x20b: {  	v49 =	vld [tilespmem:$0xF0];
	v24 =	vand.u32 $0xFFFFC000, v8;
	v25 =	vshrl.u32 v8, $0xD;
	v26 =	vshll.u32 v18, $0x1  }
0x20c: {  	v29 =	vshll.u32 v10, $0x1;
	v30 =	vand.u32 $0xFFFFC000, v10;
	v10 =	vshrl.u32 v10, $0xD  }
0x20d: {  	v32 =	vshll.u32 v11, $0x1;
	v33 =	vand.u32 $0xFFFFC000, v11;
	v34 =	vshrl.u32 v11, $0xD  }
0x20e: {  	v35 =	vshll.u32 v27, $0x1;
	v36 =	vand.u32 $0xFFFFC000, v27;
	v48 =	vshll.u32 v39, $0x1  }
0x20f: {  	v50 =	vand.u32 $0xFFFFC000, v39;
	v51 =	vshrl.u32 v39, $0xD;
	v55 =	vshll.u32 v45, $0x1  }
0x210: {  	v56 =	vand.u32 $0xFFFFC000, v45;
	v57 =	vshrl.u32 v45, $0xD;
	v59 =	vshll.u32 v49, $0x1  }
0x211: {  	v60 =	vand.u32 $0xFFFFC000, v49;
	v61 =	vshrl.u32 v49, $0xD;
	v2 =	vand.u32 $0x3FFE, v2  }
0x212: {  	v0 =	vand.u32 $0x1, v0;
	v1 =	vand.u32 $0x1, v1;
	v3 =	vand.u32 $0x1, v3  }
0x213: {  	v5 =	vand.u32 $0x3FFE, v17;
	v22 =	vand.u32 $0x1, v7;
	v7 =	vand.u32 $0x3FFE, v23  }
0x214: {  	v8 =	vand.u32 $0x3FFE, v26;
	v31 =	vand.u32 $0x1, v10;
	v10 =	vand.u32 $0x3FFE, v32  }
0x215: {  	v11 =	vand.u32 $0x3FFE, v35;
	v37 =	vand.u32 $0x1, v34;
	v52 =	vand.u32 $0x1, v51  }
0x216: {  	v2 =	vor.u32 v4, v2;
	v4 =	vand.u32 $0x3FFE, v62;
	v5 =	vor.u32 v9, v5  }
0x217: {  	v9 =	vshrl.u32 v18, $0xD;
	v4 =	vor.u32 v6, v4;
	v0 =	vor.u32 v0, v2  }
0x218: {  	v2 =	vand.u32 $0x3FFE, v12;
	v6 =	vshrl.u32 v63, $0xD;
	v12 =	vand.u32 $0xFFFFC000, v18  }
0x219: {  	v9 =	vand.u32 $0x1, v9;
	v1 =	vor.u32 v1, v4;
	v2 =	vor.u32 v13, v2  }
0x21a: {  	v4 =	vand.u32 $0x3FFE, v14;
	v6 =	vand.u32 $0x1, v6;
	v8 =	vor.u32 v12, v8  }
0x21b: {  	[tilespmem:$0x400] =	vst v0;
	v12 =	vshrl.u32 v27, $0xD;
	v0 =	vor.u32 v36, v11;
	v2 =	vor.u32 v3, v2  }
0x21c: {  	v3 =	vor.u32 v15, v4;
	v4 =	vand.u32 $0x1, v16;
	v19 =	vor.u32 v6, v5  }
0x21d: {  	v13 =	vld [tilespmem:$0xB0];
	v5 =	vand.u32 $0x3FFE, v20;
	v6 =	vor.u32 v24, v7;
	v7 =	vand.u32 $0x1, v25;
	[tilespmem:$0x410] =	vst v1  }
0x21e: {  	v14 =	vld [tilespmem:$0xC0];
	v28 =	vor.u32 v9, v8;
	v8 =	vand.u32 $0x3FFE, v29;
	v9 =	vor.u32 v33, v10;
	[tilespmem:$0x420] =	vst v2  }
0x21f: {  	v38 =	vand.u32 $0x1, v12;
	v3 =	vor.u32 v4, v3;
	v5 =	vor.u32 v21, v5;
	[tilespmem:$0x440] =	vst v19  }
0x220: {  	v6 =	vor.u32 v7, v6;
	v8 =	vor.u32 v30, v8;
	v1 =	vor.u32 v37, v9;
	[tilespmem:$0x470] =	vst v28  }
0x221: {  	v0 =	vor.u32 v38, v0;
	v5 =	vor.u32 v22, v5;
	v8 =	vor.u32 v31, v8;
	[tilespmem:$0x430] =	vst v3  }
0x222: {  	[tilespmem:$0x450] =	vst v5;
	v5 =	vand.u32 $0x3FFE, v48;
	v40 =	vshll.u32 v13, $0x1;
	v41 =	vand.u32 $0xFFFFC000, v13  }
0x223: {  	[tilespmem:$0x460] =	vst v6;
	v42 =	vshrl.u32 v13, $0xD;
	v44 =	vshll.u32 v14, $0x1;
	v46 =	vand.u32 $0xFFFFC000, v14  }
0x224: {  	[tilespmem:$0x490] =	vst v1;
	v47 =	vshrl.u32 v14, $0xD;
	v5 =	vor.u32 v50, v5;
	v2 =	vand.u32 $0x3FFE, v40  }
0x225: {  	[tilespmem:$0x4A0] =	vst v0;
	v43 =	vand.u32 $0x1, v42;
	v4 =	vand.u32 $0x3FFE, v44;
	v54 =	vor.u32 v52, v5  }
0x226: {  	[tilespmem:$0x480] =	vst v8;
	v2 =	vor.u32 v41, v2;
	v3 =	vor.u32 v46, v4;
	v4 =	vand.u32 $0x1, v47  }
0x227: {  	[tilespmem:$0x4D0] =	vst v54;
	v2 =	vor.u32 v43, v2;
	v53 =	vor.u32 v4, v3;
	v4 =	vand.u32 $0x3FFE, v55  }
0x228: {  	v58 =	vand.u32 $0x1, v57;
	[tilespmem:$0x4B0] =	vst v2;
	v0 =	vor.u32 v56, v4;
	v4 =	vand.u32 $0x3FFE, v59  }
0x229: {  	v62 =	vand.u32 $0x1, v61;
	[tilespmem:$0x4C0] =	vst v53;
	v0 =	vor.u32 v58, v0;
	v1 =	vor.u32 v60, v4  }
0x22a: {  	[tilespmem:$0x4E0] =	vst v0;
	v63 =	vor.u32 v62, v1  }
0x22b: {  	s31 =	simm.s32 $0x400;
	[tilespmem:$0x4F0] =	vst v63  }
0x22c: {  	[tilespmem:s18], [sflag:$0x1] =	stream.indirect.gather [hbm4b:s3+s29], $0x40, s31, s29, $0xb8;
	[tilespmem:$0x10800] =	vst v63  }
.LBB2_4:
0x22d: {  	s14 =	sadd.s32 $0x1C000, s14  }
.Ltmp3:
0x22e: {  	s23 =	sand.u32 $0x40, s17;
	s14 =	sand.u32 $0x7FFE0000, s14;
	(pc) =	sbr.rel @p0 .LBB2_6-.Ltmp3, $4  }
0x22f: {  	_ =	swait.ge [sflag:s24], $0x4000;
	s14 =	sor.u32 s23, s14  }
0x230: {  	[sflag:s24] =	ssyncset.done $0x0;
	s14 =	sshrl.u32 s14, $0x3  }
0x231: {  	[sflag:s24] =	ssyncadd.s32 $0xFFFFC000;
	s14 =	sadd.s32 s14, s21  }
0x232: {  	[hbm4b:s14+s7] =	stream.strided.scatter [tilespmem:s15], [sflag:$0x8], $0x4000, s8, s7, $0x38;
	[tilespmem:$0x10800] =	vst v63  }
0x233: {  	_ =	swait.ge [sflag:s25], $0x4000  }
0x234: {  	[sflag:s25] =	ssyncset.done $0x0;
	s14 =	rddreg [dreg:$0x13]  }
0x235: {  	[sflag:s25] =	ssyncadd.s32 $0xFFFFC000;
	s14 =	sadd.s32 s10, s14  }
0x236: {  	[tilespmem:s29], [sflag:$0x9] =	stream.linear.gather [hbm4b:s14+s2], $0x100, $0x38;
	[tilespmem:$0x10800] =	vst v63  }
0x237: {  	_ =	swait.ge [sflag:s28], $0x100  }
0x238: {  	[sflag:s28] =	ssyncset.done $0x0  }
0x239: {  	[sflag:s28] =	ssyncadd.s32 $0xFFFFFF00  }
0x23a: {  	v0 =	vld [tilespmem:$0x100]  }
0x23b: {  	v1 =	vld [tilespmem:$0x110]  }
0x23c: {  	v3 =	vld [tilespmem:$0x120]  }
0x23d: {  	v5 =	vld [tilespmem:$0x130]  }
0x23e: {  	v63 =	vld [tilespmem:$0x140]  }
0x23f: {  	v7 =	vld [tilespmem:$0x150]  }
0x240: {  	v8 =	vld [tilespmem:$0x160]  }
0x241: {  	v18 =	vld [tilespmem:$0x170];
	v2 =	vshll.u32 v0, $0x1;
	v4 =	vand.u32 $0xFFFFC000, v0;
	v0 =	vshrl.u32 v0, $0xD  }
0x242: {  	v10 =	vld [tilespmem:$0x180];
	v62 =	vshll.u32 v1, $0x1;
	v6 =	vand.u32 $0xFFFFC000, v1;
	v1 =	vshrl.u32 v1, $0xD  }
0x243: {  	v11 =	vld [tilespmem:$0x190];
	v12 =	vshll.u32 v3, $0x1;
	v13 =	vand.u32 $0xFFFFC000, v3;
	v3 =	vshrl.u32 v3, $0xD  }
0x244: {  	v27 =	vld [tilespmem:$0x1A0];
	v14 =	vshll.u32 v5, $0x1;
	v15 =	vand.u32 $0xFFFFC000, v5;
	v16 =	vshrl.u32 v5, $0xD  }
0x245: {  	v39 =	vld [tilespmem:$0x1D0];
	v17 =	vshll.u32 v63, $0x1;
	v9 =	vand.u32 $0xFFFFC000, v63;
	v20 =	vshll.u32 v7, $0x1  }
0x246: {  	v45 =	vld [tilespmem:$0x1E0];
	v21 =	vand.u32 $0xFFFFC000, v7;
	v7 =	vshrl.u32 v7, $0xD;
	v23 =	vshll.u32 v8, $0x1  }
0x247: {  	v49 =	vld [tilespmem:$0x1F0];
	v24 =	vand.u32 $0xFFFFC000, v8;
	v25 =	vshrl.u32 v8, $0xD;
	v26 =	vshll.u32 v18, $0x1  }
0x248: {  	v29 =	vshll.u32 v10, $0x1;
	v30 =	vand.u32 $0xFFFFC000, v10;
	v10 =	vshrl.u32 v10, $0xD  }
0x249: {  	v32 =	vshll.u32 v11, $0x1;
	v33 =	vand.u32 $0xFFFFC000, v11;
	v34 =	vshrl.u32 v11, $0xD  }
0x24a: {  	v35 =	vshll.u32 v27, $0x1;
	v36 =	vand.u32 $0xFFFFC000, v27;
	v48 =	vshll.u32 v39, $0x1  }
0x24b: {  	v50 =	vand.u32 $0xFFFFC000, v39;
	v51 =	vshrl.u32 v39, $0xD;
	v55 =	vshll.u32 v45, $0x1  }
0x24c: {  	v56 =	vand.u32 $0xFFFFC000, v45;
	v57 =	vshrl.u32 v45, $0xD;
	v59 =	vshll.u32 v49, $0x1  }
0x24d: {  	v60 =	vand.u32 $0xFFFFC000, v49;
	v61 =	vshrl.u32 v49, $0xD;
	v2 =	vand.u32 $0x3FFE, v2  }
0x24e: {  	v0 =	vand.u32 $0x1, v0;
	v1 =	vand.u32 $0x1, v1;
	v3 =	vand.u32 $0x1, v3  }
0x24f: {  	v5 =	vand.u32 $0x3FFE, v17;
	v22 =	vand.u32 $0x1, v7;
	v7 =	vand.u32 $0x3FFE, v23  }
0x250: {  	v8 =	vand.u32 $0x3FFE, v26;
	v31 =	vand.u32 $0x1, v10;
	v10 =	vand.u32 $0x3FFE, v32  }
0x251: {  	v11 =	vand.u32 $0x3FFE, v35;
	v37 =	vand.u32 $0x1, v34;
	v52 =	vand.u32 $0x1, v51  }
0x252: {  	v2 =	vor.u32 v4, v2;
	v4 =	vand.u32 $0x3FFE, v62;
	v5 =	vor.u32 v9, v5  }
0x253: {  	v9 =	vshrl.u32 v18, $0xD;
	v4 =	vor.u32 v6, v4;
	v0 =	vor.u32 v0, v2  }
0x254: {  	v2 =	vand.u32 $0x3FFE, v12;
	v6 =	vshrl.u32 v63, $0xD;
	v12 =	vand.u32 $0xFFFFC000, v18  }
0x255: {  	v9 =	vand.u32 $0x1, v9;
	v1 =	vor.u32 v1, v4;
	v2 =	vor.u32 v13, v2  }
0x256: {  	v4 =	vand.u32 $0x3FFE, v14;
	v6 =	vand.u32 $0x1, v6;
	v8 =	vor.u32 v12, v8  }
0x257: {  	[tilespmem:$0x500] =	vst v0;
	v12 =	vshrl.u32 v27, $0xD;
	v0 =	vor.u32 v36, v11;
	v2 =	vor.u32 v3, v2  }
0x258: {  	v3 =	vor.u32 v15, v4;
	v4 =	vand.u32 $0x1, v16;
	v19 =	vor.u32 v6, v5  }
0x259: {  	v13 =	vld [tilespmem:$0x1B0];
	v5 =	vand.u32 $0x3FFE, v20;
	v6 =	vor.u32 v24, v7;
	v7 =	vand.u32 $0x1, v25;
	[tilespmem:$0x510] =	vst v1  }
0x25a: {  	v14 =	vld [tilespmem:$0x1C0];
	v28 =	vor.u32 v9, v8;
	v8 =	vand.u32 $0x3FFE, v29;
	v9 =	vor.u32 v33, v10;
	[tilespmem:$0x520] =	vst v2  }
0x25b: {  	v38 =	vand.u32 $0x1, v12;
	v3 =	vor.u32 v4, v3;
	v5 =	vor.u32 v21, v5;
	[tilespmem:$0x540] =	vst v19  }
0x25c: {  	v6 =	vor.u32 v7, v6;
	v8 =	vor.u32 v30, v8;
	v1 =	vor.u32 v37, v9;
	[tilespmem:$0x570] =	vst v28  }
0x25d: {  	v0 =	vor.u32 v38, v0;
	v5 =	vor.u32 v22, v5;
	v8 =	vor.u32 v31, v8;
	[tilespmem:$0x530] =	vst v3  }
0x25e: {  	[tilespmem:$0x550] =	vst v5;
	v5 =	vand.u32 $0x3FFE, v48;
	v40 =	vshll.u32 v13, $0x1;
	v41 =	vand.u32 $0xFFFFC000, v13  }
0x25f: {  	[tilespmem:$0x560] =	vst v6;
	v42 =	vshrl.u32 v13, $0xD;
	v44 =	vshll.u32 v14, $0x1;
	v46 =	vand.u32 $0xFFFFC000, v14  }
0x260: {  	[tilespmem:$0x590] =	vst v1;
	v47 =	vshrl.u32 v14, $0xD;
	v5 =	vor.u32 v50, v5;
	v2 =	vand.u32 $0x3FFE, v40  }
0x261: {  	[tilespmem:$0x5A0] =	vst v0;
	v43 =	vand.u32 $0x1, v42;
	v4 =	vand.u32 $0x3FFE, v44;
	v54 =	vor.u32 v52, v5  }
0x262: {  	[tilespmem:$0x580] =	vst v8;
	v2 =	vor.u32 v41, v2;
	v3 =	vor.u32 v46, v4;
	v4 =	vand.u32 $0x1, v47  }
0x263: {  	[tilespmem:$0x5D0] =	vst v54;
	v2 =	vor.u32 v43, v2;
	v53 =	vor.u32 v4, v3;
	v4 =	vand.u32 $0x3FFE, v55  }
.Ltmp4:
0x264: {  	v58 =	vand.u32 $0x1, v57;
	[tilespmem:$0x5B0] =	vst v2;
	v0 =	vor.u32 v56, v4;
	v4 =	vand.u32 $0x3FFE, v59;
	(pc) =	sbr.rel .LBB2_2-.Ltmp4, $4  }
0x265: {  	v62 =	vand.u32 $0x1, v61;
	[tilespmem:$0x5C0] =	vst v53;
	v0 =	vor.u32 v58, v0;
	v1 =	vor.u32 v60, v4  }
0x266: {  	s11 =	sadd.s32 $0x40, s11;
	s1 =	sadd.s32 $0x400, s1;
	[tilespmem:$0x5E0] =	vst v0;
	v63 =	vor.u32 v62, v1  }
0x267: {  	s17 =	sadd.s32 $0x40, s17;
	s10 =	sadd.s32 $0x80, s10;
	s14 =	smov.u32 s22;
	[tilespmem:$0x5F0] =	vst v63  }
0x268: {  	[tilespmem:s0], [sflag:$0x2] =	stream.indirect.gather [hbm4b:s3+s29], $0x40, s4, s29, $0xb8;
	[tilespmem:$0x10800] =	vst v63  }
.LBB2_7:
0x269: {  	_ =	sfence.sel $0x180000  }
0x26a: {  	[bflag:$0x0] =	sbarrier.arrive $0xFFFF  }
0x26b: {  	_ =	strace $0x90000047  }
0x26c: {  	s0 =	stileid.u32;
	[bflag:$0x2] =	sbarrier.arrive $0xFFFF  }
0x26d: {  	p0 =	sne.s32 s0, $0x0;
	s0 =	rddreg [dreg:$0x2]  }
0x26e: {  	s0 =	sadd.s32 @!p0 $0x100000, s0  }
0x26f: {  	[sflag:s0] =	ssyncadd.tile.s32 @!p0 $0x1;
	_ =	shalt  }
.Lfunc_end2:
_tile_overlayer_lowered:
.L_overlay_start_2:
0x270: {  	(tag) =	ssettag $0x2  }
0x271: {  	s0 =	rddreg [dreg:$0x0];
	s2 =	stileid.u32  }
0x272: {  	s1 =	rddreg [dreg:$0x1];
	p0 =	sne.s32 s2, $0x0  }
0x273: {  	s3 =	rddreg [dreg:$0x2];
	[bflag:$0x3] =	sbarrier.arrive $0xFFFF;
	s2 =	simm.s32 @!p0 $0x1C09  }
0x274: {  	[timem:s3], [sflag:s2] =	dma.local @!p0 [hbm:s0], s1  }
0x275: {  	s0 =	simm.s32 @!p0 $0x9  }
0x276: {  	_ =	swait.ge @!p0 [sflag:s0], s1  }
0x277: {  	s1 =	ssub.s32 @!p0 $0x0, s1;
	[sflag:s0] =	ssyncset.done @!p0 $0x0  }
0x278: {  	[sflag:s0] =	ssyncadd.s32 @!p0 s1  }
0x279: {  	[bflag:$0x3] =	sbarrier.arrive $0xFFFF  }
0x27a: {  	_ =	shalt  }

</sc_bundles>
